<compile_context>
chip_gen: v7x
topology: tpu7x:2x2x1
jax: 0.10.2.dev20260603
libtpu: 0.0.44.dev20260713+nightly
codegen_flags: <defaults>
</compile_context>

<pallas_src>
import functools

import jax
import jax.numpy as jnp
from jax import lax
from jax.experimental import pallas as pl
from jax.experimental.pallas import tpu as pltpu
from jax.experimental.pallas import tpu_sc as plsc

N = 10000
NPAD = 10240
E = 320000
D = 128
F = 64
B = 8
NC, NS, LANES = 2, 16, 16
NW = NC * NS
ECHUNK = 4000
NCHUNKS = E // ECHUNK
ITERS = ECHUNK // LANES
KCH = 2000
KITERS = KCH // LANES
RSH = E // NW
RCH = 1280

_mesh = plsc.VectorSubcoreMesh(core_axis_name="c", subcore_axis_name="s",
                               num_cores=NC, num_subcores=NS)
_sc_params = pltpu.CompilerParams(needs_layout_passes=False)


def _rsqrt_newton(x):
    i = plsc.bitcast(x, jnp.int32)
    i = 0x5F3759DF - (i >> 1)
    y = plsc.bitcast(i, jnp.float32)
    for _ in range(3):
        y = y * (1.5 - 0.5 * x * y * y)
    return y


@functools.partial(
    pl.kernel,
    out_type=jax.ShapeDtypeStruct((NC * NPAD,), jnp.int32),
    mesh=_mesh,
    compiler_params=_sc_params,
    scratch_types=[
        pltpu.VMEM((NPAD,), jnp.int32),
        pltpu.VMEM((KCH,), jnp.int32),
        pltpu.VMEM((KCH,), jnp.int32),
        pltpu.VMEM((640,), jnp.int32),
        pltpu.VMEM((640,), jnp.int32),
        pltpu.VMEM_SHARED((NS, NPAD), jnp.int32),
    ])
def _deg_kernel(esrc, edst, out, cnt, sbuf, dbuf, sacc, stmp, shared):
    cid = lax.axis_index("c")
    sid = lax.axis_index("s")
    wid = sid * NC + cid
    zeros16 = jnp.zeros((LANES,), jnp.int32)

    def z(i, _):
        cnt[pl.ds(i * LANES, LANES)] = zeros16
        return 0
    lax.fori_loop(0, NPAD // LANES, z, 0)

    ones16 = jnp.ones((LANES,), jnp.int32)
    base = wid * (E // NW)

    def chunk(ci, _):
        off = base + ci * KCH
        pltpu.sync_copy(esrc.at[pl.ds(off, KCH)], sbuf)
        pltpu.sync_copy(edst.at[pl.ds(off, KCH)], dbuf)

        def it(i, _):
            sl = pl.ds(i * LANES, LANES)
            plsc.addupdate_scatter(cnt, [sbuf[sl]], ones16)
            plsc.addupdate_scatter(cnt, [dbuf[sl]], ones16)
            return 0
        lax.fori_loop(0, KITERS, it, 0)
        return 0
    lax.fori_loop(0, (E // NW) // KCH, chunk, 0)

    pltpu.sync_copy(cnt, shared.at[sid])
    plsc.subcore_barrier()
    soff = sid * 640
    pltpu.sync_copy(shared.at[0, pl.ds(soff, 640)], sacc)

    def red(k, _):
        pltpu.sync_copy(shared.at[k, pl.ds(soff, 640)], stmp)

        def add16(i, _):
            sl = pl.ds(i * LANES, LANES)
            sacc[sl] = sacc[sl] + stmp[sl]
            return 0
        lax.fori_loop(0, 640 // LANES, add16, 0)
        return 0
    lax.fori_loop(1, NS, red, 0)
    pltpu.sync_copy(sacc, out.at[pl.ds(cid * NPAD + soff, 640)])


def _edge_stream(esrc, edst, sb0, db0, sb1, db1, sem0, sem1, it_body):
    def start(ci, sb, db, sem):
        pltpu.async_copy(esrc.at[pl.ds(ci * ECHUNK, ECHUNK)], sb, sem)
        pltpu.async_copy(edst.at[pl.ds(ci * ECHUNK, ECHUNK)], db, sem)

    def wait(ci, sb, db, sem):
        pltpu.make_async_copy(
            esrc.at[pl.ds(ci * ECHUNK, ECHUNK)], sb, sem).wait()
        pltpu.make_async_copy(
            edst.at[pl.ds(ci * ECHUNK, ECHUNK)], db, sem).wait()

    def proc(sb, db):
        @plsc.parallel_loop(0, ECHUNK, LANES, unroll=4)
        def _(i):
            sl = pl.ds(i, LANES)
            it_body(sb[sl], db[sl])

    start(0, sb0, db0, sem0)

    def body2(j, _):
        c0 = 2 * j
        wait(c0, sb0, db0, sem0)
        start(c0 + 1, sb1, db1, sem1)
        proc(sb0, db0)
        wait(c0 + 1, sb1, db1, sem1)

        @pl.when(c0 + 2 < NCHUNKS)
        def _():
            start(c0 + 2, sb0, db0, sem0)
        proc(sb1, db1)
        return 0
    lax.fori_loop(0, NCHUNKS // 2, body2, 0)


@functools.partial(
    pl.kernel,
    out_type=(jax.ShapeDtypeStruct((F * N,), jnp.float32),
              jax.ShapeDtypeStruct((B * NPAD,), jnp.float32),
              jax.ShapeDtypeStruct((NPAD,), jnp.float32)),
    mesh=_mesh,
    compiler_params=_sc_params,
    scratch_types=[
        pltpu.VMEM((2 * N,), jnp.float32),
        pltpu.VMEM((2 * N,), jnp.float32),
        pltpu.VMEM((NPAD,), jnp.float32),
        pltpu.VMEM((NPAD,), jnp.float32),
        pltpu.VMEM((NPAD,), jnp.int32),
        pltpu.VMEM((NPAD,), jnp.int32),
        pltpu.VMEM((ECHUNK,), jnp.int32),
        pltpu.VMEM((ECHUNK,), jnp.int32),
        pltpu.VMEM((ECHUNK,), jnp.int32),
        pltpu.VMEM((ECHUNK,), jnp.int32),
        pltpu.VMEM((LANES,), jnp.int32),
        pltpu.SemaphoreType.DMA,
        pltpu.SemaphoreType.DMA,
    ])
def _spmm1_kernel(esrc, edst, x0t, degp, picked, p1t, ap, dinv_out,
                  xbuf, acc, dinv, apbuf, deg0, deg1, sb0, db0, sb1, db1,
                  pvbuf, sem0, sem1):
    cid = lax.axis_index("c")
    sid = lax.axis_index("s")
    wid = sid * NC + cid

    pltpu.sync_copy(degp.at[pl.ds(0, NPAD)], deg0)
    pltpu.sync_copy(degp.at[pl.ds(NPAD, NPAD)], deg1)

    def dv(i, _):
        sl = pl.ds(i * LANES, LANES)
        k = deg0[sl] + deg1[sl] + 1
        dinv[sl] = _rsqrt_newton(k.astype(jnp.float32))
        return 0
    lax.fori_loop(0, NPAD // LANES, dv, 0)

    pltpu.sync_copy(x0t.at[pl.ds(2 * wid * N, N)], xbuf.at[pl.ds(0, N)])
    pltpu.sync_copy(x0t.at[pl.ds((2 * wid + 1) * N, N)], xbuf.at[pl.ds(N, N)])
    pltpu.sync_copy(picked.at[pl.ds(jnp.minimum(wid, B - 1) * LANES, LANES)],
                    pvbuf)

    zf = jnp.zeros((LANES,), jnp.float32)

    def z(i, _):
        acc[pl.ds(i * LANES, LANES)] = zf
        return 0
    lax.fori_loop(0, 2 * N // LANES, z, 0)

    def z2(i, _):
        apbuf[pl.ds(i * LANES, LANES)] = zf
        return 0
    lax.fori_loop(0, NPAD // LANES, z2, 0)

    def edge_pass(with_ap):
        def it_body(s, d2):
            ws = plsc.load_gather(dinv, [s])
            wd = plsc.load_gather(dinv, [d2])
            ew = ws * wd
            for f in range(2):
                so = s if f == 0 else s + f * N
                do = d2 if f == 0 else d2 + f * N
                xs = plsc.load_gather(xbuf, [so])
                plsc.addupdate_scatter(acc, [do], ew * xs)
                xd = plsc.load_gather(xbuf, [do])
                plsc.addupdate_scatter(acc, [so], ew * xd)
            if with_ap:
                pv = pvbuf[...]
                plsc.addupdate_scatter(apbuf, [d2], ew, mask=s == pv)
                plsc.addupdate_scatter(apbuf, [s], ew, mask=d2 == pv)
        _edge_stream(esrc, edst, sb0, db0, sb1, db1, sem0, sem1, it_body)

    @pl.when(wid < B)
    def _():
        edge_pass(True)

    @pl.when(wid >= B)
    def _():
        edge_pass(False)

    def selfl(i, _):
        sl = pl.ds(i * LANES, LANES)
        di = dinv[sl]
        w = di * di
        for f in range(2):
            s2 = pl.ds(f * N + i * LANES, LANES)
            acc[s2] = acc[s2] + w * xbuf[s2]
        return 0
    lax.fori_loop(0, N // LANES, selfl, 0)

    ii0 = lax.iota(jnp.int32, LANES)

    @pl.when(wid < B)
    def _():
        pv = pvbuf[...]
        dp = plsc.load_gather(dinv, [pv])
        plsc.addupdate_scatter(apbuf, [pv], dp * dp, mask=ii0 == 0)
        pltpu.sync_copy(apbuf, ap.at[pl.ds(wid * NPAD, NPAD)])

    pltpu.sync_copy(acc.at[pl.ds(0, N)], p1t.at[pl.ds(2 * wid * N, N)])
    pltpu.sync_copy(acc.at[pl.ds(N, N)], p1t.at[pl.ds((2 * wid + 1) * N, N)])

    @pl.when(wid == B)
    def _():
        pltpu.sync_copy(dinv, dinv_out)


@functools.partial(
    pl.kernel,
    out_type=(jax.ShapeDtypeStruct((E,), jnp.int32),
              jax.ShapeDtypeStruct((E,), jnp.int32),
              jax.ShapeDtypeStruct((E,), jnp.float32),
              jax.ShapeDtypeStruct((NW * LANES,), jnp.int32)),
    mesh=_mesh,
    compiler_params=_sc_params,
    scratch_types=[
        pltpu.VMEM((NPAD,), jnp.int32),
        pltpu.VMEM((NPAD,), jnp.float32),
        pltpu.VMEM((RSH + LANES,), jnp.int32),
        pltpu.VMEM((RSH + LANES,), jnp.int32),
        pltpu.VMEM((RSH + LANES,), jnp.float32),
        pltpu.VMEM((KCH,), jnp.int32),
        pltpu.VMEM((KCH,), jnp.int32),
        pltpu.VMEM((LANES,), jnp.int32),
    ])
def _compact_kernel(esrc, edst, flags_in, dinv_in, cs, cd, cew, counts,
                    flg, dinv, csb, cdb, cewb, sbuf, dbuf, cntv):
    cid = lax.axis_index("c")
    sid = lax.axis_index("s")
    wid = sid * NC + cid

    pltpu.sync_copy(flags_in.at[pl.ds(0, NPAD)], flg)
    pltpu.sync_copy(dinv_in, dinv)

    zf = jnp.zeros((LANES,), jnp.float32)
    zi = jnp.zeros((LANES,), jnp.int32)

    def z(i, _):
        sl = pl.ds(i * LANES, LANES)
        csb[sl] = zi
        cdb[sl] = zi
        cewb[sl] = zf
        return 0
    lax.fori_loop(0, (RSH + LANES) // LANES, z, 0)

    base = wid * RSH

    def chunk(ci, cnt):
        off = base + ci * KCH
        pltpu.sync_copy(esrc.at[pl.ds(off, KCH)], sbuf)
        pltpu.sync_copy(edst.at[pl.ds(off, KCH)], dbuf)

        def it(i, cnt):
            sl = pl.ds(i * LANES, LANES)
            s = sbuf[sl]
            d2 = dbuf[sl]
            fs = plsc.load_gather(flg, [s])
            fd = plsc.load_gather(flg, [d2])
            m = (fs + fd) > 0
            ws = plsc.load_gather(dinv, [s])
            wd = plsc.load_gather(dinv, [d2])
            ew = ws * wd
            plsc.store_compressed(csb.at[pl.ds(cnt, LANES)], s, mask=m)
            plsc.store_compressed(cdb.at[pl.ds(cnt, LANES)], d2, mask=m)
            plsc.store_compressed(cewb.at[pl.ds(cnt, LANES)], ew, mask=m)
            pc = plsc.all_reduce_population_count(m)
            return cnt + jnp.max(pc)
        return lax.fori_loop(0, KITERS, it, cnt)
    cnt = lax.fori_loop(0, RSH // KCH, chunk, 0)
    cntp = ((cnt + LANES - 1) // LANES) * LANES

    cntv[...] = jnp.full((LANES,), cntp, jnp.int32)
    pltpu.sync_copy(cntv, counts.at[pl.ds(wid * LANES, LANES)])
    pltpu.sync_copy(csb.at[pl.ds(0, RSH)], cs.at[pl.ds(base, RSH)])
    pltpu.sync_copy(cdb.at[pl.ds(0, RSH)], cd.at[pl.ds(base, RSH)])
    pltpu.sync_copy(cewb.at[pl.ds(0, RSH)], cew.at[pl.ds(base, RSH)])


@functools.partial(
    pl.kernel,
    out_type=(jax.ShapeDtypeStruct((F * N,), jnp.float32),
              jax.ShapeDtypeStruct((B * F * N,), jnp.float32)),
    mesh=_mesh,
    compiler_params=_sc_params,
    scratch_types=[
        pltpu.VMEM((4 * N,), jnp.float32),
        pltpu.VMEM((4 * N,), jnp.float32),
        pltpu.VMEM((NPAD,), jnp.float32),
        pltpu.VMEM((ECHUNK,), jnp.int32),
        pltpu.VMEM((ECHUNK,), jnp.int32),
        pltpu.VMEM((ECHUNK,), jnp.int32),
        pltpu.VMEM((ECHUNK,), jnp.int32),
        pltpu.VMEM((RCH,), jnp.int32),
        pltpu.VMEM((RCH,), jnp.int32),
        pltpu.VMEM((RCH,), jnp.float32),
        pltpu.VMEM((RCH,), jnp.int32),
        pltpu.VMEM((RCH,), jnp.int32),
        pltpu.VMEM((RCH,), jnp.float32),
        pltpu.VMEM((RCH,), jnp.int32),
        pltpu.VMEM((RCH,), jnp.int32),
        pltpu.VMEM((RCH,), jnp.float32),
        pltpu.VMEM((NW * LANES,), jnp.int32),
        pltpu.SemaphoreType.DMA,
        pltpu.SemaphoreType.DMA,
    ])
def _spmm2_kernel(esrc, edst, x1b, d1t, dinv_in, cs, cd, cew, counts,
                  p2base, p2corr, xb, acc, dinv, sb0, db0, sb1, db1,
                  rsb, rdb, rwb, rsb1, rdb1, rwb1, osb, odb, owb,
                  cnts, sem0, sem1):
    cid = lax.axis_index("c")
    sid = lax.axis_index("s")
    wid = sid * NC + cid

    pltpu.sync_copy(dinv_in, dinv)
    pltpu.sync_copy(counts, cnts)
    zf = jnp.zeros((LANES,), jnp.float32)

    pltpu.sync_copy(x1b.at[pl.ds(2 * wid * N, N)], xb.at[pl.ds(0, N)])
    pltpu.sync_copy(x1b.at[pl.ds((2 * wid + 1) * N, N)], xb.at[pl.ds(N, N)])

    def zb(i, _):
        acc[pl.ds(i * LANES, LANES)] = zf
        return 0
    lax.fori_loop(0, 2 * N // LANES, zb, 0)

    def it_base(s, d2):
        ws = plsc.load_gather(dinv, [s])
        wd = plsc.load_gather(dinv, [d2])
        ew = ws * wd
        for f in range(2):
            so = s if f == 0 else s + f * N
            do = d2 if f == 0 else d2 + f * N
            xs = plsc.load_gather(xb, [so])
            plsc.addupdate_scatter(acc, [do], ew * xs)
            xd = plsc.load_gather(xb, [do])
            plsc.addupdate_scatter(acc, [so], ew * xd)
    _edge_stream(esrc, edst, sb0, db0, sb1, db1, sem0, sem1, it_base)

    def selfb(i, _):
        sl = pl.ds(i * LANES, LANES)
        di = dinv[sl]
        w = di * di
        for f in range(2):
            s2 = pl.ds(f * N + i * LANES, LANES)
            acc[s2] = acc[s2] + w * xb[s2]
        return 0
    lax.fori_loop(0, N // LANES, selfb, 0)

    pltpu.sync_copy(acc.at[pl.ds(0, N)], p2base.at[pl.ds(2 * wid * N, N)])
    pltpu.sync_copy(acc.at[pl.ds(N, N)],
                    p2base.at[pl.ds((2 * wid + 1) * N, N)])

    def pass_body(g, _):
        bb = (g % 2) * 4
        col = (g // 2) * NW + wid
        for k in range(4):
            pltpu.sync_copy(d1t.at[pl.ds(((bb + k) * F + col) * N, N)],
                            xb.at[pl.ds(k * N, N)])

        def z(i, _):
            acc[pl.ds(i * LANES, LANES)] = zf
            return 0
        lax.fori_loop(0, 4 * N // LANES, z, 0)

        def getcnt(r):
            cv = plsc.load_gather(cnts, [jnp.full((LANES,), r * LANES,
                                                  jnp.int32)])
            return jnp.max(cv)

        def rstart(r, b0, b1, b2, sem):
            off = r * RSH
            pltpu.async_copy(cs.at[pl.ds(off, RCH)], b0, sem)
            pltpu.async_copy(cd.at[pl.ds(off, RCH)], b1, sem)
            pltpu.async_copy(cew.at[pl.ds(off, RCH)], b2, sem)

        def rwait(r, b0, b1, b2, sem):
            off = r * RSH
            pltpu.make_async_copy(cs.at[pl.ds(off, RCH)], b0, sem).wait()
            pltpu.make_async_copy(cd.at[pl.ds(off, RCH)], b1, sem).wait()
            pltpu.make_async_copy(cew.at[pl.ds(off, RCH)], b2, sem).wait()

        def rproc(n16, b0, b1, b2):
            def it(i, _):
                sl = pl.ds(i * LANES, LANES)
                s = b0[sl]
                d2 = b1[sl]
                ew = b2[sl]
                for k in range(4):
                    so = s if k == 0 else s + k * N
                    do = d2 if k == 0 else d2 + k * N
                    xs = plsc.load_gather(xb, [so])
                    plsc.addupdate_scatter(acc, [do], ew * xs)
                    xd = plsc.load_gather(xb, [do])
                    plsc.addupdate_scatter(acc, [so], ew * xd)
                return 0
            lax.fori_loop(0, n16, it, 0)

        def roverflow(r, cntp):
            @pl.when(cntp > RCH)
            def _():
                nch = (cntp + RCH - 1) // RCH

                def ch_body(ch, _):
                    off = r * RSH + ch * RCH
                    pltpu.sync_copy(cs.at[pl.ds(off, RCH)], osb)
                    pltpu.sync_copy(cd.at[pl.ds(off, RCH)], odb)
                    pltpu.sync_copy(cew.at[pl.ds(off, RCH)], owb)
                    rem = jnp.minimum(cntp - ch * RCH, RCH)
                    rproc(rem // LANES, osb, odb, owb)
                    return 0
                lax.fori_loop(1, nch, ch_body, 0)

        def rone(r, b0, b1, b2):
            cntp = getcnt(r)
            rproc(jnp.minimum(cntp, RCH) // LANES, b0, b1, b2)
            roverflow(r, cntp)

        rstart(0, rsb, rdb, rwb, sem0)

        def region2(j, _):
            r0 = 2 * j
            rwait(r0, rsb, rdb, rwb, sem0)
            rstart(r0 + 1, rsb1, rdb1, rwb1, sem1)
            rone(r0, rsb, rdb, rwb)
            rwait(r0 + 1, rsb1, rdb1, rwb1, sem1)

            @pl.when(r0 + 2 < NW)
            def _():
                rstart(r0 + 2, rsb, rdb, rwb, sem0)
            rone(r0 + 1, rsb1, rdb1, rwb1)
            return 0
        lax.fori_loop(0, NW // 2, region2, 0)

        def selfl(i, _):
            sl = pl.ds(i * LANES, LANES)
            di = dinv[sl]
            w = di * di
            for k in range(4):
                s2 = pl.ds(k * N + i * LANES, LANES)
                acc[s2] = acc[s2] + w * xb[s2]
            return 0
        lax.fori_loop(0, N // LANES, selfl, 0)

        for k in range(4):
            pltpu.sync_copy(acc.at[pl.ds(k * N, N)],
                            p2corr.at[pl.ds(((bb + k) * F + col) * N, N)])
        return 0
    lax.fori_loop(0, 4, pass_body, 0)


def _n2l_body(nf_ref, w_ref, b_ref, xint_ref, x0t_ref):
    xt = lax.dot_general(w_ref[...], nf_ref[...], (((0,), (1,)), ((), ())),
                         preferred_element_type=jnp.float32)
    xt = xt + b_ref[...]
    xint_ref[...] = xt
    x0t_ref[...] = jnp.maximum(xt, 0.0)


def _lvl1_body(p1_ref, xint_ref, ap_ref, ut_ref, oh_ref, w_ref, cb_ref,
               cc_ref, out_ref):
    mb = lax.dot_general(w_ref[...], p1_ref[...], (((0,), (0,)), ((), ())),
                         preferred_element_type=jnp.float32)
    mb = mb + cb_ref[...] + xint_ref[...]
    mc = mb + ut_ref[0] * ap_ref[0] + cc_ref[...] * oh_ref[0]
    out_ref[...] = (jnp.maximum(mc, 0.0) - jnp.maximum(mb, 0.0))[None]


def _x1base_body(p1_ref, xint_ref, w_ref, cb_ref, out_ref):
    mb = lax.dot_general(w_ref[...], p1_ref[...], (((0,), (0,)), ((), ())),
                         preferred_element_type=jnp.float32)
    out_ref[...] = jnp.maximum(mb + cb_ref[...] + xint_ref[...], 0.0)


def _flags_body(ap_ref, out_ref):
    out_ref[...] = (jnp.max(jnp.abs(ap_ref[...]), axis=0, keepdims=True)
                    > 0).astype(jnp.int32)


def _readout_body(p2_ref, p2b_ref, xint_ref, oh_ref, rt_ref, w_ref, cb_ref,
                  cc_ref, l1w_ref, l1b_ref, low_ref, lob_ref, out_ref):
    m = lax.dot_general(w_ref[...], p2_ref[0] + p2b_ref[...],
                        (((0,), (0,)), ((), ())),
                        preferred_element_type=jnp.float32)
    x2 = jnp.maximum(m + cb_ref[...] + xint_ref[...]
                     + cc_ref[...] * oh_ref[0][0], 0.0)
    y = lax.dot_general(rt_ref[0], x2, (((1,), (1,)), ((), ())),
                        preferred_element_type=jnp.float32)
    te = y[0:1]
    ae = y[1:2]
    ge = y[2:3]
    esa = jnp.concatenate([ae, ge], axis=1)
    h = jnp.maximum(jnp.dot(esa, l1w_ref[...],
                            preferred_element_type=jnp.float32) + l1b_ref[...],
                    0.0)
    raw = jnp.dot(h, low_ref[...],
                  preferred_element_type=jnp.float32) + lob_ref[...]
    out_ref[...] = jnp.sum(raw * te).reshape(1, 1, 1)


def kernel(node_features, edge_index, target_nodes, picked_nodes, actions,
           w_n2l, bias_n2l, bias_picked, conv_W, conv_b,
           lin1_W, lin1_b, linout_W, linout_b):
    ei = edge_index.astype(jnp.int32)
    esrc = ei[0].reshape(E)
    edst = ei[1].reshape(E)
    c = bias_picked[0]
    cb_col = conv_b.reshape(F, 1)
    cc_col = c.reshape(F, 1)

    xint, x0t = pl.pallas_call(
        _n2l_body,
        out_shape=(jax.ShapeDtypeStruct((F, N), jnp.float32),
                   jax.ShapeDtypeStruct((F, N), jnp.float32)),
    )(node_features, w_n2l, bias_n2l.reshape(F, 1))

    degp = _deg_kernel(esrc, edst)

    picked_b = jnp.broadcast_to(
        picked_nodes.astype(jnp.int32)[:, None], (B, LANES)).reshape(-1)
    p1t, ap, dinv = _spmm1_kernel(esrc, edst, x0t.reshape(-1), degp, picked_b)
    p1t = p1t.reshape(F, N)
    ap2d = ap.reshape(B, NPAD)
    ap = ap2d[:, :N].reshape(B, 1, N)

    xp = jnp.take(xint, picked_nodes, axis=1)
    d0 = jax.nn.relu(xp + c[:, None]) - jax.nn.relu(xp)
    ut = (conv_W.T @ d0).T.reshape(B, F, 1)
    iota_n = jnp.arange(N, dtype=jnp.int32)
    onehot = (picked_nodes[:, None] == iota_n[None, :]).astype(
        jnp.float32).reshape(B, 1, N)

    x1base = pl.pallas_call(
        _x1base_body,
        out_shape=jax.ShapeDtypeStruct((F, N), jnp.float32),
    )(p1t, xint, conv_W, cb_col)

    flags = pl.pallas_call(
        _flags_body,
        out_shape=jax.ShapeDtypeStruct((1, NPAD), jnp.int32),
    )(ap2d).reshape(NPAD)

    d1t = pl.pallas_call(
        _lvl1_body,
        grid=(B,),
        in_specs=[
            pl.BlockSpec((F, N), lambda b: (0, 0)),
            pl.BlockSpec((F, N), lambda b: (0, 0)),
            pl.BlockSpec((1, 1, N), lambda b: (b, 0, 0)),
            pl.BlockSpec((1, F, 1), lambda b: (b, 0, 0)),
            pl.BlockSpec((1, 1, N), lambda b: (b, 0, 0)),
            pl.BlockSpec((F, F), lambda b: (0, 0)),
            pl.BlockSpec((F, 1), lambda b: (0, 0)),
            pl.BlockSpec((F, 1), lambda b: (0, 0)),
        ],
        out_specs=pl.BlockSpec((1, F, N), lambda b: (b, 0, 0)),
        out_shape=jax.ShapeDtypeStruct((B, F, N), jnp.float32),
    )(p1t, xint, ap, ut, onehot, conv_W, cb_col, cc_col)

    cs, cd, cew, counts = _compact_kernel(esrc, edst, flags, dinv)
    p2base, p2corr = _spmm2_kernel(esrc, edst, x1base.reshape(-1),
                                   d1t.reshape(-1), dinv, cs, cd, cew, counts)
    p2base = p2base.reshape(F, N)
    p2t = p2corr.reshape(B, F, N)

    oh_t = (target_nodes[:, None] == iota_n[None, :]).astype(jnp.float32)
    oh_a = (actions[:, None] == iota_n[None, :]).astype(jnp.float32)
    mean_row = jnp.full((B, N), 1.0 / N, dtype=jnp.float32)
    rt = jnp.stack([oh_t, oh_a, mean_row, jnp.zeros((B, N), jnp.float32)],
                   axis=1)

    out = pl.pallas_call(
        _readout_body,
        grid=(B,),
        in_specs=[
            pl.BlockSpec((1, F, N), lambda b: (b, 0, 0)),
            pl.BlockSpec((F, N), lambda b: (0, 0)),
            pl.BlockSpec((F, N), lambda b: (0, 0)),
            pl.BlockSpec((1, 1, N), lambda b: (b, 0, 0)),
            pl.BlockSpec((1, 4, N), lambda b: (b, 0, 0)),
            pl.BlockSpec((F, F), lambda b: (0, 0)),
            pl.BlockSpec((F, 1), lambda b: (0, 0)),
            pl.BlockSpec((F, 1), lambda b: (0, 0)),
            pl.BlockSpec((D, F), lambda b: (0, 0)),
            pl.BlockSpec((1, F), lambda b: (0, 0)),
            pl.BlockSpec((F, F), lambda b: (0, 0)),
            pl.BlockSpec((1, F), lambda b: (0, 0)),
        ],
        out_specs=pl.BlockSpec((1, 1, 1), lambda b: (b, 0, 0)),
        out_shape=jax.ShapeDtypeStruct((B, 1, 1), jnp.float32),
    )(p2t, p2base, xint, onehot, rt, conv_W, cb_col, cc_col,
      lin1_W, lin1_b.reshape(1, F), linout_W, linout_b.reshape(1, F))

    return out.reshape(B)

# --- scband reference (transcript-rebuilt; emitter-appended) ---
"""Pipeline reference for scband-qnet-node-3882650436611 (READ-ONLY COPY).

The authoritative reference and input builder live on the scoring server;
editing this copy changes nothing except your own understanding.
"""

import jax, jax.numpy as jnp
import numpy as np

N_NODES = 10000
N_EDGES = 320000
D_FEAT = 128
EMBED_DIM = 64
MLP_HIDDEN = 64
MAX_LV = 2
BATCH = 8


def _glorot(key, shape):
    fan_in, fan_out = shape[0], shape[1]
    limit = float(np.sqrt(6.0 / (fan_in + fan_out)))
    return jax.random.uniform(key, shape, minval=-limit, maxval=limit, dtype=jnp.float32)


def setup_inputs(seed: int = 0) -> dict:
    key = jax.random.key(seed)
    ks = jax.random.split(key, 16)
    return {
        "node_features": jax.random.normal(ks[0], (N_NODES, D_FEAT), dtype=jnp.float32),
        "edge_index": jax.random.randint(ks[1], (2, N_EDGES), 0, N_NODES),
        "target_nodes": jax.random.randint(ks[2], (BATCH,), 0, N_NODES),
        "picked_nodes": jax.random.randint(ks[3], (BATCH,), 0, N_NODES),
        "actions": jax.random.randint(ks[4], (BATCH,), 0, N_NODES),
        "w_n2l": _glorot(ks[5], (D_FEAT, EMBED_DIM)),
        "bias_n2l": jnp.zeros((EMBED_DIM,), dtype=jnp.float32),
        "bias_picked": _glorot(ks[6], (1, EMBED_DIM)),
        "conv_W": _glorot(ks[7], (EMBED_DIM, EMBED_DIM)),
        "conv_b": jnp.zeros((EMBED_DIM,), dtype=jnp.float32),
        "lin1_W": _glorot(ks[8], (2 * EMBED_DIM, MLP_HIDDEN)),
        "lin1_b": jnp.zeros((MLP_HIDDEN,), dtype=jnp.float32),
        "linout_W": _glorot(ks[9], (MLP_HIDDEN, EMBED_DIM)),
        "linout_b": jnp.zeros((EMBED_DIM,), dtype=jnp.float32),
    }


def reference(node_features, edge_index, target_nodes, picked_nodes, actions,
              w_n2l, bias_n2l, bias_picked, conv_W, conv_b,
              lin1_W, lin1_b, linout_W, linout_b):
    n = node_features.shape[0]
    # GraphNormTool: symmetrize edges (edges + reversed edges), add self loops,
    # gcn-style normalization D^-1/2 (A) D^-1/2 on the sparse adjacency
    src0, dst0 = edge_index[0], edge_index[1]
    loop = jnp.arange(n)
    src = jnp.concatenate([src0, dst0, loop])
    dst = jnp.concatenate([dst0, src0, loop])
    deg = jnp.zeros((n,), dtype=jnp.float32).at[dst].add(1.0)
    dinv = 1.0 / jnp.sqrt(jnp.maximum(deg, 1.0))
    ew = dinv[src] * dinv[dst]

    # input_node_linear = node_features @ w_n2l + bias_n2l
    input_node_linear = node_features @ w_n2l + bias_n2l

    def spmm(x):
        # sparse adj @ x via gather (src) + scatter-add (dst)
        return jnp.zeros_like(x).at[dst].add(x[src] * ew[:, None])

    def per_sample(t, p, a):
        # node_embed += spmm(picked_sp, bias_picked): adds bias_picked row at picked node
        node_embed = input_node_linear.at[p].add(bias_picked[0])
        input_message = node_embed
        node_embed = jax.nn.relu(input_message)
        for _ in range(MAX_LV):
            n2npool = spmm(node_embed)
            node_linear = n2npool @ conv_W + conv_b
            merged_linear = node_linear + input_message
            node_embed = jax.nn.relu(merged_linear)
        target_embed = node_embed[t]
        # region is None -> graph embed over all nodes
        graph_embed = jnp.mean(node_embed, axis=0)
        act_embed = node_embed[a]
        embed_s_a = jnp.concatenate([act_embed, graph_embed], axis=0)
        h = jax.nn.relu(embed_s_a @ lin1_W + lin1_b)
        raw_pred = h @ linout_W + linout_b
        # bilin_q: raw_pred @ target_embed^T
        return jnp.dot(raw_pred, target_embed)

    return jax.vmap(per_sample)(target_nodes, picked_nodes, actions)

if __name__ == "__main__":
    import jax
    _d = setup_inputs()
    print(jax.jit(kernel)(*tuple(_d.values())))

</pallas_src>

<mosaic_0001>
#map = affine_map<(d0, d1) -> (0)>
module attributes {stable_mosaic.version = 14 : i64} {
  func.func @_deg_kernel(%arg0: i32, %arg1: i32, %arg2: memref<320000xi32, #tpu.memory_space<hbm>>, %arg3: memref<320000xi32, #tpu.memory_space<hbm>>, %arg4: memref<20480xi32, #tpu.memory_space<hbm>>, %arg5: memref<10240xi32, #tpu.memory_space<vmem>>, %arg6: memref<2000xi32, #tpu.memory_space<vmem>>, %arg7: memref<2000xi32, #tpu.memory_space<vmem>>, %arg8: memref<640xi32, #tpu.memory_space<vmem>>, %arg9: memref<640xi32, #tpu.memory_space<vmem>>, %arg10: memref<16x10240xi32, #tpu.memory_space<vmem_shared>>) attributes {dimension_semantics = [#tpu.dimension_semantics<core_parallel>, #tpu.dimension_semantics<subcore_parallel>], iteration_bounds = array<i64: 2, 16>, scalar_prefetch = 0 : i64, scratch_operands = 6 : i64, tpu.core_type = #tpu.core_type<sc_vector_subcore>, window_params = [{transform_indices = #map}, {transform_indices = #map}, {transform_indices = #map}]} {
    %mul3A = arith.constant 2 : i32
    %mul3A_0 = arith.muli %arg1, %mul3A : i32
    %add3A = arith.addi %mul3A_0, %arg0 : i32
    %broadcast_in_dim3A = arith.constant 0 : i32
    %broadcast_in_dim3A_1 = vector.broadcast %broadcast_in_dim3A : i32 to vector<16xi32>
    %scan3A = arith.constant 0 : i32
    %scan3A_2 = arith.constant 0 : i32
    %scan3A_3 = arith.constant 640 : i32
    %scan3A_4 = arith.addi %scan3A_2, %scan3A_3 : i32
    %scan3A_5 = arith.constant 1 : i32
    %scan3A_6 = scf.for %scan3A_31 = %scan3A_2 to %scan3A_4 step %scan3A_5 iter_args(%scan3A_32 = %scan3A) -> (i32)  : i32 {
      %mul3A_33 = arith.constant 16 : i32
      %mul3A_34 = arith.muli %scan3A_31, %mul3A_33 : i32
      %swap3A = arith.index_cast %mul3A_34 : i32 to index
      %swap3A_35 = tpu.vector_load %arg5[%swap3A] {strides = array<i32>} : memref<10240xi32, #tpu.memory_space<vmem>>, vector<16xi32>,
      tpu.vector_store %arg5[%swap3A], %broadcast_in_dim3A_1 {strides = array<i32>} : memref<10240xi32, #tpu.memory_space<vmem>>, vector<16xi32>,
      %scan3A_36 = arith.constant 0 : i32
      scf.yield %scan3A_36 : i32
    }
    %scan3A_7 = arith.constant 640 : i32
    %broadcast_in_dim3A_8 = arith.constant 1 : i32
    %broadcast_in_dim3A_9 = vector.broadcast %broadcast_in_dim3A_8 : i32 to vector<16xi32>
    %mul3A_10 = arith.constant 10000 : i32
    %mul3A_11 = arith.muli %add3A, %mul3A_10 : i32
    %scan3A_12 = arith.constant 0 : i32
    %scan3A_13 = arith.constant 0 : i32
    %scan3A_14 = arith.constant 5 : i32
    %scan3A_15 = arith.addi %scan3A_13, %scan3A_14 : i32
    %scan3A_16 = arith.constant 1 : i32
    %scan3A_17 = scf.for %scan3A_31 = %scan3A_13 to %scan3A_15 step %scan3A_16 iter_args(%scan3A_32 = %scan3A_12) -> (i32)  : i32 {
      %mul3A_33 = arith.constant 2000 : i32
      %mul3A_34 = arith.muli %scan3A_31, %mul3A_33 : i32
      %add3A_35 = arith.addi %mul3A_11, %mul3A_34 : i32
      "tpu.region"() ({
        %run_scoped3A_44 = tpu.sem_alloc : memref<!tpu.dma_semaphore, #tpu.memory_space<semaphore_mem>>
        %dma_start3A = tpu.memref_slice %arg2[%add3A_35] : memref<320000xi32, #tpu.memory_space<hbm>> -> memref<2000xi32, #tpu.memory_space<hbm>>
        %dma_start3A_45 = tpu.memref_slice %arg2[%add3A_35] : memref<320000xi32, #tpu.memory_space<hbm>> -> memref<2000xi32, #tpu.memory_space<hbm>>
        tpu.enqueue_dma source(%dma_start3A_45 : memref<2000xi32, #tpu.memory_space<hbm>>) target(%arg6 : memref<2000xi32, #tpu.memory_space<vmem>>) target_semaphore(%run_scoped3A_44 : memref<!tpu.dma_semaphore, #tpu.memory_space<semaphore_mem>>)
        %dma_wait3A = tpu.memref_slice %arg2[%add3A_35] : memref<320000xi32, #tpu.memory_space<hbm>> -> memref<2000xi32, #tpu.memory_space<hbm>>
        %dma_wait3A_46 = tpu.memref_slice %arg2[%add3A_35] : memref<320000xi32, #tpu.memory_space<hbm>> -> memref<2000xi32, #tpu.memory_space<hbm>>
        tpu.wait_dma2 semaphore(%run_scoped3A_44 : memref<!tpu.dma_semaphore, #tpu.memory_space<semaphore_mem>>) src(%dma_wait3A_46 : memref<2000xi32, #tpu.memory_space<hbm>>) dst(%arg6 : memref<2000xi32, #tpu.memory_space<vmem>>)
        tpu.yield
      }) : () -> ()
      "tpu.region"() ({
        %run_scoped3A_44 = tpu.sem_alloc : memref<!tpu.dma_semaphore, #tpu.memory_space<semaphore_mem>>
        %dma_start3A = tpu.memref_slice %arg3[%add3A_35] : memref<320000xi32, #tpu.memory_space<hbm>> -> memref<2000xi32, #tpu.memory_space<hbm>>
        %dma_start3A_45 = tpu.memref_slice %arg3[%add3A_35] : memref<320000xi32, #tpu.memory_space<hbm>> -> memref<2000xi32, #tpu.memory_space<hbm>>
        tpu.enqueue_dma source(%dma_start3A_45 : memref<2000xi32, #tpu.memory_space<hbm>>) target(%arg7 : memref<2000xi32, #tpu.memory_space<vmem>>) target_semaphore(%run_scoped3A_44 : memref<!tpu.dma_semaphore, #tpu.memory_space<semaphore_mem>>)
        %dma_wait3A = tpu.memref_slice %arg3[%add3A_35] : memref<320000xi32, #tpu.memory_space<hbm>> -> memref<2000xi32, #tpu.memory_space<hbm>>
        %dma_wait3A_46 = tpu.memref_slice %arg3[%add3A_35] : memref<320000xi32, #tpu.memory_space<hbm>> -> memref<2000xi32, #tpu.memory_space<hbm>>
        tpu.wait_dma2 semaphore(%run_scoped3A_44 : memref<!tpu.dma_semaphore, #tpu.memory_space<semaphore_mem>>) src(%dma_wait3A_46 : memref<2000xi32, #tpu.memory_space<hbm>>) dst(%arg7 : memref<2000xi32, #tpu.memory_space<vmem>>)
        tpu.yield
      }) : () -> ()
      %scan3A_36 = arith.constant 0 : i32
      %scan3A_37 = arith.constant 0 : i32
      %scan3A_38 = arith.constant 125 : i32
      %scan3A_39 = arith.addi %scan3A_37, %scan3A_38 : i32
      %scan3A_40 = arith.constant 1 : i32
      %scan3A_41 = scf.for %scan3A_44 = %scan3A_37 to %scan3A_39 step %scan3A_40 iter_args(%scan3A_45 = %scan3A_36) -> (i32)  : i32 {
        %mul3A_46 = arith.constant 16 : i32
        %mul3A_47 = arith.muli %scan3A_44, %mul3A_46 : i32
        %get3A = arith.index_cast %mul3A_47 : i32 to index
        %get3A_48 = tpu.vector_load %arg6[%get3A] {strides = array<i32>} : memref<2000xi32, #tpu.memory_space<vmem>>, vector<16xi32>,
        tpu.vector_store_idx %arg5[%get3A_48], %broadcast_in_dim3A_9 {add = true} : memref<10240xi32, #tpu.memory_space<vmem>>[vector<16xi32>], vector<16xi32>,
        %get3A_49 = arith.index_cast %mul3A_47 : i32 to index
        %get3A_50 = tpu.vector_load %arg7[%get3A_49] {strides = array<i32>} : memref<2000xi32, #tpu.memory_space<vmem>>, vector<16xi32>,
        tpu.vector_store_idx %arg5[%get3A_50], %broadcast_in_dim3A_9 {add = true} : memref<10240xi32, #tpu.memory_space<vmem>>[vector<16xi32>], vector<16xi32>,
        %scan3A_51 = arith.constant 0 : i32
        scf.yield %scan3A_51 : i32
      }
      %scan3A_42 = arith.constant 125 : i32
      %scan3A_43 = arith.constant 0 : i32
      scf.yield %scan3A_43 : i32
    }
    %scan3A_18 = arith.constant 5 : i32
    "tpu.region"() ({
      %run_scoped3A_31 = tpu.sem_alloc : memref<!tpu.dma_semaphore, #tpu.memory_space<semaphore_mem>>
      %dma_start3A = arith.constant 0 : i32
      %dma_start3A_32 = tpu.memref_slice %arg10[%arg1, %dma_start3A] : memref<16x10240xi32, #tpu.memory_space<vmem_shared>> -> memref<1x10240xi32, #tpu.memory_space<vmem_shared>>
      %dma_start3A_33 = tpu.memref_squeeze %dma_start3A_32 : memref<1x10240xi32, #tpu.memory_space<vmem_shared>> -> memref<10240xi32, #tpu.memory_space<vmem_shared>>
      %dma_start3A_34 = arith.constant 0 : i32
      %dma_start3A_35 = tpu.memref_slice %arg10[%arg1, %dma_start3A_34] : memref<16x10240xi32, #tpu.memory_space<vmem_shared>> -> memref<1x10240xi32, #tpu.memory_space<vmem_shared>>
      %dma_start3A_36 = tpu.memref_squeeze %dma_start3A_35 : memref<1x10240xi32, #tpu.memory_space<vmem_shared>> -> memref<10240xi32, #tpu.memory_space<vmem_shared>>
      tpu.enqueue_dma source(%arg5 : memref<10240xi32, #tpu.memory_space<vmem>>) target(%dma_start3A_36 : memref<10240xi32, #tpu.memory_space<vmem_shared>>) target_semaphore(%run_scoped3A_31 : memref<!tpu.dma_semaphore, #tpu.memory_space<semaphore_mem>>)
      %dma_wait3A = arith.constant 0 : i32
      %dma_wait3A_37 = tpu.memref_slice %arg10[%arg1, %dma_wait3A] : memref<16x10240xi32, #tpu.memory_space<vmem_shared>> -> memref<1x10240xi32, #tpu.memory_space<vmem_shared>>
      %dma_wait3A_38 = tpu.memref_squeeze %dma_wait3A_37 : memref<1x10240xi32, #tpu.memory_space<vmem_shared>> -> memref<10240xi32, #tpu.memory_space<vmem_shared>>
      %dma_wait3A_39 = arith.constant 0 : i32
      %dma_wait3A_40 = tpu.memref_slice %arg10[%arg1, %dma_wait3A_39] : memref<16x10240xi32, #tpu.memory_space<vmem_shared>> -> memref<1x10240xi32, #tpu.memory_space<vmem_shared>>
      %dma_wait3A_41 = tpu.memref_squeeze %dma_wait3A_40 : memref<1x10240xi32, #tpu.memory_space<vmem_shared>> -> memref<10240xi32, #tpu.memory_space<vmem_shared>>
      tpu.wait_dma2 semaphore(%run_scoped3A_31 : memref<!tpu.dma_semaphore, #tpu.memory_space<semaphore_mem>>) src(%arg5 : memref<10240xi32, #tpu.memory_space<vmem>>) dst(%dma_wait3A_41 : memref<10240xi32, #tpu.memory_space<vmem_shared>>)
      tpu.yield
    }) : () -> ()
    %barrier3A = arith.constant 0 : index
    tpu.barrier barrier_id(%barrier3A)
    %mul3A_19 = arith.constant 640 : i32
    %mul3A_20 = arith.muli %arg1, %mul3A_19 : i32
    %run_scoped3A = arith.constant 0 : i32
    "tpu.region"() ({
      %run_scoped3A_31 = tpu.sem_alloc : memref<!tpu.dma_semaphore, #tpu.memory_space<semaphore_mem>>
      %dma_start3A = tpu.memref_slice %arg10[%run_scoped3A, %mul3A_20] : memref<16x10240xi32, #tpu.memory_space<vmem_shared>> -> memref<1x640xi32, #tpu.memory_space<vmem_shared>>
      %dma_start3A_32 = tpu.memref_squeeze %dma_start3A : memref<1x640xi32, #tpu.memory_space<vmem_shared>> -> memref<640xi32, #tpu.memory_space<vmem_shared>>
      %dma_start3A_33 = tpu.memref_slice %arg10[%run_scoped3A, %mul3A_20] : memref<16x10240xi32, #tpu.memory_space<vmem_shared>> -> memref<1x640xi32, #tpu.memory_space<vmem_shared>>
      %dma_start3A_34 = tpu.memref_squeeze %dma_start3A_33 : memref<1x640xi32, #tpu.memory_space<vmem_shared>> -> memref<640xi32, #tpu.memory_space<vmem_shared>>
      tpu.enqueue_dma source(%dma_start3A_34 : memref<640xi32, #tpu.memory_space<vmem_shared>>) target(%arg8 : memref<640xi32, #tpu.memory_space<vmem>>) target_semaphore(%run_scoped3A_31 : memref<!tpu.dma_semaphore, #tpu.memory_space<semaphore_mem>>)
      %dma_wait3A = tpu.memref_slice %arg10[%run_scoped3A, %mul3A_20] : memref<16x10240xi32, #tpu.memory_space<vmem_shared>> -> memref<1x640xi32, #tpu.memory_space<vmem_shared>>
      %dma_wait3A_35 = tpu.memref_squeeze %dma_wait3A : memref<1x640xi32, #tpu.memory_space<vmem_shared>> -> memref<640xi32, #tpu.memory_space<vmem_shared>>
      %dma_wait3A_36 = tpu.memref_slice %arg10[%run_scoped3A, %mul3A_20] : memref<16x10240xi32, #tpu.memory_space<vmem_shared>> -> memref<1x640xi32, #tpu.memory_space<vmem_shared>>
      %dma_wait3A_37 = tpu.memref_squeeze %dma_wait3A_36 : memref<1x640xi32, #tpu.memory_space<vmem_shared>> -> memref<640xi32, #tpu.memory_space<vmem_shared>>
      tpu.wait_dma2 semaphore(%run_scoped3A_31 : memref<!tpu.dma_semaphore, #tpu.memory_space<semaphore_mem>>) src(%dma_wait3A_37 : memref<640xi32, #tpu.memory_space<vmem_shared>>) dst(%arg8 : memref<640xi32, #tpu.memory_space<vmem>>)
      tpu.yield
    }) : () -> ()
    %scan3A_21 = arith.constant 0 : i32
    %scan3A_22 = arith.constant 1 : i32
    %scan3A_23 = arith.constant 15 : i32
    %scan3A_24 = arith.addi %scan3A_22, %scan3A_23 : i32
    %scan3A_25 = arith.constant 1 : i32
    %scan3A_26 = scf.for %scan3A_31 = %scan3A_22 to %scan3A_24 step %scan3A_25 iter_args(%scan3A_32 = %scan3A_21) -> (i32)  : i32 {
      "tpu.region"() ({
        %run_scoped3A_41 = tpu.sem_alloc : memref<!tpu.dma_semaphore, #tpu.memory_space<semaphore_mem>>
        %dma_start3A = tpu.memref_slice %arg10[%scan3A_31, %mul3A_20] : memref<16x10240xi32, #tpu.memory_space<vmem_shared>> -> memref<1x640xi32, #tpu.memory_space<vmem_shared>>
        %dma_start3A_42 = tpu.memref_squeeze %dma_start3A : memref<1x640xi32, #tpu.memory_space<vmem_shared>> -> memref<640xi32, #tpu.memory_space<vmem_shared>>
        %dma_start3A_43 = tpu.memref_slice %arg10[%scan3A_31, %mul3A_20] : memref<16x10240xi32, #tpu.memory_space<vmem_shared>> -> memref<1x640xi32, #tpu.memory_space<vmem_shared>>
        %dma_start3A_44 = tpu.memref_squeeze %dma_start3A_43 : memref<1x640xi32, #tpu.memory_space<vmem_shared>> -> memref<640xi32, #tpu.memory_space<vmem_shared>>
        tpu.enqueue_dma source(%dma_start3A_44 : memref<640xi32, #tpu.memory_space<vmem_shared>>) target(%arg9 : memref<640xi32, #tpu.memory_space<vmem>>) target_semaphore(%run_scoped3A_41 : memref<!tpu.dma_semaphore, #tpu.memory_space<semaphore_mem>>)
        %dma_wait3A = tpu.memref_slice %arg10[%scan3A_31, %mul3A_20] : memref<16x10240xi32, #tpu.memory_space<vmem_shared>> -> memref<1x640xi32, #tpu.memory_space<vmem_shared>>
        %dma_wait3A_45 = tpu.memref_squeeze %dma_wait3A : memref<1x640xi32, #tpu.memory_space<vmem_shared>> -> memref<640xi32, #tpu.memory_space<vmem_shared>>
        %dma_wait3A_46 = tpu.memref_slice %arg10[%scan3A_31, %mul3A_20] : memref<16x10240xi32, #tpu.memory_space<vmem_shared>> -> memref<1x640xi32, #tpu.memory_space<vmem_shared>>
        %dma_wait3A_47 = tpu.memref_squeeze %dma_wait3A_46 : memref<1x640xi32, #tpu.memory_space<vmem_shared>> -> memref<640xi32, #tpu.memory_space<vmem_shared>>
        tpu.wait_dma2 semaphore(%run_scoped3A_41 : memref<!tpu.dma_semaphore, #tpu.memory_space<semaphore_mem>>) src(%dma_wait3A_47 : memref<640xi32, #tpu.memory_space<vmem_shared>>) dst(%arg9 : memref<640xi32, #tpu.memory_space<vmem>>)
        tpu.yield
      }) : () -> ()
      %scan3A_33 = arith.constant 0 : i32
      %scan3A_34 = arith.constant 0 : i32
      %scan3A_35 = arith.constant 40 : i32
      %scan3A_36 = arith.addi %scan3A_34, %scan3A_35 : i32
      %scan3A_37 = arith.constant 1 : i32
      %scan3A_38 = scf.for %scan3A_41 = %scan3A_34 to %scan3A_36 step %scan3A_37 iter_args(%scan3A_42 = %scan3A_33) -> (i32)  : i32 {
        %mul3A_43 = arith.constant 16 : i32
        %mul3A_44 = arith.muli %scan3A_41, %mul3A_43 : i32
        %get3A = arith.index_cast %mul3A_44 : i32 to index
        %get3A_45 = tpu.vector_load %arg8[%get3A] {strides = array<i32>} : memref<640xi32, #tpu.memory_space<vmem>>, vector<16xi32>,
        %get3A_46 = arith.index_cast %mul3A_44 : i32 to index
        %get3A_47 = tpu.vector_load %arg9[%get3A_46] {strides = array<i32>} : memref<640xi32, #tpu.memory_space<vmem>>, vector<16xi32>,
        %add3A_48 = arith.addi %get3A_45, %get3A_47 : vector<16xi32>
        %swap3A = arith.index_cast %mul3A_44 : i32 to index
        %swap3A_49 = tpu.vector_load %arg8[%swap3A] {strides = array<i32>} : memref<640xi32, #tpu.memory_space<vmem>>, vector<16xi32>,
        tpu.vector_store %arg8[%swap3A], %add3A_48 {strides = array<i32>} : memref<640xi32, #tpu.memory_space<vmem>>, vector<16xi32>,
        %scan3A_50 = arith.constant 0 : i32
        scf.yield %scan3A_50 : i32
      }
      %scan3A_39 = arith.constant 40 : i32
      %scan3A_40 = arith.constant 0 : i32
      scf.yield %scan3A_40 : i32
    }
    %scan3A_27 = arith.constant 15 : i32
    %mul3A_28 = arith.constant 10240 : i32
    %mul3A_29 = arith.muli %arg0, %mul3A_28 : i32
    %add3A_30 = arith.addi %mul3A_29, %mul3A_20 : i32
    "tpu.region"() ({
      %run_scoped3A_31 = tpu.sem_alloc : memref<!tpu.dma_semaphore, #tpu.memory_space<semaphore_mem>>
      %dma_start3A = tpu.memref_slice %arg4[%add3A_30] : memref<20480xi32, #tpu.memory_space<hbm>> -> memref<640xi32, #tpu.memory_space<hbm>>
      %dma_start3A_32 = tpu.memref_slice %arg4[%add3A_30] : memref<20480xi32, #tpu.memory_space<hbm>> -> memref<640xi32, #tpu.memory_space<hbm>>
      tpu.enqueue_dma source(%arg8 : memref<640xi32, #tpu.memory_space<vmem>>) target(%dma_start3A_32 : memref<640xi32, #tpu.memory_space<hbm>>) target_semaphore(%run_scoped3A_31 : memref<!tpu.dma_semaphore, #tpu.memory_space<semaphore_mem>>)
      %dma_wait3A = tpu.memref_slice %arg4[%add3A_30] : memref<20480xi32, #tpu.memory_space<hbm>> -> memref<640xi32, #tpu.memory_space<hbm>>
      %dma_wait3A_33 = tpu.memref_slice %arg4[%add3A_30] : memref<20480xi32, #tpu.memory_space<hbm>> -> memref<640xi32, #tpu.memory_space<hbm>>
      tpu.wait_dma2 semaphore(%run_scoped3A_31 : memref<!tpu.dma_semaphore, #tpu.memory_space<semaphore_mem>>) src(%arg8 : memref<640xi32, #tpu.memory_space<vmem>>) dst(%dma_wait3A_33 : memref<640xi32, #tpu.memory_space<hbm>>)
      tpu.yield
    }) : () -> ()
    return
  }
}

#map = affine_map<(d0, d1) -> (0)>
module attributes {stable_mosaic.version = 14 : i64} {
  func.func @_spmm2_kernel(%arg0: i32, %arg1: i32, %arg2: memref<320000xi32, #tpu.memory_space<hbm>>, %arg3: memref<320000xi32, #tpu.memory_space<hbm>>, %arg4: memref<640000xf32, #tpu.memory_space<hbm>>, %arg5: memref<5120000xf32, #tpu.memory_space<hbm>>, %arg6: memref<10240xf32, #tpu.memory_space<hbm>>, %arg7: memref<320000xi32, #tpu.memory_space<hbm>>, %arg8: memref<320000xi32, #tpu.memory_space<hbm>>, %arg9: memref<320000xf32, #tpu.memory_space<hbm>>, %arg10: memref<512xi32, #tpu.memory_space<hbm>>, %arg11: memref<640000xf32, #tpu.memory_space<hbm>>, %arg12: memref<5120000xf32, #tpu.memory_space<hbm>>, %arg13: memref<40000xf32, #tpu.memory_space<vmem>>, %arg14: memref<40000xf32, #tpu.memory_space<vmem>>, %arg15: memref<10240xf32, #tpu.memory_space<vmem>>, %arg16: memref<4000xi32, #tpu.memory_space<vmem>>, %arg17: memref<4000xi32, #tpu.memory_space<vmem>>, %arg18: memref<4000xi32, #tpu.memory_space<vmem>>, %arg19: memref<4000xi32, #tpu.memory_space<vmem>>, %arg20: memref<1280xi32, #tpu.memory_space<vmem>>, %arg21: memref<1280xi32, #tpu.memory_space<vmem>>, %arg22: memref<1280xf32, #tpu.memory_space<vmem>>, %arg23: memref<1280xi32, #tpu.memory_space<vmem>>, %arg24: memref<1280xi32, #tpu.memory_space<vmem>>, %arg25: memref<1280xf32, #tpu.memory_space<vmem>>, %arg26: memref<1280xi32, #tpu.memory_space<vmem>>, %arg27: memref<1280xi32, #tpu.memory_space<vmem>>, %arg28: memref<1280xf32, #tpu.memory_space<vmem>>, %arg29: memref<512xi32, #tpu.memory_space<vmem>>, %arg30: memref<!tpu.dma_semaphore, #tpu.memory_space<semaphore_mem>>, %arg31: memref<!tpu.dma_semaphore, #tpu.memory_space<semaphore_mem>>) attributes {dimension_semantics = [#tpu.dimension_semantics<core_parallel>, #tpu.dimension_semantics<subcore_parallel>], iteration_bounds = array<i64: 2, 16>, scalar_prefetch = 0 : i64, scratch_operands = 19 : i64, tpu.core_type = #tpu.core_type<sc_vector_subcore>, window_params = [{transform_indices = #map}, {transform_indices = #map}, {transform_indices = #map}, {transform_indices = #map}, {transform_indices = #map}, {transform_indices = #map}, {transform_indices = #map}, {transform_indices = #map}, {transform_indices = #map}, {transform_indices = #map}, {transform_indices = #map}]} {
    %mul3A = arith.constant 2 : i32
    %mul3A_0 = arith.muli %arg1, %mul3A : i32
    %add3A = arith.addi %mul3A_0, %arg0 : i32
    "tpu.region"() ({
      %run_scoped3A = tpu.sem_alloc : memref<!tpu.dma_semaphore, #tpu.memory_space<semaphore_mem>>
      tpu.enqueue_dma source(%arg6 : memref<10240xf32, #tpu.memory_space<hbm>>) target(%arg15 : memref<10240xf32, #tpu.memory_space<vmem>>) target_semaphore(%run_scoped3A : memref<!tpu.dma_semaphore, #tpu.memory_space<semaphore_mem>>)
      tpu.wait_dma2 semaphore(%run_scoped3A : memref<!tpu.dma_semaphore, #tpu.memory_space<semaphore_mem>>) src(%arg6 : memref<10240xf32, #tpu.memory_space<hbm>>) dst(%arg15 : memref<10240xf32, #tpu.memory_space<vmem>>)
      tpu.yield
    }) : () -> ()
    "tpu.region"() ({
      %run_scoped3A = tpu.sem_alloc : memref<!tpu.dma_semaphore, #tpu.memory_space<semaphore_mem>>
      tpu.enqueue_dma source(%arg10 : memref<512xi32, #tpu.memory_space<hbm>>) target(%arg29 : memref<512xi32, #tpu.memory_space<vmem>>) target_semaphore(%run_scoped3A : memref<!tpu.dma_semaphore, #tpu.memory_space<semaphore_mem>>)
      tpu.wait_dma2 semaphore(%run_scoped3A : memref<!tpu.dma_semaphore, #tpu.memory_space<semaphore_mem>>) src(%arg10 : memref<512xi32, #tpu.memory_space<hbm>>) dst(%arg29 : memref<512xi32, #tpu.memory_space<vmem>>)
      tpu.yield
    }) : () -> ()
    %broadcast_in_dim3A = arith.constant 0.000000e+00 : f32
    %broadcast_in_dim3A_1 = vector.broadcast %broadcast_in_dim3A : f32 to vector<16xf32>
    %mul3A_2 = arith.constant 2 : i32
    %mul3A_3 = arith.muli %mul3A_2, %add3A : i32
    %mul3A_4 = arith.constant 10000 : i32
    %mul3A_5 = arith.muli %mul3A_3, %mul3A_4 : i32
    "tpu.region"() ({
      %run_scoped3A = tpu.sem_alloc : memref<!tpu.dma_semaphore, #tpu.memory_space<semaphore_mem>>
      %dma_start3A_56 = arith.constant 0 : i32
      %dma_start3A_57 = tpu.memref_slice %arg13[%dma_start3A_56] : memref<40000xf32, #tpu.memory_space<vmem>> -> memref<10000xf32, #tpu.memory_space<vmem>>
      %dma_start3A_58 = tpu.memref_slice %arg4[%mul3A_5] : memref<640000xf32, #tpu.memory_space<hbm>> -> memref<10000xf32, #tpu.memory_space<hbm>>
      %dma_start3A_59 = arith.constant 0 : i32
      %dma_start3A_60 = tpu.memref_slice %arg13[%dma_start3A_59] : memref<40000xf32, #tpu.memory_space<vmem>> -> memref<10000xf32, #tpu.memory_space<vmem>>
      %dma_start3A_61 = tpu.memref_slice %arg4[%mul3A_5] : memref<640000xf32, #tpu.memory_space<hbm>> -> memref<10000xf32, #tpu.memory_space<hbm>>
      tpu.enqueue_dma source(%dma_start3A_61 : memref<10000xf32, #tpu.memory_space<hbm>>) target(%dma_start3A_60 : memref<10000xf32, #tpu.memory_space<vmem>>) target_semaphore(%run_scoped3A : memref<!tpu.dma_semaphore, #tpu.memory_space<semaphore_mem>>)
      %dma_wait3A = arith.constant 0 : i32
      %dma_wait3A_62 = tpu.memref_slice %arg13[%dma_wait3A] : memref<40000xf32, #tpu.memory_space<vmem>> -> memref<10000xf32, #tpu.memory_space<vmem>>
      %dma_wait3A_63 = tpu.memref_slice %arg4[%mul3A_5] : memref<640000xf32, #tpu.memory_space<hbm>> -> memref<10000xf32, #tpu.memory_space<hbm>>
      %dma_wait3A_64 = arith.constant 0 : i32
      %dma_wait3A_65 = tpu.memref_slice %arg13[%dma_wait3A_64] : memref<40000xf32, #tpu.memory_space<vmem>> -> memref<10000xf32, #tpu.memory_space<vmem>>
      %dma_wait3A_66 = tpu.memref_slice %arg4[%mul3A_5] : memref<640000xf32, #tpu.memory_space<hbm>> -> memref<10000xf32, #tpu.memory_space<hbm>>
      tpu.wait_dma2 semaphore(%run_scoped3A : memref<!tpu.dma_semaphore, #tpu.memory_space<semaphore_mem>>) src(%dma_wait3A_66 : memref<10000xf32, #tpu.memory_space<hbm>>) dst(%dma_wait3A_65 : memref<10000xf32, #tpu.memory_space<vmem>>)
      tpu.yield
    }) : () -> ()
    %mul3A_6 = arith.constant 2 : i32
    %mul3A_7 = arith.muli %mul3A_6, %add3A : i32
    %add3A_8 = arith.constant 1 : i32
    %add3A_9 = arith.addi %mul3A_7, %add3A_8 : i32
    %mul3A_10 = arith.constant 10000 : i32
    %mul3A_11 = arith.muli %add3A_9, %mul3A_10 : i32
    "tpu.region"() ({
      %run_scoped3A = tpu.sem_alloc : memref<!tpu.dma_semaphore, #tpu.memory_space<semaphore_mem>>
      %dma_start3A_56 = arith.constant 10000 : i32
      %dma_start3A_57 = tpu.memref_slice %arg13[%dma_start3A_56] : memref<40000xf32, #tpu.memory_space<vmem>> -> memref<10000xf32, #tpu.memory_space<vmem>>
      %dma_start3A_58 = tpu.memref_slice %arg4[%mul3A_11] : memref<640000xf32, #tpu.memory_space<hbm>> -> memref<10000xf32, #tpu.memory_space<hbm>>
      %dma_start3A_59 = arith.constant 10000 : i32
      %dma_start3A_60 = tpu.memref_slice %arg13[%dma_start3A_59] : memref<40000xf32, #tpu.memory_space<vmem>> -> memref<10000xf32, #tpu.memory_space<vmem>>
      %dma_start3A_61 = tpu.memref_slice %arg4[%mul3A_11] : memref<640000xf32, #tpu.memory_space<hbm>> -> memref<10000xf32, #tpu.memory_space<hbm>>
      tpu.enqueue_dma source(%dma_start3A_61 : memref<10000xf32, #tpu.memory_space<hbm>>) target(%dma_start3A_60 : memref<10000xf32, #tpu.memory_space<vmem>>) target_semaphore(%run_scoped3A : memref<!tpu.dma_semaphore, #tpu.memory_space<semaphore_mem>>)
      %dma_wait3A = arith.constant 10000 : i32
      %dma_wait3A_62 = tpu.memref_slice %arg13[%dma_wait3A] : memref<40000xf32, #tpu.memory_space<vmem>> -> memref<10000xf32, #tpu.memory_space<vmem>>
      %dma_wait3A_63 = tpu.memref_slice %arg4[%mul3A_11] : memref<640000xf32, #tpu.memory_space<hbm>> -> memref<10000xf32, #tpu.memory_space<hbm>>
      %dma_wait3A_64 = arith.constant 10000 : i32
      %dma_wait3A_65 = tpu.memref_slice %arg13[%dma_wait3A_64] : memref<40000xf32, #tpu.memory_space<vmem>> -> memref<10000xf32, #tpu.memory_space<vmem>>
      %dma_wait3A_66 = tpu.memref_slice %arg4[%mul3A_11] : memref<640000xf32, #tpu.memory_space<hbm>> -> memref<10000xf32, #tpu.memory_space<hbm>>
      tpu.wait_dma2 semaphore(%run_scoped3A : memref<!tpu.dma_semaphore, #tpu.memory_space<semaphore_mem>>) src(%dma_wait3A_66 : memref<10000xf32, #tpu.memory_space<hbm>>) dst(%dma_wait3A_65 : memref<10000xf32, #tpu.memory_space<vmem>>)
      tpu.yield
    }) : () -> ()
    %scan3A = arith.constant 0 : i32
    %scan3A_12 = arith.constant 0 : i32
    %scan3A_13 = arith.constant 1250 : i32
    %scan3A_14 = arith.addi %scan3A_12, %scan3A_13 : i32
    %scan3A_15 = arith.constant 1 : i32
    %scan3A_16 = scf.for %scan3A_56 = %scan3A_12 to %scan3A_14 step %scan3A_15 iter_args(%scan3A_57 = %scan3A) -> (i32)  : i32 {
      %mul3A_58 = arith.constant 16 : i32
      %mul3A_59 = arith.muli %scan3A_56, %mul3A_58 : i32
      %swap3A = arith.index_cast %mul3A_59 : i32 to index
      %swap3A_60 = tpu.vector_load %arg14[%swap3A] {strides = array<i32>} : memref<40000xf32, #tpu.memory_space<vmem>>, vector<16xf32>,
      tpu.vector_store %arg14[%swap3A], %broadcast_in_dim3A_1 {strides = array<i32>} : memref<40000xf32, #tpu.memory_space<vmem>>, vector<16xf32>,
      %scan3A_61 = arith.constant 0 : i32
      scf.yield %scan3A_61 : i32
    }
    %scan3A_17 = arith.constant 1250 : i32
    %dma_start3A = arith.constant 0 : i32
    %dma_start3A_18 = tpu.memref_slice %arg2[%dma_start3A] : memref<320000xi32, #tpu.memory_space<hbm>> -> memref<4000xi32, #tpu.memory_space<hbm>>
    %dma_start3A_19 = arith.constant 0 : i32
    %dma_start3A_20 = tpu.memref_slice %arg2[%dma_start3A_19] : memref<320000xi32, #tpu.memory_space<hbm>> -> memref<4000xi32, #tpu.memory_space<hbm>>
    tpu.enqueue_dma source(%dma_start3A_20 : memref<4000xi32, #tpu.memory_space<hbm>>) target(%arg16 : memref<4000xi32, #tpu.memory_space<vmem>>) target_semaphore(%arg30 : memref<!tpu.dma_semaphore, #tpu.memory_space<semaphore_mem>>)
    %dma_start3A_21 = arith.constant 0 : i32
    %dma_start3A_22 = tpu.memref_slice %arg3[%dma_start3A_21] : memref<320000xi32, #tpu.memory_space<hbm>> -> memref<4000xi32, #tpu.memory_space<hbm>>
    %dma_start3A_23 = arith.constant 0 : i32
    %dma_start3A_24 = tpu.memref_slice %arg3[%dma_start3A_23] : memref<320000xi32, #tpu.memory_space<hbm>> -> memref<4000xi32, #tpu.memory_space<hbm>>
    tpu.enqueue_dma source(%dma_start3A_24 : memref<4000xi32, #tpu.memory_space<hbm>>) target(%arg17 : memref<4000xi32, #tpu.memory_space<vmem>>) target_semaphore(%arg30 : memref<!tpu.dma_semaphore, #tpu.memory_space<semaphore_mem>>)
    %scan3A_25 = arith.constant 0 : i32
    %scan3A_26 = arith.constant 0 : i32
    %scan3A_27 = arith.constant 40 : i32
    %scan3A_28 = arith.addi %scan3A_26, %scan3A_27 : i32
    %scan3A_29 = arith.constant 1 : i32
    %scan3A_30 = scf.for %scan3A_56 = %scan3A_26 to %scan3A_28 step %scan3A_29 iter_args(%scan3A_57 = %scan3A_25) -> (i32)  : i32 {
      %mul3A_58 = arith.constant 2 : i32
      %mul3A_59 = arith.muli %mul3A_58, %scan3A_56 : i32
      %mul3A_60 = arith.constant 4000 : i32
      %mul3A_61 = arith.muli %mul3A_59, %mul3A_60 : i32
      %dma_wait3A = tpu.memref_slice %arg2[%mul3A_61] : memref<320000xi32, #tpu.memory_space<hbm>> -> memref<4000xi32, #tpu.memory_space<hbm>>
      %dma_wait3A_62 = tpu.memref_slice %arg2[%mul3A_61] : memref<320000xi32, #tpu.memory_space<hbm>> -> memref<4000xi32, #tpu.memory_space<hbm>>
      tpu.wait_dma2 semaphore(%arg30 : memref<!tpu.dma_semaphore, #tpu.memory_space<semaphore_mem>>) src(%dma_wait3A_62 : memref<4000xi32, #tpu.memory_space<hbm>>) dst(%arg16 : memref<4000xi32, #tpu.memory_space<vmem>>)
      %mul3A_63 = arith.constant 4000 : i32
      %mul3A_64 = arith.muli %mul3A_59, %mul3A_63 : i32
      %dma_wait3A_65 = tpu.memref_slice %arg3[%mul3A_64] : memref<320000xi32, #tpu.memory_space<hbm>> -> memref<4000xi32, #tpu.memory_space<hbm>>
      %dma_wait3A_66 = tpu.memref_slice %arg3[%mul3A_64] : memref<320000xi32, #tpu.memory_space<hbm>> -> memref<4000xi32, #tpu.memory_space<hbm>>
      tpu.wait_dma2 semaphore(%arg30 : memref<!tpu.dma_semaphore, #tpu.memory_space<semaphore_mem>>) src(%dma_wait3A_66 : memref<4000xi32, #tpu.memory_space<hbm>>) dst(%arg17 : memref<4000xi32, #tpu.memory_space<vmem>>)
      %add3A_67 = arith.constant 1 : i32
      %add3A_68 = arith.addi %mul3A_59, %add3A_67 : i32
      %mul3A_69 = arith.constant 4000 : i32
      %mul3A_70 = arith.muli %add3A_68, %mul3A_69 : i32
      %dma_start3A_71 = tpu.memref_slice %arg2[%mul3A_70] : memref<320000xi32, #tpu.memory_space<hbm>> -> memref<4000xi32, #tpu.memory_space<hbm>>
      %dma_start3A_72 = tpu.memref_slice %arg2[%mul3A_70] : memref<320000xi32, #tpu.memory_space<hbm>> -> memref<4000xi32, #tpu.memory_space<hbm>>
      tpu.enqueue_dma source(%dma_start3A_72 : memref<4000xi32, #tpu.memory_space<hbm>>) target(%arg18 : memref<4000xi32, #tpu.memory_space<vmem>>) target_semaphore(%arg31 : memref<!tpu.dma_semaphore, #tpu.memory_space<semaphore_mem>>)
      %mul3A_73 = arith.constant 4000 : i32
      %mul3A_74 = arith.muli %add3A_68, %mul3A_73 : i32
      %dma_start3A_75 = tpu.memref_slice %arg3[%mul3A_74] : memref<320000xi32, #tpu.memory_space<hbm>> -> memref<4000xi32, #tpu.memory_space<hbm>>
      %dma_start3A_76 = tpu.memref_slice %arg3[%mul3A_74] : memref<320000xi32, #tpu.memory_space<hbm>> -> memref<4000xi32, #tpu.memory_space<hbm>>
      tpu.enqueue_dma source(%dma_start3A_76 : memref<4000xi32, #tpu.memory_space<hbm>>) target(%arg19 : memref<4000xi32, #tpu.memory_space<vmem>>) target_semaphore(%arg31 : memref<!tpu.dma_semaphore, #tpu.memory_space<semaphore_mem>>)
      %parallel_loop3A = arith.constant 0 : i32
      %parallel_loop3A_77 = arith.constant 4000 : i32
      %parallel_loop3A_78 = arith.constant 16 : i32
      scf.for %parallel_loop3A_97 = %parallel_loop3A to %parallel_loop3A_77 step %parallel_loop3A_78  : i32 {
        %parallel_loop3A_98 = arith.index_cast %parallel_loop3A_97 : i32 to index
        %parallel_loop3A_99 = tpu.vector_load %arg16[%parallel_loop3A_98] {strides = array<i32>} : memref<4000xi32, #tpu.memory_space<vmem>>, vector<16xi32>,
        %parallel_loop3A_100 = arith.index_cast %parallel_loop3A_97 : i32 to index
        %parallel_loop3A_101 = tpu.vector_load %arg17[%parallel_loop3A_100] {strides = array<i32>} : memref<4000xi32, #tpu.memory_space<vmem>>, vector<16xi32>,
        %parallel_loop3A_102 = tpu.vector_load_idx %arg15[%parallel_loop3A_99] : memref<10240xf32, #tpu.memory_space<vmem>>[vector<16xi32>], vector<16xf32>,
        %parallel_loop3A_103 = tpu.vector_load_idx %arg15[%parallel_loop3A_101] : memref<10240xf32, #tpu.memory_space<vmem>>[vector<16xi32>], vector<16xf32>,
        %parallel_loop3A_104 = arith.mulf %parallel_loop3A_102, %parallel_loop3A_103 : vector<16xf32>
        %parallel_loop3A_105 = tpu.vector_load_idx %arg13[%parallel_loop3A_99] : memref<40000xf32, #tpu.memory_space<vmem>>[vector<16xi32>], vector<16xf32>,
        %parallel_loop3A_106 = arith.mulf %parallel_loop3A_104, %parallel_loop3A_105 : vector<16xf32>
        tpu.vector_store_idx %arg14[%parallel_loop3A_101], %parallel_loop3A_106 {add = true} : memref<40000xf32, #tpu.memory_space<vmem>>[vector<16xi32>], vector<16xf32>,
        %parallel_loop3A_107 = tpu.vector_load_idx %arg13[%parallel_loop3A_101] : memref<40000xf32, #tpu.memory_space<vmem>>[vector<16xi32>], vector<16xf32>,
        %parallel_loop3A_108 = arith.mulf %parallel_loop3A_104, %parallel_loop3A_107 : vector<16xf32>
        tpu.vector_store_idx %arg14[%parallel_loop3A_99], %parallel_loop3A_108 {add = true} : memref<40000xf32, #tpu.memory_space<vmem>>[vector<16xi32>], vector<16xf32>,
        %parallel_loop3A_109 = arith.constant 10000 : i32
        %parallel_loop3A_110 = vector.broadcast %parallel_loop3A_109 : i32 to vector<16xi32>
        %parallel_loop3A_111 = arith.addi %parallel_loop3A_99, %parallel_loop3A_110 : vector<16xi32>
        %parallel_loop3A_112 = arith.constant 10000 : i32
        %parallel_loop3A_113 = vector.broadcast %parallel_loop3A_112 : i32 to vector<16xi32>
        %parallel_loop3A_114 = arith.addi %parallel_loop3A_101, %parallel_loop3A_113 : vector<16xi32>
        %parallel_loop3A_115 = tpu.vector_load_idx %arg13[%parallel_loop3A_111] : memref<40000xf32, #tpu.memory_space<vmem>>[vector<16xi32>], vector<16xf32>,
        %parallel_loop3A_116 = arith.mulf %parallel_loop3A_104, %parallel_loop3A_115 : vector<16xf32>
        tpu.vector_store_idx %arg14[%parallel_loop3A_114], %parallel_loop3A_116 {add = true} : memref<40000xf32, #tpu.memory_space<vmem>>[vector<16xi32>], vector<16xf32>,
        %parallel_loop3A_117 = tpu.vector_load_idx %arg13[%parallel_loop3A_114] : memref<40000xf32, #tpu.memory_space<vmem>>[vector<16xi32>], vector<16xf32>,
        %parallel_loop3A_118 = arith.mulf %parallel_loop3A_104, %parallel_loop3A_117 : vector<16xf32>
        tpu.vector_store_idx %arg14[%parallel_loop3A_111], %parallel_loop3A_118 {add = true} : memref<40000xf32, #tpu.memory_space<vmem>>[vector<16xi32>], vector<16xf32>,
      } {sc.loop_unroll_factor = 4 : i64, sc.parallel_access}
      %add3A_79 = arith.constant 1 : i32
      %add3A_80 = arith.addi %mul3A_59, %add3A_79 : i32
      %mul3A_81 = arith.constant 4000 : i32
      %mul3A_82 = arith.muli %add3A_80, %mul3A_81 : i32
      %dma_wait3A_83 = tpu.memref_slice %arg2[%mul3A_82] : memref<320000xi32, #tpu.memory_space<hbm>> -> memref<4000xi32, #tpu.memory_space<hbm>>
      %dma_wait3A_84 = tpu.memref_slice %arg2[%mul3A_82] : memref<320000xi32, #tpu.memory_space<hbm>> -> memref<4000xi32, #tpu.memory_space<hbm>>
      tpu.wait_dma2 semaphore(%arg31 : memref<!tpu.dma_semaphore, #tpu.memory_space<semaphore_mem>>) src(%dma_wait3A_84 : memref<4000xi32, #tpu.memory_space<hbm>>) dst(%arg18 : memref<4000xi32, #tpu.memory_space<vmem>>)
      %mul3A_85 = arith.constant 4000 : i32
      %mul3A_86 = arith.muli %add3A_80, %mul3A_85 : i32
      %dma_wait3A_87 = tpu.memref_slice %arg3[%mul3A_86] : memref<320000xi32, #tpu.memory_space<hbm>> -> memref<4000xi32, #tpu.memory_space<hbm>>
      %dma_wait3A_88 = tpu.memref_slice %arg3[%mul3A_86] : memref<320000xi32, #tpu.memory_space<hbm>> -> memref<4000xi32, #tpu.memory_space<hbm>>
      tpu.wait_dma2 semaphore(%arg31 : memref<!tpu.dma_semaphore, #tpu.memory_space<semaphore_mem>>) src(%dma_wait3A_88 : memref<4000xi32, #tpu.memory_space<hbm>>) dst(%arg19 : memref<4000xi32, #tpu.memory_space<vmem>>)
      %add3A_89 = arith.constant 2 : i32
      %add3A_90 = arith.addi %mul3A_59, %add3A_89 : i32
      %lt3A = arith.constant 80 : i32
      %lt3A_91 = arith.cmpi slt, %add3A_90, %lt3A : i32
      %convert_element_type3A = arith.extui %lt3A_91 : i1 to i32
      %cond3A = arith.constant 0 : i32
      %cond3A_92 = arith.cmpi ne, %convert_element_type3A, %cond3A : i32
      scf.if %cond3A_92 {
        %add3A_97 = arith.constant 2 : i32
        %add3A_98 = arith.addi %mul3A_59, %add3A_97 : i32
        %mul3A_99 = arith.constant 4000 : i32
        %mul3A_100 = arith.muli %add3A_98, %mul3A_99 : i32
        %dma_start3A_101 = tpu.memref_slice %arg2[%mul3A_100] : memref<320000xi32, #tpu.memory_space<hbm>> -> memref<4000xi32, #tpu.memory_space<hbm>>
        %dma_start3A_102 = tpu.memref_slice %arg2[%mul3A_100] : memref<320000xi32, #tpu.memory_space<hbm>> -> memref<4000xi32, #tpu.memory_space<hbm>>
        tpu.enqueue_dma source(%dma_start3A_102 : memref<4000xi32, #tpu.memory_space<hbm>>) target(%arg16 : memref<4000xi32, #tpu.memory_space<vmem>>) target_semaphore(%arg30 : memref<!tpu.dma_semaphore, #tpu.memory_space<semaphore_mem>>)
        %mul3A_103 = arith.constant 4000 : i32
        %mul3A_104 = arith.muli %add3A_98, %mul3A_103 : i32
        %dma_start3A_105 = tpu.memref_slice %arg3[%mul3A_104] : memref<320000xi32, #tpu.memory_space<hbm>> -> memref<4000xi32, #tpu.memory_space<hbm>>
        %dma_start3A_106 = tpu.memref_slice %arg3[%mul3A_104] : memref<320000xi32, #tpu.memory_space<hbm>> -> memref<4000xi32, #tpu.memory_space<hbm>>
        tpu.enqueue_dma source(%dma_start3A_106 : memref<4000xi32, #tpu.memory_space<hbm>>) target(%arg17 : memref<4000xi32, #tpu.memory_space<vmem>>) target_semaphore(%arg30 : memref<!tpu.dma_semaphore, #tpu.memory_space<semaphore_mem>>)
      } else {
      }
      %parallel_loop3A_93 = arith.constant 0 : i32
      %parallel_loop3A_94 = arith.constant 4000 : i32
      %parallel_loop3A_95 = arith.constant 16 : i32
      scf.for %parallel_loop3A_97 = %parallel_loop3A_93 to %parallel_loop3A_94 step %parallel_loop3A_95  : i32 {
        %parallel_loop3A_98 = arith.index_cast %parallel_loop3A_97 : i32 to index
        %parallel_loop3A_99 = tpu.vector_load %arg18[%parallel_loop3A_98] {strides = array<i32>} : memref<4000xi32, #tpu.memory_space<vmem>>, vector<16xi32>,
        %parallel_loop3A_100 = arith.index_cast %parallel_loop3A_97 : i32 to index
        %parallel_loop3A_101 = tpu.vector_load %arg19[%parallel_loop3A_100] {strides = array<i32>} : memref<4000xi32, #tpu.memory_space<vmem>>, vector<16xi32>,
        %parallel_loop3A_102 = tpu.vector_load_idx %arg15[%parallel_loop3A_99] : memref<10240xf32, #tpu.memory_space<vmem>>[vector<16xi32>], vector<16xf32>,
        %parallel_loop3A_103 = tpu.vector_load_idx %arg15[%parallel_loop3A_101] : memref<10240xf32, #tpu.memory_space<vmem>>[vector<16xi32>], vector<16xf32>,
        %parallel_loop3A_104 = arith.mulf %parallel_loop3A_102, %parallel_loop3A_103 : vector<16xf32>
        %parallel_loop3A_105 = tpu.vector_load_idx %arg13[%parallel_loop3A_99] : memref<40000xf32, #tpu.memory_space<vmem>>[vector<16xi32>], vector<16xf32>,
        %parallel_loop3A_106 = arith.mulf %parallel_loop3A_104, %parallel_loop3A_105 : vector<16xf32>
        tpu.vector_store_idx %arg14[%parallel_loop3A_101], %parallel_loop3A_106 {add = true} : memref<40000xf32, #tpu.memory_space<vmem>>[vector<16xi32>], vector<16xf32>,
        %parallel_loop3A_107 = tpu.vector_load_idx %arg13[%parallel_loop3A_101] : memref<40000xf32, #tpu.memory_space<vmem>>[vector<16xi32>], vector<16xf32>,
        %parallel_loop3A_108 = arith.mulf %parallel_loop3A_104, %parallel_loop3A_107 : vector<16xf32>
        tpu.vector_store_idx %arg14[%parallel_loop3A_99], %parallel_loop3A_108 {add = true} : memref<40000xf32, #tpu.memory_space<vmem>>[vector<16xi32>], vector<16xf32>,
        %parallel_loop3A_109 = arith.constant 10000 : i32
        %parallel_loop3A_110 = vector.broadcast %parallel_loop3A_109 : i32 to vector<16xi32>
        %parallel_loop3A_111 = arith.addi %parallel_loop3A_99, %parallel_loop3A_110 : vector<16xi32>
        %parallel_loop3A_112 = arith.constant 10000 : i32
        %parallel_loop3A_113 = vector.broadcast %parallel_loop3A_112 : i32 to vector<16xi32>
        %parallel_loop3A_114 = arith.addi %parallel_loop3A_101, %parallel_loop3A_113 : vector<16xi32>
        %parallel_loop3A_115 = tpu.vector_load_idx %arg13[%parallel_loop3A_111] : memref<40000xf32, #tpu.memory_space<vmem>>[vector<16xi32>], vector<16xf32>,
        %parallel_loop3A_116 = arith.mulf %parallel_loop3A_104, %parallel_loop3A_115 : vector<16xf32>
        tpu.vector_store_idx %arg14[%parallel_loop3A_114], %parallel_loop3A_116 {add = true} : memref<40000xf32, #tpu.memory_space<vmem>>[vector<16xi32>], vector<16xf32>,
        %parallel_loop3A_117 = tpu.vector_load_idx %arg13[%parallel_loop3A_114] : memref<40000xf32, #tpu.memory_space<vmem>>[vector<16xi32>], vector<16xf32>,
        %parallel_loop3A_118 = arith.mulf %parallel_loop3A_104, %parallel_loop3A_117 : vector<16xf32>
        tpu.vector_store_idx %arg14[%parallel_loop3A_111], %parallel_loop3A_118 {add = true} : memref<40000xf32, #tpu.memory_space<vmem>>[vector<16xi32>], vector<16xf32>,
      } {sc.loop_unroll_factor = 4 : i64, sc.parallel_access}
      %scan3A_96 = arith.constant 0 : i32
      scf.yield %scan3A_96 : i32
    }
    %scan3A_31 = arith.constant 40 : i32
    %scan3A_32 = arith.constant 0 : i32
    %scan3A_33 = arith.constant 0 : i32
    %scan3A_34 = arith.constant 625 : i32
    %scan3A_35 = arith.addi %scan3A_33, %scan3A_34 : i32
    %scan3A_36 = arith.constant 1 : i32
    %scan3A_37 = scf.for %scan3A_56 = %scan3A_33 to %scan3A_35 step %scan3A_36 iter_args(%scan3A_57 = %scan3A_32) -> (i32)  : i32 {
      %mul3A_58 = arith.constant 16 : i32
      %mul3A_59 = arith.muli %scan3A_56, %mul3A_58 : i32
      %get3A = arith.index_cast %mul3A_59 : i32 to index
      %get3A_60 = tpu.vector_load %arg15[%get3A] {strides = array<i32>} : memref<10240xf32, #tpu.memory_space<vmem>>, vector<16xf32>,
      %mul3A_61 = arith.mulf %get3A_60, %get3A_60 : vector<16xf32>
      %mul3A_62 = arith.constant 16 : i32
      %mul3A_63 = arith.muli %scan3A_56, %mul3A_62 : i32
      %add3A_64 = arith.constant 0 : i32
      %add3A_65 = arith.addi %add3A_64, %mul3A_63 : i32
      %get3A_66 = arith.index_cast %add3A_65 : i32 to index
      %get3A_67 = tpu.vector_load %arg14[%get3A_66] {strides = array<i32>} : memref<40000xf32, #tpu.memory_space<vmem>>, vector<16xf32>,
      %get3A_68 = arith.index_cast %add3A_65 : i32 to index
      %get3A_69 = tpu.vector_load %arg13[%get3A_68] {strides = array<i32>} : memref<40000xf32, #tpu.memory_space<vmem>>, vector<16xf32>,
      %mul3A_70 = arith.mulf %mul3A_61, %get3A_69 : vector<16xf32>
      %add3A_71 = arith.addf %get3A_67, %mul3A_70 : vector<16xf32>
      %swap3A = arith.index_cast %add3A_65 : i32 to index
      %swap3A_72 = tpu.vector_load %arg14[%swap3A] {strides = array<i32>} : memref<40000xf32, #tpu.memory_space<vmem>>, vector<16xf32>,
      tpu.vector_store %arg14[%swap3A], %add3A_71 {strides = array<i32>} : memref<40000xf32, #tpu.memory_space<vmem>>, vector<16xf32>,
      %mul3A_73 = arith.constant 16 : i32
      %mul3A_74 = arith.muli %scan3A_56, %mul3A_73 : i32
      %add3A_75 = arith.constant 10000 : i32
      %add3A_76 = arith.addi %add3A_75, %mul3A_74 : i32
      %get3A_77 = arith.index_cast %add3A_76 : i32 to index
      %get3A_78 = tpu.vector_load %arg14[%get3A_77] {strides = array<i32>} : memref<40000xf32, #tpu.memory_space<vmem>>, vector<16xf32>,
      %get3A_79 = arith.index_cast %add3A_76 : i32 to index
      %get3A_80 = tpu.vector_load %arg13[%get3A_79] {strides = array<i32>} : memref<40000xf32, #tpu.memory_space<vmem>>, vector<16xf32>,
      %mul3A_81 = arith.mulf %mul3A_61, %get3A_80 : vector<16xf32>
      %add3A_82 = arith.addf %get3A_78, %mul3A_81 : vector<16xf32>
      %swap3A_83 = arith.index_cast %add3A_76 : i32 to index
      %swap3A_84 = tpu.vector_load %arg14[%swap3A_83] {strides = array<i32>} : memref<40000xf32, #tpu.memory_space<vmem>>, vector<16xf32>,
      tpu.vector_store %arg14[%swap3A_83], %add3A_82 {strides = array<i32>} : memref<40000xf32, #tpu.memory_space<vmem>>, vector<16xf32>,
      %scan3A_85 = arith.constant 0 : i32
      scf.yield %scan3A_85 : i32
    }
    %scan3A_38 = arith.constant 625 : i32
    %mul3A_39 = arith.constant 2 : i32
    %mul3A_40 = arith.muli %mul3A_39, %add3A : i32
    %mul3A_41 = arith.constant 10000 : i32
    %mul3A_42 = arith.muli %mul3A_40, %mul3A_41 : i32
    "tpu.region"() ({
      %run_scoped3A = tpu.sem_alloc : memref<!tpu.dma_semaphore, #tpu.memory_space<semaphore_mem>>
      %dma_start3A_56 = arith.constant 0 : i32
      %dma_start3A_57 = tpu.memref_slice %arg14[%dma_start3A_56] : memref<40000xf32, #tpu.memory_space<vmem>> -> memref<10000xf32, #tpu.memory_space<vmem>>
      %dma_start3A_58 = tpu.memref_slice %arg11[%mul3A_42] : memref<640000xf32, #tpu.memory_space<hbm>> -> memref<10000xf32, #tpu.memory_space<hbm>>
      %dma_start3A_59 = tpu.memref_slice %arg11[%mul3A_42] : memref<640000xf32, #tpu.memory_space<hbm>> -> memref<10000xf32, #tpu.memory_space<hbm>>
      %dma_start3A_60 = arith.constant 0 : i32
      %dma_start3A_61 = tpu.memref_slice %arg14[%dma_start3A_60] : memref<40000xf32, #tpu.memory_space<vmem>> -> memref<10000xf32, #tpu.memory_space<vmem>>
      tpu.enqueue_dma source(%dma_start3A_61 : memref<10000xf32, #tpu.memory_space<vmem>>) target(%dma_start3A_59 : memref<10000xf32, #tpu.memory_space<hbm>>) target_semaphore(%run_scoped3A : memref<!tpu.dma_semaphore, #tpu.memory_space<semaphore_mem>>)
      %dma_wait3A = arith.constant 0 : i32
      %dma_wait3A_62 = tpu.memref_slice %arg14[%dma_wait3A] : memref<40000xf32, #tpu.memory_space<vmem>> -> memref<10000xf32, #tpu.memory_space<vmem>>
      %dma_wait3A_63 = tpu.memref_slice %arg11[%mul3A_42] : memref<640000xf32, #tpu.memory_space<hbm>> -> memref<10000xf32, #tpu.memory_space<hbm>>
      %dma_wait3A_64 = tpu.memref_slice %arg11[%mul3A_42] : memref<640000xf32, #tpu.memory_space<hbm>> -> memref<10000xf32, #tpu.memory_space<hbm>>
      %dma_wait3A_65 = arith.constant 0 : i32
      %dma_wait3A_66 = tpu.memref_slice %arg14[%dma_wait3A_65] : memref<40000xf32, #tpu.memory_space<vmem>> -> memref<10000xf32, #tpu.memory_space<vmem>>
      tpu.wait_dma2 semaphore(%run_scoped3A : memref<!tpu.dma_semaphore, #tpu.memory_space<semaphore_mem>>) src(%dma_wait3A_66 : memref<10000xf32, #tpu.memory_space<vmem>>) dst(%dma_wait3A_64 : memref<10000xf32, #tpu.memory_space<hbm>>)
      tpu.yield
    }) : () -> ()
    %mul3A_43 = arith.constant 2 : i32
    %mul3A_44 = arith.muli %mul3A_43, %add3A : i32
    %add3A_45 = arith.constant 1 : i32
    %add3A_46 = arith.addi %mul3A_44, %add3A_45 : i32
    %mul3A_47 = arith.constant 10000 : i32
    %mul3A_48 = arith.muli %add3A_46, %mul3A_47 : i32
    "tpu.region"() ({
      %run_scoped3A = tpu.sem_alloc : memref<!tpu.dma_semaphore, #tpu.memory_space<semaphore_mem>>
      %dma_start3A_56 = arith.constant 10000 : i32
      %dma_start3A_57 = tpu.memref_slice %arg14[%dma_start3A_56] : memref<40000xf32, #tpu.memory_space<vmem>> -> memref<10000xf32, #tpu.memory_space<vmem>>
      %dma_start3A_58 = tpu.memref_slice %arg11[%mul3A_48] : memref<640000xf32, #tpu.memory_space<hbm>> -> memref<10000xf32, #tpu.memory_space<hbm>>
      %dma_start3A_59 = tpu.memref_slice %arg11[%mul3A_48] : memref<640000xf32, #tpu.memory_space<hbm>> -> memref<10000xf32, #tpu.memory_space<hbm>>
      %dma_start3A_60 = arith.constant 10000 : i32
      %dma_start3A_61 = tpu.memref_slice %arg14[%dma_start3A_60] : memref<40000xf32, #tpu.memory_space<vmem>> -> memref<10000xf32, #tpu.memory_space<vmem>>
      tpu.enqueue_dma source(%dma_start3A_61 : memref<10000xf32, #tpu.memory_space<vmem>>) target(%dma_start3A_59 : memref<10000xf32, #tpu.memory_space<hbm>>) target_semaphore(%run_scoped3A : memref<!tpu.dma_semaphore, #tpu.memory_space<semaphore_mem>>)
      %dma_wait3A = arith.constant 10000 : i32
      %dma_wait3A_62 = tpu.memref_slice %arg14[%dma_wait3A] : memref<40000xf32, #tpu.memory_space<vmem>> -> memref<10000xf32, #tpu.memory_space<vmem>>
      %dma_wait3A_63 = tpu.memref_slice %arg11[%mul3A_48] : memref<640000xf32, #tpu.memory_space<hbm>> -> memref<10000xf32, #tpu.memory_space<hbm>>
      %dma_wait3A_64 = tpu.memref_slice %arg11[%mul3A_48] : memref<640000xf32, #tpu.memory_space<hbm>> -> memref<10000xf32, #tpu.memory_space<hbm>>
      %dma_wait3A_65 = arith.constant 10000 : i32
      %dma_wait3A_66 = tpu.memref_slice %arg14[%dma_wait3A_65] : memref<40000xf32, #tpu.memory_space<vmem>> -> memref<10000xf32, #tpu.memory_space<vmem>>
      tpu.wait_dma2 semaphore(%run_scoped3A : memref<!tpu.dma_semaphore, #tpu.memory_space<semaphore_mem>>) src(%dma_wait3A_66 : memref<10000xf32, #tpu.memory_space<vmem>>) dst(%dma_wait3A_64 : memref<10000xf32, #tpu.memory_space<hbm>>)
      tpu.yield
    }) : () -> ()
    %scan3A_49 = arith.constant 0 : i32
    %scan3A_50 = arith.constant 0 : i32
    %scan3A_51 = arith.constant 4 : i32
    %scan3A_52 = arith.addi %scan3A_50, %scan3A_51 : i32
    %scan3A_53 = arith.constant 1 : i32
    %scan3A_54 = scf.for %scan3A_56 = %scan3A_50 to %scan3A_52 step %scan3A_53 iter_args(%scan3A_57 = %scan3A_49) -> (i32)  : i32 {
      %jit3A = arith.constant 2 : i32
      %eq3A = arith.constant 0 : i32
      %eq3A_58 = arith.cmpi eq, %jit3A, %eq3A : i32
      %jit3A_59 = arith.constant 1 : i32
      %select_n3A = arith.select %eq3A_58, %jit3A_59, %jit3A : i32
      %rem3A = arith.remsi %scan3A_56, %select_n3A : i32
      %ne3A = arith.constant 0 : i32
      %ne3A_60 = arith.cmpi ne, %rem3A, %ne3A : i32
      %lt3A = arith.constant 0 : i32
      %lt3A_61 = arith.cmpi slt, %rem3A, %lt3A : i32
      %lt3A_62 = arith.constant 0 : i32
      %lt3A_63 = arith.cmpi slt, %select_n3A, %lt3A_62 : i32
      %ne3A_64 = arith.xori %lt3A_61, %lt3A_63 : i1
      %and3A = arith.andi %ne3A_64, %ne3A_60 : i1
      %add3A_65 = arith.addi %rem3A, %select_n3A : i32
      %select_n3A_66 = arith.select %and3A, %add3A_65, %rem3A : i32
      %mul3A_67 = arith.constant 4 : i32
      %mul3A_68 = arith.muli %select_n3A_66, %mul3A_67 : i32
      %jit3A_69 = arith.constant 2 : i32
      %div3A = arith.divsi %scan3A_56, %jit3A_69 : i32
      %sign3A = arith.constant 0 : i32
      %sign3A_70 = arith.cmpi sgt, %scan3A_56, %sign3A : i32
      %sign3A_71 = arith.extui %sign3A_70 : i1 to i32
      %sign3A_72 = arith.constant 0 : i32
      %sign3A_73 = arith.cmpi slt, %scan3A_56, %sign3A_72 : i32
      %sign3A_74 = arith.extui %sign3A_73 : i1 to i32
      %sign3A_75 = arith.subi %sign3A_71, %sign3A_74 : i32
      %sign3A_76 = arith.constant 0 : i32
      %sign3A_77 = arith.cmpi sgt, %jit3A_69, %sign3A_76 : i32
      %sign3A_78 = arith.extui %sign3A_77 : i1 to i32
      %sign3A_79 = arith.constant 0 : i32
      %sign3A_80 = arith.cmpi slt, %jit3A_69, %sign3A_79 : i32
      %sign3A_81 = arith.extui %sign3A_80 : i1 to i32
      %sign3A_82 = arith.subi %sign3A_78, %sign3A_81 : i32
      %ne3A_83 = arith.cmpi ne, %sign3A_75, %sign3A_82 : i32
      %rem3A_84 = arith.remsi %scan3A_56, %jit3A_69 : i32
      %ne3A_85 = arith.constant 0 : i32
      %ne3A_86 = arith.cmpi ne, %rem3A_84, %ne3A_85 : i32
      %and3A_87 = arith.andi %ne3A_83, %ne3A_86 : i1
      %sub3A = arith.constant 1 : i32
      %sub3A_88 = arith.subi %div3A, %sub3A : i32
      %select_n3A_89 = arith.select %and3A_87, %sub3A_88, %div3A : i32
      %mul3A_90 = arith.constant 32 : i32
      %mul3A_91 = arith.muli %select_n3A_89, %mul3A_90 : i32
      %add3A_92 = arith.addi %mul3A_91, %add3A : i32
      %add3A_93 = arith.constant 0 : i32
      %add3A_94 = arith.addi %mul3A_68, %add3A_93 : i32
      %mul3A_95 = arith.constant 64 : i32
      %mul3A_96 = arith.muli %add3A_94, %mul3A_95 : i32
      %add3A_97 = arith.addi %mul3A_96, %add3A_92 : i32
      %mul3A_98 = arith.constant 10000 : i32
      %mul3A_99 = arith.muli %add3A_97, %mul3A_98 : i32
      "tpu.region"() ({
        %run_scoped3A = tpu.sem_alloc : memref<!tpu.dma_semaphore, #tpu.memory_space<semaphore_mem>>
        %dma_start3A_183 = arith.constant 0 : i32
        %dma_start3A_184 = tpu.memref_slice %arg13[%dma_start3A_183] : memref<40000xf32, #tpu.memory_space<vmem>> -> memref<10000xf32, #tpu.memory_space<vmem>>
        %dma_start3A_185 = tpu.memref_slice %arg5[%mul3A_99] : memref<5120000xf32, #tpu.memory_space<hbm>> -> memref<10000xf32, #tpu.memory_space<hbm>>
        %dma_start3A_186 = arith.constant 0 : i32
        %dma_start3A_187 = tpu.memref_slice %arg13[%dma_start3A_186] : memref<40000xf32, #tpu.memory_space<vmem>> -> memref<10000xf32, #tpu.memory_space<vmem>>
        %dma_start3A_188 = tpu.memref_slice %arg5[%mul3A_99] : memref<5120000xf32, #tpu.memory_space<hbm>> -> memref<10000xf32, #tpu.memory_space<hbm>>
        tpu.enqueue_dma source(%dma_start3A_188 : memref<10000xf32, #tpu.memory_space<hbm>>) target(%dma_start3A_187 : memref<10000xf32, #tpu.memory_space<vmem>>) target_semaphore(%run_scoped3A : memref<!tpu.dma_semaphore, #tpu.memory_space<semaphore_mem>>)
        %dma_wait3A = arith.constant 0 : i32
        %dma_wait3A_189 = tpu.memref_slice %arg13[%dma_wait3A] : memref<40000xf32, #tpu.memory_space<vmem>> -> memref<10000xf32, #tpu.memory_space<vmem>>
        %dma_wait3A_190 = tpu.memref_slice %arg5[%mul3A_99] : memref<5120000xf32, #tpu.memory_space<hbm>> -> memref<10000xf32, #tpu.memory_space<hbm>>
        %dma_wait3A_191 = arith.constant 0 : i32
        %dma_wait3A_192 = tpu.memref_slice %arg13[%dma_wait3A_191] : memref<40000xf32, #tpu.memory_space<vmem>> -> memref<10000xf32, #tpu.memory_space<vmem>>
        %dma_wait3A_193 = tpu.memref_slice %arg5[%mul3A_99] : memref<5120000xf32, #tpu.memory_space<hbm>> -> memref<10000xf32, #tpu.memory_space<hbm>>
        tpu.wait_dma2 semaphore(%run_scoped3A : memref<!tpu.dma_semaphore, #tpu.memory_space<semaphore_mem>>) src(%dma_wait3A_193 : memref<10000xf32, #tpu.memory_space<hbm>>) dst(%dma_wait3A_192 : memref<10000xf32, #tpu.memory_space<vmem>>)
        tpu.yield
      }) : () -> ()
      %add3A_100 = arith.constant 1 : i32
      %add3A_101 = arith.addi %mul3A_68, %add3A_100 : i32
      %mul3A_102 = arith.constant 64 : i32
      %mul3A_103 = arith.muli %add3A_101, %mul3A_102 : i32
      %add3A_104 = arith.addi %mul3A_103, %add3A_92 : i32
      %mul3A_105 = arith.constant 10000 : i32
      %mul3A_106 = arith.muli %add3A_104, %mul3A_105 : i32
      "tpu.region"() ({
        %run_scoped3A = tpu.sem_alloc : memref<!tpu.dma_semaphore, #tpu.memory_space<semaphore_mem>>
        %dma_start3A_183 = arith.constant 10000 : i32
        %dma_start3A_184 = tpu.memref_slice %arg13[%dma_start3A_183] : memref<40000xf32, #tpu.memory_space<vmem>> -> memref<10000xf32, #tpu.memory_space<vmem>>
        %dma_start3A_185 = tpu.memref_slice %arg5[%mul3A_106] : memref<5120000xf32, #tpu.memory_space<hbm>> -> memref<10000xf32, #tpu.memory_space<hbm>>
        %dma_start3A_186 = arith.constant 10000 : i32
        %dma_start3A_187 = tpu.memref_slice %arg13[%dma_start3A_186] : memref<40000xf32, #tpu.memory_space<vmem>> -> memref<10000xf32, #tpu.memory_space<vmem>>
        %dma_start3A_188 = tpu.memref_slice %arg5[%mul3A_106] : memref<5120000xf32, #tpu.memory_space<hbm>> -> memref<10000xf32, #tpu.memory_space<hbm>>
        tpu.enqueue_dma source(%dma_start3A_188 : memref<10000xf32, #tpu.memory_space<hbm>>) target(%dma_start3A_187 : memref<10000xf32, #tpu.memory_space<vmem>>) target_semaphore(%run_scoped3A : memref<!tpu.dma_semaphore, #tpu.memory_space<semaphore_mem>>)
        %dma_wait3A = arith.constant 10000 : i32
        %dma_wait3A_189 = tpu.memref_slice %arg13[%dma_wait3A] : memref<40000xf32, #tpu.memory_space<vmem>> -> memref<10000xf32, #tpu.memory_space<vmem>>
        %dma_wait3A_190 = tpu.memref_slice %arg5[%mul3A_106] : memref<5120000xf32, #tpu.memory_space<hbm>> -> memref<10000xf32, #tpu.memory_space<hbm>>
        %dma_wait3A_191 = arith.constant 10000 : i32
        %dma_wait3A_192 = tpu.memref_slice %arg13[%dma_wait3A_191] : memref<40000xf32, #tpu.memory_space<vmem>> -> memref<10000xf32, #tpu.memory_space<vmem>>
        %dma_wait3A_193 = tpu.memref_slice %arg5[%mul3A_106] : memref<5120000xf32, #tpu.memory_space<hbm>> -> memref<10000xf32, #tpu.memory_space<hbm>>
        tpu.wait_dma2 semaphore(%run_scoped3A : memref<!tpu.dma_semaphore, #tpu.memory_space<semaphore_mem>>) src(%dma_wait3A_193 : memref<10000xf32, #tpu.memory_space<hbm>>) dst(%dma_wait3A_192 : memref<10000xf32, #tpu.memory_space<vmem>>)
        tpu.yield
      }) : () -> ()
      %add3A_107 = arith.constant 2 : i32
      %add3A_108 = arith.addi %mul3A_68, %add3A_107 : i32
      %mul3A_109 = arith.constant 64 : i32
      %mul3A_110 = arith.muli %add3A_108, %mul3A_109 : i32
      %add3A_111 = arith.addi %mul3A_110, %add3A_92 : i32
      %mul3A_112 = arith.constant 10000 : i32
      %mul3A_113 = arith.muli %add3A_111, %mul3A_112 : i32
      "tpu.region"() ({
        %run_scoped3A = tpu.sem_alloc : memref<!tpu.dma_semaphore, #tpu.memory_space<semaphore_mem>>
        %dma_start3A_183 = arith.constant 20000 : i32
        %dma_start3A_184 = tpu.memref_slice %arg13[%dma_start3A_183] : memref<40000xf32, #tpu.memory_space<vmem>> -> memref<10000xf32, #tpu.memory_space<vmem>>
        %dma_start3A_185 = tpu.memref_slice %arg5[%mul3A_113] : memref<5120000xf32, #tpu.memory_space<hbm>> -> memref<10000xf32, #tpu.memory_space<hbm>>
        %dma_start3A_186 = arith.constant 20000 : i32
        %dma_start3A_187 = tpu.memref_slice %arg13[%dma_start3A_186] : memref<40000xf32, #tpu.memory_space<vmem>> -> memref<10000xf32, #tpu.memory_space<vmem>>
        %dma_start3A_188 = tpu.memref_slice %arg5[%mul3A_113] : memref<5120000xf32, #tpu.memory_space<hbm>> -> memref<10000xf32, #tpu.memory_space<hbm>>
        tpu.enqueue_dma source(%dma_start3A_188 : memref<10000xf32, #tpu.memory_space<hbm>>) target(%dma_start3A_187 : memref<10000xf32, #tpu.memory_space<vmem>>) target_semaphore(%run_scoped3A : memref<!tpu.dma_semaphore, #tpu.memory_space<semaphore_mem>>)
        %dma_wait3A = arith.constant 20000 : i32
        %dma_wait3A_189 = tpu.memref_slice %arg13[%dma_wait3A] : memref<40000xf32, #tpu.memory_space<vmem>> -> memref<10000xf32, #tpu.memory_space<vmem>>
        %dma_wait3A_190 = tpu.memref_slice %arg5[%mul3A_113] : memref<5120000xf32, #tpu.memory_space<hbm>> -> memref<10000xf32, #tpu.memory_space<hbm>>
        %dma_wait3A_191 = arith.constant 20000 : i32
        %dma_wait3A_192 = tpu.memref_slice %arg13[%dma_wait3A_191] : memref<40000xf32, #tpu.memory_space<vmem>> -> memref<10000xf32, #tpu.memory_space<vmem>>
        %dma_wait3A_193 = tpu.memref_slice %arg5[%mul3A_113] : memref<5120000xf32, #tpu.memory_space<hbm>> -> memref<10000xf32, #tpu.memory_space<hbm>>
        tpu.wait_dma2 semaphore(%run_scoped3A : memref<!tpu.dma_semaphore, #tpu.memory_space<semaphore_mem>>) src(%dma_wait3A_193 : memref<10000xf32, #tpu.memory_space<hbm>>) dst(%dma_wait3A_192 : memref<10000xf32, #tpu.memory_space<vmem>>)
        tpu.yield
      }) : () -> ()
      %add3A_114 = arith.constant 3 : i32
      %add3A_115 = arith.addi %mul3A_68, %add3A_114 : i32
      %mul3A_116 = arith.constant 64 : i32
      %mul3A_117 = arith.muli %add3A_115, %mul3A_116 : i32
      %add3A_118 = arith.addi %mul3A_117, %add3A_92 : i32
      %mul3A_119 = arith.constant 10000 : i32
      %mul3A_120 = arith.muli %add3A_118, %mul3A_119 : i32
      "tpu.region"() ({
        %run_scoped3A = tpu.sem_alloc : memref<!tpu.dma_semaphore, #tpu.memory_space<semaphore_mem>>
        %dma_start3A_183 = arith.constant 30000 : i32
        %dma_start3A_184 = tpu.memref_slice %arg13[%dma_start3A_183] : memref<40000xf32, #tpu.memory_space<vmem>> -> memref<10000xf32, #tpu.memory_space<vmem>>
        %dma_start3A_185 = tpu.memref_slice %arg5[%mul3A_120] : memref<5120000xf32, #tpu.memory_space<hbm>> -> memref<10000xf32, #tpu.memory_space<hbm>>
        %dma_start3A_186 = arith.constant 30000 : i32
        %dma_start3A_187 = tpu.memref_slice %arg13[%dma_start3A_186] : memref<40000xf32, #tpu.memory_space<vmem>> -> memref<10000xf32, #tpu.memory_space<vmem>>
        %dma_start3A_188 = tpu.memref_slice %arg5[%mul3A_120] : memref<5120000xf32, #tpu.memory_space<hbm>> -> memref<10000xf32, #tpu.memory_space<hbm>>
        tpu.enqueue_dma source(%dma_start3A_188 : memref<10000xf32, #tpu.memory_space<hbm>>) target(%dma_start3A_187 : memref<10000xf32, #tpu.memory_space<vmem>>) target_semaphore(%run_scoped3A : memref<!tpu.dma_semaphore, #tpu.memory_space<semaphore_mem>>)
        %dma_wait3A = arith.constant 30000 : i32
        %dma_wait3A_189 = tpu.memref_slice %arg13[%dma_wait3A] : memref<40000xf32, #tpu.memory_space<vmem>> -> memref<10000xf32, #tpu.memory_space<vmem>>
        %dma_wait3A_190 = tpu.memref_slice %arg5[%mul3A_120] : memref<5120000xf32, #tpu.memory_space<hbm>> -> memref<10000xf32, #tpu.memory_space<hbm>>
        %dma_wait3A_191 = arith.constant 30000 : i32
        %dma_wait3A_192 = tpu.memref_slice %arg13[%dma_wait3A_191] : memref<40000xf32, #tpu.memory_space<vmem>> -> memref<10000xf32, #tpu.memory_space<vmem>>
        %dma_wait3A_193 = tpu.memref_slice %arg5[%mul3A_120] : memref<5120000xf32, #tpu.memory_space<hbm>> -> memref<10000xf32, #tpu.memory_space<hbm>>
        tpu.wait_dma2 semaphore(%run_scoped3A : memref<!tpu.dma_semaphore, #tpu.memory_space<semaphore_mem>>) src(%dma_wait3A_193 : memref<10000xf32, #tpu.memory_space<hbm>>) dst(%dma_wait3A_192 : memref<10000xf32, #tpu.memory_space<vmem>>)
        tpu.yield
      }) : () -> ()
      %scan3A_121 = arith.constant 0 : i32
      %scan3A_122 = arith.constant 0 : i32
      %scan3A_123 = arith.constant 2500 : i32
      %scan3A_124 = arith.addi %scan3A_122, %scan3A_123 : i32
      %scan3A_125 = arith.constant 1 : i32
      %scan3A_126 = scf.for %scan3A_183 = %scan3A_122 to %scan3A_124 step %scan3A_125 iter_args(%scan3A_184 = %scan3A_121) -> (i32)  : i32 {
        %mul3A_185 = arith.constant 16 : i32
        %mul3A_186 = arith.muli %scan3A_183, %mul3A_185 : i32
        %swap3A = arith.index_cast %mul3A_186 : i32 to index
        %swap3A_187 = tpu.vector_load %arg14[%swap3A] {strides = array<i32>} : memref<40000xf32, #tpu.memory_space<vmem>>, vector<16xf32>,
        tpu.vector_store %arg14[%swap3A], %broadcast_in_dim3A_1 {strides = array<i32>} : memref<40000xf32, #tpu.memory_space<vmem>>, vector<16xf32>,
        %scan3A_188 = arith.constant 0 : i32
        scf.yield %scan3A_188 : i32
      }
      %scan3A_127 = arith.constant 2500 : i32
      %dma_start3A_128 = arith.constant 0 : i32
      %dma_start3A_129 = tpu.memref_slice %arg7[%dma_start3A_128] : memref<320000xi32, #tpu.memory_space<hbm>> -> memref<1280xi32, #tpu.memory_space<hbm>>
      %dma_start3A_130 = arith.constant 0 : i32
      %dma_start3A_131 = tpu.memref_slice %arg7[%dma_start3A_130] : memref<320000xi32, #tpu.memory_space<hbm>> -> memref<1280xi32, #tpu.memory_space<hbm>>
      tpu.enqueue_dma source(%dma_start3A_131 : memref<1280xi32, #tpu.memory_space<hbm>>) target(%arg20 : memref<1280xi32, #tpu.memory_space<vmem>>) target_semaphore(%arg30 : memref<!tpu.dma_semaphore, #tpu.memory_space<semaphore_mem>>)
      %dma_start3A_132 = arith.constant 0 : i32
      %dma_start3A_133 = tpu.memref_slice %arg8[%dma_start3A_132] : memref<320000xi32, #tpu.memory_space<hbm>> -> memref<1280xi32, #tpu.memory_space<hbm>>
      %dma_start3A_134 = arith.constant 0 : i32
      %dma_start3A_135 = tpu.memref_slice %arg8[%dma_start3A_134] : memref<320000xi32, #tpu.memory_space<hbm>> -> memref<1280xi32, #tpu.memory_space<hbm>>
      tpu.enqueue_dma source(%dma_start3A_135 : memref<1280xi32, #tpu.memory_space<hbm>>) target(%arg21 : memref<1280xi32, #tpu.memory_space<vmem>>) target_semaphore(%arg30 : memref<!tpu.dma_semaphore, #tpu.memory_space<semaphore_mem>>)
      %dma_start3A_136 = arith.constant 0 : i32
      %dma_start3A_137 = tpu.memref_slice %arg9[%dma_start3A_136] : memref<320000xf32, #tpu.memory_space<hbm>> -> memref<1280xf32, #tpu.memory_space<hbm>>
      %dma_start3A_138 = arith.constant 0 : i32
      %dma_start3A_139 = tpu.memref_slice %arg9[%dma_start3A_138] : memref<320000xf32, #tpu.memory_space<hbm>> -> memref<1280xf32, #tpu.memory_space<hbm>>
      tpu.enqueue_dma source(%dma_start3A_139 : memref<1280xf32, #tpu.memory_space<hbm>>) target(%arg22 : memref<1280xf32, #tpu.memory_space<vmem>>) target_semaphore(%arg30 : memref<!tpu.dma_semaphore, #tpu.memory_space<semaphore_mem>>)
      %scan3A_140 = arith.constant 0 : i32
      %scan3A_141 = arith.constant 0 : i32
      %scan3A_142 = arith.constant 16 : i32
      %scan3A_143 = arith.addi %scan3A_141, %scan3A_142 : i32
      %scan3A_144 = arith.constant 1 : i32
      %scan3A_145 = scf.for %scan3A_183 = %scan3A_141 to %scan3A_143 step %scan3A_144 iter_args(%scan3A_184 = %scan3A_140) -> (i32)  : i32 {
        %mul3A_185 = arith.constant 2 : i32
        %mul3A_186 = arith.muli %mul3A_185, %scan3A_183 : i32
        %mul3A_187 = arith.constant 10000 : i32
        %mul3A_188 = arith.muli %mul3A_186, %mul3A_187 : i32
        %dma_wait3A = tpu.memref_slice %arg7[%mul3A_188] : memref<320000xi32, #tpu.memory_space<hbm>> -> memref<1280xi32, #tpu.memory_space<hbm>>
        %dma_wait3A_189 = tpu.memref_slice %arg7[%mul3A_188] : memref<320000xi32, #tpu.memory_space<hbm>> -> memref<1280xi32, #tpu.memory_space<hbm>>
        tpu.wait_dma2 semaphore(%arg30 : memref<!tpu.dma_semaphore, #tpu.memory_space<semaphore_mem>>) src(%dma_wait3A_189 : memref<1280xi32, #tpu.memory_space<hbm>>) dst(%arg20 : memref<1280xi32, #tpu.memory_space<vmem>>)
        %dma_wait3A_190 = tpu.memref_slice %arg8[%mul3A_188] : memref<320000xi32, #tpu.memory_space<hbm>> -> memref<1280xi32, #tpu.memory_space<hbm>>
        %dma_wait3A_191 = tpu.memref_slice %arg8[%mul3A_188] : memref<320000xi32, #tpu.memory_space<hbm>> -> memref<1280xi32, #tpu.memory_space<hbm>>
        tpu.wait_dma2 semaphore(%arg30 : memref<!tpu.dma_semaphore, #tpu.memory_space<semaphore_mem>>) src(%dma_wait3A_191 : memref<1280xi32, #tpu.memory_space<hbm>>) dst(%arg21 : memref<1280xi32, #tpu.memory_space<vmem>>)
        %dma_wait3A_192 = tpu.memref_slice %arg9[%mul3A_188] : memref<320000xf32, #tpu.memory_space<hbm>> -> memref<1280xf32, #tpu.memory_space<hbm>>
        %dma_wait3A_193 = tpu.memref_slice %arg9[%mul3A_188] : memref<320000xf32, #tpu.memory_space<hbm>> -> memref<1280xf32, #tpu.memory_space<hbm>>
        tpu.wait_dma2 semaphore(%arg30 : memref<!tpu.dma_semaphore, #tpu.memory_space<semaphore_mem>>) src(%dma_wait3A_193 : memref<1280xf32, #tpu.memory_space<hbm>>) dst(%arg22 : memref<1280xf32, #tpu.memory_space<vmem>>)
        %add3A_194 = arith.constant 1 : i32
        %add3A_195 = arith.addi %mul3A_186, %add3A_194 : i32
        %mul3A_196 = arith.constant 10000 : i32
        %mul3A_197 = arith.muli %add3A_195, %mul3A_196 : i32
        %dma_start3A_198 = tpu.memref_slice %arg7[%mul3A_197] : memref<320000xi32, #tpu.memory_space<hbm>> -> memref<1280xi32, #tpu.memory_space<hbm>>
        %dma_start3A_199 = tpu.memref_slice %arg7[%mul3A_197] : memref<320000xi32, #tpu.memory_space<hbm>> -> memref<1280xi32, #tpu.memory_space<hbm>>
        tpu.enqueue_dma source(%dma_start3A_199 : memref<1280xi32, #tpu.memory_space<hbm>>) target(%arg23 : memref<1280xi32, #tpu.memory_space<vmem>>) target_semaphore(%arg31 : memref<!tpu.dma_semaphore, #tpu.memory_space<semaphore_mem>>)
        %dma_start3A_200 = tpu.memref_slice %arg8[%mul3A_197] : memref<320000xi32, #tpu.memory_space<hbm>> -> memref<1280xi32, #tpu.memory_space<hbm>>
        %dma_start3A_201 = tpu.memref_slice %arg8[%mul3A_197] : memref<320000xi32, #tpu.memory_space<hbm>> -> memref<1280xi32, #tpu.memory_space<hbm>>
        tpu.enqueue_dma source(%dma_start3A_201 : memref<1280xi32, #tpu.memory_space<hbm>>) target(%arg24 : memref<1280xi32, #tpu.memory_space<vmem>>) target_semaphore(%arg31 : memref<!tpu.dma_semaphore, #tpu.memory_space<semaphore_mem>>)
        %dma_start3A_202 = tpu.memref_slice %arg9[%mul3A_197] : memref<320000xf32, #tpu.memory_space<hbm>> -> memref<1280xf32, #tpu.memory_space<hbm>>
        %dma_start3A_203 = tpu.memref_slice %arg9[%mul3A_197] : memref<320000xf32, #tpu.memory_space<hbm>> -> memref<1280xf32, #tpu.memory_space<hbm>>
        tpu.enqueue_dma source(%dma_start3A_203 : memref<1280xf32, #tpu.memory_space<hbm>>) target(%arg25 : memref<1280xf32, #tpu.memory_space<vmem>>) target_semaphore(%arg31 : memref<!tpu.dma_semaphore, #tpu.memory_space<semaphore_mem>>)
        %mul3A_204 = arith.constant 16 : i32
        %mul3A_205 = arith.muli %mul3A_186, %mul3A_204 : i32
        %broadcast_in_dim3A_206 = vector.broadcast %mul3A_205 : i32 to vector<16xi32>
        %gather3A = tpu.vector_load_idx %arg29[%broadcast_in_dim3A_206] : memref<512xi32, #tpu.memory_space<vmem>>[vector<16xi32>], vector<16xi32>,
        %reduce_max3A = arith.constant true
        %reduce_max3A_207 = vector.broadcast %reduce_max3A : i1 to vector<16xi1>
        %reduce_max3A_208 = arith.constant -2147483648 : i32
        %reduce_max3A_209 = vector.broadcast %reduce_max3A_208 : i32 to vector<16xi32>
        %reduce_max3A_210 = arith.xori %gather3A, %reduce_max3A_209 : vector<16xi32>
        %reduce_max3A_211 = tpu.scan <max>, %reduce_max3A_210 masked %reduce_max3A_207 : vector<16xi32>, vector<16xi1> -> vector<16xi32>
        %reduce_max3A_212 = arith.xori %reduce_max3A_211, %reduce_max3A_209 : vector<16xi32>
        %reduce_max3A_213 = vector.extract %reduce_max3A_212[15] : i32 from vector<16xi32>
        %min3A = arith.constant 1280 : i32
        %min3A_214 = arith.minsi %reduce_max3A_213, %min3A : i32
        %jit3A_215 = arith.constant 16 : i32
        %div3A_216 = arith.divsi %min3A_214, %jit3A_215 : i32
        %sign3A_217 = arith.constant 0 : i32
        %sign3A_218 = arith.cmpi sgt, %min3A_214, %sign3A_217 : i32
        %sign3A_219 = arith.extui %sign3A_218 : i1 to i32
        %sign3A_220 = arith.constant 0 : i32
        %sign3A_221 = arith.cmpi slt, %min3A_214, %sign3A_220 : i32
        %sign3A_222 = arith.extui %sign3A_221 : i1 to i32
        %sign3A_223 = arith.subi %sign3A_219, %sign3A_222 : i32
        %sign3A_224 = arith.constant 0 : i32
        %sign3A_225 = arith.cmpi sgt, %jit3A_215, %sign3A_224 : i32
        %sign3A_226 = arith.extui %sign3A_225 : i1 to i32
        %sign3A_227 = arith.constant 0 : i32
        %sign3A_228 = arith.cmpi slt, %jit3A_215, %sign3A_227 : i32
        %sign3A_229 = arith.extui %sign3A_228 : i1 to i32
        %sign3A_230 = arith.subi %sign3A_226, %sign3A_229 : i32
        %ne3A_231 = arith.cmpi ne, %sign3A_223, %sign3A_230 : i32
        %rem3A_232 = arith.remsi %min3A_214, %jit3A_215 : i32
        %ne3A_233 = arith.constant 0 : i32
        %ne3A_234 = arith.cmpi ne, %rem3A_232, %ne3A_233 : i32
        %and3A_235 = arith.andi %ne3A_231, %ne3A_234 : i1
        %sub3A_236 = arith.constant 1 : i32
        %sub3A_237 = arith.subi %div3A_216, %sub3A_236 : i32
        %select_n3A_238 = arith.select %and3A_235, %sub3A_237, %div3A_216 : i32
        %while3A = arith.constant 0 : i32
        %while3A_239 = arith.constant 0 : i32
        %while3A_240 = arith.subi %select_n3A_238, %while3A : i32
        %while3A_241 = arith.addi %while3A, %while3A_240 : i32
        %while3A_242 = arith.constant 1 : i32
        %while3A_243 = arith.divsi %while3A_240, %while3A_242 : i32
        %while3A_244 = arith.muli %while3A_243, %while3A_242 : i32
        %while3A_245 = arith.addi %while3A, %while3A_244 : i32
        %while3A_246 = arith.constant 1 : i32
        %while3A_247 = scf.for %while3A_327 = %while3A to %while3A_245 step %while3A_246 iter_args(%while3A_328 = %while3A_239) -> (i32)  : i32 {
          %mul3A_329 = arith.constant 16 : i32
          %mul3A_330 = arith.muli %while3A_327, %mul3A_329 : i32
          %get3A = arith.index_cast %mul3A_330 : i32 to index
          %get3A_331 = tpu.vector_load %arg20[%get3A] {strides = array<i32>} : memref<1280xi32, #tpu.memory_space<vmem>>, vector<16xi32>,
          %get3A_332 = arith.index_cast %mul3A_330 : i32 to index
          %get3A_333 = tpu.vector_load %arg21[%get3A_332] {strides = array<i32>} : memref<1280xi32, #tpu.memory_space<vmem>>, vector<16xi32>,
          %get3A_334 = arith.index_cast %mul3A_330 : i32 to index
          %get3A_335 = tpu.vector_load %arg22[%get3A_334] {strides = array<i32>} : memref<1280xf32, #tpu.memory_space<vmem>>, vector<16xf32>,
          %gather3A_336 = tpu.vector_load_idx %arg13[%get3A_331] : memref<40000xf32, #tpu.memory_space<vmem>>[vector<16xi32>], vector<16xf32>,
          %mul3A_337 = arith.mulf %get3A_335, %gather3A_336 : vector<16xf32>
          tpu.vector_store_idx %arg14[%get3A_333], %mul3A_337 {add = true} : memref<40000xf32, #tpu.memory_space<vmem>>[vector<16xi32>], vector<16xf32>,
          %gather3A_338 = tpu.vector_load_idx %arg13[%get3A_333] : memref<40000xf32, #tpu.memory_space<vmem>>[vector<16xi32>], vector<16xf32>,
          %mul3A_339 = arith.mulf %get3A_335, %gather3A_338 : vector<16xf32>
          tpu.vector_store_idx %arg14[%get3A_331], %mul3A_339 {add = true} : memref<40000xf32, #tpu.memory_space<vmem>>[vector<16xi32>], vector<16xf32>,
          %add3A_340 = arith.constant 10000 : i32
          %add3A_341 = vector.broadcast %add3A_340 : i32 to vector<16xi32>
          %add3A_342 = arith.addi %get3A_331, %add3A_341 : vector<16xi32>
          %add3A_343 = arith.constant 10000 : i32
          %add3A_344 = vector.broadcast %add3A_343 : i32 to vector<16xi32>
          %add3A_345 = arith.addi %get3A_333, %add3A_344 : vector<16xi32>
          %gather3A_346 = tpu.vector_load_idx %arg13[%add3A_342] : memref<40000xf32, #tpu.memory_space<vmem>>[vector<16xi32>], vector<16xf32>,
          %mul3A_347 = arith.mulf %get3A_335, %gather3A_346 : vector<16xf32>
          tpu.vector_store_idx %arg14[%add3A_345], %mul3A_347 {add = true} : memref<40000xf32, #tpu.memory_space<vmem>>[vector<16xi32>], vector<16xf32>,
          %gather3A_348 = tpu.vector_load_idx %arg13[%add3A_345] : memref<40000xf32, #tpu.memory_space<vmem>>[vector<16xi32>], vector<16xf32>,
          %mul3A_349 = arith.mulf %get3A_335, %gather3A_348 : vector<16xf32>
          tpu.vector_store_idx %arg14[%add3A_342], %mul3A_349 {add = true} : memref<40000xf32, #tpu.memory_space<vmem>>[vector<16xi32>], vector<16xf32>,
          %add3A_350 = arith.constant 20000 : i32
          %add3A_351 = vector.broadcast %add3A_350 : i32 to vector<16xi32>
          %add3A_352 = arith.addi %get3A_331, %add3A_351 : vector<16xi32>
          %add3A_353 = arith.constant 20000 : i32
          %add3A_354 = vector.broadcast %add3A_353 : i32 to vector<16xi32>
          %add3A_355 = arith.addi %get3A_333, %add3A_354 : vector<16xi32>
          %gather3A_356 = tpu.vector_load_idx %arg13[%add3A_352] : memref<40000xf32, #tpu.memory_space<vmem>>[vector<16xi32>], vector<16xf32>,
          %mul3A_357 = arith.mulf %get3A_335, %gather3A_356 : vector<16xf32>
          tpu.vector_store_idx %arg14[%add3A_355], %mul3A_357 {add = true} : memref<40000xf32, #tpu.memory_space<vmem>>[vector<16xi32>], vector<16xf32>,
          %gather3A_358 = tpu.vector_load_idx %arg13[%add3A_355] : memref<40000xf32, #tpu.memory_space<vmem>>[vector<16xi32>], vector<16xf32>,
          %mul3A_359 = arith.mulf %get3A_335, %gather3A_358 : vector<16xf32>
          tpu.vector_store_idx %arg14[%add3A_352], %mul3A_359 {add = true} : memref<40000xf32, #tpu.memory_space<vmem>>[vector<16xi32>], vector<16xf32>,
          %add3A_360 = arith.constant 30000 : i32
          %add3A_361 = vector.broadcast %add3A_360 : i32 to vector<16xi32>
          %add3A_362 = arith.addi %get3A_331, %add3A_361 : vector<16xi32>
          %add3A_363 = arith.constant 30000 : i32
          %add3A_364 = vector.broadcast %add3A_363 : i32 to vector<16xi32>
          %add3A_365 = arith.addi %get3A_333, %add3A_364 : vector<16xi32>
          %gather3A_366 = tpu.vector_load_idx %arg13[%add3A_362] : memref<40000xf32, #tpu.memory_space<vmem>>[vector<16xi32>], vector<16xf32>,
          %mul3A_367 = arith.mulf %get3A_335, %gather3A_366 : vector<16xf32>
          tpu.vector_store_idx %arg14[%add3A_365], %mul3A_367 {add = true} : memref<40000xf32, #tpu.memory_space<vmem>>[vector<16xi32>], vector<16xf32>,
          %gather3A_368 = tpu.vector_load_idx %arg13[%add3A_365] : memref<40000xf32, #tpu.memory_space<vmem>>[vector<16xi32>], vector<16xf32>,
          %mul3A_369 = arith.mulf %get3A_335, %gather3A_368 : vector<16xf32>
          tpu.vector_store_idx %arg14[%add3A_362], %mul3A_369 {add = true} : memref<40000xf32, #tpu.memory_space<vmem>>[vector<16xi32>], vector<16xf32>,
          %while3A_370 = arith.constant 0 : i32
          scf.yield %while3A_370 : i32
        }
        %while3A_248 = arith.constant 1 : i32
        %while3A_249 = scf.for %while3A_327 = %while3A_245 to %while3A_241 step %while3A_248 iter_args(%while3A_328 = %while3A_247) -> (i32)  : i32 {
          %mul3A_329 = arith.constant 16 : i32
          %mul3A_330 = arith.muli %while3A_327, %mul3A_329 : i32
          %get3A = arith.index_cast %mul3A_330 : i32 to index
          %get3A_331 = tpu.vector_load %arg20[%get3A] {strides = array<i32>} : memref<1280xi32, #tpu.memory_space<vmem>>, vector<16xi32>,
          %get3A_332 = arith.index_cast %mul3A_330 : i32 to index
          %get3A_333 = tpu.vector_load %arg21[%get3A_332] {strides = array<i32>} : memref<1280xi32, #tpu.memory_space<vmem>>, vector<16xi32>,
          %get3A_334 = arith.index_cast %mul3A_330 : i32 to index
          %get3A_335 = tpu.vector_load %arg22[%get3A_334] {strides = array<i32>} : memref<1280xf32, #tpu.memory_space<vmem>>, vector<16xf32>,
          %gather3A_336 = tpu.vector_load_idx %arg13[%get3A_331] : memref<40000xf32, #tpu.memory_space<vmem>>[vector<16xi32>], vector<16xf32>,
          %mul3A_337 = arith.mulf %get3A_335, %gather3A_336 : vector<16xf32>
          tpu.vector_store_idx %arg14[%get3A_333], %mul3A_337 {add = true} : memref<40000xf32, #tpu.memory_space<vmem>>[vector<16xi32>], vector<16xf32>,
          %gather3A_338 = tpu.vector_load_idx %arg13[%get3A_333] : memref<40000xf32, #tpu.memory_space<vmem>>[vector<16xi32>], vector<16xf32>,
          %mul3A_339 = arith.mulf %get3A_335, %gather3A_338 : vector<16xf32>
          tpu.vector_store_idx %arg14[%get3A_331], %mul3A_339 {add = true} : memref<40000xf32, #tpu.memory_space<vmem>>[vector<16xi32>], vector<16xf32>,
          %add3A_340 = arith.constant 10000 : i32
          %add3A_341 = vector.broadcast %add3A_340 : i32 to vector<16xi32>
          %add3A_342 = arith.addi %get3A_331, %add3A_341 : vector<16xi32>
          %add3A_343 = arith.constant 10000 : i32
          %add3A_344 = vector.broadcast %add3A_343 : i32 to vector<16xi32>
          %add3A_345 = arith.addi %get3A_333, %add3A_344 : vector<16xi32>
          %gather3A_346 = tpu.vector_load_idx %arg13[%add3A_342] : memref<40000xf32, #tpu.memory_space<vmem>>[vector<16xi32>], vector<16xf32>,
          %mul3A_347 = arith.mulf %get3A_335, %gather3A_346 : vector<16xf32>
          tpu.vector_store_idx %arg14[%add3A_345], %mul3A_347 {add = true} : memref<40000xf32, #tpu.memory_space<vmem>>[vector<16xi32>], vector<16xf32>,
          %gather3A_348 = tpu.vector_load_idx %arg13[%add3A_345] : memref<40000xf32, #tpu.memory_space<vmem>>[vector<16xi32>], vector<16xf32>,
          %mul3A_349 = arith.mulf %get3A_335, %gather3A_348 : vector<16xf32>
          tpu.vector_store_idx %arg14[%add3A_342], %mul3A_349 {add = true} : memref<40000xf32, #tpu.memory_space<vmem>>[vector<16xi32>], vector<16xf32>,
          %add3A_350 = arith.constant 20000 : i32
          %add3A_351 = vector.broadcast %add3A_350 : i32 to vector<16xi32>
          %add3A_352 = arith.addi %get3A_331, %add3A_351 : vector<16xi32>
          %add3A_353 = arith.constant 20000 : i32
          %add3A_354 = vector.broadcast %add3A_353 : i32 to vector<16xi32>
          %add3A_355 = arith.addi %get3A_333, %add3A_354 : vector<16xi32>
          %gather3A_356 = tpu.vector_load_idx %arg13[%add3A_352] : memref<40000xf32, #tpu.memory_space<vmem>>[vector<16xi32>], vector<16xf32>,
          %mul3A_357 = arith.mulf %get3A_335, %gather3A_356 : vector<16xf32>
          tpu.vector_store_idx %arg14[%add3A_355], %mul3A_357 {add = true} : memref<40000xf32, #tpu.memory_space<vmem>>[vector<16xi32>], vector<16xf32>,
          %gather3A_358 = tpu.vector_load_idx %arg13[%add3A_355] : memref<40000xf32, #tpu.memory_space<vmem>>[vector<16xi32>], vector<16xf32>,
          %mul3A_359 = arith.mulf %get3A_335, %gather3A_358 : vector<16xf32>
          tpu.vector_store_idx %arg14[%add3A_352], %mul3A_359 {add = true} : memref<40000xf32, #tpu.memory_space<vmem>>[vector<16xi32>], vector<16xf32>,
          %add3A_360 = arith.constant 30000 : i32
          %add3A_361 = vector.broadcast %add3A_360 : i32 to vector<16xi32>
          %add3A_362 = arith.addi %get3A_331, %add3A_361 : vector<16xi32>
          %add3A_363 = arith.constant 30000 : i32
          %add3A_364 = vector.broadcast %add3A_363 : i32 to vector<16xi32>
          %add3A_365 = arith.addi %get3A_333, %add3A_364 : vector<16xi32>
          %gather3A_366 = tpu.vector_load_idx %arg13[%add3A_362] : memref<40000xf32, #tpu.memory_space<vmem>>[vector<16xi32>], vector<16xf32>,
          %mul3A_367 = arith.mulf %get3A_335, %gather3A_366 : vector<16xf32>
          tpu.vector_store_idx %arg14[%add3A_365], %mul3A_367 {add = true} : memref<40000xf32, #tpu.memory_space<vmem>>[vector<16xi32>], vector<16xf32>,
          %gather3A_368 = tpu.vector_load_idx %arg13[%add3A_365] : memref<40000xf32, #tpu.memory_space<vmem>>[vector<16xi32>], vector<16xf32>,
          %mul3A_369 = arith.mulf %get3A_335, %gather3A_368 : vector<16xf32>
          tpu.vector_store_idx %arg14[%add3A_362], %mul3A_369 {add = true} : memref<40000xf32, #tpu.memory_space<vmem>>[vector<16xi32>], vector<16xf32>,
          %while3A_370 = arith.constant 0 : i32
          scf.yield %while3A_370 : i32
        }
        %gt3A = arith.constant 1280 : i32
        %gt3A_250 = arith.cmpi sgt, %reduce_max3A_213, %gt3A : i32
        %convert_element_type3A = arith.extui %gt3A_250 : i1 to i32
        %cond3A = arith.constant 0 : i32
        %cond3A_251 = arith.cmpi ne, %convert_element_type3A, %cond3A : i32
        scf.if %cond3A_251 {
          %add3A_327 = arith.constant 1280 : i32
          %add3A_328 = arith.addi %reduce_max3A_213, %add3A_327 : i32
          %sub3A_329 = arith.constant 1 : i32
          %sub3A_330 = arith.subi %add3A_328, %sub3A_329 : i32
          %jit3A_331 = arith.constant 1280 : i32
          %div3A_332 = arith.divsi %sub3A_330, %jit3A_331 : i32
          %sign3A_333 = arith.constant 0 : i32
          %sign3A_334 = arith.cmpi sgt, %sub3A_330, %sign3A_333 : i32
          %sign3A_335 = arith.extui %sign3A_334 : i1 to i32
          %sign3A_336 = arith.constant 0 : i32
          %sign3A_337 = arith.cmpi slt, %sub3A_330, %sign3A_336 : i32
          %sign3A_338 = arith.extui %sign3A_337 : i1 to i32
          %sign3A_339 = arith.subi %sign3A_335, %sign3A_338 : i32
          %sign3A_340 = arith.constant 0 : i32
          %sign3A_341 = arith.cmpi sgt, %jit3A_331, %sign3A_340 : i32
          %sign3A_342 = arith.extui %sign3A_341 : i1 to i32
          %sign3A_343 = arith.constant 0 : i32
          %sign3A_344 = arith.cmpi slt, %jit3A_331, %sign3A_343 : i32
          %sign3A_345 = arith.extui %sign3A_344 : i1 to i32
          %sign3A_346 = arith.subi %sign3A_342, %sign3A_345 : i32
          %ne3A_347 = arith.cmpi ne, %sign3A_339, %sign3A_346 : i32
          %rem3A_348 = arith.remsi %sub3A_330, %jit3A_331 : i32
          %ne3A_349 = arith.constant 0 : i32
          %ne3A_350 = arith.cmpi ne, %rem3A_348, %ne3A_349 : i32
          %and3A_351 = arith.andi %ne3A_347, %ne3A_350 : i1
          %sub3A_352 = arith.constant 1 : i32
          %sub3A_353 = arith.subi %div3A_332, %sub3A_352 : i32
          %select_n3A_354 = arith.select %and3A_351, %sub3A_353, %div3A_332 : i32
          %while3A_355 = arith.constant 1 : i32
          %while3A_356 = arith.constant 0 : i32
          %while3A_357 = arith.subi %select_n3A_354, %while3A_355 : i32
          %while3A_358 = arith.addi %while3A_355, %while3A_357 : i32
          %while3A_359 = arith.constant 1 : i32
          %while3A_360 = arith.divsi %while3A_357, %while3A_359 : i32
          %while3A_361 = arith.muli %while3A_360, %while3A_359 : i32
          %while3A_362 = arith.addi %while3A_355, %while3A_361 : i32
          %while3A_363 = arith.constant 1 : i32
          %while3A_364 = scf.for %while3A_367 = %while3A_355 to %while3A_362 step %while3A_363 iter_args(%while3A_368 = %while3A_356) -> (i32)  : i32 {
            %mul3A_369 = arith.constant 10000 : i32
            %mul3A_370 = arith.muli %mul3A_186, %mul3A_369 : i32
            %mul3A_371 = arith.constant 1280 : i32
            %mul3A_372 = arith.muli %while3A_367, %mul3A_371 : i32
            %add3A_373 = arith.addi %mul3A_370, %mul3A_372 : i32
            "tpu.region"() ({
              %run_scoped3A = tpu.sem_alloc : memref<!tpu.dma_semaphore, #tpu.memory_space<semaphore_mem>>
              %dma_start3A_416 = tpu.memref_slice %arg7[%add3A_373] : memref<320000xi32, #tpu.memory_space<hbm>> -> memref<1280xi32, #tpu.memory_space<hbm>>
              %dma_start3A_417 = tpu.memref_slice %arg7[%add3A_373] : memref<320000xi32, #tpu.memory_space<hbm>> -> memref<1280xi32, #tpu.memory_space<hbm>>
              tpu.enqueue_dma source(%dma_start3A_417 : memref<1280xi32, #tpu.memory_space<hbm>>) target(%arg26 : memref<1280xi32, #tpu.memory_space<vmem>>) target_semaphore(%run_scoped3A : memref<!tpu.dma_semaphore, #tpu.memory_space<semaphore_mem>>)
              %dma_wait3A_418 = tpu.memref_slice %arg7[%add3A_373] : memref<320000xi32, #tpu.memory_space<hbm>> -> memref<1280xi32, #tpu.memory_space<hbm>>
              %dma_wait3A_419 = tpu.memref_slice %arg7[%add3A_373] : memref<320000xi32, #tpu.memory_space<hbm>> -> memref<1280xi32, #tpu.memory_space<hbm>>
              tpu.wait_dma2 semaphore(%run_scoped3A : memref<!tpu.dma_semaphore, #tpu.memory_space<semaphore_mem>>) src(%dma_wait3A_419 : memref<1280xi32, #tpu.memory_space<hbm>>) dst(%arg26 : memref<1280xi32, #tpu.memory_space<vmem>>)
              tpu.yield
            }) : () -> ()
            "tpu.region"() ({
              %run_scoped3A = tpu.sem_alloc : memref<!tpu.dma_semaphore, #tpu.memory_space<semaphore_mem>>
              %dma_start3A_416 = tpu.memref_slice %arg8[%add3A_373] : memref<320000xi32, #tpu.memory_space<hbm>> -> memref<1280xi32, #tpu.memory_space<hbm>>
              %dma_start3A_417 = tpu.memref_slice %arg8[%add3A_373] : memref<320000xi32, #tpu.memory_space<hbm>> -> memref<1280xi32, #tpu.memory_space<hbm>>
              tpu.enqueue_dma source(%dma_start3A_417 : memref<1280xi32, #tpu.memory_space<hbm>>) target(%arg27 : memref<1280xi32, #tpu.memory_space<vmem>>) target_semaphore(%run_scoped3A : memref<!tpu.dma_semaphore, #tpu.memory_space<semaphore_mem>>)
              %dma_wait3A_418 = tpu.memref_slice %arg8[%add3A_373] : memref<320000xi32, #tpu.memory_space<hbm>> -> memref<1280xi32, #tpu.memory_space<hbm>>
              %dma_wait3A_419 = tpu.memref_slice %arg8[%add3A_373] : memref<320000xi32, #tpu.memory_space<hbm>> -> memref<1280xi32, #tpu.memory_space<hbm>>
              tpu.wait_dma2 semaphore(%run_scoped3A : memref<!tpu.dma_semaphore, #tpu.memory_space<semaphore_mem>>) src(%dma_wait3A_419 : memref<1280xi32, #tpu.memory_space<hbm>>) dst(%arg27 : memref<1280xi32, #tpu.memory_space<vmem>>)
              tpu.yield
            }) : () -> ()
            "tpu.region"() ({
              %run_scoped3A = tpu.sem_alloc : memref<!tpu.dma_semaphore, #tpu.memory_space<semaphore_mem>>
              %dma_start3A_416 = tpu.memref_slice %arg9[%add3A_373] : memref<320000xf32, #tpu.memory_space<hbm>> -> memref<1280xf32, #tpu.memory_space<hbm>>
              %dma_start3A_417 = tpu.memref_slice %arg9[%add3A_373] : memref<320000xf32, #tpu.memory_space<hbm>> -> memref<1280xf32, #tpu.memory_space<hbm>>
              tpu.enqueue_dma source(%dma_start3A_417 : memref<1280xf32, #tpu.memory_space<hbm>>) target(%arg28 : memref<1280xf32, #tpu.memory_space<vmem>>) target_semaphore(%run_scoped3A : memref<!tpu.dma_semaphore, #tpu.memory_space<semaphore_mem>>)
              %dma_wait3A_418 = tpu.memref_slice %arg9[%add3A_373] : memref<320000xf32, #tpu.memory_space<hbm>> -> memref<1280xf32, #tpu.memory_space<hbm>>
              %dma_wait3A_419 = tpu.memref_slice %arg9[%add3A_373] : memref<320000xf32, #tpu.memory_space<hbm>> -> memref<1280xf32, #tpu.memory_space<hbm>>
              tpu.wait_dma2 semaphore(%run_scoped3A : memref<!tpu.dma_semaphore, #tpu.memory_space<semaphore_mem>>) src(%dma_wait3A_419 : memref<1280xf32, #tpu.memory_space<hbm>>) dst(%arg28 : memref<1280xf32, #tpu.memory_space<vmem>>)
              tpu.yield
            }) : () -> ()
            %mul3A_374 = arith.constant 1280 : i32
            %mul3A_375 = arith.muli %while3A_367, %mul3A_374 : i32
            %sub3A_376 = arith.subi %reduce_max3A_213, %mul3A_375 : i32
            %min3A_377 = arith.constant 1280 : i32
            %min3A_378 = arith.minsi %sub3A_376, %min3A_377 : i32
            %jit3A_379 = arith.constant 16 : i32
            %div3A_380 = arith.divsi %min3A_378, %jit3A_379 : i32
            %sign3A_381 = arith.constant 0 : i32
            %sign3A_382 = arith.cmpi sgt, %min3A_378, %sign3A_381 : i32
            %sign3A_383 = arith.extui %sign3A_382 : i1 to i32
            %sign3A_384 = arith.constant 0 : i32
            %sign3A_385 = arith.cmpi slt, %min3A_378, %sign3A_384 : i32
            %sign3A_386 = arith.extui %sign3A_385 : i1 to i32
            %sign3A_387 = arith.subi %sign3A_383, %sign3A_386 : i32
            %sign3A_388 = arith.constant 0 : i32
            %sign3A_389 = arith.cmpi sgt, %jit3A_379, %sign3A_388 : i32
            %sign3A_390 = arith.extui %sign3A_389 : i1 to i32
            %sign3A_391 = arith.constant 0 : i32
            %sign3A_392 = arith.cmpi slt, %jit3A_379, %sign3A_391 : i32
            %sign3A_393 = arith.extui %sign3A_392 : i1 to i32
            %sign3A_394 = arith.subi %sign3A_390, %sign3A_393 : i32
            %ne3A_395 = arith.cmpi ne, %sign3A_387, %sign3A_394 : i32
            %rem3A_396 = arith.remsi %min3A_378, %jit3A_379 : i32
            %ne3A_397 = arith.constant 0 : i32
            %ne3A_398 = arith.cmpi ne, %rem3A_396, %ne3A_397 : i32
            %and3A_399 = arith.andi %ne3A_395, %ne3A_398 : i1
            %sub3A_400 = arith.constant 1 : i32
            %sub3A_401 = arith.subi %div3A_380, %sub3A_400 : i32
            %select_n3A_402 = arith.select %and3A_399, %sub3A_401, %div3A_380 : i32
            %while3A_403 = arith.constant 0 : i32
            %while3A_404 = arith.constant 0 : i32
            %while3A_405 = arith.subi %select_n3A_402, %while3A_403 : i32
            %while3A_406 = arith.addi %while3A_403, %while3A_405 : i32
            %while3A_407 = arith.constant 1 : i32
            %while3A_408 = arith.divsi %while3A_405, %while3A_407 : i32
            %while3A_409 = arith.muli %while3A_408, %while3A_407 : i32
            %while3A_410 = arith.addi %while3A_403, %while3A_409 : i32
            %while3A_411 = arith.constant 1 : i32
            %while3A_412 = scf.for %while3A_416 = %while3A_403 to %while3A_410 step %while3A_411 iter_args(%while3A_417 = %while3A_404) -> (i32)  : i32 {
              %mul3A_418 = arith.constant 16 : i32
              %mul3A_419 = arith.muli %while3A_416, %mul3A_418 : i32
              %get3A = arith.index_cast %mul3A_419 : i32 to index
              %get3A_420 = tpu.vector_load %arg26[%get3A] {strides = array<i32>} : memref<1280xi32, #tpu.memory_space<vmem>>, vector<16xi32>,
              %get3A_421 = arith.index_cast %mul3A_419 : i32 to index
              %get3A_422 = tpu.vector_load %arg27[%get3A_421] {strides = array<i32>} : memref<1280xi32, #tpu.memory_space<vmem>>, vector<16xi32>,
              %get3A_423 = arith.index_cast %mul3A_419 : i32 to index
              %get3A_424 = tpu.vector_load %arg28[%get3A_423] {strides = array<i32>} : memref<1280xf32, #tpu.memory_space<vmem>>, vector<16xf32>,
              %gather3A_425 = tpu.vector_load_idx %arg13[%get3A_420] : memref<40000xf32, #tpu.memory_space<vmem>>[vector<16xi32>], vector<16xf32>,
              %mul3A_426 = arith.mulf %get3A_424, %gather3A_425 : vector<16xf32>
              tpu.vector_store_idx %arg14[%get3A_422], %mul3A_426 {add = true} : memref<40000xf32, #tpu.memory_space<vmem>>[vector<16xi32>], vector<16xf32>,
              %gather3A_427 = tpu.vector_load_idx %arg13[%get3A_422] : memref<40000xf32, #tpu.memory_space<vmem>>[vector<16xi32>], vector<16xf32>,
              %mul3A_428 = arith.mulf %get3A_424, %gather3A_427 : vector<16xf32>
              tpu.vector_store_idx %arg14[%get3A_420], %mul3A_428 {add = true} : memref<40000xf32, #tpu.memory_space<vmem>>[vector<16xi32>], vector<16xf32>,
              %add3A_429 = arith.constant 10000 : i32
              %add3A_430 = vector.broadcast %add3A_429 : i32 to vector<16xi32>
              %add3A_431 = arith.addi %get3A_420, %add3A_430 : vector<16xi32>
              %add3A_432 = arith.constant 10000 : i32
              %add3A_433 = vector.broadcast %add3A_432 : i32 to vector<16xi32>
              %add3A_434 = arith.addi %get3A_422, %add3A_433 : vector<16xi32>
              %gather3A_435 = tpu.vector_load_idx %arg13[%add3A_431] : memref<40000xf32, #tpu.memory_space<vmem>>[vector<16xi32>], vector<16xf32>,
              %mul3A_436 = arith.mulf %get3A_424, %gather3A_435 : vector<16xf32>
              tpu.vector_store_idx %arg14[%add3A_434], %mul3A_436 {add = true} : memref<40000xf32, #tpu.memory_space<vmem>>[vector<16xi32>], vector<16xf32>,
              %gather3A_437 = tpu.vector_load_idx %arg13[%add3A_434] : memref<40000xf32, #tpu.memory_space<vmem>>[vector<16xi32>], vector<16xf32>,
              %mul3A_438 = arith.mulf %get3A_424, %gather3A_437 : vector<16xf32>
              tpu.vector_store_idx %arg14[%add3A_431], %mul3A_438 {add = true} : memref<40000xf32, #tpu.memory_space<vmem>>[vector<16xi32>], vector<16xf32>,
              %add3A_439 = arith.constant 20000 : i32
              %add3A_440 = vector.broadcast %add3A_439 : i32 to vector<16xi32>
              %add3A_441 = arith.addi %get3A_420, %add3A_440 : vector<16xi32>
              %add3A_442 = arith.constant 20000 : i32
              %add3A_443 = vector.broadcast %add3A_442 : i32 to vector<16xi32>
              %add3A_444 = arith.addi %get3A_422, %add3A_443 : vector<16xi32>
              %gather3A_445 = tpu.vector_load_idx %arg13[%add3A_441] : memref<40000xf32, #tpu.memory_space<vmem>>[vector<16xi32>], vector<16xf32>,
              %mul3A_446 = arith.mulf %get3A_424, %gather3A_445 : vector<16xf32>
              tpu.vector_store_idx %arg14[%add3A_444], %mul3A_446 {add = true} : memref<40000xf32, #tpu.memory_space<vmem>>[vector<16xi32>], vector<16xf32>,
              %gather3A_447 = tpu.vector_load_idx %arg13[%add3A_444] : memref<40000xf32, #tpu.memory_space<vmem>>[vector<16xi32>], vector<16xf32>,
              %mul3A_448 = arith.mulf %get3A_424, %gather3A_447 : vector<16xf32>
              tpu.vector_store_idx %arg14[%add3A_441], %mul3A_448 {add = true} : memref<40000xf32, #tpu.memory_space<vmem>>[vector<16xi32>], vector<16xf32>,
              %add3A_449 = arith.constant 30000 : i32
              %add3A_450 = vector.broadcast %add3A_449 : i32 to vector<16xi32>
              %add3A_451 = arith.addi %get3A_420, %add3A_450 : vector<16xi32>
              %add3A_452 = arith.constant 30000 : i32
              %add3A_453 = vector.broadcast %add3A_452 : i32 to vector<16xi32>
              %add3A_454 = arith.addi %get3A_422, %add3A_453 : vector<16xi32>
              %gather3A_455 = tpu.vector_load_idx %arg13[%add3A_451] : memref<40000xf32, #tpu.memory_space<vmem>>[vector<16xi32>], vector<16xf32>,
              %mul3A_456 = arith.mulf %get3A_424, %gather3A_455 : vector<16xf32>
              tpu.vector_store_idx %arg14[%add3A_454], %mul3A_456 {add = true} : memref<40000xf32, #tpu.memory_space<vmem>>[vector<16xi32>], vector<16xf32>,
              %gather3A_457 = tpu.vector_load_idx %arg13[%add3A_454] : memref<40000xf32, #tpu.memory_space<vmem>>[vector<16xi32>], vector<16xf32>,
              %mul3A_458 = arith.mulf %get3A_424, %gather3A_457 : vector<16xf32>
              tpu.vector_store_idx %arg14[%add3A_451], %mul3A_458 {add = true} : memref<40000xf32, #tpu.memory_space<vmem>>[vector<16xi32>], vector<16xf32>,
              %while3A_459 = arith.constant 0 : i32
              scf.yield %while3A_459 : i32
            }
            %while3A_413 = arith.constant 1 : i32
            %while3A_414 = scf.for %while3A_416 = %while3A_410 to %while3A_406 step %while3A_413 iter_args(%while3A_417 = %while3A_412) -> (i32)  : i32 {
              %mul3A_418 = arith.constant 16 : i32
              %mul3A_419 = arith.muli %while3A_416, %mul3A_418 : i32
              %get3A = arith.index_cast %mul3A_419 : i32 to index
              %get3A_420 = tpu.vector_load %arg26[%get3A] {strides = array<i32>} : memref<1280xi32, #tpu.memory_space<vmem>>, vector<16xi32>,
              %get3A_421 = arith.index_cast %mul3A_419 : i32 to index
              %get3A_422 = tpu.vector_load %arg27[%get3A_421] {strides = array<i32>} : memref<1280xi32, #tpu.memory_space<vmem>>, vector<16xi32>,
              %get3A_423 = arith.index_cast %mul3A_419 : i32 to index
              %get3A_424 = tpu.vector_load %arg28[%get3A_423] {strides = array<i32>} : memref<1280xf32, #tpu.memory_space<vmem>>, vector<16xf32>,
              %gather3A_425 = tpu.vector_load_idx %arg13[%get3A_420] : memref<40000xf32, #tpu.memory_space<vmem>>[vector<16xi32>], vector<16xf32>,
              %mul3A_426 = arith.mulf %get3A_424, %gather3A_425 : vector<16xf32>
              tpu.vector_store_idx %arg14[%get3A_422], %mul3A_426 {add = true} : memref<40000xf32, #tpu.memory_space<vmem>>[vector<16xi32>], vector<16xf32>,
              %gather3A_427 = tpu.vector_load_idx %arg13[%get3A_422] : memref<40000xf32, #tpu.memory_space<vmem>>[vector<16xi32>], vector<16xf32>,
              %mul3A_428 = arith.mulf %get3A_424, %gather3A_427 : vector<16xf32>
              tpu.vector_store_idx %arg14[%get3A_420], %mul3A_428 {add = true} : memref<40000xf32, #tpu.memory_space<vmem>>[vector<16xi32>], vector<16xf32>,
              %add3A_429 = arith.constant 10000 : i32
              %add3A_430 = vector.broadcast %add3A_429 : i32 to vector<16xi32>
              %add3A_431 = arith.addi %get3A_420, %add3A_430 : vector<16xi32>
              %add3A_432 = arith.constant 10000 : i32
              %add3A_433 = vector.broadcast %add3A_432 : i32 to vector<16xi32>
              %add3A_434 = arith.addi %get3A_422, %add3A_433 : vector<16xi32>
              %gather3A_435 = tpu.vector_load_idx %arg13[%add3A_431] : memref<40000xf32, #tpu.memory_space<vmem>>[vector<16xi32>], vector<16xf32>,
              %mul3A_436 = arith.mulf %get3A_424, %gather3A_435 : vector<16xf32>
              tpu.vector_store_idx %arg14[%add3A_434], %mul3A_436 {add = true} : memref<40000xf32, #tpu.memory_space<vmem>>[vector<16xi32>], vector<16xf32>,
              %gather3A_437 = tpu.vector_load_idx %arg13[%add3A_434] : memref<40000xf32, #tpu.memory_space<vmem>>[vector<16xi32>], vector<16xf32>,
              %mul3A_438 = arith.mulf %get3A_424, %gather3A_437 : vector<16xf32>
              tpu.vector_store_idx %arg14[%add3A_431], %mul3A_438 {add = true} : memref<40000xf32, #tpu.memory_space<vmem>>[vector<16xi32>], vector<16xf32>,
              %add3A_439 = arith.constant 20000 : i32
              %add3A_440 = vector.broadcast %add3A_439 : i32 to vector<16xi32>
              %add3A_441 = arith.addi %get3A_420, %add3A_440 : vector<16xi32>
              %add3A_442 = arith.constant 20000 : i32
              %add3A_443 = vector.broadcast %add3A_442 : i32 to vector<16xi32>
              %add3A_444 = arith.addi %get3A_422, %add3A_443 : vector<16xi32>
              %gather3A_445 = tpu.vector_load_idx %arg13[%add3A_441] : memref<40000xf32, #tpu.memory_space<vmem>>[vector<16xi32>], vector<16xf32>,
              %mul3A_446 = arith.mulf %get3A_424, %gather3A_445 : vector<16xf32>
              tpu.vector_store_idx %arg14[%add3A_444], %mul3A_446 {add = true} : memref<40000xf32, #tpu.memory_space<vmem>>[vector<16xi32>], vector<16xf32>,
              %gather3A_447 = tpu.vector_load_idx %arg13[%add3A_444] : memref<40000xf32, #tpu.memory_space<vmem>>[vector<16xi32>], vector<16xf32>,
              %mul3A_448 = arith.mulf %get3A_424, %gather3A_447 : vector<16xf32>
              tpu.vector_store_idx %arg14[%add3A_441], %mul3A_448 {add = true} : memref<40000xf32, #tpu.memory_space<vmem>>[vector<16xi32>], vector<16xf32>,
              %add3A_449 = arith.constant 30000 : i32
              %add3A_450 = vector.broadcast %add3A_449 : i32 to vector<16xi32>
              %add3A_451 = arith.addi %get3A_420, %add3A_450 : vector<16xi32>
              %add3A_452 = arith.constant 30000 : i32
              %add3A_453 = vector.broadcast %add3A_452 : i32 to vector<16xi32>
              %add3A_454 = arith.addi %get3A_422, %add3A_453 : vector<16xi32>
              %gather3A_455 = tpu.vector_load_idx %arg13[%add3A_451] : memref<40000xf32, #tpu.memory_space<vmem>>[vector<16xi32>], vector<16xf32>,
              %mul3A_456 = arith.mulf %get3A_424, %gather3A_455 : vector<16xf32>
              tpu.vector_store_idx %arg14[%add3A_454], %mul3A_456 {add = true} : memref<40000xf32, #tpu.memory_space<vmem>>[vector<16xi32>], vector<16xf32>,
              %gather3A_457 = tpu.vector_load_idx %arg13[%add3A_454] : memref<40000xf32, #tpu.memory_space<vmem>>[vector<16xi32>], vector<16xf32>,
              %mul3A_458 = arith.mulf %get3A_424, %gather3A_457 : vector<16xf32>
              tpu.vector_store_idx %arg14[%add3A_451], %mul3A_458 {add = true} : memref<40000xf32, #tpu.memory_space<vmem>>[vector<16xi32>], vector<16xf32>,
              %while3A_459 = arith.constant 0 : i32
              scf.yield %while3A_459 : i32
            }
            %while3A_415 = arith.constant 0 : i32
            scf.yield %while3A_415 : i32
          }
          %while3A_365 = arith.constant 1 : i32
          %while3A_366 = scf.for %while3A_367 = %while3A_362 to %while3A_358 step %while3A_365 iter_args(%while3A_368 = %while3A_364) -> (i32)  : i32 {
            %mul3A_369 = arith.constant 10000 : i32
            %mul3A_370 = arith.muli %mul3A_186, %mul3A_369 : i32
            %mul3A_371 = arith.constant 1280 : i32
            %mul3A_372 = arith.muli %while3A_367, %mul3A_371 : i32
            %add3A_373 = arith.addi %mul3A_370, %mul3A_372 : i32
            "tpu.region"() ({
              %run_scoped3A = tpu.sem_alloc : memref<!tpu.dma_semaphore, #tpu.memory_space<semaphore_mem>>
              %dma_start3A_416 = tpu.memref_slice %arg7[%add3A_373] : memref<320000xi32, #tpu.memory_space<hbm>> -> memref<1280xi32, #tpu.memory_space<hbm>>
              %dma_start3A_417 = tpu.memref_slice %arg7[%add3A_373] : memref<320000xi32, #tpu.memory_space<hbm>> -> memref<1280xi32, #tpu.memory_space<hbm>>
              tpu.enqueue_dma source(%dma_start3A_417 : memref<1280xi32, #tpu.memory_space<hbm>>) target(%arg26 : memref<1280xi32, #tpu.memory_space<vmem>>) target_semaphore(%run_scoped3A : memref<!tpu.dma_semaphore, #tpu.memory_space<semaphore_mem>>)
              %dma_wait3A_418 = tpu.memref_slice %arg7[%add3A_373] : memref<320000xi32, #tpu.memory_space<hbm>> -> memref<1280xi32, #tpu.memory_space<hbm>>
              %dma_wait3A_419 = tpu.memref_slice %arg7[%add3A_373] : memref<320000xi32, #tpu.memory_space<hbm>> -> memref<1280xi32, #tpu.memory_space<hbm>>
              tpu.wait_dma2 semaphore(%run_scoped3A : memref<!tpu.dma_semaphore, #tpu.memory_space<semaphore_mem>>) src(%dma_wait3A_419 : memref<1280xi32, #tpu.memory_space<hbm>>) dst(%arg26 : memref<1280xi32, #tpu.memory_space<vmem>>)
              tpu.yield
            }) : () -> ()
            "tpu.region"() ({
              %run_scoped3A = tpu.sem_alloc : memref<!tpu.dma_semaphore, #tpu.memory_space<semaphore_mem>>
              %dma_start3A_416 = tpu.memref_slice %arg8[%add3A_373] : memref<320000xi32, #tpu.memory_space<hbm>> -> memref<1280xi32, #tpu.memory_space<hbm>>
              %dma_start3A_417 = tpu.memref_slice %arg8[%add3A_373] : memref<320000xi32, #tpu.memory_space<hbm>> -> memref<1280xi32, #tpu.memory_space<hbm>>
              tpu.enqueue_dma source(%dma_start3A_417 : memref<1280xi32, #tpu.memory_space<hbm>>) target(%arg27 : memref<1280xi32, #tpu.memory_space<vmem>>) target_semaphore(%run_scoped3A : memref<!tpu.dma_semaphore, #tpu.memory_space<semaphore_mem>>)
              %dma_wait3A_418 = tpu.memref_slice %arg8[%add3A_373] : memref<320000xi32, #tpu.memory_space<hbm>> -> memref<1280xi32, #tpu.memory_space<hbm>>
              %dma_wait3A_419 = tpu.memref_slice %arg8[%add3A_373] : memref<320000xi32, #tpu.memory_space<hbm>> -> memref<1280xi32, #tpu.memory_space<hbm>>
              tpu.wait_dma2 semaphore(%run_scoped3A : memref<!tpu.dma_semaphore, #tpu.memory_space<semaphore_mem>>) src(%dma_wait3A_419 : memref<1280xi32, #tpu.memory_space<hbm>>) dst(%arg27 : memref<1280xi32, #tpu.memory_space<vmem>>)
              tpu.yield
            }) : () -> ()
            "tpu.region"() ({
              %run_scoped3A = tpu.sem_alloc : memref<!tpu.dma_semaphore, #tpu.memory_space<semaphore_mem>>
              %dma_start3A_416 = tpu.memref_slice %arg9[%add3A_373] : memref<320000xf32, #tpu.memory_space<hbm>> -> memref<1280xf32, #tpu.memory_space<hbm>>
              %dma_start3A_417 = tpu.memref_slice %arg9[%add3A_373] : memref<320000xf32, #tpu.memory_space<hbm>> -> memref<1280xf32, #tpu.memory_space<hbm>>
              tpu.enqueue_dma source(%dma_start3A_417 : memref<1280xf32, #tpu.memory_space<hbm>>) target(%arg28 : memref<1280xf32, #tpu.memory_space<vmem>>) target_semaphore(%run_scoped3A : memref<!tpu.dma_semaphore, #tpu.memory_space<semaphore_mem>>)
              %dma_wait3A_418 = tpu.memref_slice %arg9[%add3A_373] : memref<320000xf32, #tpu.memory_space<hbm>> -> memref<1280xf32, #tpu.memory_space<hbm>>
              %dma_wait3A_419 = tpu.memref_slice %arg9[%add3A_373] : memref<320000xf32, #tpu.memory_space<hbm>> -> memref<1280xf32, #tpu.memory_space<hbm>>
              tpu.wait_dma2 semaphore(%run_scoped3A : memref<!tpu.dma_semaphore, #tpu.memory_space<semaphore_mem>>) src(%dma_wait3A_419 : memref<1280xf32, #tpu.memory_space<hbm>>) dst(%arg28 : memref<1280xf32, #tpu.memory_space<vmem>>)
              tpu.yield
            }) : () -> ()
            %mul3A_374 = arith.constant 1280 : i32
            %mul3A_375 = arith.muli %while3A_367, %mul3A_374 : i32
            %sub3A_376 = arith.subi %reduce_max3A_213, %mul3A_375 : i32
            %min3A_377 = arith.constant 1280 : i32
            %min3A_378 = arith.minsi %sub3A_376, %min3A_377 : i32
            %jit3A_379 = arith.constant 16 : i32
            %div3A_380 = arith.divsi %min3A_378, %jit3A_379 : i32
            %sign3A_381 = arith.constant 0 : i32
            %sign3A_382 = arith.cmpi sgt, %min3A_378, %sign3A_381 : i32
            %sign3A_383 = arith.extui %sign3A_382 : i1 to i32
            %sign3A_384 = arith.constant 0 : i32
            %sign3A_385 = arith.cmpi slt, %min3A_378, %sign3A_384 : i32
            %sign3A_386 = arith.extui %sign3A_385 : i1 to i32
            %sign3A_387 = arith.subi %sign3A_383, %sign3A_386 : i32
            %sign3A_388 = arith.constant 0 : i32
            %sign3A_389 = arith.cmpi sgt, %jit3A_379, %sign3A_388 : i32
            %sign3A_390 = arith.extui %sign3A_389 : i1 to i32
            %sign3A_391 = arith.constant 0 : i32
            %sign3A_392 = arith.cmpi slt, %jit3A_379, %sign3A_391 : i32
            %sign3A_393 = arith.extui %sign3A_392 : i1 to i32
            %sign3A_394 = arith.subi %sign3A_390, %sign3A_393 : i32
            %ne3A_395 = arith.cmpi ne, %sign3A_387, %sign3A_394 : i32
            %rem3A_396 = arith.remsi %min3A_378, %jit3A_379 : i32
            %ne3A_397 = arith.constant 0 : i32
            %ne3A_398 = arith.cmpi ne, %rem3A_396, %ne3A_397 : i32
            %and3A_399 = arith.andi %ne3A_395, %ne3A_398 : i1
            %sub3A_400 = arith.constant 1 : i32
            %sub3A_401 = arith.subi %div3A_380, %sub3A_400 : i32
            %select_n3A_402 = arith.select %and3A_399, %sub3A_401, %div3A_380 : i32
            %while3A_403 = arith.constant 0 : i32
            %while3A_404 = arith.constant 0 : i32
            %while3A_405 = arith.subi %select_n3A_402, %while3A_403 : i32
            %while3A_406 = arith.addi %while3A_403, %while3A_405 : i32
            %while3A_407 = arith.constant 1 : i32
            %while3A_408 = arith.divsi %while3A_405, %while3A_407 : i32
            %while3A_409 = arith.muli %while3A_408, %while3A_407 : i32
            %while3A_410 = arith.addi %while3A_403, %while3A_409 : i32
            %while3A_411 = arith.constant 1 : i32
            %while3A_412 = scf.for %while3A_416 = %while3A_403 to %while3A_410 step %while3A_411 iter_args(%while3A_417 = %while3A_404) -> (i32)  : i32 {
              %mul3A_418 = arith.constant 16 : i32
              %mul3A_419 = arith.muli %while3A_416, %mul3A_418 : i32
              %get3A = arith.index_cast %mul3A_419 : i32 to index
              %get3A_420 = tpu.vector_load %arg26[%get3A] {strides = array<i32>} : memref<1280xi32, #tpu.memory_space<vmem>>, vector<16xi32>,
              %get3A_421 = arith.index_cast %mul3A_419 : i32 to index
              %get3A_422 = tpu.vector_load %arg27[%get3A_421] {strides = array<i32>} : memref<1280xi32, #tpu.memory_space<vmem>>, vector<16xi32>,
              %get3A_423 = arith.index_cast %mul3A_419 : i32 to index
              %get3A_424 = tpu.vector_load %arg28[%get3A_423] {strides = array<i32>} : memref<1280xf32, #tpu.memory_space<vmem>>, vector<16xf32>,
              %gather3A_425 = tpu.vector_load_idx %arg13[%get3A_420] : memref<40000xf32, #tpu.memory_space<vmem>>[vector<16xi32>], vector<16xf32>,
              %mul3A_426 = arith.mulf %get3A_424, %gather3A_425 : vector<16xf32>
              tpu.vector_store_idx %arg14[%get3A_422], %mul3A_426 {add = true} : memref<40000xf32, #tpu.memory_space<vmem>>[vector<16xi32>], vector<16xf32>,
              %gather3A_427 = tpu.vector_load_idx %arg13[%get3A_422] : memref<40000xf32, #tpu.memory_space<vmem>>[vector<16xi32>], vector<16xf32>,
              %mul3A_428 = arith.mulf %get3A_424, %gather3A_427 : vector<16xf32>
              tpu.vector_store_idx %arg14[%get3A_420], %mul3A_428 {add = true} : memref<40000xf32, #tpu.memory_space<vmem>>[vector<16xi32>], vector<16xf32>,
              %add3A_429 = arith.constant 10000 : i32
              %add3A_430 = vector.broadcast %add3A_429 : i32 to vector<16xi32>
              %add3A_431 = arith.addi %get3A_420, %add3A_430 : vector<16xi32>
              %add3A_432 = arith.constant 10000 : i32
              %add3A_433 = vector.broadcast %add3A_432 : i32 to vector<16xi32>
              %add3A_434 = arith.addi %get3A_422, %add3A_433 : vector<16xi32>
              %gather3A_435 = tpu.vector_load_idx %arg13[%add3A_431] : memref<40000xf32, #tpu.memory_space<vmem>>[vector<16xi32>], vector<16xf32>,
              %mul3A_436 = arith.mulf %get3A_424, %gather3A_435 : vector<16xf32>
              tpu.vector_store_idx %arg14[%add3A_434], %mul3A_436 {add = true} : memref<40000xf32, #tpu.memory_space<vmem>>[vector<16xi32>], vector<16xf32>,
              %gather3A_437 = tpu.vector_load_idx %arg13[%add3A_434] : memref<40000xf32, #tpu.memory_space<vmem>>[vector<16xi32>], vector<16xf32>,
              %mul3A_438 = arith.mulf %get3A_424, %gather3A_437 : vector<16xf32>
              tpu.vector_store_idx %arg14[%add3A_431], %mul3A_438 {add = true} : memref<40000xf32, #tpu.memory_space<vmem>>[vector<16xi32>], vector<16xf32>,
              %add3A_439 = arith.constant 20000 : i32
              %add3A_440 = vector.broadcast %add3A_439 : i32 to vector<16xi32>
              %add3A_441 = arith.addi %get3A_420, %add3A_440 : vector<16xi32>
              %add3A_442 = arith.constant 20000 : i32
              %add3A_443 = vector.broadcast %add3A_442 : i32 to vector<16xi32>
              %add3A_444 = arith.addi %get3A_422, %add3A_443 : vector<16xi32>
              %gather3A_445 = tpu.vector_load_idx %arg13[%add3A_441] : memref<40000xf32, #tpu.memory_space<vmem>>[vector<16xi32>], vector<16xf32>,
              %mul3A_446 = arith.mulf %get3A_424, %gather3A_445 : vector<16xf32>
              tpu.vector_store_idx %arg14[%add3A_444], %mul3A_446 {add = true} : memref<40000xf32, #tpu.memory_space<vmem>>[vector<16xi32>], vector<16xf32>,
              %gather3A_447 = tpu.vector_load_idx %arg13[%add3A_444] : memref<40000xf32, #tpu.memory_space<vmem>>[vector<16xi32>], vector<16xf32>,
              %mul3A_448 = arith.mulf %get3A_424, %gather3A_447 : vector<16xf32>
              tpu.vector_store_idx %arg14[%add3A_441], %mul3A_448 {add = true} : memref<40000xf32, #tpu.memory_space<vmem>>[vector<16xi32>], vector<16xf32>,
              %add3A_449 = arith.constant 30000 : i32
              %add3A_450 = vector.broadcast %add3A_449 : i32 to vector<16xi32>
              %add3A_451 = arith.addi %get3A_420, %add3A_450 : vector<16xi32>
              %add3A_452 = arith.constant 30000 : i32
              %add3A_453 = vector.broadcast %add3A_452 : i32 to vector<16xi32>
              %add3A_454 = arith.addi %get3A_422, %add3A_453 : vector<16xi32>
              %gather3A_455 = tpu.vector_load_idx %arg13[%add3A_451] : memref<40000xf32, #tpu.memory_space<vmem>>[vector<16xi32>], vector<16xf32>,
              %mul3A_456 = arith.mulf %get3A_424, %gather3A_455 : vector<16xf32>
              tpu.vector_store_idx %arg14[%add3A_454], %mul3A_456 {add = true} : memref<40000xf32, #tpu.memory_space<vmem>>[vector<16xi32>], vector<16xf32>,
              %gather3A_457 = tpu.vector_load_idx %arg13[%add3A_454] : memref<40000xf32, #tpu.memory_space<vmem>>[vector<16xi32>], vector<16xf32>,
              %mul3A_458 = arith.mulf %get3A_424, %gather3A_457 : vector<16xf32>
              tpu.vector_store_idx %arg14[%add3A_451], %mul3A_458 {add = true} : memref<40000xf32, #tpu.memory_space<vmem>>[vector<16xi32>], vector<16xf32>,
              %while3A_459 = arith.constant 0 : i32
              scf.yield %while3A_459 : i32
            }
            %while3A_413 = arith.constant 1 : i32
            %while3A_414 = scf.for %while3A_416 = %while3A_410 to %while3A_406 step %while3A_413 iter_args(%while3A_417 = %while3A_412) -> (i32)  : i32 {
              %mul3A_418 = arith.constant 16 : i32
              %mul3A_419 = arith.muli %while3A_416, %mul3A_418 : i32
              %get3A = arith.index_cast %mul3A_419 : i32 to index
              %get3A_420 = tpu.vector_load %arg26[%get3A] {strides = array<i32>} : memref<1280xi32, #tpu.memory_space<vmem>>, vector<16xi32>,
              %get3A_421 = arith.index_cast %mul3A_419 : i32 to index
              %get3A_422 = tpu.vector_load %arg27[%get3A_421] {strides = array<i32>} : memref<1280xi32, #tpu.memory_space<vmem>>, vector<16xi32>,
              %get3A_423 = arith.index_cast %mul3A_419 : i32 to index
              %get3A_424 = tpu.vector_load %arg28[%get3A_423] {strides = array<i32>} : memref<1280xf32, #tpu.memory_space<vmem>>, vector<16xf32>,
              %gather3A_425 = tpu.vector_load_idx %arg13[%get3A_420] : memref<40000xf32, #tpu.memory_space<vmem>>[vector<16xi32>], vector<16xf32>,
              %mul3A_426 = arith.mulf %get3A_424, %gather3A_425 : vector<16xf32>
              tpu.vector_store_idx %arg14[%get3A_422], %mul3A_426 {add = true} : memref<40000xf32, #tpu.memory_space<vmem>>[vector<16xi32>], vector<16xf32>,
              %gather3A_427 = tpu.vector_load_idx %arg13[%get3A_422] : memref<40000xf32, #tpu.memory_space<vmem>>[vector<16xi32>], vector<16xf32>,
              %mul3A_428 = arith.mulf %get3A_424, %gather3A_427 : vector<16xf32>
              tpu.vector_store_idx %arg14[%get3A_420], %mul3A_428 {add = true} : memref<40000xf32, #tpu.memory_space<vmem>>[vector<16xi32>], vector<16xf32>,
              %add3A_429 = arith.constant 10000 : i32
              %add3A_430 = vector.broadcast %add3A_429 : i32 to vector<16xi32>
              %add3A_431 = arith.addi %get3A_420, %add3A_430 : vector<16xi32>
              %add3A_432 = arith.constant 10000 : i32
              %add3A_433 = vector.broadcast %add3A_432 : i32 to vector<16xi32>
              %add3A_434 = arith.addi %get3A_422, %add3A_433 : vector<16xi32>
              %gather3A_435 = tpu.vector_load_idx %arg13[%add3A_431] : memref<40000xf32, #tpu.memory_space<vmem>>[vector<16xi32>], vector<16xf32>,
              %mul3A_436 = arith.mulf %get3A_424, %gather3A_435 : vector<16xf32>
              tpu.vector_store_idx %arg14[%add3A_434], %mul3A_436 {add = true} : memref<40000xf32, #tpu.memory_space<vmem>>[vector<16xi32>], vector<16xf32>,
              %gather3A_437 = tpu.vector_load_idx %arg13[%add3A_434] : memref<40000xf32, #tpu.memory_space<vmem>>[vector<16xi32>], vector<16xf32>,
              %mul3A_438 = arith.mulf %get3A_424, %gather3A_437 : vector<16xf32>
              tpu.vector_store_idx %arg14[%add3A_431], %mul3A_438 {add = true} : memref<40000xf32, #tpu.memory_space<vmem>>[vector<16xi32>], vector<16xf32>,
              %add3A_439 = arith.constant 20000 : i32
              %add3A_440 = vector.broadcast %add3A_439 : i32 to vector<16xi32>
              %add3A_441 = arith.addi %get3A_420, %add3A_440 : vector<16xi32>
              %add3A_442 = arith.constant 20000 : i32
              %add3A_443 = vector.broadcast %add3A_442 : i32 to vector<16xi32>
              %add3A_444 = arith.addi %get3A_422, %add3A_443 : vector<16xi32>
              %gather3A_445 = tpu.vector_load_idx %arg13[%add3A_441] : memref<40000xf32, #tpu.memory_space<vmem>>[vector<16xi32>], vector<16xf32>,
              %mul3A_446 = arith.mulf %get3A_424, %gather3A_445 : vector<16xf32>
              tpu.vector_store_idx %arg14[%add3A_444], %mul3A_446 {add = true} : memref<40000xf32, #tpu.memory_space<vmem>>[vector<16xi32>], vector<16xf32>,
              %gather3A_447 = tpu.vector_load_idx %arg13[%add3A_444] : memref<40000xf32, #tpu.memory_space<vmem>>[vector<16xi32>], vector<16xf32>,
              %mul3A_448 = arith.mulf %get3A_424, %gather3A_447 : vector<16xf32>
              tpu.vector_store_idx %arg14[%add3A_441], %mul3A_448 {add = true} : memref<40000xf32, #tpu.memory_space<vmem>>[vector<16xi32>], vector<16xf32>,
              %add3A_449 = arith.constant 30000 : i32
              %add3A_450 = vector.broadcast %add3A_449 : i32 to vector<16xi32>
              %add3A_451 = arith.addi %get3A_420, %add3A_450 : vector<16xi32>
              %add3A_452 = arith.constant 30000 : i32
              %add3A_453 = vector.broadcast %add3A_452 : i32 to vector<16xi32>
              %add3A_454 = arith.addi %get3A_422, %add3A_453 : vector<16xi32>
              %gather3A_455 = tpu.vector_load_idx %arg13[%add3A_451] : memref<40000xf32, #tpu.memory_space<vmem>>[vector<16xi32>], vector<16xf32>,
              %mul3A_456 = arith.mulf %get3A_424, %gather3A_455 : vector<16xf32>
              tpu.vector_store_idx %arg14[%add3A_454], %mul3A_456 {add = true} : memref<40000xf32, #tpu.memory_space<vmem>>[vector<16xi32>], vector<16xf32>,
              %gather3A_457 = tpu.vector_load_idx %arg13[%add3A_454] : memref<40000xf32, #tpu.memory_space<vmem>>[vector<16xi32>], vector<16xf32>,
              %mul3A_458 = arith.mulf %get3A_424, %gather3A_457 : vector<16xf32>
              tpu.vector_store_idx %arg14[%add3A_451], %mul3A_458 {add = true} : memref<40000xf32, #tpu.memory_space<vmem>>[vector<16xi32>], vector<16xf32>,
              %while3A_459 = arith.constant 0 : i32
              scf.yield %while3A_459 : i32
            }
            %while3A_415 = arith.constant 0 : i32
            scf.yield %while3A_415 : i32
          }
        } else {
        }
        %add3A_252 = arith.constant 1 : i32
        %add3A_253 = arith.addi %mul3A_186, %add3A_252 : i32
        %mul3A_254 = arith.constant 10000 : i32
        %mul3A_255 = arith.muli %add3A_253, %mul3A_254 : i32
        %dma_wait3A_256 = tpu.memref_slice %arg7[%mul3A_255] : memref<320000xi32, #tpu.memory_space<hbm>> -> memref<1280xi32, #tpu.memory_space<hbm>>
        %dma_wait3A_257 = tpu.memref_slice %arg7[%mul3A_255] : memref<320000xi32, #tpu.memory_space<hbm>> -> memref<1280xi32, #tpu.memory_space<hbm>>
        tpu.wait_dma2 semaphore(%arg31 : memref<!tpu.dma_semaphore, #tpu.memory_space<semaphore_mem>>) src(%dma_wait3A_257 : memref<1280xi32, #tpu.memory_space<hbm>>) dst(%arg23 : memref<1280xi32, #tpu.memory_space<vmem>>)
        %dma_wait3A_258 = tpu.memref_slice %arg8[%mul3A_255] : memref<320000xi32, #tpu.memory_space<hbm>> -> memref<1280xi32, #tpu.memory_space<hbm>>
        %dma_wait3A_259 = tpu.memref_slice %arg8[%mul3A_255] : memref<320000xi32, #tpu.memory_space<hbm>> -> memref<1280xi32, #tpu.memory_space<hbm>>
        tpu.wait_dma2 semaphore(%arg31 : memref<!tpu.dma_semaphore, #tpu.memory_space<semaphore_mem>>) src(%dma_wait3A_259 : memref<1280xi32, #tpu.memory_space<hbm>>) dst(%arg24 : memref<1280xi32, #tpu.memory_space<vmem>>)
        %dma_wait3A_260 = tpu.memref_slice %arg9[%mul3A_255] : memref<320000xf32, #tpu.memory_space<hbm>> -> memref<1280xf32, #tpu.memory_space<hbm>>
        %dma_wait3A_261 = tpu.memref_slice %arg9[%mul3A_255] : memref<320000xf32, #tpu.memory_space<hbm>> -> memref<1280xf32, #tpu.memory_space<hbm>>
        tpu.wait_dma2 semaphore(%arg31 : memref<!tpu.dma_semaphore, #tpu.memory_space<semaphore_mem>>) src(%dma_wait3A_261 : memref<1280xf32, #tpu.memory_space<hbm>>) dst(%arg25 : memref<1280xf32, #tpu.memory_space<vmem>>)
        %add3A_262 = arith.constant 2 : i32
        %add3A_263 = arith.addi %mul3A_186, %add3A_262 : i32
        %lt3A_264 = arith.constant 32 : i32
        %lt3A_265 = arith.cmpi slt, %add3A_263, %lt3A_264 : i32
        %convert_element_type3A_266 = arith.extui %lt3A_265 : i1 to i32
        %cond3A_267 = arith.constant 0 : i32
        %cond3A_268 = arith.cmpi ne, %convert_element_type3A_266, %cond3A_267 : i32
        scf.if %cond3A_268 {
          %add3A_327 = arith.constant 2 : i32
          %add3A_328 = arith.addi %mul3A_186, %add3A_327 : i32
          %mul3A_329 = arith.constant 10000 : i32
          %mul3A_330 = arith.muli %add3A_328, %mul3A_329 : i32
          %dma_start3A_331 = tpu.memref_slice %arg7[%mul3A_330] : memref<320000xi32, #tpu.memory_space<hbm>> -> memref<1280xi32, #tpu.memory_space<hbm>>
          %dma_start3A_332 = tpu.memref_slice %arg7[%mul3A_330] : memref<320000xi32, #tpu.memory_space<hbm>> -> memref<1280xi32, #tpu.memory_space<hbm>>
          tpu.enqueue_dma source(%dma_start3A_332 : memref<1280xi32, #tpu.memory_space<hbm>>) target(%arg20 : memref<1280xi32, #tpu.memory_space<vmem>>) target_semaphore(%arg30 : memref<!tpu.dma_semaphore, #tpu.memory_space<semaphore_mem>>)
          %dma_start3A_333 = tpu.memref_slice %arg8[%mul3A_330] : memref<320000xi32, #tpu.memory_space<hbm>> -> memref<1280xi32, #tpu.memory_space<hbm>>
          %dma_start3A_334 = tpu.memref_slice %arg8[%mul3A_330] : memref<320000xi32, #tpu.memory_space<hbm>> -> memref<1280xi32, #tpu.memory_space<hbm>>
          tpu.enqueue_dma source(%dma_start3A_334 : memref<1280xi32, #tpu.memory_space<hbm>>) target(%arg21 : memref<1280xi32, #tpu.memory_space<vmem>>) target_semaphore(%arg30 : memref<!tpu.dma_semaphore, #tpu.memory_space<semaphore_mem>>)
          %dma_start3A_335 = tpu.memref_slice %arg9[%mul3A_330] : memref<320000xf32, #tpu.memory_space<hbm>> -> memref<1280xf32, #tpu.memory_space<hbm>>
          %dma_start3A_336 = tpu.memref_slice %arg9[%mul3A_330] : memref<320000xf32, #tpu.memory_space<hbm>> -> memref<1280xf32, #tpu.memory_space<hbm>>
          tpu.enqueue_dma source(%dma_start3A_336 : memref<1280xf32, #tpu.memory_space<hbm>>) target(%arg22 : memref<1280xf32, #tpu.memory_space<vmem>>) target_semaphore(%arg30 : memref<!tpu.dma_semaphore, #tpu.memory_space<semaphore_mem>>)
        } else {
        }
        %add3A_269 = arith.constant 1 : i32
        %add3A_270 = arith.addi %mul3A_186, %add3A_269 : i32
        %mul3A_271 = arith.constant 16 : i32
        %mul3A_272 = arith.muli %add3A_270, %mul3A_271 : i32
        %broadcast_in_dim3A_273 = vector.broadcast %mul3A_272 : i32 to vector<16xi32>
        %gather3A_274 = tpu.vector_load_idx %arg29[%broadcast_in_dim3A_273] : memref<512xi32, #tpu.memory_space<vmem>>[vector<16xi32>], vector<16xi32>,
        %reduce_max3A_275 = arith.constant true
        %reduce_max3A_276 = vector.broadcast %reduce_max3A_275 : i1 to vector<16xi1>
        %reduce_max3A_277 = arith.constant -2147483648 : i32
        %reduce_max3A_278 = vector.broadcast %reduce_max3A_277 : i32 to vector<16xi32>
        %reduce_max3A_279 = arith.xori %gather3A_274, %reduce_max3A_278 : vector<16xi32>
        %reduce_max3A_280 = tpu.scan <max>, %reduce_max3A_279 masked %reduce_max3A_276 : vector<16xi32>, vector<16xi1> -> vector<16xi32>
        %reduce_max3A_281 = arith.xori %reduce_max3A_280, %reduce_max3A_278 : vector<16xi32>
        %reduce_max3A_282 = vector.extract %reduce_max3A_281[15] : i32 from vector<16xi32>
        %min3A_283 = arith.constant 1280 : i32
        %min3A_284 = arith.minsi %reduce_max3A_282, %min3A_283 : i32
        %jit3A_285 = arith.constant 16 : i32
        %div3A_286 = arith.divsi %min3A_284, %jit3A_285 : i32
        %sign3A_287 = arith.constant 0 : i32
        %sign3A_288 = arith.cmpi sgt, %min3A_284, %sign3A_287 : i32
        %sign3A_289 = arith.extui %sign3A_288 : i1 to i32
        %sign3A_290 = arith.constant 0 : i32
        %sign3A_291 = arith.cmpi slt, %min3A_284, %sign3A_290 : i32
        %sign3A_292 = arith.extui %sign3A_291 : i1 to i32
        %sign3A_293 = arith.subi %sign3A_289, %sign3A_292 : i32
        %sign3A_294 = arith.constant 0 : i32
        %sign3A_295 = arith.cmpi sgt, %jit3A_285, %sign3A_294 : i32
        %sign3A_296 = arith.extui %sign3A_295 : i1 to i32
        %sign3A_297 = arith.constant 0 : i32
        %sign3A_298 = arith.cmpi slt, %jit3A_285, %sign3A_297 : i32
        %sign3A_299 = arith.extui %sign3A_298 : i1 to i32
        %sign3A_300 = arith.subi %sign3A_296, %sign3A_299 : i32
        %ne3A_301 = arith.cmpi ne, %sign3A_293, %sign3A_300 : i32
        %rem3A_302 = arith.remsi %min3A_284, %jit3A_285 : i32
        %ne3A_303 = arith.constant 0 : i32
        %ne3A_304 = arith.cmpi ne, %rem3A_302, %ne3A_303 : i32
        %and3A_305 = arith.andi %ne3A_301, %ne3A_304 : i1
        %sub3A_306 = arith.constant 1 : i32
        %sub3A_307 = arith.subi %div3A_286, %sub3A_306 : i32
        %select_n3A_308 = arith.select %and3A_305, %sub3A_307, %div3A_286 : i32
        %while3A_309 = arith.constant 0 : i32
        %while3A_310 = arith.constant 0 : i32
        %while3A_311 = arith.subi %select_n3A_308, %while3A_309 : i32
        %while3A_312 = arith.addi %while3A_309, %while3A_311 : i32
        %while3A_313 = arith.constant 1 : i32
        %while3A_314 = arith.divsi %while3A_311, %while3A_313 : i32
        %while3A_315 = arith.muli %while3A_314, %while3A_313 : i32
        %while3A_316 = arith.addi %while3A_309, %while3A_315 : i32
        %while3A_317 = arith.constant 1 : i32
        %while3A_318 = scf.for %while3A_327 = %while3A_309 to %while3A_316 step %while3A_317 iter_args(%while3A_328 = %while3A_310) -> (i32)  : i32 {
          %mul3A_329 = arith.constant 16 : i32
          %mul3A_330 = arith.muli %while3A_327, %mul3A_329 : i32
          %get3A = arith.index_cast %mul3A_330 : i32 to index
          %get3A_331 = tpu.vector_load %arg23[%get3A] {strides = array<i32>} : memref<1280xi32, #tpu.memory_space<vmem>>, vector<16xi32>,
          %get3A_332 = arith.index_cast %mul3A_330 : i32 to index
          %get3A_333 = tpu.vector_load %arg24[%get3A_332] {strides = array<i32>} : memref<1280xi32, #tpu.memory_space<vmem>>, vector<16xi32>,
          %get3A_334 = arith.index_cast %mul3A_330 : i32 to index
          %get3A_335 = tpu.vector_load %arg25[%get3A_334] {strides = array<i32>} : memref<1280xf32, #tpu.memory_space<vmem>>, vector<16xf32>,
          %gather3A_336 = tpu.vector_load_idx %arg13[%get3A_331] : memref<40000xf32, #tpu.memory_space<vmem>>[vector<16xi32>], vector<16xf32>,
          %mul3A_337 = arith.mulf %get3A_335, %gather3A_336 : vector<16xf32>
          tpu.vector_store_idx %arg14[%get3A_333], %mul3A_337 {add = true} : memref<40000xf32, #tpu.memory_space<vmem>>[vector<16xi32>], vector<16xf32>,
          %gather3A_338 = tpu.vector_load_idx %arg13[%get3A_333] : memref<40000xf32, #tpu.memory_space<vmem>>[vector<16xi32>], vector<16xf32>,
          %mul3A_339 = arith.mulf %get3A_335, %gather3A_338 : vector<16xf32>
          tpu.vector_store_idx %arg14[%get3A_331], %mul3A_339 {add = true} : memref<40000xf32, #tpu.memory_space<vmem>>[vector<16xi32>], vector<16xf32>,
          %add3A_340 = arith.constant 10000 : i32
          %add3A_341 = vector.broadcast %add3A_340 : i32 to vector<16xi32>
          %add3A_342 = arith.addi %get3A_331, %add3A_341 : vector<16xi32>
          %add3A_343 = arith.constant 10000 : i32
          %add3A_344 = vector.broadcast %add3A_343 : i32 to vector<16xi32>
          %add3A_345 = arith.addi %get3A_333, %add3A_344 : vector<16xi32>
          %gather3A_346 = tpu.vector_load_idx %arg13[%add3A_342] : memref<40000xf32, #tpu.memory_space<vmem>>[vector<16xi32>], vector<16xf32>,
          %mul3A_347 = arith.mulf %get3A_335, %gather3A_346 : vector<16xf32>
          tpu.vector_store_idx %arg14[%add3A_345], %mul3A_347 {add = true} : memref<40000xf32, #tpu.memory_space<vmem>>[vector<16xi32>], vector<16xf32>,
          %gather3A_348 = tpu.vector_load_idx %arg13[%add3A_345] : memref<40000xf32, #tpu.memory_space<vmem>>[vector<16xi32>], vector<16xf32>,
          %mul3A_349 = arith.mulf %get3A_335, %gather3A_348 : vector<16xf32>
          tpu.vector_store_idx %arg14[%add3A_342], %mul3A_349 {add = true} : memref<40000xf32, #tpu.memory_space<vmem>>[vector<16xi32>], vector<16xf32>,
          %add3A_350 = arith.constant 20000 : i32
          %add3A_351 = vector.broadcast %add3A_350 : i32 to vector<16xi32>
          %add3A_352 = arith.addi %get3A_331, %add3A_351 : vector<16xi32>
          %add3A_353 = arith.constant 20000 : i32
          %add3A_354 = vector.broadcast %add3A_353 : i32 to vector<16xi32>
          %add3A_355 = arith.addi %get3A_333, %add3A_354 : vector<16xi32>
          %gather3A_356 = tpu.vector_load_idx %arg13[%add3A_352] : memref<40000xf32, #tpu.memory_space<vmem>>[vector<16xi32>], vector<16xf32>,
          %mul3A_357 = arith.mulf %get3A_335, %gather3A_356 : vector<16xf32>
          tpu.vector_store_idx %arg14[%add3A_355], %mul3A_357 {add = true} : memref<40000xf32, #tpu.memory_space<vmem>>[vector<16xi32>], vector<16xf32>,
          %gather3A_358 = tpu.vector_load_idx %arg13[%add3A_355] : memref<40000xf32, #tpu.memory_space<vmem>>[vector<16xi32>], vector<16xf32>,
          %mul3A_359 = arith.mulf %get3A_335, %gather3A_358 : vector<16xf32>
          tpu.vector_store_idx %arg14[%add3A_352], %mul3A_359 {add = true} : memref<40000xf32, #tpu.memory_space<vmem>>[vector<16xi32>], vector<16xf32>,
          %add3A_360 = arith.constant 30000 : i32
          %add3A_361 = vector.broadcast %add3A_360 : i32 to vector<16xi32>
          %add3A_362 = arith.addi %get3A_331, %add3A_361 : vector<16xi32>
          %add3A_363 = arith.constant 30000 : i32
          %add3A_364 = vector.broadcast %add3A_363 : i32 to vector<16xi32>
          %add3A_365 = arith.addi %get3A_333, %add3A_364 : vector<16xi32>
          %gather3A_366 = tpu.vector_load_idx %arg13[%add3A_362] : memref<40000xf32, #tpu.memory_space<vmem>>[vector<16xi32>], vector<16xf32>,
          %mul3A_367 = arith.mulf %get3A_335, %gather3A_366 : vector<16xf32>
          tpu.vector_store_idx %arg14[%add3A_365], %mul3A_367 {add = true} : memref<40000xf32, #tpu.memory_space<vmem>>[vector<16xi32>], vector<16xf32>,
          %gather3A_368 = tpu.vector_load_idx %arg13[%add3A_365] : memref<40000xf32, #tpu.memory_space<vmem>>[vector<16xi32>], vector<16xf32>,
          %mul3A_369 = arith.mulf %get3A_335, %gather3A_368 : vector<16xf32>
          tpu.vector_store_idx %arg14[%add3A_362], %mul3A_369 {add = true} : memref<40000xf32, #tpu.memory_space<vmem>>[vector<16xi32>], vector<16xf32>,
          %while3A_370 = arith.constant 0 : i32
          scf.yield %while3A_370 : i32
        }
        %while3A_319 = arith.constant 1 : i32
        %while3A_320 = scf.for %while3A_327 = %while3A_316 to %while3A_312 step %while3A_319 iter_args(%while3A_328 = %while3A_318) -> (i32)  : i32 {
          %mul3A_329 = arith.constant 16 : i32
          %mul3A_330 = arith.muli %while3A_327, %mul3A_329 : i32
          %get3A = arith.index_cast %mul3A_330 : i32 to index
          %get3A_331 = tpu.vector_load %arg23[%get3A] {strides = array<i32>} : memref<1280xi32, #tpu.memory_space<vmem>>, vector<16xi32>,
          %get3A_332 = arith.index_cast %mul3A_330 : i32 to index
          %get3A_333 = tpu.vector_load %arg24[%get3A_332] {strides = array<i32>} : memref<1280xi32, #tpu.memory_space<vmem>>, vector<16xi32>,
          %get3A_334 = arith.index_cast %mul3A_330 : i32 to index
          %get3A_335 = tpu.vector_load %arg25[%get3A_334] {strides = array<i32>} : memref<1280xf32, #tpu.memory_space<vmem>>, vector<16xf32>,
          %gather3A_336 = tpu.vector_load_idx %arg13[%get3A_331] : memref<40000xf32, #tpu.memory_space<vmem>>[vector<16xi32>], vector<16xf32>,
          %mul3A_337 = arith.mulf %get3A_335, %gather3A_336 : vector<16xf32>
          tpu.vector_store_idx %arg14[%get3A_333], %mul3A_337 {add = true} : memref<40000xf32, #tpu.memory_space<vmem>>[vector<16xi32>], vector<16xf32>,
          %gather3A_338 = tpu.vector_load_idx %arg13[%get3A_333] : memref<40000xf32, #tpu.memory_space<vmem>>[vector<16xi32>], vector<16xf32>,
          %mul3A_339 = arith.mulf %get3A_335, %gather3A_338 : vector<16xf32>
          tpu.vector_store_idx %arg14[%get3A_331], %mul3A_339 {add = true} : memref<40000xf32, #tpu.memory_space<vmem>>[vector<16xi32>], vector<16xf32>,
          %add3A_340 = arith.constant 10000 : i32
          %add3A_341 = vector.broadcast %add3A_340 : i32 to vector<16xi32>
          %add3A_342 = arith.addi %get3A_331, %add3A_341 : vector<16xi32>
          %add3A_343 = arith.constant 10000 : i32
          %add3A_344 = vector.broadcast %add3A_343 : i32 to vector<16xi32>
          %add3A_345 = arith.addi %get3A_333, %add3A_344 : vector<16xi32>
          %gather3A_346 = tpu.vector_load_idx %arg13[%add3A_342] : memref<40000xf32, #tpu.memory_space<vmem>>[vector<16xi32>], vector<16xf32>,
          %mul3A_347 = arith.mulf %get3A_335, %gather3A_346 : vector<16xf32>
          tpu.vector_store_idx %arg14[%add3A_345], %mul3A_347 {add = true} : memref<40000xf32, #tpu.memory_space<vmem>>[vector<16xi32>], vector<16xf32>,
          %gather3A_348 = tpu.vector_load_idx %arg13[%add3A_345] : memref<40000xf32, #tpu.memory_space<vmem>>[vector<16xi32>], vector<16xf32>,
          %mul3A_349 = arith.mulf %get3A_335, %gather3A_348 : vector<16xf32>
          tpu.vector_store_idx %arg14[%add3A_342], %mul3A_349 {add = true} : memref<40000xf32, #tpu.memory_space<vmem>>[vector<16xi32>], vector<16xf32>,
          %add3A_350 = arith.constant 20000 : i32
          %add3A_351 = vector.broadcast %add3A_350 : i32 to vector<16xi32>
          %add3A_352 = arith.addi %get3A_331, %add3A_351 : vector<16xi32>
          %add3A_353 = arith.constant 20000 : i32
          %add3A_354 = vector.broadcast %add3A_353 : i32 to vector<16xi32>
          %add3A_355 = arith.addi %get3A_333, %add3A_354 : vector<16xi32>
          %gather3A_356 = tpu.vector_load_idx %arg13[%add3A_352] : memref<40000xf32, #tpu.memory_space<vmem>>[vector<16xi32>], vector<16xf32>,
          %mul3A_357 = arith.mulf %get3A_335, %gather3A_356 : vector<16xf32>
          tpu.vector_store_idx %arg14[%add3A_355], %mul3A_357 {add = true} : memref<40000xf32, #tpu.memory_space<vmem>>[vector<16xi32>], vector<16xf32>,
          %gather3A_358 = tpu.vector_load_idx %arg13[%add3A_355] : memref<40000xf32, #tpu.memory_space<vmem>>[vector<16xi32>], vector<16xf32>,
          %mul3A_359 = arith.mulf %get3A_335, %gather3A_358 : vector<16xf32>
          tpu.vector_store_idx %arg14[%add3A_352], %mul3A_359 {add = true} : memref<40000xf32, #tpu.memory_space<vmem>>[vector<16xi32>], vector<16xf32>,
          %add3A_360 = arith.constant 30000 : i32
          %add3A_361 = vector.broadcast %add3A_360 : i32 to vector<16xi32>
          %add3A_362 = arith.addi %get3A_331, %add3A_361 : vector<16xi32>
          %add3A_363 = arith.constant 30000 : i32
          %add3A_364 = vector.broadcast %add3A_363 : i32 to vector<16xi32>
          %add3A_365 = arith.addi %get3A_333, %add3A_364 : vector<16xi32>
          %gather3A_366 = tpu.vector_load_idx %arg13[%add3A_362] : memref<40000xf32, #tpu.memory_space<vmem>>[vector<16xi32>], vector<16xf32>,
          %mul3A_367 = arith.mulf %get3A_335, %gather3A_366 : vector<16xf32>
          tpu.vector_store_idx %arg14[%add3A_365], %mul3A_367 {add = true} : memref<40000xf32, #tpu.memory_space<vmem>>[vector<16xi32>], vector<16xf32>,
          %gather3A_368 = tpu.vector_load_idx %arg13[%add3A_365] : memref<40000xf32, #tpu.memory_space<vmem>>[vector<16xi32>], vector<16xf32>,
          %mul3A_369 = arith.mulf %get3A_335, %gather3A_368 : vector<16xf32>
          tpu.vector_store_idx %arg14[%add3A_362], %mul3A_369 {add = true} : memref<40000xf32, #tpu.memory_space<vmem>>[vector<16xi32>], vector<16xf32>,
          %while3A_370 = arith.constant 0 : i32
          scf.yield %while3A_370 : i32
        }
        %gt3A_321 = arith.constant 1280 : i32
        %gt3A_322 = arith.cmpi sgt, %reduce_max3A_282, %gt3A_321 : i32
        %convert_element_type3A_323 = arith.extui %gt3A_322 : i1 to i32
        %cond3A_324 = arith.constant 0 : i32
        %cond3A_325 = arith.cmpi ne, %convert_element_type3A_323, %cond3A_324 : i32
        scf.if %cond3A_325 {
          %add3A_327 = arith.constant 1280 : i32
          %add3A_328 = arith.addi %reduce_max3A_282, %add3A_327 : i32
          %sub3A_329 = arith.constant 1 : i32
          %sub3A_330 = arith.subi %add3A_328, %sub3A_329 : i32
          %jit3A_331 = arith.constant 1280 : i32
          %div3A_332 = arith.divsi %sub3A_330, %jit3A_331 : i32
          %sign3A_333 = arith.constant 0 : i32
          %sign3A_334 = arith.cmpi sgt, %sub3A_330, %sign3A_333 : i32
          %sign3A_335 = arith.extui %sign3A_334 : i1 to i32
          %sign3A_336 = arith.constant 0 : i32
          %sign3A_337 = arith.cmpi slt, %sub3A_330, %sign3A_336 : i32
          %sign3A_338 = arith.extui %sign3A_337 : i1 to i32
          %sign3A_339 = arith.subi %sign3A_335, %sign3A_338 : i32
          %sign3A_340 = arith.constant 0 : i32
          %sign3A_341 = arith.cmpi sgt, %jit3A_331, %sign3A_340 : i32
          %sign3A_342 = arith.extui %sign3A_341 : i1 to i32
          %sign3A_343 = arith.constant 0 : i32
          %sign3A_344 = arith.cmpi slt, %jit3A_331, %sign3A_343 : i32
          %sign3A_345 = arith.extui %sign3A_344 : i1 to i32
          %sign3A_346 = arith.subi %sign3A_342, %sign3A_345 : i32
          %ne3A_347 = arith.cmpi ne, %sign3A_339, %sign3A_346 : i32
          %rem3A_348 = arith.remsi %sub3A_330, %jit3A_331 : i32
          %ne3A_349 = arith.constant 0 : i32
          %ne3A_350 = arith.cmpi ne, %rem3A_348, %ne3A_349 : i32
          %and3A_351 = arith.andi %ne3A_347, %ne3A_350 : i1
          %sub3A_352 = arith.constant 1 : i32
          %sub3A_353 = arith.subi %div3A_332, %sub3A_352 : i32
          %select_n3A_354 = arith.select %and3A_351, %sub3A_353, %div3A_332 : i32
          %while3A_355 = arith.constant 1 : i32
          %while3A_356 = arith.constant 0 : i32
          %while3A_357 = arith.subi %select_n3A_354, %while3A_355 : i32
          %while3A_358 = arith.addi %while3A_355, %while3A_357 : i32
          %while3A_359 = arith.constant 1 : i32
          %while3A_360 = arith.divsi %while3A_357, %while3A_359 : i32
          %while3A_361 = arith.muli %while3A_360, %while3A_359 : i32
          %while3A_362 = arith.addi %while3A_355, %while3A_361 : i32
          %while3A_363 = arith.constant 1 : i32
          %while3A_364 = scf.for %while3A_367 = %while3A_355 to %while3A_362 step %while3A_363 iter_args(%while3A_368 = %while3A_356) -> (i32)  : i32 {
            %mul3A_369 = arith.constant 10000 : i32
            %mul3A_370 = arith.muli %add3A_270, %mul3A_369 : i32
            %mul3A_371 = arith.constant 1280 : i32
            %mul3A_372 = arith.muli %while3A_367, %mul3A_371 : i32
            %add3A_373 = arith.addi %mul3A_370, %mul3A_372 : i32
            "tpu.region"() ({
              %run_scoped3A = tpu.sem_alloc : memref<!tpu.dma_semaphore, #tpu.memory_space<semaphore_mem>>
              %dma_start3A_416 = tpu.memref_slice %arg7[%add3A_373] : memref<320000xi32, #tpu.memory_space<hbm>> -> memref<1280xi32, #tpu.memory_space<hbm>>
              %dma_start3A_417 = tpu.memref_slice %arg7[%add3A_373] : memref<320000xi32, #tpu.memory_space<hbm>> -> memref<1280xi32, #tpu.memory_space<hbm>>
              tpu.enqueue_dma source(%dma_start3A_417 : memref<1280xi32, #tpu.memory_space<hbm>>) target(%arg26 : memref<1280xi32, #tpu.memory_space<vmem>>) target_semaphore(%run_scoped3A : memref<!tpu.dma_semaphore, #tpu.memory_space<semaphore_mem>>)
              %dma_wait3A_418 = tpu.memref_slice %arg7[%add3A_373] : memref<320000xi32, #tpu.memory_space<hbm>> -> memref<1280xi32, #tpu.memory_space<hbm>>
              %dma_wait3A_419 = tpu.memref_slice %arg7[%add3A_373] : memref<320000xi32, #tpu.memory_space<hbm>> -> memref<1280xi32, #tpu.memory_space<hbm>>
              tpu.wait_dma2 semaphore(%run_scoped3A : memref<!tpu.dma_semaphore, #tpu.memory_space<semaphore_mem>>) src(%dma_wait3A_419 : memref<1280xi32, #tpu.memory_space<hbm>>) dst(%arg26 : memref<1280xi32, #tpu.memory_space<vmem>>)
              tpu.yield
            }) : () -> ()
            "tpu.region"() ({
              %run_scoped3A = tpu.sem_alloc : memref<!tpu.dma_semaphore, #tpu.memory_space<semaphore_mem>>
              %dma_start3A_416 = tpu.memref_slice %arg8[%add3A_373] : memref<320000xi32, #tpu.memory_space<hbm>> -> memref<1280xi32, #tpu.memory_space<hbm>>
              %dma_start3A_417 = tpu.memref_slice %arg8[%add3A_373] : memref<320000xi32, #tpu.memory_space<hbm>> -> memref<1280xi32, #tpu.memory_space<hbm>>
              tpu.enqueue_dma source(%dma_start3A_417 : memref<1280xi32, #tpu.memory_space<hbm>>) target(%arg27 : memref<1280xi32, #tpu.memory_space<vmem>>) target_semaphore(%run_scoped3A : memref<!tpu.dma_semaphore, #tpu.memory_space<semaphore_mem>>)
              %dma_wait3A_418 = tpu.memref_slice %arg8[%add3A_373] : memref<320000xi32, #tpu.memory_space<hbm>> -> memref<1280xi32, #tpu.memory_space<hbm>>
              %dma_wait3A_419 = tpu.memref_slice %arg8[%add3A_373] : memref<320000xi32, #tpu.memory_space<hbm>> -> memref<1280xi32, #tpu.memory_space<hbm>>
              tpu.wait_dma2 semaphore(%run_scoped3A : memref<!tpu.dma_semaphore, #tpu.memory_space<semaphore_mem>>) src(%dma_wait3A_419 : memref<1280xi32, #tpu.memory_space<hbm>>) dst(%arg27 : memref<1280xi32, #tpu.memory_space<vmem>>)
              tpu.yield
            }) : () -> ()
            "tpu.region"() ({
              %run_scoped3A = tpu.sem_alloc : memref<!tpu.dma_semaphore, #tpu.memory_space<semaphore_mem>>
              %dma_start3A_416 = tpu.memref_slice %arg9[%add3A_373] : memref<320000xf32, #tpu.memory_space<hbm>> -> memref<1280xf32, #tpu.memory_space<hbm>>
              %dma_start3A_417 = tpu.memref_slice %arg9[%add3A_373] : memref<320000xf32, #tpu.memory_space<hbm>> -> memref<1280xf32, #tpu.memory_space<hbm>>
              tpu.enqueue_dma source(%dma_start3A_417 : memref<1280xf32, #tpu.memory_space<hbm>>) target(%arg28 : memref<1280xf32, #tpu.memory_space<vmem>>) target_semaphore(%run_scoped3A : memref<!tpu.dma_semaphore, #tpu.memory_space<semaphore_mem>>)
              %dma_wait3A_418 = tpu.memref_slice %arg9[%add3A_373] : memref<320000xf32, #tpu.memory_space<hbm>> -> memref<1280xf32, #tpu.memory_space<hbm>>
              %dma_wait3A_419 = tpu.memref_slice %arg9[%add3A_373] : memref<320000xf32, #tpu.memory_space<hbm>> -> memref<1280xf32, #tpu.memory_space<hbm>>
              tpu.wait_dma2 semaphore(%run_scoped3A : memref<!tpu.dma_semaphore, #tpu.memory_space<semaphore_mem>>) src(%dma_wait3A_419 : memref<1280xf32, #tpu.memory_space<hbm>>) dst(%arg28 : memref<1280xf32, #tpu.memory_space<vmem>>)
              tpu.yield
            }) : () -> ()
            %mul3A_374 = arith.constant 1280 : i32
            %mul3A_375 = arith.muli %while3A_367, %mul3A_374 : i32
            %sub3A_376 = arith.subi %reduce_max3A_282, %mul3A_375 : i32
            %min3A_377 = arith.constant 1280 : i32
            %min3A_378 = arith.minsi %sub3A_376, %min3A_377 : i32
            %jit3A_379 = arith.constant 16 : i32
            %div3A_380 = arith.divsi %min3A_378, %jit3A_379 : i32
            %sign3A_381 = arith.constant 0 : i32
            %sign3A_382 = arith.cmpi sgt, %min3A_378, %sign3A_381 : i32
            %sign3A_383 = arith.extui %sign3A_382 : i1 to i32
            %sign3A_384 = arith.constant 0 : i32
            %sign3A_385 = arith.cmpi slt, %min3A_378, %sign3A_384 : i32
            %sign3A_386 = arith.extui %sign3A_385 : i1 to i32
            %sign3A_387 = arith.subi %sign3A_383, %sign3A_386 : i32
            %sign3A_388 = arith.constant 0 : i32
            %sign3A_389 = arith.cmpi sgt, %jit3A_379, %sign3A_388 : i32
            %sign3A_390 = arith.extui %sign3A_389 : i1 to i32
            %sign3A_391 = arith.constant 0 : i32
            %sign3A_392 = arith.cmpi slt, %jit3A_379, %sign3A_391 : i32
            %sign3A_393 = arith.extui %sign3A_392 : i1 to i32
            %sign3A_394 = arith.subi %sign3A_390, %sign3A_393 : i32
            %ne3A_395 = arith.cmpi ne, %sign3A_387, %sign3A_394 : i32
            %rem3A_396 = arith.remsi %min3A_378, %jit3A_379 : i32
            %ne3A_397 = arith.constant 0 : i32
            %ne3A_398 = arith.cmpi ne, %rem3A_396, %ne3A_397 : i32
            %and3A_399 = arith.andi %ne3A_395, %ne3A_398 : i1
            %sub3A_400 = arith.constant 1 : i32
            %sub3A_401 = arith.subi %div3A_380, %sub3A_400 : i32
            %select_n3A_402 = arith.select %and3A_399, %sub3A_401, %div3A_380 : i32
            %while3A_403 = arith.constant 0 : i32
            %while3A_404 = arith.constant 0 : i32
            %while3A_405 = arith.subi %select_n3A_402, %while3A_403 : i32
            %while3A_406 = arith.addi %while3A_403, %while3A_405 : i32
            %while3A_407 = arith.constant 1 : i32
            %while3A_408 = arith.divsi %while3A_405, %while3A_407 : i32
            %while3A_409 = arith.muli %while3A_408, %while3A_407 : i32
            %while3A_410 = arith.addi %while3A_403, %while3A_409 : i32
            %while3A_411 = arith.constant 1 : i32
            %while3A_412 = scf.for %while3A_416 = %while3A_403 to %while3A_410 step %while3A_411 iter_args(%while3A_417 = %while3A_404) -> (i32)  : i32 {
              %mul3A_418 = arith.constant 16 : i32
              %mul3A_419 = arith.muli %while3A_416, %mul3A_418 : i32
              %get3A = arith.index_cast %mul3A_419 : i32 to index
              %get3A_420 = tpu.vector_load %arg26[%get3A] {strides = array<i32>} : memref<1280xi32, #tpu.memory_space<vmem>>, vector<16xi32>,
              %get3A_421 = arith.index_cast %mul3A_419 : i32 to index
              %get3A_422 = tpu.vector_load %arg27[%get3A_421] {strides = array<i32>} : memref<1280xi32, #tpu.memory_space<vmem>>, vector<16xi32>,
              %get3A_423 = arith.index_cast %mul3A_419 : i32 to index
              %get3A_424 = tpu.vector_load %arg28[%get3A_423] {strides = array<i32>} : memref<1280xf32, #tpu.memory_space<vmem>>, vector<16xf32>,
              %gather3A_425 = tpu.vector_load_idx %arg13[%get3A_420] : memref<40000xf32, #tpu.memory_space<vmem>>[vector<16xi32>], vector<16xf32>,
              %mul3A_426 = arith.mulf %get3A_424, %gather3A_425 : vector<16xf32>
              tpu.vector_store_idx %arg14[%get3A_422], %mul3A_426 {add = true} : memref<40000xf32, #tpu.memory_space<vmem>>[vector<16xi32>], vector<16xf32>,
              %gather3A_427 = tpu.vector_load_idx %arg13[%get3A_422] : memref<40000xf32, #tpu.memory_space<vmem>>[vector<16xi32>], vector<16xf32>,
              %mul3A_428 = arith.mulf %get3A_424, %gather3A_427 : vector<16xf32>
              tpu.vector_store_idx %arg14[%get3A_420], %mul3A_428 {add = true} : memref<40000xf32, #tpu.memory_space<vmem>>[vector<16xi32>], vector<16xf32>,
              %add3A_429 = arith.constant 10000 : i32
              %add3A_430 = vector.broadcast %add3A_429 : i32 to vector<16xi32>
              %add3A_431 = arith.addi %get3A_420, %add3A_430 : vector<16xi32>
              %add3A_432 = arith.constant 10000 : i32
              %add3A_433 = vector.broadcast %add3A_432 : i32 to vector<16xi32>
              %add3A_434 = arith.addi %get3A_422, %add3A_433 : vector<16xi32>
              %gather3A_435 = tpu.vector_load_idx %arg13[%add3A_431] : memref<40000xf32, #tpu.memory_space<vmem>>[vector<16xi32>], vector<16xf32>,
              %mul3A_436 = arith.mulf %get3A_424, %gather3A_435 : vector<16xf32>
              tpu.vector_store_idx %arg14[%add3A_434], %mul3A_436 {add = true} : memref<40000xf32, #tpu.memory_space<vmem>>[vector<16xi32>], vector<16xf32>,
              %gather3A_437 = tpu.vector_load_idx %arg13[%add3A_434] : memref<40000xf32, #tpu.memory_space<vmem>>[vector<16xi32>], vector<16xf32>,
              %mul3A_438 = arith.mulf %get3A_424, %gather3A_437 : vector<16xf32>
              tpu.vector_store_idx %arg14[%add3A_431], %mul3A_438 {add = true} : memref<40000xf32, #tpu.memory_space<vmem>>[vector<16xi32>], vector<16xf32>,
              %add3A_439 = arith.constant 20000 : i32
              %add3A_440 = vector.broadcast %add3A_439 : i32 to vector<16xi32>
              %add3A_441 = arith.addi %get3A_420, %add3A_440 : vector<16xi32>
              %add3A_442 = arith.constant 20000 : i32
              %add3A_443 = vector.broadcast %add3A_442 : i32 to vector<16xi32>
              %add3A_444 = arith.addi %get3A_422, %add3A_443 : vector<16xi32>
              %gather3A_445 = tpu.vector_load_idx %arg13[%add3A_441] : memref<40000xf32, #tpu.memory_space<vmem>>[vector<16xi32>], vector<16xf32>,
              %mul3A_446 = arith.mulf %get3A_424, %gather3A_445 : vector<16xf32>
              tpu.vector_store_idx %arg14[%add3A_444], %mul3A_446 {add = true} : memref<40000xf32, #tpu.memory_space<vmem>>[vector<16xi32>], vector<16xf32>,
              %gather3A_447 = tpu.vector_load_idx %arg13[%add3A_444] : memref<40000xf32, #tpu.memory_space<vmem>>[vector<16xi32>], vector<16xf32>,
              %mul3A_448 = arith.mulf %get3A_424, %gather3A_447 : vector<16xf32>
              tpu.vector_store_idx %arg14[%add3A_441], %mul3A_448 {add = true} : memref<40000xf32, #tpu.memory_space<vmem>>[vector<16xi32>], vector<16xf32>,
              %add3A_449 = arith.constant 30000 : i32
              %add3A_450 = vector.broadcast %add3A_449 : i32 to vector<16xi32>
              %add3A_451 = arith.addi %get3A_420, %add3A_450 : vector<16xi32>
              %add3A_452 = arith.constant 30000 : i32
              %add3A_453 = vector.broadcast %add3A_452 : i32 to vector<16xi32>
              %add3A_454 = arith.addi %get3A_422, %add3A_453 : vector<16xi32>
              %gather3A_455 = tpu.vector_load_idx %arg13[%add3A_451] : memref<40000xf32, #tpu.memory_space<vmem>>[vector<16xi32>], vector<16xf32>,
              %mul3A_456 = arith.mulf %get3A_424, %gather3A_455 : vector<16xf32>
              tpu.vector_store_idx %arg14[%add3A_454], %mul3A_456 {add = true} : memref<40000xf32, #tpu.memory_space<vmem>>[vector<16xi32>], vector<16xf32>,
              %gather3A_457 = tpu.vector_load_idx %arg13[%add3A_454] : memref<40000xf32, #tpu.memory_space<vmem>>[vector<16xi32>], vector<16xf32>,
              %mul3A_458 = arith.mulf %get3A_424, %gather3A_457 : vector<16xf32>
              tpu.vector_store_idx %arg14[%add3A_451], %mul3A_458 {add = true} : memref<40000xf32, #tpu.memory_space<vmem>>[vector<16xi32>], vector<16xf32>,
              %while3A_459 = arith.constant 0 : i32
              scf.yield %while3A_459 : i32
            }
            %while3A_413 = arith.constant 1 : i32
            %while3A_414 = scf.for %while3A_416 = %while3A_410 to %while3A_406 step %while3A_413 iter_args(%while3A_417 = %while3A_412) -> (i32)  : i32 {
              %mul3A_418 = arith.constant 16 : i32
              %mul3A_419 = arith.muli %while3A_416, %mul3A_418 : i32
              %get3A = arith.index_cast %mul3A_419 : i32 to index
              %get3A_420 = tpu.vector_load %arg26[%get3A] {strides = array<i32>} : memref<1280xi32, #tpu.memory_space<vmem>>, vector<16xi32>,
              %get3A_421 = arith.index_cast %mul3A_419 : i32 to index
              %get3A_422 = tpu.vector_load %arg27[%get3A_421] {strides = array<i32>} : memref<1280xi32, #tpu.memory_space<vmem>>, vector<16xi32>,
              %get3A_423 = arith.index_cast %mul3A_419 : i32 to index
              %get3A_424 = tpu.vector_load %arg28[%get3A_423] {strides = array<i32>} : memref<1280xf32, #tpu.memory_space<vmem>>, vector<16xf32>,
              %gather3A_425 = tpu.vector_load_idx %arg13[%get3A_420] : memref<40000xf32, #tpu.memory_space<vmem>>[vector<16xi32>], vector<16xf32>,
              %mul3A_426 = arith.mulf %get3A_424, %gather3A_425 : vector<16xf32>
              tpu.vector_store_idx %arg14[%get3A_422], %mul3A_426 {add = true} : memref<40000xf32, #tpu.memory_space<vmem>>[vector<16xi32>], vector<16xf32>,
              %gather3A_427 = tpu.vector_load_idx %arg13[%get3A_422] : memref<40000xf32, #tpu.memory_space<vmem>>[vector<16xi32>], vector<16xf32>,
              %mul3A_428 = arith.mulf %get3A_424, %gather3A_427 : vector<16xf32>
              tpu.vector_store_idx %arg14[%get3A_420], %mul3A_428 {add = true} : memref<40000xf32, #tpu.memory_space<vmem>>[vector<16xi32>], vector<16xf32>,
              %add3A_429 = arith.constant 10000 : i32
              %add3A_430 = vector.broadcast %add3A_429 : i32 to vector<16xi32>
              %add3A_431 = arith.addi %get3A_420, %add3A_430 : vector<16xi32>
              %add3A_432 = arith.constant 10000 : i32
              %add3A_433 = vector.broadcast %add3A_432 : i32 to vector<16xi32>
              %add3A_434 = arith.addi %get3A_422, %add3A_433 : vector<16xi32>
              %gather3A_435 = tpu.vector_load_idx %arg13[%add3A_431] : memref<40000xf32, #tpu.memory_space<vmem>>[vector<16xi32>], vector<16xf32>,
              %mul3A_436 = arith.mulf %get3A_424, %gather3A_435 : vector<16xf32>
              tpu.vector_store_idx %arg14[%add3A_434], %mul3A_436 {add = true} : memref<40000xf32, #tpu.memory_space<vmem>>[vector<16xi32>], vector<16xf32>,
              %gather3A_437 = tpu.vector_load_idx %arg13[%add3A_434] : memref<40000xf32, #tpu.memory_space<vmem>>[vector<16xi32>], vector<16xf32>,
              %mul3A_438 = arith.mulf %get3A_424, %gather3A_437 : vector<16xf32>
              tpu.vector_store_idx %arg14[%add3A_431], %mul3A_438 {add = true} : memref<40000xf32, #tpu.memory_space<vmem>>[vector<16xi32>], vector<16xf32>,
              %add3A_439 = arith.constant 20000 : i32
              %add3A_440 = vector.broadcast %add3A_439 : i32 to vector<16xi32>
              %add3A_441 = arith.addi %get3A_420, %add3A_440 : vector<16xi32>
              %add3A_442 = arith.constant 20000 : i32
              %add3A_443 = vector.broadcast %add3A_442 : i32 to vector<16xi32>
              %add3A_444 = arith.addi %get3A_422, %add3A_443 : vector<16xi32>
              %gather3A_445 = tpu.vector_load_idx %arg13[%add3A_441] : memref<40000xf32, #tpu.memory_space<vmem>>[vector<16xi32>], vector<16xf32>,
              %mul3A_446 = arith.mulf %get3A_424, %gather3A_445 : vector<16xf32>
              tpu.vector_store_idx %arg14[%add3A_444], %mul3A_446 {add = true} : memref<40000xf32, #tpu.memory_space<vmem>>[vector<16xi32>], vector<16xf32>,
              %gather3A_447 = tpu.vector_load_idx %arg13[%add3A_444] : memref<40000xf32, #tpu.memory_space<vmem>>[vector<16xi32>], vector<16xf32>,
              %mul3A_448 = arith.mulf %get3A_424, %gather3A_447 : vector<16xf32>
              tpu.vector_store_idx %arg14[%add3A_441], %mul3A_448 {add = true} : memref<40000xf32, #tpu.memory_space<vmem>>[vector<16xi32>], vector<16xf32>,
              %add3A_449 = arith.constant 30000 : i32
              %add3A_450 = vector.broadcast %add3A_449 : i32 to vector<16xi32>
              %add3A_451 = arith.addi %get3A_420, %add3A_450 : vector<16xi32>
              %add3A_452 = arith.constant 30000 : i32
              %add3A_453 = vector.broadcast %add3A_452 : i32 to vector<16xi32>
              %add3A_454 = arith.addi %get3A_422, %add3A_453 : vector<16xi32>
              %gather3A_455 = tpu.vector_load_idx %arg13[%add3A_451] : memref<40000xf32, #tpu.memory_space<vmem>>[vector<16xi32>], vector<16xf32>,
              %mul3A_456 = arith.mulf %get3A_424, %gather3A_455 : vector<16xf32>
              tpu.vector_store_idx %arg14[%add3A_454], %mul3A_456 {add = true} : memref<40000xf32, #tpu.memory_space<vmem>>[vector<16xi32>], vector<16xf32>,
              %gather3A_457 = tpu.vector_load_idx %arg13[%add3A_454] : memref<40000xf32, #tpu.memory_space<vmem>>[vector<16xi32>], vector<16xf32>,
              %mul3A_458 = arith.mulf %get3A_424, %gather3A_457 : vector<16xf32>
              tpu.vector_store_idx %arg14[%add3A_451], %mul3A_458 {add = true} : memref<40000xf32, #tpu.memory_space<vmem>>[vector<16xi32>], vector<16xf32>,
              %while3A_459 = arith.constant 0 : i32
              scf.yield %while3A_459 : i32
            }
            %while3A_415 = arith.constant 0 : i32
            scf.yield %while3A_415 : i32
          }
          %while3A_365 = arith.constant 1 : i32
          %while3A_366 = scf.for %while3A_367 = %while3A_362 to %while3A_358 step %while3A_365 iter_args(%while3A_368 = %while3A_364) -> (i32)  : i32 {
            %mul3A_369 = arith.constant 10000 : i32
            %mul3A_370 = arith.muli %add3A_270, %mul3A_369 : i32
            %mul3A_371 = arith.constant 1280 : i32
            %mul3A_372 = arith.muli %while3A_367, %mul3A_371 : i32
            %add3A_373 = arith.addi %mul3A_370, %mul3A_372 : i32
            "tpu.region"() ({
              %run_scoped3A = tpu.sem_alloc : memref<!tpu.dma_semaphore, #tpu.memory_space<semaphore_mem>>
              %dma_start3A_416 = tpu.memref_slice %arg7[%add3A_373] : memref<320000xi32, #tpu.memory_space<hbm>> -> memref<1280xi32, #tpu.memory_space<hbm>>
              %dma_start3A_417 = tpu.memref_slice %arg7[%add3A_373] : memref<320000xi32, #tpu.memory_space<hbm>> -> memref<1280xi32, #tpu.memory_space<hbm>>
              tpu.enqueue_dma source(%dma_start3A_417 : memref<1280xi32, #tpu.memory_space<hbm>>) target(%arg26 : memref<1280xi32, #tpu.memory_space<vmem>>) target_semaphore(%run_scoped3A : memref<!tpu.dma_semaphore, #tpu.memory_space<semaphore_mem>>)
              %dma_wait3A_418 = tpu.memref_slice %arg7[%add3A_373] : memref<320000xi32, #tpu.memory_space<hbm>> -> memref<1280xi32, #tpu.memory_space<hbm>>
              %dma_wait3A_419 = tpu.memref_slice %arg7[%add3A_373] : memref<320000xi32, #tpu.memory_space<hbm>> -> memref<1280xi32, #tpu.memory_space<hbm>>
              tpu.wait_dma2 semaphore(%run_scoped3A : memref<!tpu.dma_semaphore, #tpu.memory_space<semaphore_mem>>) src(%dma_wait3A_419 : memref<1280xi32, #tpu.memory_space<hbm>>) dst(%arg26 : memref<1280xi32, #tpu.memory_space<vmem>>)
              tpu.yield
            }) : () -> ()
            "tpu.region"() ({
              %run_scoped3A = tpu.sem_alloc : memref<!tpu.dma_semaphore, #tpu.memory_space<semaphore_mem>>
              %dma_start3A_416 = tpu.memref_slice %arg8[%add3A_373] : memref<320000xi32, #tpu.memory_space<hbm>> -> memref<1280xi32, #tpu.memory_space<hbm>>
              %dma_start3A_417 = tpu.memref_slice %arg8[%add3A_373] : memref<320000xi32, #tpu.memory_space<hbm>> -> memref<1280xi32, #tpu.memory_space<hbm>>
              tpu.enqueue_dma source(%dma_start3A_417 : memref<1280xi32, #tpu.memory_space<hbm>>) target(%arg27 : memref<1280xi32, #tpu.memory_space<vmem>>) target_semaphore(%run_scoped3A : memref<!tpu.dma_semaphore, #tpu.memory_space<semaphore_mem>>)
              %dma_wait3A_418 = tpu.memref_slice %arg8[%add3A_373] : memref<320000xi32, #tpu.memory_space<hbm>> -> memref<1280xi32, #tpu.memory_space<hbm>>
              %dma_wait3A_419 = tpu.memref_slice %arg8[%add3A_373] : memref<320000xi32, #tpu.memory_space<hbm>> -> memref<1280xi32, #tpu.memory_space<hbm>>
              tpu.wait_dma2 semaphore(%run_scoped3A : memref<!tpu.dma_semaphore, #tpu.memory_space<semaphore_mem>>) src(%dma_wait3A_419 : memref<1280xi32, #tpu.memory_space<hbm>>) dst(%arg27 : memref<1280xi32, #tpu.memory_space<vmem>>)
              tpu.yield
            }) : () -> ()
            "tpu.region"() ({
              %run_scoped3A = tpu.sem_alloc : memref<!tpu.dma_semaphore, #tpu.memory_space<semaphore_mem>>
              %dma_start3A_416 = tpu.memref_slice %arg9[%add3A_373] : memref<320000xf32, #tpu.memory_space<hbm>> -> memref<1280xf32, #tpu.memory_space<hbm>>
              %dma_start3A_417 = tpu.memref_slice %arg9[%add3A_373] : memref<320000xf32, #tpu.memory_space<hbm>> -> memref<1280xf32, #tpu.memory_space<hbm>>
              tpu.enqueue_dma source(%dma_start3A_417 : memref<1280xf32, #tpu.memory_space<hbm>>) target(%arg28 : memref<1280xf32, #tpu.memory_space<vmem>>) target_semaphore(%run_scoped3A : memref<!tpu.dma_semaphore, #tpu.memory_space<semaphore_mem>>)
              %dma_wait3A_418 = tpu.memref_slice %arg9[%add3A_373] : memref<320000xf32, #tpu.memory_space<hbm>> -> memref<1280xf32, #tpu.memory_space<hbm>>
              %dma_wait3A_419 = tpu.memref_slice %arg9[%add3A_373] : memref<320000xf32, #tpu.memory_space<hbm>> -> memref<1280xf32, #tpu.memory_space<hbm>>
              tpu.wait_dma2 semaphore(%run_scoped3A : memref<!tpu.dma_semaphore, #tpu.memory_space<semaphore_mem>>) src(%dma_wait3A_419 : memref<1280xf32, #tpu.memory_space<hbm>>) dst(%arg28 : memref<1280xf32, #tpu.memory_space<vmem>>)
              tpu.yield
            }) : () -> ()
            %mul3A_374 = arith.constant 1280 : i32
            %mul3A_375 = arith.muli %while3A_367, %mul3A_374 : i32
            %sub3A_376 = arith.subi %reduce_max3A_282, %mul3A_375 : i32
            %min3A_377 = arith.constant 1280 : i32
            %min3A_378 = arith.minsi %sub3A_376, %min3A_377 : i32
            %jit3A_379 = arith.constant 16 : i32
            %div3A_380 = arith.divsi %min3A_378, %jit3A_379 : i32
            %sign3A_381 = arith.constant 0 : i32
            %sign3A_382 = arith.cmpi sgt, %min3A_378, %sign3A_381 : i32
            %sign3A_383 = arith.extui %sign3A_382 : i1 to i32
            %sign3A_384 = arith.constant 0 : i32
            %sign3A_385 = arith.cmpi slt, %min3A_378, %sign3A_384 : i32
            %sign3A_386 = arith.extui %sign3A_385 : i1 to i32
            %sign3A_387 = arith.subi %sign3A_383, %sign3A_386 : i32
            %sign3A_388 = arith.constant 0 : i32
            %sign3A_389 = arith.cmpi sgt, %jit3A_379, %sign3A_388 : i32
            %sign3A_390 = arith.extui %sign3A_389 : i1 to i32
            %sign3A_391 = arith.constant 0 : i32
            %sign3A_392 = arith.cmpi slt, %jit3A_379, %sign3A_391 : i32
            %sign3A_393 = arith.extui %sign3A_392 : i1 to i32
            %sign3A_394 = arith.subi %sign3A_390, %sign3A_393 : i32
            %ne3A_395 = arith.cmpi ne, %sign3A_387, %sign3A_394 : i32
            %rem3A_396 = arith.remsi %min3A_378, %jit3A_379 : i32
            %ne3A_397 = arith.constant 0 : i32
            %ne3A_398 = arith.cmpi ne, %rem3A_396, %ne3A_397 : i32
            %and3A_399 = arith.andi %ne3A_395, %ne3A_398 : i1
            %sub3A_400 = arith.constant 1 : i32
            %sub3A_401 = arith.subi %div3A_380, %sub3A_400 : i32
            %select_n3A_402 = arith.select %and3A_399, %sub3A_401, %div3A_380 : i32
            %while3A_403 = arith.constant 0 : i32
            %while3A_404 = arith.constant 0 : i32
            %while3A_405 = arith.subi %select_n3A_402, %while3A_403 : i32
            %while3A_406 = arith.addi %while3A_403, %while3A_405 : i32
            %while3A_407 = arith.constant 1 : i32
            %while3A_408 = arith.divsi %while3A_405, %while3A_407 : i32
            %while3A_409 = arith.muli %while3A_408, %while3A_407 : i32
            %while3A_410 = arith.addi %while3A_403, %while3A_409 : i32
            %while3A_411 = arith.constant 1 : i32
            %while3A_412 = scf.for %while3A_416 = %while3A_403 to %while3A_410 step %while3A_411 iter_args(%while3A_417 = %while3A_404) -> (i32)  : i32 {
              %mul3A_418 = arith.constant 16 : i32
              %mul3A_419 = arith.muli %while3A_416, %mul3A_418 : i32
              %get3A = arith.index_cast %mul3A_419 : i32 to index
              %get3A_420 = tpu.vector_load %arg26[%get3A] {strides = array<i32>} : memref<1280xi32, #tpu.memory_space<vmem>>, vector<16xi32>,
              %get3A_421 = arith.index_cast %mul3A_419 : i32 to index
              %get3A_422 = tpu.vector_load %arg27[%get3A_421] {strides = array<i32>} : memref<1280xi32, #tpu.memory_space<vmem>>, vector<16xi32>,
              %get3A_423 = arith.index_cast %mul3A_419 : i32 to index
              %get3A_424 = tpu.vector_load %arg28[%get3A_423] {strides = array<i32>} : memref<1280xf32, #tpu.memory_space<vmem>>, vector<16xf32>,
              %gather3A_425 = tpu.vector_load_idx %arg13[%get3A_420] : memref<40000xf32, #tpu.memory_space<vmem>>[vector<16xi32>], vector<16xf32>,
              %mul3A_426 = arith.mulf %get3A_424, %gather3A_425 : vector<16xf32>
              tpu.vector_store_idx %arg14[%get3A_422], %mul3A_426 {add = true} : memref<40000xf32, #tpu.memory_space<vmem>>[vector<16xi32>], vector<16xf32>,
              %gather3A_427 = tpu.vector_load_idx %arg13[%get3A_422] : memref<40000xf32, #tpu.memory_space<vmem>>[vector<16xi32>], vector<16xf32>,
              %mul3A_428 = arith.mulf %get3A_424, %gather3A_427 : vector<16xf32>
              tpu.vector_store_idx %arg14[%get3A_420], %mul3A_428 {add = true} : memref<40000xf32, #tpu.memory_space<vmem>>[vector<16xi32>], vector<16xf32>,
              %add3A_429 = arith.constant 10000 : i32
              %add3A_430 = vector.broadcast %add3A_429 : i32 to vector<16xi32>
              %add3A_431 = arith.addi %get3A_420, %add3A_430 : vector<16xi32>
              %add3A_432 = arith.constant 10000 : i32
              %add3A_433 = vector.broadcast %add3A_432 : i32 to vector<16xi32>
              %add3A_434 = arith.addi %get3A_422, %add3A_433 : vector<16xi32>
              %gather3A_435 = tpu.vector_load_idx %arg13[%add3A_431] : memref<40000xf32, #tpu.memory_space<vmem>>[vector<16xi32>], vector<16xf32>,
              %mul3A_436 = arith.mulf %get3A_424, %gather3A_435 : vector<16xf32>
              tpu.vector_store_idx %arg14[%add3A_434], %mul3A_436 {add = true} : memref<40000xf32, #tpu.memory_space<vmem>>[vector<16xi32>], vector<16xf32>,
              %gather3A_437 = tpu.vector_load_idx %arg13[%add3A_434] : memref<40000xf32, #tpu.memory_space<vmem>>[vector<16xi32>], vector<16xf32>,
              %mul3A_438 = arith.mulf %get3A_424, %gather3A_437 : vector<16xf32>
              tpu.vector_store_idx %arg14[%add3A_431], %mul3A_438 {add = true} : memref<40000xf32, #tpu.memory_space<vmem>>[vector<16xi32>], vector<16xf32>,
              %add3A_439 = arith.constant 20000 : i32
              %add3A_440 = vector.broadcast %add3A_439 : i32 to vector<16xi32>
              %add3A_441 = arith.addi %get3A_420, %add3A_440 : vector<16xi32>
              %add3A_442 = arith.constant 20000 : i32
              %add3A_443 = vector.broadcast %add3A_442 : i32 to vector<16xi32>
              %add3A_444 = arith.addi %get3A_422, %add3A_443 : vector<16xi32>
              %gather3A_445 = tpu.vector_load_idx %arg13[%add3A_441] : memref<40000xf32, #tpu.memory_space<vmem>>[vector<16xi32>], vector<16xf32>,
              %mul3A_446 = arith.mulf %get3A_424, %gather3A_445 : vector<16xf32>
              tpu.vector_store_idx %arg14[%add3A_444], %mul3A_446 {add = true} : memref<40000xf32, #tpu.memory_space<vmem>>[vector<16xi32>], vector<16xf32>,
              %gather3A_447 = tpu.vector_load_idx %arg13[%add3A_444] : memref<40000xf32, #tpu.memory_space<vmem>>[vector<16xi32>], vector<16xf32>,
              %mul3A_448 = arith.mulf %get3A_424, %gather3A_447 : vector<16xf32>
              tpu.vector_store_idx %arg14[%add3A_441], %mul3A_448 {add = true} : memref<40000xf32, #tpu.memory_space<vmem>>[vector<16xi32>], vector<16xf32>,
              %add3A_449 = arith.constant 30000 : i32
              %add3A_450 = vector.broadcast %add3A_449 : i32 to vector<16xi32>
              %add3A_451 = arith.addi %get3A_420, %add3A_450 : vector<16xi32>
              %add3A_452 = arith.constant 30000 : i32
              %add3A_453 = vector.broadcast %add3A_452 : i32 to vector<16xi32>
              %add3A_454 = arith.addi %get3A_422, %add3A_453 : vector<16xi32>
              %gather3A_455 = tpu.vector_load_idx %arg13[%add3A_451] : memref<40000xf32, #tpu.memory_space<vmem>>[vector<16xi32>], vector<16xf32>,
              %mul3A_456 = arith.mulf %get3A_424, %gather3A_455 : vector<16xf32>
              tpu.vector_store_idx %arg14[%add3A_454], %mul3A_456 {add = true} : memref<40000xf32, #tpu.memory_space<vmem>>[vector<16xi32>], vector<16xf32>,
              %gather3A_457 = tpu.vector_load_idx %arg13[%add3A_454] : memref<40000xf32, #tpu.memory_space<vmem>>[vector<16xi32>], vector<16xf32>,
              %mul3A_458 = arith.mulf %get3A_424, %gather3A_457 : vector<16xf32>
              tpu.vector_store_idx %arg14[%add3A_451], %mul3A_458 {add = true} : memref<40000xf32, #tpu.memory_space<vmem>>[vector<16xi32>], vector<16xf32>,
              %while3A_459 = arith.constant 0 : i32
              scf.yield %while3A_459 : i32
            }
            %while3A_413 = arith.constant 1 : i32
            %while3A_414 = scf.for %while3A_416 = %while3A_410 to %while3A_406 step %while3A_413 iter_args(%while3A_417 = %while3A_412) -> (i32)  : i32 {
              %mul3A_418 = arith.constant 16 : i32
              %mul3A_419 = arith.muli %while3A_416, %mul3A_418 : i32
              %get3A = arith.index_cast %mul3A_419 : i32 to index
              %get3A_420 = tpu.vector_load %arg26[%get3A] {strides = array<i32>} : memref<1280xi32, #tpu.memory_space<vmem>>, vector<16xi32>,
              %get3A_421 = arith.index_cast %mul3A_419 : i32 to index
              %get3A_422 = tpu.vector_load %arg27[%get3A_421] {strides = array<i32>} : memref<1280xi32, #tpu.memory_space<vmem>>, vector<16xi32>,
              %get3A_423 = arith.index_cast %mul3A_419 : i32 to index
              %get3A_424 = tpu.vector_load %arg28[%get3A_423] {strides = array<i32>} : memref<1280xf32, #tpu.memory_space<vmem>>, vector<16xf32>,
              %gather3A_425 = tpu.vector_load_idx %arg13[%get3A_420] : memref<40000xf32, #tpu.memory_space<vmem>>[vector<16xi32>], vector<16xf32>,
              %mul3A_426 = arith.mulf %get3A_424, %gather3A_425 : vector<16xf32>
              tpu.vector_store_idx %arg14[%get3A_422], %mul3A_426 {add = true} : memref<40000xf32, #tpu.memory_space<vmem>>[vector<16xi32>], vector<16xf32>,
              %gather3A_427 = tpu.vector_load_idx %arg13[%get3A_422] : memref<40000xf32, #tpu.memory_space<vmem>>[vector<16xi32>], vector<16xf32>,
              %mul3A_428 = arith.mulf %get3A_424, %gather3A_427 : vector<16xf32>
              tpu.vector_store_idx %arg14[%get3A_420], %mul3A_428 {add = true} : memref<40000xf32, #tpu.memory_space<vmem>>[vector<16xi32>], vector<16xf32>,
              %add3A_429 = arith.constant 10000 : i32
              %add3A_430 = vector.broadcast %add3A_429 : i32 to vector<16xi32>
              %add3A_431 = arith.addi %get3A_420, %add3A_430 : vector<16xi32>
              %add3A_432 = arith.constant 10000 : i32
              %add3A_433 = vector.broadcast %add3A_432 : i32 to vector<16xi32>
              %add3A_434 = arith.addi %get3A_422, %add3A_433 : vector<16xi32>
              %gather3A_435 = tpu.vector_load_idx %arg13[%add3A_431] : memref<40000xf32, #tpu.memory_space<vmem>>[vector<16xi32>], vector<16xf32>,
              %mul3A_436 = arith.mulf %get3A_424, %gather3A_435 : vector<16xf32>
              tpu.vector_store_idx %arg14[%add3A_434], %mul3A_436 {add = true} : memref<40000xf32, #tpu.memory_space<vmem>>[vector<16xi32>], vector<16xf32>,
              %gather3A_437 = tpu.vector_load_idx %arg13[%add3A_434] : memref<40000xf32, #tpu.memory_space<vmem>>[vector<16xi32>], vector<16xf32>,
              %mul3A_438 = arith.mulf %get3A_424, %gather3A_437 : vector<16xf32>
              tpu.vector_store_idx %arg14[%add3A_431], %mul3A_438 {add = true} : memref<40000xf32, #tpu.memory_space<vmem>>[vector<16xi32>], vector<16xf32>,
              %add3A_439 = arith.constant 20000 : i32
              %add3A_440 = vector.broadcast %add3A_439 : i32 to vector<16xi32>
              %add3A_441 = arith.addi %get3A_420, %add3A_440 : vector<16xi32>
              %add3A_442 = arith.constant 20000 : i32
              %add3A_443 = vector.broadcast %add3A_442 : i32 to vector<16xi32>
              %add3A_444 = arith.addi %get3A_422, %add3A_443 : vector<16xi32>
              %gather3A_445 = tpu.vector_load_idx %arg13[%add3A_441] : memref<40000xf32, #tpu.memory_space<vmem>>[vector<16xi32>], vector<16xf32>,
              %mul3A_446 = arith.mulf %get3A_424, %gather3A_445 : vector<16xf32>
              tpu.vector_store_idx %arg14[%add3A_444], %mul3A_446 {add = true} : memref<40000xf32, #tpu.memory_space<vmem>>[vector<16xi32>], vector<16xf32>,
              %gather3A_447 = tpu.vector_load_idx %arg13[%add3A_444] : memref<40000xf32, #tpu.memory_space<vmem>>[vector<16xi32>], vector<16xf32>,
              %mul3A_448 = arith.mulf %get3A_424, %gather3A_447 : vector<16xf32>
              tpu.vector_store_idx %arg14[%add3A_441], %mul3A_448 {add = true} : memref<40000xf32, #tpu.memory_space<vmem>>[vector<16xi32>], vector<16xf32>,
              %add3A_449 = arith.constant 30000 : i32
              %add3A_450 = vector.broadcast %add3A_449 : i32 to vector<16xi32>
              %add3A_451 = arith.addi %get3A_420, %add3A_450 : vector<16xi32>
              %add3A_452 = arith.constant 30000 : i32
              %add3A_453 = vector.broadcast %add3A_452 : i32 to vector<16xi32>
              %add3A_454 = arith.addi %get3A_422, %add3A_453 : vector<16xi32>
              %gather3A_455 = tpu.vector_load_idx %arg13[%add3A_451] : memref<40000xf32, #tpu.memory_space<vmem>>[vector<16xi32>], vector<16xf32>,
              %mul3A_456 = arith.mulf %get3A_424, %gather3A_455 : vector<16xf32>
              tpu.vector_store_idx %arg14[%add3A_454], %mul3A_456 {add = true} : memref<40000xf32, #tpu.memory_space<vmem>>[vector<16xi32>], vector<16xf32>,
              %gather3A_457 = tpu.vector_load_idx %arg13[%add3A_454] : memref<40000xf32, #tpu.memory_space<vmem>>[vector<16xi32>], vector<16xf32>,
              %mul3A_458 = arith.mulf %get3A_424, %gather3A_457 : vector<16xf32>
              tpu.vector_store_idx %arg14[%add3A_451], %mul3A_458 {add = true} : memref<40000xf32, #tpu.memory_space<vmem>>[vector<16xi32>], vector<16xf32>,
              %while3A_459 = arith.constant 0 : i32
              scf.yield %while3A_459 : i32
            }
            %while3A_415 = arith.constant 0 : i32
            scf.yield %while3A_415 : i32
          }
        } else {
        }
        %scan3A_326 = arith.constant 0 : i32
        scf.yield %scan3A_326 : i32
      }
      %scan3A_146 = arith.constant 16 : i32
      %scan3A_147 = arith.constant 0 : i32
      %scan3A_148 = arith.constant 0 : i32
      %scan3A_149 = arith.constant 625 : i32
      %scan3A_150 = arith.addi %scan3A_148, %scan3A_149 : i32
      %scan3A_151 = arith.constant 1 : i32
      %scan3A_152 = scf.for %scan3A_183 = %scan3A_148 to %scan3A_150 step %scan3A_151 iter_args(%scan3A_184 = %scan3A_147) -> (i32)  : i32 {
        %mul3A_185 = arith.constant 16 : i32
        %mul3A_186 = arith.muli %scan3A_183, %mul3A_185 : i32
        %get3A = arith.index_cast %mul3A_186 : i32 to index
        %get3A_187 = tpu.vector_load %arg15[%get3A] {strides = array<i32>} : memref<10240xf32, #tpu.memory_space<vmem>>, vector<16xf32>,
        %mul3A_188 = arith.mulf %get3A_187, %get3A_187 : vector<16xf32>
        %mul3A_189 = arith.constant 16 : i32
        %mul3A_190 = arith.muli %scan3A_183, %mul3A_189 : i32
        %add3A_191 = arith.constant 0 : i32
        %add3A_192 = arith.addi %add3A_191, %mul3A_190 : i32
        %get3A_193 = arith.index_cast %add3A_192 : i32 to index
        %get3A_194 = tpu.vector_load %arg14[%get3A_193] {strides = array<i32>} : memref<40000xf32, #tpu.memory_space<vmem>>, vector<16xf32>,
        %get3A_195 = arith.index_cast %add3A_192 : i32 to index
        %get3A_196 = tpu.vector_load %arg13[%get3A_195] {strides = array<i32>} : memref<40000xf32, #tpu.memory_space<vmem>>, vector<16xf32>,
        %mul3A_197 = arith.mulf %mul3A_188, %get3A_196 : vector<16xf32>
        %add3A_198 = arith.addf %get3A_194, %mul3A_197 : vector<16xf32>
        %swap3A = arith.index_cast %add3A_192 : i32 to index
        %swap3A_199 = tpu.vector_load %arg14[%swap3A] {strides = array<i32>} : memref<40000xf32, #tpu.memory_space<vmem>>, vector<16xf32>,
        tpu.vector_store %arg14[%swap3A], %add3A_198 {strides = array<i32>} : memref<40000xf32, #tpu.memory_space<vmem>>, vector<16xf32>,
        %mul3A_200 = arith.constant 16 : i32
        %mul3A_201 = arith.muli %scan3A_183, %mul3A_200 : i32
        %add3A_202 = arith.constant 10000 : i32
        %add3A_203 = arith.addi %add3A_202, %mul3A_201 : i32
        %get3A_204 = arith.index_cast %add3A_203 : i32 to index
        %get3A_205 = tpu.vector_load %arg14[%get3A_204] {strides = array<i32>} : memref<40000xf32, #tpu.memory_space<vmem>>, vector<16xf32>,
        %get3A_206 = arith.index_cast %add3A_203 : i32 to index
        %get3A_207 = tpu.vector_load %arg13[%get3A_206] {strides = array<i32>} : memref<40000xf32, #tpu.memory_space<vmem>>, vector<16xf32>,
        %mul3A_208 = arith.mulf %mul3A_188, %get3A_207 : vector<16xf32>
        %add3A_209 = arith.addf %get3A_205, %mul3A_208 : vector<16xf32>
        %swap3A_210 = arith.index_cast %add3A_203 : i32 to index
        %swap3A_211 = tpu.vector_load %arg14[%swap3A_210] {strides = array<i32>} : memref<40000xf32, #tpu.memory_space<vmem>>, vector<16xf32>,
        tpu.vector_store %arg14[%swap3A_210], %add3A_209 {strides = array<i32>} : memref<40000xf32, #tpu.memory_space<vmem>>, vector<16xf32>,
        %mul3A_212 = arith.constant 16 : i32
        %mul3A_213 = arith.muli %scan3A_183, %mul3A_212 : i32
        %add3A_214 = arith.constant 20000 : i32
        %add3A_215 = arith.addi %add3A_214, %mul3A_213 : i32
        %get3A_216 = arith.index_cast %add3A_215 : i32 to index
        %get3A_217 = tpu.vector_load %arg14[%get3A_216] {strides = array<i32>} : memref<40000xf32, #tpu.memory_space<vmem>>, vector<16xf32>,
        %get3A_218 = arith.index_cast %add3A_215 : i32 to index
        %get3A_219 = tpu.vector_load %arg13[%get3A_218] {strides = array<i32>} : memref<40000xf32, #tpu.memory_space<vmem>>, vector<16xf32>,
        %mul3A_220 = arith.mulf %mul3A_188, %get3A_219 : vector<16xf32>
        %add3A_221 = arith.addf %get3A_217, %mul3A_220 : vector<16xf32>
        %swap3A_222 = arith.index_cast %add3A_215 : i32 to index
        %swap3A_223 = tpu.vector_load %arg14[%swap3A_222] {strides = array<i32>} : memref<40000xf32, #tpu.memory_space<vmem>>, vector<16xf32>,
        tpu.vector_store %arg14[%swap3A_222], %add3A_221 {strides = array<i32>} : memref<40000xf32, #tpu.memory_space<vmem>>, vector<16xf32>,
        %mul3A_224 = arith.constant 16 : i32
        %mul3A_225 = arith.muli %scan3A_183, %mul3A_224 : i32
        %add3A_226 = arith.constant 30000 : i32
        %add3A_227 = arith.addi %add3A_226, %mul3A_225 : i32
        %get3A_228 = arith.index_cast %add3A_227 : i32 to index
        %get3A_229 = tpu.vector_load %arg14[%get3A_228] {strides = array<i32>} : memref<40000xf32, #tpu.memory_space<vmem>>, vector<16xf32>,
        %get3A_230 = arith.index_cast %add3A_227 : i32 to index
        %get3A_231 = tpu.vector_load %arg13[%get3A_230] {strides = array<i32>} : memref<40000xf32, #tpu.memory_space<vmem>>, vector<16xf32>,
        %mul3A_232 = arith.mulf %mul3A_188, %get3A_231 : vector<16xf32>
        %add3A_233 = arith.addf %get3A_229, %mul3A_232 : vector<16xf32>
        %swap3A_234 = arith.index_cast %add3A_227 : i32 to index
        %swap3A_235 = tpu.vector_load %arg14[%swap3A_234] {strides = array<i32>} : memref<40000xf32, #tpu.memory_space<vmem>>, vector<16xf32>,
        tpu.vector_store %arg14[%swap3A_234], %add3A_233 {strides = array<i32>} : memref<40000xf32, #tpu.memory_space<vmem>>, vector<16xf32>,
        %scan3A_236 = arith.constant 0 : i32
        scf.yield %scan3A_236 : i32
      }
      %scan3A_153 = arith.constant 625 : i32
      %add3A_154 = arith.constant 0 : i32
      %add3A_155 = arith.addi %mul3A_68, %add3A_154 : i32
      %mul3A_156 = arith.constant 64 : i32
      %mul3A_157 = arith.muli %add3A_155, %mul3A_156 : i32
      %add3A_158 = arith.addi %mul3A_157, %add3A_92 : i32
      %mul3A_159 = arith.constant 10000 : i32
      %mul3A_160 = arith.muli %add3A_158, %mul3A_159 : i32
      "tpu.region"() ({
        %run_scoped3A = tpu.sem_alloc : memref<!tpu.dma_semaphore, #tpu.memory_space<semaphore_mem>>
        %dma_start3A_183 = arith.constant 0 : i32
        %dma_start3A_184 = tpu.memref_slice %arg14[%dma_start3A_183] : memref<40000xf32, #tpu.memory_space<vmem>> -> memref<10000xf32, #tpu.memory_space<vmem>>
        %dma_start3A_185 = tpu.memref_slice %arg12[%mul3A_160] : memref<5120000xf32, #tpu.memory_space<hbm>> -> memref<10000xf32, #tpu.memory_space<hbm>>
        %dma_start3A_186 = tpu.memref_slice %arg12[%mul3A_160] : memref<5120000xf32, #tpu.memory_space<hbm>> -> memref<10000xf32, #tpu.memory_space<hbm>>
        %dma_start3A_187 = arith.constant 0 : i32
        %dma_start3A_188 = tpu.memref_slice %arg14[%dma_start3A_187] : memref<40000xf32, #tpu.memory_space<vmem>> -> memref<10000xf32, #tpu.memory_space<vmem>>
        tpu.enqueue_dma source(%dma_start3A_188 : memref<10000xf32, #tpu.memory_space<vmem>>) target(%dma_start3A_186 : memref<10000xf32, #tpu.memory_space<hbm>>) target_semaphore(%run_scoped3A : memref<!tpu.dma_semaphore, #tpu.memory_space<semaphore_mem>>)
        %dma_wait3A = arith.constant 0 : i32
        %dma_wait3A_189 = tpu.memref_slice %arg14[%dma_wait3A] : memref<40000xf32, #tpu.memory_space<vmem>> -> memref<10000xf32, #tpu.memory_space<vmem>>
        %dma_wait3A_190 = tpu.memref_slice %arg12[%mul3A_160] : memref<5120000xf32, #tpu.memory_space<hbm>> -> memref<10000xf32, #tpu.memory_space<hbm>>
        %dma_wait3A_191 = tpu.memref_slice %arg12[%mul3A_160] : memref<5120000xf32, #tpu.memory_space<hbm>> -> memref<10000xf32, #tpu.memory_space<hbm>>
        %dma_wait3A_192 = arith.constant 0 : i32
        %dma_wait3A_193 = tpu.memref_slice %arg14[%dma_wait3A_192] : memref<40000xf32, #tpu.memory_space<vmem>> -> memref<10000xf32, #tpu.memory_space<vmem>>
        tpu.wait_dma2 semaphore(%run_scoped3A : memref<!tpu.dma_semaphore, #tpu.memory_space<semaphore_mem>>) src(%dma_wait3A_193 : memref<10000xf32, #tpu.memory_space<vmem>>) dst(%dma_wait3A_191 : memref<10000xf32, #tpu.memory_space<hbm>>)
        tpu.yield
      }) : () -> ()
      %add3A_161 = arith.constant 1 : i32
      %add3A_162 = arith.addi %mul3A_68, %add3A_161 : i32
      %mul3A_163 = arith.constant 64 : i32
      %mul3A_164 = arith.muli %add3A_162, %mul3A_163 : i32
      %add3A_165 = arith.addi %mul3A_164, %add3A_92 : i32
      %mul3A_166 = arith.constant 10000 : i32
      %mul3A_167 = arith.muli %add3A_165, %mul3A_166 : i32
      "tpu.region"() ({
        %run_scoped3A = tpu.sem_alloc : memref<!tpu.dma_semaphore, #tpu.memory_space<semaphore_mem>>
        %dma_start3A_183 = arith.constant 10000 : i32
        %dma_start3A_184 = tpu.memref_slice %arg14[%dma_start3A_183] : memref<40000xf32, #tpu.memory_space<vmem>> -> memref<10000xf32, #tpu.memory_space<vmem>>
        %dma_start3A_185 = tpu.memref_slice %arg12[%mul3A_167] : memref<5120000xf32, #tpu.memory_space<hbm>> -> memref<10000xf32, #tpu.memory_space<hbm>>
        %dma_start3A_186 = tpu.memref_slice %arg12[%mul3A_167] : memref<5120000xf32, #tpu.memory_space<hbm>> -> memref<10000xf32, #tpu.memory_space<hbm>>
        %dma_start3A_187 = arith.constant 10000 : i32
        %dma_start3A_188 = tpu.memref_slice %arg14[%dma_start3A_187] : memref<40000xf32, #tpu.memory_space<vmem>> -> memref<10000xf32, #tpu.memory_space<vmem>>
        tpu.enqueue_dma source(%dma_start3A_188 : memref<10000xf32, #tpu.memory_space<vmem>>) target(%dma_start3A_186 : memref<10000xf32, #tpu.memory_space<hbm>>) target_semaphore(%run_scoped3A : memref<!tpu.dma_semaphore, #tpu.memory_space<semaphore_mem>>)
        %dma_wait3A = arith.constant 10000 : i32
        %dma_wait3A_189 = tpu.memref_slice %arg14[%dma_wait3A] : memref<40000xf32, #tpu.memory_space<vmem>> -> memref<10000xf32, #tpu.memory_space<vmem>>
        %dma_wait3A_190 = tpu.memref_slice %arg12[%mul3A_167] : memref<5120000xf32, #tpu.memory_space<hbm>> -> memref<10000xf32, #tpu.memory_space<hbm>>
        %dma_wait3A_191 = tpu.memref_slice %arg12[%mul3A_167] : memref<5120000xf32, #tpu.memory_space<hbm>> -> memref<10000xf32, #tpu.memory_space<hbm>>
        %dma_wait3A_192 = arith.constant 10000 : i32
        %dma_wait3A_193 = tpu.memref_slice %arg14[%dma_wait3A_192] : memref<40000xf32, #tpu.memory_space<vmem>> -> memref<10000xf32, #tpu.memory_space<vmem>>
        tpu.wait_dma2 semaphore(%run_scoped3A : memref<!tpu.dma_semaphore, #tpu.memory_space<semaphore_mem>>) src(%dma_wait3A_193 : memref<10000xf32, #tpu.memory_space<vmem>>) dst(%dma_wait3A_191 : memref<10000xf32, #tpu.memory_space<hbm>>)
        tpu.yield
      }) : () -> ()
      %add3A_168 = arith.constant 2 : i32
      %add3A_169 = arith.addi %mul3A_68, %add3A_168 : i32
      %mul3A_170 = arith.constant 64 : i32
      %mul3A_171 = arith.muli %add3A_169, %mul3A_170 : i32
      %add3A_172 = arith.addi %mul3A_171, %add3A_92 : i32
      %mul3A_173 = arith.constant 10000 : i32
      %mul3A_174 = arith.muli %add3A_172, %mul3A_173 : i32
      "tpu.region"() ({
        %run_scoped3A = tpu.sem_alloc : memref<!tpu.dma_semaphore, #tpu.memory_space<semaphore_mem>>
        %dma_start3A_183 = arith.constant 20000 : i32
        %dma_start3A_184 = tpu.memref_slice %arg14[%dma_start3A_183] : memref<40000xf32, #tpu.memory_space<vmem>> -> memref<10000xf32, #tpu.memory_space<vmem>>
        %dma_start3A_185 = tpu.memref_slice %arg12[%mul3A_174] : memref<5120000xf32, #tpu.memory_space<hbm>> -> memref<10000xf32, #tpu.memory_space<hbm>>
        %dma_start3A_186 = tpu.memref_slice %arg12[%mul3A_174] : memref<5120000xf32, #tpu.memory_space<hbm>> -> memref<10000xf32, #tpu.memory_space<hbm>>
        %dma_start3A_187 = arith.constant 20000 : i32
        %dma_start3A_188 = tpu.memref_slice %arg14[%dma_start3A_187] : memref<40000xf32, #tpu.memory_space<vmem>> -> memref<10000xf32, #tpu.memory_space<vmem>>
        tpu.enqueue_dma source(%dma_start3A_188 : memref<10000xf32, #tpu.memory_space<vmem>>) target(%dma_start3A_186 : memref<10000xf32, #tpu.memory_space<hbm>>) target_semaphore(%run_scoped3A : memref<!tpu.dma_semaphore, #tpu.memory_space<semaphore_mem>>)
        %dma_wait3A = arith.constant 20000 : i32
        %dma_wait3A_189 = tpu.memref_slice %arg14[%dma_wait3A] : memref<40000xf32, #tpu.memory_space<vmem>> -> memref<10000xf32, #tpu.memory_space<vmem>>
        %dma_wait3A_190 = tpu.memref_slice %arg12[%mul3A_174] : memref<5120000xf32, #tpu.memory_space<hbm>> -> memref<10000xf32, #tpu.memory_space<hbm>>
        %dma_wait3A_191 = tpu.memref_slice %arg12[%mul3A_174] : memref<5120000xf32, #tpu.memory_space<hbm>> -> memref<10000xf32, #tpu.memory_space<hbm>>
        %dma_wait3A_192 = arith.constant 20000 : i32
        %dma_wait3A_193 = tpu.memref_slice %arg14[%dma_wait3A_192] : memref<40000xf32, #tpu.memory_space<vmem>> -> memref<10000xf32, #tpu.memory_space<vmem>>
        tpu.wait_dma2 semaphore(%run_scoped3A : memref<!tpu.dma_semaphore, #tpu.memory_space<semaphore_mem>>) src(%dma_wait3A_193 : memref<10000xf32, #tpu.memory_space<vmem>>) dst(%dma_wait3A_191 : memref<10000xf32, #tpu.memory_space<hbm>>)
        tpu.yield
      }) : () -> ()
      %add3A_175 = arith.constant 3 : i32
      %add3A_176 = arith.addi %mul3A_68, %add3A_175 : i32
      %mul3A_177 = arith.constant 64 : i32
      %mul3A_178 = arith.muli %add3A_176, %mul3A_177 : i32
      %add3A_179 = arith.addi %mul3A_178, %add3A_92 : i32
      %mul3A_180 = arith.constant 10000 : i32
      %mul3A_181 = arith.muli %add3A_179, %mul3A_180 : i32
      "tpu.region"() ({
        %run_scoped3A = tpu.sem_alloc : memref<!tpu.dma_semaphore, #tpu.memory_space<semaphore_mem>>
        %dma_start3A_183 = arith.constant 30000 : i32
        %dma_start3A_184 = tpu.memref_slice %arg14[%dma_start3A_183] : memref<40000xf32, #tpu.memory_space<vmem>> -> memref<10000xf32, #tpu.memory_space<vmem>>
        %dma_start3A_185 = tpu.memref_slice %arg12[%mul3A_181] : memref<5120000xf32, #tpu.memory_space<hbm>> -> memref<10000xf32, #tpu.memory_space<hbm>>
        %dma_start3A_186 = tpu.memref_slice %arg12[%mul3A_181] : memref<5120000xf32, #tpu.memory_space<hbm>> -> memref<10000xf32, #tpu.memory_space<hbm>>
        %dma_start3A_187 = arith.constant 30000 : i32
        %dma_start3A_188 = tpu.memref_slice %arg14[%dma_start3A_187] : memref<40000xf32, #tpu.memory_space<vmem>> -> memref<10000xf32, #tpu.memory_space<vmem>>
        tpu.enqueue_dma source(%dma_start3A_188 : memref<10000xf32, #tpu.memory_space<vmem>>) target(%dma_start3A_186 : memref<10000xf32, #tpu.memory_space<hbm>>) target_semaphore(%run_scoped3A : memref<!tpu.dma_semaphore, #tpu.memory_space<semaphore_mem>>)
        %dma_wait3A = arith.constant 30000 : i32
        %dma_wait3A_189 = tpu.memref_slice %arg14[%dma_wait3A] : memref<40000xf32, #tpu.memory_space<vmem>> -> memref<10000xf32, #tpu.memory_space<vmem>>
        %dma_wait3A_190 = tpu.memref_slice %arg12[%mul3A_181] : memref<5120000xf32, #tpu.memory_space<hbm>> -> memref<10000xf32, #tpu.memory_space<hbm>>
        %dma_wait3A_191 = tpu.memref_slice %arg12[%mul3A_181] : memref<5120000xf32, #tpu.memory_space<hbm>> -> memref<10000xf32, #tpu.memory_space<hbm>>
        %dma_wait3A_192 = arith.constant 30000 : i32
        %dma_wait3A_193 = tpu.memref_slice %arg14[%dma_wait3A_192] : memref<40000xf32, #tpu.memory_space<vmem>> -> memref<10000xf32, #tpu.memory_space<vmem>>
        tpu.wait_dma2 semaphore(%run_scoped3A : memref<!tpu.dma_semaphore, #tpu.memory_space<semaphore_mem>>) src(%dma_wait3A_193 : memref<10000xf32, #tpu.memory_space<vmem>>) dst(%dma_wait3A_191 : memref<10000xf32, #tpu.memory_space<hbm>>)
        tpu.yield
      }) : () -> ()
      %scan3A_182 = arith.constant 0 : i32
      scf.yield %scan3A_182 : i32
    }
    %scan3A_55 = arith.constant 4 : i32
    return
  }
}

#map = affine_map<(d0, d1) -> (0)>
module attributes {stable_mosaic.version = 14 : i64} {
  func.func @_spmm1_kernel(%arg0: i32, %arg1: i32, %arg2: memref<320000xi32, #tpu.memory_space<hbm>>, %arg3: memref<320000xi32, #tpu.memory_space<hbm>>, %arg4: memref<640000xf32, #tpu.memory_space<hbm>>, %arg5: memref<20480xi32, #tpu.memory_space<hbm>>, %arg6: memref<128xi32, #tpu.memory_space<hbm>>, %arg7: memref<640000xf32, #tpu.memory_space<hbm>>, %arg8: memref<81920xf32, #tpu.memory_space<hbm>>, %arg9: memref<10240xf32, #tpu.memory_space<hbm>>, %arg10: memref<20000xf32, #tpu.memory_space<vmem>>, %arg11: memref<20000xf32, #tpu.memory_space<vmem>>, %arg12: memref<10240xf32, #tpu.memory_space<vmem>>, %arg13: memref<10240xf32, #tpu.memory_space<vmem>>, %arg14: memref<10240xi32, #tpu.memory_space<vmem>>, %arg15: memref<10240xi32, #tpu.memory_space<vmem>>, %arg16: memref<4000xi32, #tpu.memory_space<vmem>>, %arg17: memref<4000xi32, #tpu.memory_space<vmem>>, %arg18: memref<4000xi32, #tpu.memory_space<vmem>>, %arg19: memref<4000xi32, #tpu.memory_space<vmem>>, %arg20: memref<16xi32, #tpu.memory_space<vmem>>, %arg21: memref<!tpu.dma_semaphore, #tpu.memory_space<semaphore_mem>>, %arg22: memref<!tpu.dma_semaphore, #tpu.memory_space<semaphore_mem>>) attributes {dimension_semantics = [#tpu.dimension_semantics<core_parallel>, #tpu.dimension_semantics<subcore_parallel>], iteration_bounds = array<i64: 2, 16>, scalar_prefetch = 0 : i64, scratch_operands = 13 : i64, tpu.core_type = #tpu.core_type<sc_vector_subcore>, window_params = [{transform_indices = #map}, {transform_indices = #map}, {transform_indices = #map}, {transform_indices = #map}, {transform_indices = #map}, {transform_indices = #map}, {transform_indices = #map}, {transform_indices = #map}]} {
    %mul3A = arith.constant 2 : i32
    %mul3A_0 = arith.muli %arg1, %mul3A : i32
    %add3A = arith.addi %mul3A_0, %arg0 : i32
    "tpu.region"() ({
      %run_scoped3A = tpu.sem_alloc : memref<!tpu.dma_semaphore, #tpu.memory_space<semaphore_mem>>
      %dma_start3A = arith.constant 0 : i32
      %dma_start3A_67 = tpu.memref_slice %arg5[%dma_start3A] : memref<20480xi32, #tpu.memory_space<hbm>> -> memref<10240xi32, #tpu.memory_space<hbm>>
      %dma_start3A_68 = arith.constant 0 : i32
      %dma_start3A_69 = tpu.memref_slice %arg5[%dma_start3A_68] : memref<20480xi32, #tpu.memory_space<hbm>> -> memref<10240xi32, #tpu.memory_space<hbm>>
      tpu.enqueue_dma source(%dma_start3A_69 : memref<10240xi32, #tpu.memory_space<hbm>>) target(%arg14 : memref<10240xi32, #tpu.memory_space<vmem>>) target_semaphore(%run_scoped3A : memref<!tpu.dma_semaphore, #tpu.memory_space<semaphore_mem>>)
      %dma_wait3A = arith.constant 0 : i32
      %dma_wait3A_70 = tpu.memref_slice %arg5[%dma_wait3A] : memref<20480xi32, #tpu.memory_space<hbm>> -> memref<10240xi32, #tpu.memory_space<hbm>>
      %dma_wait3A_71 = arith.constant 0 : i32
      %dma_wait3A_72 = tpu.memref_slice %arg5[%dma_wait3A_71] : memref<20480xi32, #tpu.memory_space<hbm>> -> memref<10240xi32, #tpu.memory_space<hbm>>
      tpu.wait_dma2 semaphore(%run_scoped3A : memref<!tpu.dma_semaphore, #tpu.memory_space<semaphore_mem>>) src(%dma_wait3A_72 : memref<10240xi32, #tpu.memory_space<hbm>>) dst(%arg14 : memref<10240xi32, #tpu.memory_space<vmem>>)
      tpu.yield
    }) : () -> ()
    "tpu.region"() ({
      %run_scoped3A = tpu.sem_alloc : memref<!tpu.dma_semaphore, #tpu.memory_space<semaphore_mem>>
      %dma_start3A = arith.constant 10240 : i32
      %dma_start3A_67 = tpu.memref_slice %arg5[%dma_start3A] : memref<20480xi32, #tpu.memory_space<hbm>> -> memref<10240xi32, #tpu.memory_space<hbm>>
      %dma_start3A_68 = arith.constant 10240 : i32
      %dma_start3A_69 = tpu.memref_slice %arg5[%dma_start3A_68] : memref<20480xi32, #tpu.memory_space<hbm>> -> memref<10240xi32, #tpu.memory_space<hbm>>
      tpu.enqueue_dma source(%dma_start3A_69 : memref<10240xi32, #tpu.memory_space<hbm>>) target(%arg15 : memref<10240xi32, #tpu.memory_space<vmem>>) target_semaphore(%run_scoped3A : memref<!tpu.dma_semaphore, #tpu.memory_space<semaphore_mem>>)
      %dma_wait3A = arith.constant 10240 : i32
      %dma_wait3A_70 = tpu.memref_slice %arg5[%dma_wait3A] : memref<20480xi32, #tpu.memory_space<hbm>> -> memref<10240xi32, #tpu.memory_space<hbm>>
      %dma_wait3A_71 = arith.constant 10240 : i32
      %dma_wait3A_72 = tpu.memref_slice %arg5[%dma_wait3A_71] : memref<20480xi32, #tpu.memory_space<hbm>> -> memref<10240xi32, #tpu.memory_space<hbm>>
      tpu.wait_dma2 semaphore(%run_scoped3A : memref<!tpu.dma_semaphore, #tpu.memory_space<semaphore_mem>>) src(%dma_wait3A_72 : memref<10240xi32, #tpu.memory_space<hbm>>) dst(%arg15 : memref<10240xi32, #tpu.memory_space<vmem>>)
      tpu.yield
    }) : () -> ()
    %scan3A = arith.constant 0 : i32
    %scan3A_1 = arith.constant 0 : i32
    %scan3A_2 = arith.constant 640 : i32
    %scan3A_3 = arith.addi %scan3A_1, %scan3A_2 : i32
    %scan3A_4 = arith.constant 1 : i32
    %scan3A_5 = scf.for %scan3A_67 = %scan3A_1 to %scan3A_3 step %scan3A_4 iter_args(%scan3A_68 = %scan3A) -> (i32)  : i32 {
      %mul3A_69 = arith.constant 16 : i32
      %mul3A_70 = arith.muli %scan3A_67, %mul3A_69 : i32
      %get3A = arith.index_cast %mul3A_70 : i32 to index
      %get3A_71 = tpu.vector_load %arg14[%get3A] {strides = array<i32>} : memref<10240xi32, #tpu.memory_space<vmem>>, vector<16xi32>,
      %get3A_72 = arith.index_cast %mul3A_70 : i32 to index
      %get3A_73 = tpu.vector_load %arg15[%get3A_72] {strides = array<i32>} : memref<10240xi32, #tpu.memory_space<vmem>>, vector<16xi32>,
      %add3A_74 = arith.addi %get3A_71, %get3A_73 : vector<16xi32>
      %add3A_75 = arith.constant 1 : i32
      %add3A_76 = vector.broadcast %add3A_75 : i32 to vector<16xi32>
      %add3A_77 = arith.addi %add3A_74, %add3A_76 : vector<16xi32>
      %convert_element_type3A_78 = arith.sitofp %add3A_77 : vector<16xi32> to vector<16xf32>
      %bitcast3A = vector.bitcast %convert_element_type3A_78 : vector<16xf32> to vector<16xi32>
      %shift_right_arithmetic3A = arith.constant 1 : i32
      %shift_right_arithmetic3A_79 = vector.broadcast %shift_right_arithmetic3A : i32 to vector<16xi32>
      %shift_right_arithmetic3A_80 = arith.shrsi %bitcast3A, %shift_right_arithmetic3A_79 : vector<16xi32>
      %sub3A = arith.constant 1597463007 : i32
      %sub3A_81 = vector.broadcast %sub3A : i32 to vector<16xi32>
      %sub3A_82 = arith.subi %sub3A_81, %shift_right_arithmetic3A_80 : vector<16xi32>
      %bitcast3A_83 = vector.bitcast %sub3A_82 : vector<16xi32> to vector<16xf32>
      %mul3A_84 = arith.constant 5.000000e-01 : f32
      %mul3A_85 = vector.broadcast %mul3A_84 : f32 to vector<16xf32>
      %mul3A_86 = arith.mulf %mul3A_85, %convert_element_type3A_78 : vector<16xf32>
      %mul3A_87 = arith.mulf %mul3A_86, %bitcast3A_83 : vector<16xf32>
      %mul3A_88 = arith.mulf %mul3A_87, %bitcast3A_83 : vector<16xf32>
      %sub3A_89 = arith.constant 1.500000e+00 : f32
      %sub3A_90 = vector.broadcast %sub3A_89 : f32 to vector<16xf32>
      %sub3A_91 = arith.subf %sub3A_90, %mul3A_88 : vector<16xf32>
      %mul3A_92 = arith.mulf %bitcast3A_83, %sub3A_91 : vector<16xf32>
      %mul3A_93 = arith.constant 5.000000e-01 : f32
      %mul3A_94 = vector.broadcast %mul3A_93 : f32 to vector<16xf32>
      %mul3A_95 = arith.mulf %mul3A_94, %convert_element_type3A_78 : vector<16xf32>
      %mul3A_96 = arith.mulf %mul3A_95, %mul3A_92 : vector<16xf32>
      %mul3A_97 = arith.mulf %mul3A_96, %mul3A_92 : vector<16xf32>
      %sub3A_98 = arith.constant 1.500000e+00 : f32
      %sub3A_99 = vector.broadcast %sub3A_98 : f32 to vector<16xf32>
      %sub3A_100 = arith.subf %sub3A_99, %mul3A_97 : vector<16xf32>
      %mul3A_101 = arith.mulf %mul3A_92, %sub3A_100 : vector<16xf32>
      %mul3A_102 = arith.constant 5.000000e-01 : f32
      %mul3A_103 = vector.broadcast %mul3A_102 : f32 to vector<16xf32>
      %mul3A_104 = arith.mulf %mul3A_103, %convert_element_type3A_78 : vector<16xf32>
      %mul3A_105 = arith.mulf %mul3A_104, %mul3A_101 : vector<16xf32>
      %mul3A_106 = arith.mulf %mul3A_105, %mul3A_101 : vector<16xf32>
      %sub3A_107 = arith.constant 1.500000e+00 : f32
      %sub3A_108 = vector.broadcast %sub3A_107 : f32 to vector<16xf32>
      %sub3A_109 = arith.subf %sub3A_108, %mul3A_106 : vector<16xf32>
      %mul3A_110 = arith.mulf %mul3A_101, %sub3A_109 : vector<16xf32>
      %swap3A = arith.index_cast %mul3A_70 : i32 to index
      %swap3A_111 = tpu.vector_load %arg12[%swap3A] {strides = array<i32>} : memref<10240xf32, #tpu.memory_space<vmem>>, vector<16xf32>,
      tpu.vector_store %arg12[%swap3A], %mul3A_110 {strides = array<i32>} : memref<10240xf32, #tpu.memory_space<vmem>>, vector<16xf32>,
      %scan3A_112 = arith.constant 0 : i32
      scf.yield %scan3A_112 : i32
    }
    %scan3A_6 = arith.constant 640 : i32
    %mul3A_7 = arith.constant 2 : i32
    %mul3A_8 = arith.muli %mul3A_7, %add3A : i32
    %mul3A_9 = arith.constant 10000 : i32
    %mul3A_10 = arith.muli %mul3A_8, %mul3A_9 : i32
    "tpu.region"() ({
      %run_scoped3A = tpu.sem_alloc : memref<!tpu.dma_semaphore, #tpu.memory_space<semaphore_mem>>
      %dma_start3A = arith.constant 0 : i32
      %dma_start3A_67 = tpu.memref_slice %arg10[%dma_start3A] : memref<20000xf32, #tpu.memory_space<vmem>> -> memref<10000xf32, #tpu.memory_space<vmem>>
      %dma_start3A_68 = tpu.memref_slice %arg4[%mul3A_10] : memref<640000xf32, #tpu.memory_space<hbm>> -> memref<10000xf32, #tpu.memory_space<hbm>>
      %dma_start3A_69 = arith.constant 0 : i32
      %dma_start3A_70 = tpu.memref_slice %arg10[%dma_start3A_69] : memref<20000xf32, #tpu.memory_space<vmem>> -> memref<10000xf32, #tpu.memory_space<vmem>>
      %dma_start3A_71 = tpu.memref_slice %arg4[%mul3A_10] : memref<640000xf32, #tpu.memory_space<hbm>> -> memref<10000xf32, #tpu.memory_space<hbm>>
      tpu.enqueue_dma source(%dma_start3A_71 : memref<10000xf32, #tpu.memory_space<hbm>>) target(%dma_start3A_70 : memref<10000xf32, #tpu.memory_space<vmem>>) target_semaphore(%run_scoped3A : memref<!tpu.dma_semaphore, #tpu.memory_space<semaphore_mem>>)
      %dma_wait3A = arith.constant 0 : i32
      %dma_wait3A_72 = tpu.memref_slice %arg10[%dma_wait3A] : memref<20000xf32, #tpu.memory_space<vmem>> -> memref<10000xf32, #tpu.memory_space<vmem>>
      %dma_wait3A_73 = tpu.memref_slice %arg4[%mul3A_10] : memref<640000xf32, #tpu.memory_space<hbm>> -> memref<10000xf32, #tpu.memory_space<hbm>>
      %dma_wait3A_74 = arith.constant 0 : i32
      %dma_wait3A_75 = tpu.memref_slice %arg10[%dma_wait3A_74] : memref<20000xf32, #tpu.memory_space<vmem>> -> memref<10000xf32, #tpu.memory_space<vmem>>
      %dma_wait3A_76 = tpu.memref_slice %arg4[%mul3A_10] : memref<640000xf32, #tpu.memory_space<hbm>> -> memref<10000xf32, #tpu.memory_space<hbm>>
      tpu.wait_dma2 semaphore(%run_scoped3A : memref<!tpu.dma_semaphore, #tpu.memory_space<semaphore_mem>>) src(%dma_wait3A_76 : memref<10000xf32, #tpu.memory_space<hbm>>) dst(%dma_wait3A_75 : memref<10000xf32, #tpu.memory_space<vmem>>)
      tpu.yield
    }) : () -> ()
    %mul3A_11 = arith.constant 2 : i32
    %mul3A_12 = arith.muli %mul3A_11, %add3A : i32
    %add3A_13 = arith.constant 1 : i32
    %add3A_14 = arith.addi %mul3A_12, %add3A_13 : i32
    %mul3A_15 = arith.constant 10000 : i32
    %mul3A_16 = arith.muli %add3A_14, %mul3A_15 : i32
    "tpu.region"() ({
      %run_scoped3A = tpu.sem_alloc : memref<!tpu.dma_semaphore, #tpu.memory_space<semaphore_mem>>
      %dma_start3A = arith.constant 10000 : i32
      %dma_start3A_67 = tpu.memref_slice %arg10[%dma_start3A] : memref<20000xf32, #tpu.memory_space<vmem>> -> memref<10000xf32, #tpu.memory_space<vmem>>
      %dma_start3A_68 = tpu.memref_slice %arg4[%mul3A_16] : memref<640000xf32, #tpu.memory_space<hbm>> -> memref<10000xf32, #tpu.memory_space<hbm>>
      %dma_start3A_69 = arith.constant 10000 : i32
      %dma_start3A_70 = tpu.memref_slice %arg10[%dma_start3A_69] : memref<20000xf32, #tpu.memory_space<vmem>> -> memref<10000xf32, #tpu.memory_space<vmem>>
      %dma_start3A_71 = tpu.memref_slice %arg4[%mul3A_16] : memref<640000xf32, #tpu.memory_space<hbm>> -> memref<10000xf32, #tpu.memory_space<hbm>>
      tpu.enqueue_dma source(%dma_start3A_71 : memref<10000xf32, #tpu.memory_space<hbm>>) target(%dma_start3A_70 : memref<10000xf32, #tpu.memory_space<vmem>>) target_semaphore(%run_scoped3A : memref<!tpu.dma_semaphore, #tpu.memory_space<semaphore_mem>>)
      %dma_wait3A = arith.constant 10000 : i32
      %dma_wait3A_72 = tpu.memref_slice %arg10[%dma_wait3A] : memref<20000xf32, #tpu.memory_space<vmem>> -> memref<10000xf32, #tpu.memory_space<vmem>>
      %dma_wait3A_73 = tpu.memref_slice %arg4[%mul3A_16] : memref<640000xf32, #tpu.memory_space<hbm>> -> memref<10000xf32, #tpu.memory_space<hbm>>
      %dma_wait3A_74 = arith.constant 10000 : i32
      %dma_wait3A_75 = tpu.memref_slice %arg10[%dma_wait3A_74] : memref<20000xf32, #tpu.memory_space<vmem>> -> memref<10000xf32, #tpu.memory_space<vmem>>
      %dma_wait3A_76 = tpu.memref_slice %arg4[%mul3A_16] : memref<640000xf32, #tpu.memory_space<hbm>> -> memref<10000xf32, #tpu.memory_space<hbm>>
      tpu.wait_dma2 semaphore(%run_scoped3A : memref<!tpu.dma_semaphore, #tpu.memory_space<semaphore_mem>>) src(%dma_wait3A_76 : memref<10000xf32, #tpu.memory_space<hbm>>) dst(%dma_wait3A_75 : memref<10000xf32, #tpu.memory_space<vmem>>)
      tpu.yield
    }) : () -> ()
    %min3A = arith.constant 7 : i32
    %min3A_17 = arith.minsi %add3A, %min3A : i32
    %mul3A_18 = arith.constant 16 : i32
    %mul3A_19 = arith.muli %min3A_17, %mul3A_18 : i32
    "tpu.region"() ({
      %run_scoped3A = tpu.sem_alloc : memref<!tpu.dma_semaphore, #tpu.memory_space<semaphore_mem>>
      %dma_start3A = tpu.memref_slice %arg6[%mul3A_19] : memref<128xi32, #tpu.memory_space<hbm>> -> memref<16xi32, #tpu.memory_space<hbm>>
      %dma_start3A_67 = tpu.memref_slice %arg6[%mul3A_19] : memref<128xi32, #tpu.memory_space<hbm>> -> memref<16xi32, #tpu.memory_space<hbm>>
      tpu.enqueue_dma source(%dma_start3A_67 : memref<16xi32, #tpu.memory_space<hbm>>) target(%arg20 : memref<16xi32, #tpu.memory_space<vmem>>) target_semaphore(%run_scoped3A : memref<!tpu.dma_semaphore, #tpu.memory_space<semaphore_mem>>)
      %dma_wait3A = tpu.memref_slice %arg6[%mul3A_19] : memref<128xi32, #tpu.memory_space<hbm>> -> memref<16xi32, #tpu.memory_space<hbm>>
      %dma_wait3A_68 = tpu.memref_slice %arg6[%mul3A_19] : memref<128xi32, #tpu.memory_space<hbm>> -> memref<16xi32, #tpu.memory_space<hbm>>
      tpu.wait_dma2 semaphore(%run_scoped3A : memref<!tpu.dma_semaphore, #tpu.memory_space<semaphore_mem>>) src(%dma_wait3A_68 : memref<16xi32, #tpu.memory_space<hbm>>) dst(%arg20 : memref<16xi32, #tpu.memory_space<vmem>>)
      tpu.yield
    }) : () -> ()
    %broadcast_in_dim3A = arith.constant 0.000000e+00 : f32
    %broadcast_in_dim3A_20 = vector.broadcast %broadcast_in_dim3A : f32 to vector<16xf32>
    %scan3A_21 = arith.constant 0 : i32
    %scan3A_22 = arith.constant 0 : i32
    %scan3A_23 = arith.constant 1250 : i32
    %scan3A_24 = arith.addi %scan3A_22, %scan3A_23 : i32
    %scan3A_25 = arith.constant 1 : i32
    %scan3A_26 = scf.for %scan3A_67 = %scan3A_22 to %scan3A_24 step %scan3A_25 iter_args(%scan3A_68 = %scan3A_21) -> (i32)  : i32 {
      %mul3A_69 = arith.constant 16 : i32
      %mul3A_70 = arith.muli %scan3A_67, %mul3A_69 : i32
      %swap3A = arith.index_cast %mul3A_70 : i32 to index
      %swap3A_71 = tpu.vector_load %arg11[%swap3A] {strides = array<i32>} : memref<20000xf32, #tpu.memory_space<vmem>>, vector<16xf32>,
      tpu.vector_store %arg11[%swap3A], %broadcast_in_dim3A_20 {strides = array<i32>} : memref<20000xf32, #tpu.memory_space<vmem>>, vector<16xf32>,
      %scan3A_72 = arith.constant 0 : i32
      scf.yield %scan3A_72 : i32
    }
    %scan3A_27 = arith.constant 1250 : i32
    %scan3A_28 = arith.constant 0 : i32
    %scan3A_29 = arith.constant 0 : i32
    %scan3A_30 = arith.constant 640 : i32
    %scan3A_31 = arith.addi %scan3A_29, %scan3A_30 : i32
    %scan3A_32 = arith.constant 1 : i32
    %scan3A_33 = scf.for %scan3A_67 = %scan3A_29 to %scan3A_31 step %scan3A_32 iter_args(%scan3A_68 = %scan3A_28) -> (i32)  : i32 {
      %mul3A_69 = arith.constant 16 : i32
      %mul3A_70 = arith.muli %scan3A_67, %mul3A_69 : i32
      %swap3A = arith.index_cast %mul3A_70 : i32 to index
      %swap3A_71 = tpu.vector_load %arg13[%swap3A] {strides = array<i32>} : memref<10240xf32, #tpu.memory_space<vmem>>, vector<16xf32>,
      tpu.vector_store %arg13[%swap3A], %broadcast_in_dim3A_20 {strides = array<i32>} : memref<10240xf32, #tpu.memory_space<vmem>>, vector<16xf32>,
      %scan3A_72 = arith.constant 0 : i32
      scf.yield %scan3A_72 : i32
    }
    %scan3A_34 = arith.constant 640 : i32
    %lt3A = arith.constant 8 : i32
    %lt3A_35 = arith.cmpi slt, %add3A, %lt3A : i32
    %convert_element_type3A = arith.extui %lt3A_35 : i1 to i32
    %cond3A = arith.constant 0 : i32
    %cond3A_36 = arith.cmpi ne, %convert_element_type3A, %cond3A : i32
    scf.if %cond3A_36 {
      %dma_start3A = arith.constant 0 : i32
      %dma_start3A_67 = tpu.memref_slice %arg2[%dma_start3A] : memref<320000xi32, #tpu.memory_space<hbm>> -> memref<4000xi32, #tpu.memory_space<hbm>>
      %dma_start3A_68 = arith.constant 0 : i32
      %dma_start3A_69 = tpu.memref_slice %arg2[%dma_start3A_68] : memref<320000xi32, #tpu.memory_space<hbm>> -> memref<4000xi32, #tpu.memory_space<hbm>>
      tpu.enqueue_dma source(%dma_start3A_69 : memref<4000xi32, #tpu.memory_space<hbm>>) target(%arg16 : memref<4000xi32, #tpu.memory_space<vmem>>) target_semaphore(%arg21 : memref<!tpu.dma_semaphore, #tpu.memory_space<semaphore_mem>>)
      %dma_start3A_70 = arith.constant 0 : i32
      %dma_start3A_71 = tpu.memref_slice %arg3[%dma_start3A_70] : memref<320000xi32, #tpu.memory_space<hbm>> -> memref<4000xi32, #tpu.memory_space<hbm>>
      %dma_start3A_72 = arith.constant 0 : i32
      %dma_start3A_73 = tpu.memref_slice %arg3[%dma_start3A_72] : memref<320000xi32, #tpu.memory_space<hbm>> -> memref<4000xi32, #tpu.memory_space<hbm>>
      tpu.enqueue_dma source(%dma_start3A_73 : memref<4000xi32, #tpu.memory_space<hbm>>) target(%arg17 : memref<4000xi32, #tpu.memory_space<vmem>>) target_semaphore(%arg21 : memref<!tpu.dma_semaphore, #tpu.memory_space<semaphore_mem>>)
      %scan3A_74 = arith.constant 0 : i32
      %scan3A_75 = arith.constant 0 : i32
      %scan3A_76 = arith.constant 40 : i32
      %scan3A_77 = arith.addi %scan3A_75, %scan3A_76 : i32
      %scan3A_78 = arith.constant 1 : i32
      %scan3A_79 = scf.for %scan3A_81 = %scan3A_75 to %scan3A_77 step %scan3A_78 iter_args(%scan3A_82 = %scan3A_74) -> (i32)  : i32 {
        %mul3A_83 = arith.constant 2 : i32
        %mul3A_84 = arith.muli %mul3A_83, %scan3A_81 : i32
        %mul3A_85 = arith.constant 4000 : i32
        %mul3A_86 = arith.muli %mul3A_84, %mul3A_85 : i32
        %dma_wait3A = tpu.memref_slice %arg2[%mul3A_86] : memref<320000xi32, #tpu.memory_space<hbm>> -> memref<4000xi32, #tpu.memory_space<hbm>>
        %dma_wait3A_87 = tpu.memref_slice %arg2[%mul3A_86] : memref<320000xi32, #tpu.memory_space<hbm>> -> memref<4000xi32, #tpu.memory_space<hbm>>
        tpu.wait_dma2 semaphore(%arg21 : memref<!tpu.dma_semaphore, #tpu.memory_space<semaphore_mem>>) src(%dma_wait3A_87 : memref<4000xi32, #tpu.memory_space<hbm>>) dst(%arg16 : memref<4000xi32, #tpu.memory_space<vmem>>)
        %mul3A_88 = arith.constant 4000 : i32
        %mul3A_89 = arith.muli %mul3A_84, %mul3A_88 : i32
        %dma_wait3A_90 = tpu.memref_slice %arg3[%mul3A_89] : memref<320000xi32, #tpu.memory_space<hbm>> -> memref<4000xi32, #tpu.memory_space<hbm>>
        %dma_wait3A_91 = tpu.memref_slice %arg3[%mul3A_89] : memref<320000xi32, #tpu.memory_space<hbm>> -> memref<4000xi32, #tpu.memory_space<hbm>>
        tpu.wait_dma2 semaphore(%arg21 : memref<!tpu.dma_semaphore, #tpu.memory_space<semaphore_mem>>) src(%dma_wait3A_91 : memref<4000xi32, #tpu.memory_space<hbm>>) dst(%arg17 : memref<4000xi32, #tpu.memory_space<vmem>>)
        %add3A_92 = arith.constant 1 : i32
        %add3A_93 = arith.addi %mul3A_84, %add3A_92 : i32
        %mul3A_94 = arith.constant 4000 : i32
        %mul3A_95 = arith.muli %add3A_93, %mul3A_94 : i32
        %dma_start3A_96 = tpu.memref_slice %arg2[%mul3A_95] : memref<320000xi32, #tpu.memory_space<hbm>> -> memref<4000xi32, #tpu.memory_space<hbm>>
        %dma_start3A_97 = tpu.memref_slice %arg2[%mul3A_95] : memref<320000xi32, #tpu.memory_space<hbm>> -> memref<4000xi32, #tpu.memory_space<hbm>>
        tpu.enqueue_dma source(%dma_start3A_97 : memref<4000xi32, #tpu.memory_space<hbm>>) target(%arg18 : memref<4000xi32, #tpu.memory_space<vmem>>) target_semaphore(%arg22 : memref<!tpu.dma_semaphore, #tpu.memory_space<semaphore_mem>>)
        %mul3A_98 = arith.constant 4000 : i32
        %mul3A_99 = arith.muli %add3A_93, %mul3A_98 : i32
        %dma_start3A_100 = tpu.memref_slice %arg3[%mul3A_99] : memref<320000xi32, #tpu.memory_space<hbm>> -> memref<4000xi32, #tpu.memory_space<hbm>>
        %dma_start3A_101 = tpu.memref_slice %arg3[%mul3A_99] : memref<320000xi32, #tpu.memory_space<hbm>> -> memref<4000xi32, #tpu.memory_space<hbm>>
        tpu.enqueue_dma source(%dma_start3A_101 : memref<4000xi32, #tpu.memory_space<hbm>>) target(%arg19 : memref<4000xi32, #tpu.memory_space<vmem>>) target_semaphore(%arg22 : memref<!tpu.dma_semaphore, #tpu.memory_space<semaphore_mem>>)
        %parallel_loop3A = arith.constant 0 : i32
        %parallel_loop3A_102 = arith.constant 4000 : i32
        %parallel_loop3A_103 = arith.constant 16 : i32
        scf.for %parallel_loop3A_125 = %parallel_loop3A to %parallel_loop3A_102 step %parallel_loop3A_103  : i32 {
          %parallel_loop3A_126 = arith.index_cast %parallel_loop3A_125 : i32 to index
          %parallel_loop3A_127 = tpu.vector_load %arg16[%parallel_loop3A_126] {strides = array<i32>} : memref<4000xi32, #tpu.memory_space<vmem>>, vector<16xi32>,
          %parallel_loop3A_128 = arith.index_cast %parallel_loop3A_125 : i32 to index
          %parallel_loop3A_129 = tpu.vector_load %arg17[%parallel_loop3A_128] {strides = array<i32>} : memref<4000xi32, #tpu.memory_space<vmem>>, vector<16xi32>,
          %parallel_loop3A_130 = tpu.vector_load_idx %arg12[%parallel_loop3A_127] : memref<10240xf32, #tpu.memory_space<vmem>>[vector<16xi32>], vector<16xf32>,
          %parallel_loop3A_131 = tpu.vector_load_idx %arg12[%parallel_loop3A_129] : memref<10240xf32, #tpu.memory_space<vmem>>[vector<16xi32>], vector<16xf32>,
          %parallel_loop3A_132 = arith.mulf %parallel_loop3A_130, %parallel_loop3A_131 : vector<16xf32>
          %parallel_loop3A_133 = tpu.vector_load_idx %arg10[%parallel_loop3A_127] : memref<20000xf32, #tpu.memory_space<vmem>>[vector<16xi32>], vector<16xf32>,
          %parallel_loop3A_134 = arith.mulf %parallel_loop3A_132, %parallel_loop3A_133 : vector<16xf32>
          tpu.vector_store_idx %arg11[%parallel_loop3A_129], %parallel_loop3A_134 {add = true} : memref<20000xf32, #tpu.memory_space<vmem>>[vector<16xi32>], vector<16xf32>,
          %parallel_loop3A_135 = tpu.vector_load_idx %arg10[%parallel_loop3A_129] : memref<20000xf32, #tpu.memory_space<vmem>>[vector<16xi32>], vector<16xf32>,
          %parallel_loop3A_136 = arith.mulf %parallel_loop3A_132, %parallel_loop3A_135 : vector<16xf32>
          tpu.vector_store_idx %arg11[%parallel_loop3A_127], %parallel_loop3A_136 {add = true} : memref<20000xf32, #tpu.memory_space<vmem>>[vector<16xi32>], vector<16xf32>,
          %parallel_loop3A_137 = arith.constant 10000 : i32
          %parallel_loop3A_138 = vector.broadcast %parallel_loop3A_137 : i32 to vector<16xi32>
          %parallel_loop3A_139 = arith.addi %parallel_loop3A_127, %parallel_loop3A_138 : vector<16xi32>
          %parallel_loop3A_140 = arith.constant 10000 : i32
          %parallel_loop3A_141 = vector.broadcast %parallel_loop3A_140 : i32 to vector<16xi32>
          %parallel_loop3A_142 = arith.addi %parallel_loop3A_129, %parallel_loop3A_141 : vector<16xi32>
          %parallel_loop3A_143 = tpu.vector_load_idx %arg10[%parallel_loop3A_139] : memref<20000xf32, #tpu.memory_space<vmem>>[vector<16xi32>], vector<16xf32>,
          %parallel_loop3A_144 = arith.mulf %parallel_loop3A_132, %parallel_loop3A_143 : vector<16xf32>
          tpu.vector_store_idx %arg11[%parallel_loop3A_142], %parallel_loop3A_144 {add = true} : memref<20000xf32, #tpu.memory_space<vmem>>[vector<16xi32>], vector<16xf32>,
          %parallel_loop3A_145 = tpu.vector_load_idx %arg10[%parallel_loop3A_142] : memref<20000xf32, #tpu.memory_space<vmem>>[vector<16xi32>], vector<16xf32>,
          %parallel_loop3A_146 = arith.mulf %parallel_loop3A_132, %parallel_loop3A_145 : vector<16xf32>
          tpu.vector_store_idx %arg11[%parallel_loop3A_139], %parallel_loop3A_146 {add = true} : memref<20000xf32, #tpu.memory_space<vmem>>[vector<16xi32>], vector<16xf32>,
          %parallel_loop3A_147 = arith.constant 0 : index
          %parallel_loop3A_148 = tpu.vector_load %arg20[%parallel_loop3A_147] {strides = array<i32>} : memref<16xi32, #tpu.memory_space<vmem>>, vector<16xi32>,
          %parallel_loop3A_149 = arith.cmpi eq, %parallel_loop3A_127, %parallel_loop3A_148 : vector<16xi32>
          tpu.vector_store_idx %arg13[%parallel_loop3A_129], %parallel_loop3A_132 masked %parallel_loop3A_149 {add = true} : memref<10240xf32, #tpu.memory_space<vmem>>[vector<16xi32>], vector<16xf32>, vector<16xi1>
          %parallel_loop3A_150 = arith.cmpi eq, %parallel_loop3A_129, %parallel_loop3A_148 : vector<16xi32>
          tpu.vector_store_idx %arg13[%parallel_loop3A_127], %parallel_loop3A_132 masked %parallel_loop3A_150 {add = true} : memref<10240xf32, #tpu.memory_space<vmem>>[vector<16xi32>], vector<16xf32>, vector<16xi1>
        } {sc.loop_unroll_factor = 4 : i64, sc.parallel_access}
        %add3A_104 = arith.constant 1 : i32
        %add3A_105 = arith.addi %mul3A_84, %add3A_104 : i32
        %mul3A_106 = arith.constant 4000 : i32
        %mul3A_107 = arith.muli %add3A_105, %mul3A_106 : i32
        %dma_wait3A_108 = tpu.memref_slice %arg2[%mul3A_107] : memref<320000xi32, #tpu.memory_space<hbm>> -> memref<4000xi32, #tpu.memory_space<hbm>>
        %dma_wait3A_109 = tpu.memref_slice %arg2[%mul3A_107] : memref<320000xi32, #tpu.memory_space<hbm>> -> memref<4000xi32, #tpu.memory_space<hbm>>
        tpu.wait_dma2 semaphore(%arg22 : memref<!tpu.dma_semaphore, #tpu.memory_space<semaphore_mem>>) src(%dma_wait3A_109 : memref<4000xi32, #tpu.memory_space<hbm>>) dst(%arg18 : memref<4000xi32, #tpu.memory_space<vmem>>)
        %mul3A_110 = arith.constant 4000 : i32
        %mul3A_111 = arith.muli %add3A_105, %mul3A_110 : i32
        %dma_wait3A_112 = tpu.memref_slice %arg3[%mul3A_111] : memref<320000xi32, #tpu.memory_space<hbm>> -> memref<4000xi32, #tpu.memory_space<hbm>>
        %dma_wait3A_113 = tpu.memref_slice %arg3[%mul3A_111] : memref<320000xi32, #tpu.memory_space<hbm>> -> memref<4000xi32, #tpu.memory_space<hbm>>
        tpu.wait_dma2 semaphore(%arg22 : memref<!tpu.dma_semaphore, #tpu.memory_space<semaphore_mem>>) src(%dma_wait3A_113 : memref<4000xi32, #tpu.memory_space<hbm>>) dst(%arg19 : memref<4000xi32, #tpu.memory_space<vmem>>)
        %add3A_114 = arith.constant 2 : i32
        %add3A_115 = arith.addi %mul3A_84, %add3A_114 : i32
        %lt3A_116 = arith.constant 80 : i32
        %lt3A_117 = arith.cmpi slt, %add3A_115, %lt3A_116 : i32
        %convert_element_type3A_118 = arith.extui %lt3A_117 : i1 to i32
        %cond3A_119 = arith.constant 0 : i32
        %cond3A_120 = arith.cmpi ne, %convert_element_type3A_118, %cond3A_119 : i32
        scf.if %cond3A_120 {
          %add3A_125 = arith.constant 2 : i32
          %add3A_126 = arith.addi %mul3A_84, %add3A_125 : i32
          %mul3A_127 = arith.constant 4000 : i32
          %mul3A_128 = arith.muli %add3A_126, %mul3A_127 : i32
          %dma_start3A_129 = tpu.memref_slice %arg2[%mul3A_128] : memref<320000xi32, #tpu.memory_space<hbm>> -> memref<4000xi32, #tpu.memory_space<hbm>>
          %dma_start3A_130 = tpu.memref_slice %arg2[%mul3A_128] : memref<320000xi32, #tpu.memory_space<hbm>> -> memref<4000xi32, #tpu.memory_space<hbm>>
          tpu.enqueue_dma source(%dma_start3A_130 : memref<4000xi32, #tpu.memory_space<hbm>>) target(%arg16 : memref<4000xi32, #tpu.memory_space<vmem>>) target_semaphore(%arg21 : memref<!tpu.dma_semaphore, #tpu.memory_space<semaphore_mem>>)
          %mul3A_131 = arith.constant 4000 : i32
          %mul3A_132 = arith.muli %add3A_126, %mul3A_131 : i32
          %dma_start3A_133 = tpu.memref_slice %arg3[%mul3A_132] : memref<320000xi32, #tpu.memory_space<hbm>> -> memref<4000xi32, #tpu.memory_space<hbm>>
          %dma_start3A_134 = tpu.memref_slice %arg3[%mul3A_132] : memref<320000xi32, #tpu.memory_space<hbm>> -> memref<4000xi32, #tpu.memory_space<hbm>>
          tpu.enqueue_dma source(%dma_start3A_134 : memref<4000xi32, #tpu.memory_space<hbm>>) target(%arg17 : memref<4000xi32, #tpu.memory_space<vmem>>) target_semaphore(%arg21 : memref<!tpu.dma_semaphore, #tpu.memory_space<semaphore_mem>>)
        } else {
        }
        %parallel_loop3A_121 = arith.constant 0 : i32
        %parallel_loop3A_122 = arith.constant 4000 : i32
        %parallel_loop3A_123 = arith.constant 16 : i32
        scf.for %parallel_loop3A_125 = %parallel_loop3A_121 to %parallel_loop3A_122 step %parallel_loop3A_123  : i32 {
          %parallel_loop3A_126 = arith.index_cast %parallel_loop3A_125 : i32 to index
          %parallel_loop3A_127 = tpu.vector_load %arg18[%parallel_loop3A_126] {strides = array<i32>} : memref<4000xi32, #tpu.memory_space<vmem>>, vector<16xi32>,
          %parallel_loop3A_128 = arith.index_cast %parallel_loop3A_125 : i32 to index
          %parallel_loop3A_129 = tpu.vector_load %arg19[%parallel_loop3A_128] {strides = array<i32>} : memref<4000xi32, #tpu.memory_space<vmem>>, vector<16xi32>,
          %parallel_loop3A_130 = tpu.vector_load_idx %arg12[%parallel_loop3A_127] : memref<10240xf32, #tpu.memory_space<vmem>>[vector<16xi32>], vector<16xf32>,
          %parallel_loop3A_131 = tpu.vector_load_idx %arg12[%parallel_loop3A_129] : memref<10240xf32, #tpu.memory_space<vmem>>[vector<16xi32>], vector<16xf32>,
          %parallel_loop3A_132 = arith.mulf %parallel_loop3A_130, %parallel_loop3A_131 : vector<16xf32>
          %parallel_loop3A_133 = tpu.vector_load_idx %arg10[%parallel_loop3A_127] : memref<20000xf32, #tpu.memory_space<vmem>>[vector<16xi32>], vector<16xf32>,
          %parallel_loop3A_134 = arith.mulf %parallel_loop3A_132, %parallel_loop3A_133 : vector<16xf32>
          tpu.vector_store_idx %arg11[%parallel_loop3A_129], %parallel_loop3A_134 {add = true} : memref<20000xf32, #tpu.memory_space<vmem>>[vector<16xi32>], vector<16xf32>,
          %parallel_loop3A_135 = tpu.vector_load_idx %arg10[%parallel_loop3A_129] : memref<20000xf32, #tpu.memory_space<vmem>>[vector<16xi32>], vector<16xf32>,
          %parallel_loop3A_136 = arith.mulf %parallel_loop3A_132, %parallel_loop3A_135 : vector<16xf32>
          tpu.vector_store_idx %arg11[%parallel_loop3A_127], %parallel_loop3A_136 {add = true} : memref<20000xf32, #tpu.memory_space<vmem>>[vector<16xi32>], vector<16xf32>,
          %parallel_loop3A_137 = arith.constant 10000 : i32
          %parallel_loop3A_138 = vector.broadcast %parallel_loop3A_137 : i32 to vector<16xi32>
          %parallel_loop3A_139 = arith.addi %parallel_loop3A_127, %parallel_loop3A_138 : vector<16xi32>
          %parallel_loop3A_140 = arith.constant 10000 : i32
          %parallel_loop3A_141 = vector.broadcast %parallel_loop3A_140 : i32 to vector<16xi32>
          %parallel_loop3A_142 = arith.addi %parallel_loop3A_129, %parallel_loop3A_141 : vector<16xi32>
          %parallel_loop3A_143 = tpu.vector_load_idx %arg10[%parallel_loop3A_139] : memref<20000xf32, #tpu.memory_space<vmem>>[vector<16xi32>], vector<16xf32>,
          %parallel_loop3A_144 = arith.mulf %parallel_loop3A_132, %parallel_loop3A_143 : vector<16xf32>
          tpu.vector_store_idx %arg11[%parallel_loop3A_142], %parallel_loop3A_144 {add = true} : memref<20000xf32, #tpu.memory_space<vmem>>[vector<16xi32>], vector<16xf32>,
          %parallel_loop3A_145 = tpu.vector_load_idx %arg10[%parallel_loop3A_142] : memref<20000xf32, #tpu.memory_space<vmem>>[vector<16xi32>], vector<16xf32>,
          %parallel_loop3A_146 = arith.mulf %parallel_loop3A_132, %parallel_loop3A_145 : vector<16xf32>
          tpu.vector_store_idx %arg11[%parallel_loop3A_139], %parallel_loop3A_146 {add = true} : memref<20000xf32, #tpu.memory_space<vmem>>[vector<16xi32>], vector<16xf32>,
          %parallel_loop3A_147 = arith.constant 0 : index
          %parallel_loop3A_148 = tpu.vector_load %arg20[%parallel_loop3A_147] {strides = array<i32>} : memref<16xi32, #tpu.memory_space<vmem>>, vector<16xi32>,
          %parallel_loop3A_149 = arith.cmpi eq, %parallel_loop3A_127, %parallel_loop3A_148 : vector<16xi32>
          tpu.vector_store_idx %arg13[%parallel_loop3A_129], %parallel_loop3A_132 masked %parallel_loop3A_149 {add = true} : memref<10240xf32, #tpu.memory_space<vmem>>[vector<16xi32>], vector<16xf32>, vector<16xi1>
          %parallel_loop3A_150 = arith.cmpi eq, %parallel_loop3A_129, %parallel_loop3A_148 : vector<16xi32>
          tpu.vector_store_idx %arg13[%parallel_loop3A_127], %parallel_loop3A_132 masked %parallel_loop3A_150 {add = true} : memref<10240xf32, #tpu.memory_space<vmem>>[vector<16xi32>], vector<16xf32>, vector<16xi1>
        } {sc.loop_unroll_factor = 4 : i64, sc.parallel_access}
        %scan3A_124 = arith.constant 0 : i32
        scf.yield %scan3A_124 : i32
      }
      %scan3A_80 = arith.constant 40 : i32
    } else {
    }
    %ge3A = arith.constant 8 : i32
    %ge3A_37 = arith.cmpi sge, %add3A, %ge3A : i32
    %convert_element_type3A_38 = arith.extui %ge3A_37 : i1 to i32
    %cond3A_39 = arith.constant 0 : i32
    %cond3A_40 = arith.cmpi ne, %convert_element_type3A_38, %cond3A_39 : i32
    scf.if %cond3A_40 {
      %dma_start3A = arith.constant 0 : i32
      %dma_start3A_67 = tpu.memref_slice %arg2[%dma_start3A] : memref<320000xi32, #tpu.memory_space<hbm>> -> memref<4000xi32, #tpu.memory_space<hbm>>
      %dma_start3A_68 = arith.constant 0 : i32
      %dma_start3A_69 = tpu.memref_slice %arg2[%dma_start3A_68] : memref<320000xi32, #tpu.memory_space<hbm>> -> memref<4000xi32, #tpu.memory_space<hbm>>
      tpu.enqueue_dma source(%dma_start3A_69 : memref<4000xi32, #tpu.memory_space<hbm>>) target(%arg16 : memref<4000xi32, #tpu.memory_space<vmem>>) target_semaphore(%arg21 : memref<!tpu.dma_semaphore, #tpu.memory_space<semaphore_mem>>)
      %dma_start3A_70 = arith.constant 0 : i32
      %dma_start3A_71 = tpu.memref_slice %arg3[%dma_start3A_70] : memref<320000xi32, #tpu.memory_space<hbm>> -> memref<4000xi32, #tpu.memory_space<hbm>>
      %dma_start3A_72 = arith.constant 0 : i32
      %dma_start3A_73 = tpu.memref_slice %arg3[%dma_start3A_72] : memref<320000xi32, #tpu.memory_space<hbm>> -> memref<4000xi32, #tpu.memory_space<hbm>>
      tpu.enqueue_dma source(%dma_start3A_73 : memref<4000xi32, #tpu.memory_space<hbm>>) target(%arg17 : memref<4000xi32, #tpu.memory_space<vmem>>) target_semaphore(%arg21 : memref<!tpu.dma_semaphore, #tpu.memory_space<semaphore_mem>>)
      %scan3A_74 = arith.constant 0 : i32
      %scan3A_75 = arith.constant 0 : i32
      %scan3A_76 = arith.constant 40 : i32
      %scan3A_77 = arith.addi %scan3A_75, %scan3A_76 : i32
      %scan3A_78 = arith.constant 1 : i32
      %scan3A_79 = scf.for %scan3A_81 = %scan3A_75 to %scan3A_77 step %scan3A_78 iter_args(%scan3A_82 = %scan3A_74) -> (i32)  : i32 {
        %mul3A_83 = arith.constant 2 : i32
        %mul3A_84 = arith.muli %mul3A_83, %scan3A_81 : i32
        %mul3A_85 = arith.constant 4000 : i32
        %mul3A_86 = arith.muli %mul3A_84, %mul3A_85 : i32
        %dma_wait3A = tpu.memref_slice %arg2[%mul3A_86] : memref<320000xi32, #tpu.memory_space<hbm>> -> memref<4000xi32, #tpu.memory_space<hbm>>
        %dma_wait3A_87 = tpu.memref_slice %arg2[%mul3A_86] : memref<320000xi32, #tpu.memory_space<hbm>> -> memref<4000xi32, #tpu.memory_space<hbm>>
        tpu.wait_dma2 semaphore(%arg21 : memref<!tpu.dma_semaphore, #tpu.memory_space<semaphore_mem>>) src(%dma_wait3A_87 : memref<4000xi32, #tpu.memory_space<hbm>>) dst(%arg16 : memref<4000xi32, #tpu.memory_space<vmem>>)
        %mul3A_88 = arith.constant 4000 : i32
        %mul3A_89 = arith.muli %mul3A_84, %mul3A_88 : i32
        %dma_wait3A_90 = tpu.memref_slice %arg3[%mul3A_89] : memref<320000xi32, #tpu.memory_space<hbm>> -> memref<4000xi32, #tpu.memory_space<hbm>>
        %dma_wait3A_91 = tpu.memref_slice %arg3[%mul3A_89] : memref<320000xi32, #tpu.memory_space<hbm>> -> memref<4000xi32, #tpu.memory_space<hbm>>
        tpu.wait_dma2 semaphore(%arg21 : memref<!tpu.dma_semaphore, #tpu.memory_space<semaphore_mem>>) src(%dma_wait3A_91 : memref<4000xi32, #tpu.memory_space<hbm>>) dst(%arg17 : memref<4000xi32, #tpu.memory_space<vmem>>)
        %add3A_92 = arith.constant 1 : i32
        %add3A_93 = arith.addi %mul3A_84, %add3A_92 : i32
        %mul3A_94 = arith.constant 4000 : i32
        %mul3A_95 = arith.muli %add3A_93, %mul3A_94 : i32
        %dma_start3A_96 = tpu.memref_slice %arg2[%mul3A_95] : memref<320000xi32, #tpu.memory_space<hbm>> -> memref<4000xi32, #tpu.memory_space<hbm>>
        %dma_start3A_97 = tpu.memref_slice %arg2[%mul3A_95] : memref<320000xi32, #tpu.memory_space<hbm>> -> memref<4000xi32, #tpu.memory_space<hbm>>
        tpu.enqueue_dma source(%dma_start3A_97 : memref<4000xi32, #tpu.memory_space<hbm>>) target(%arg18 : memref<4000xi32, #tpu.memory_space<vmem>>) target_semaphore(%arg22 : memref<!tpu.dma_semaphore, #tpu.memory_space<semaphore_mem>>)
        %mul3A_98 = arith.constant 4000 : i32
        %mul3A_99 = arith.muli %add3A_93, %mul3A_98 : i32
        %dma_start3A_100 = tpu.memref_slice %arg3[%mul3A_99] : memref<320000xi32, #tpu.memory_space<hbm>> -> memref<4000xi32, #tpu.memory_space<hbm>>
        %dma_start3A_101 = tpu.memref_slice %arg3[%mul3A_99] : memref<320000xi32, #tpu.memory_space<hbm>> -> memref<4000xi32, #tpu.memory_space<hbm>>
        tpu.enqueue_dma source(%dma_start3A_101 : memref<4000xi32, #tpu.memory_space<hbm>>) target(%arg19 : memref<4000xi32, #tpu.memory_space<vmem>>) target_semaphore(%arg22 : memref<!tpu.dma_semaphore, #tpu.memory_space<semaphore_mem>>)
        %parallel_loop3A = arith.constant 0 : i32
        %parallel_loop3A_102 = arith.constant 4000 : i32
        %parallel_loop3A_103 = arith.constant 16 : i32
        scf.for %parallel_loop3A_125 = %parallel_loop3A to %parallel_loop3A_102 step %parallel_loop3A_103  : i32 {
          %parallel_loop3A_126 = arith.index_cast %parallel_loop3A_125 : i32 to index
          %parallel_loop3A_127 = tpu.vector_load %arg16[%parallel_loop3A_126] {strides = array<i32>} : memref<4000xi32, #tpu.memory_space<vmem>>, vector<16xi32>,
          %parallel_loop3A_128 = arith.index_cast %parallel_loop3A_125 : i32 to index
          %parallel_loop3A_129 = tpu.vector_load %arg17[%parallel_loop3A_128] {strides = array<i32>} : memref<4000xi32, #tpu.memory_space<vmem>>, vector<16xi32>,
          %parallel_loop3A_130 = tpu.vector_load_idx %arg12[%parallel_loop3A_127] : memref<10240xf32, #tpu.memory_space<vmem>>[vector<16xi32>], vector<16xf32>,
          %parallel_loop3A_131 = tpu.vector_load_idx %arg12[%parallel_loop3A_129] : memref<10240xf32, #tpu.memory_space<vmem>>[vector<16xi32>], vector<16xf32>,
          %parallel_loop3A_132 = arith.mulf %parallel_loop3A_130, %parallel_loop3A_131 : vector<16xf32>
          %parallel_loop3A_133 = tpu.vector_load_idx %arg10[%parallel_loop3A_127] : memref<20000xf32, #tpu.memory_space<vmem>>[vector<16xi32>], vector<16xf32>,
          %parallel_loop3A_134 = arith.mulf %parallel_loop3A_132, %parallel_loop3A_133 : vector<16xf32>
          tpu.vector_store_idx %arg11[%parallel_loop3A_129], %parallel_loop3A_134 {add = true} : memref<20000xf32, #tpu.memory_space<vmem>>[vector<16xi32>], vector<16xf32>,
          %parallel_loop3A_135 = tpu.vector_load_idx %arg10[%parallel_loop3A_129] : memref<20000xf32, #tpu.memory_space<vmem>>[vector<16xi32>], vector<16xf32>,
          %parallel_loop3A_136 = arith.mulf %parallel_loop3A_132, %parallel_loop3A_135 : vector<16xf32>
          tpu.vector_store_idx %arg11[%parallel_loop3A_127], %parallel_loop3A_136 {add = true} : memref<20000xf32, #tpu.memory_space<vmem>>[vector<16xi32>], vector<16xf32>,
          %parallel_loop3A_137 = arith.constant 10000 : i32
          %parallel_loop3A_138 = vector.broadcast %parallel_loop3A_137 : i32 to vector<16xi32>
          %parallel_loop3A_139 = arith.addi %parallel_loop3A_127, %parallel_loop3A_138 : vector<16xi32>
          %parallel_loop3A_140 = arith.constant 10000 : i32
          %parallel_loop3A_141 = vector.broadcast %parallel_loop3A_140 : i32 to vector<16xi32>
          %parallel_loop3A_142 = arith.addi %parallel_loop3A_129, %parallel_loop3A_141 : vector<16xi32>
          %parallel_loop3A_143 = tpu.vector_load_idx %arg10[%parallel_loop3A_139] : memref<20000xf32, #tpu.memory_space<vmem>>[vector<16xi32>], vector<16xf32>,
          %parallel_loop3A_144 = arith.mulf %parallel_loop3A_132, %parallel_loop3A_143 : vector<16xf32>
          tpu.vector_store_idx %arg11[%parallel_loop3A_142], %parallel_loop3A_144 {add = true} : memref<20000xf32, #tpu.memory_space<vmem>>[vector<16xi32>], vector<16xf32>,
          %parallel_loop3A_145 = tpu.vector_load_idx %arg10[%parallel_loop3A_142] : memref<20000xf32, #tpu.memory_space<vmem>>[vector<16xi32>], vector<16xf32>,
          %parallel_loop3A_146 = arith.mulf %parallel_loop3A_132, %parallel_loop3A_145 : vector<16xf32>
          tpu.vector_store_idx %arg11[%parallel_loop3A_139], %parallel_loop3A_146 {add = true} : memref<20000xf32, #tpu.memory_space<vmem>>[vector<16xi32>], vector<16xf32>,
        } {sc.loop_unroll_factor = 4 : i64, sc.parallel_access}
        %add3A_104 = arith.constant 1 : i32
        %add3A_105 = arith.addi %mul3A_84, %add3A_104 : i32
        %mul3A_106 = arith.constant 4000 : i32
        %mul3A_107 = arith.muli %add3A_105, %mul3A_106 : i32
        %dma_wait3A_108 = tpu.memref_slice %arg2[%mul3A_107] : memref<320000xi32, #tpu.memory_space<hbm>> -> memref<4000xi32, #tpu.memory_space<hbm>>
        %dma_wait3A_109 = tpu.memref_slice %arg2[%mul3A_107] : memref<320000xi32, #tpu.memory_space<hbm>> -> memref<4000xi32, #tpu.memory_space<hbm>>
        tpu.wait_dma2 semaphore(%arg22 : memref<!tpu.dma_semaphore, #tpu.memory_space<semaphore_mem>>) src(%dma_wait3A_109 : memref<4000xi32, #tpu.memory_space<hbm>>) dst(%arg18 : memref<4000xi32, #tpu.memory_space<vmem>>)
        %mul3A_110 = arith.constant 4000 : i32
        %mul3A_111 = arith.muli %add3A_105, %mul3A_110 : i32
        %dma_wait3A_112 = tpu.memref_slice %arg3[%mul3A_111] : memref<320000xi32, #tpu.memory_space<hbm>> -> memref<4000xi32, #tpu.memory_space<hbm>>
        %dma_wait3A_113 = tpu.memref_slice %arg3[%mul3A_111] : memref<320000xi32, #tpu.memory_space<hbm>> -> memref<4000xi32, #tpu.memory_space<hbm>>
        tpu.wait_dma2 semaphore(%arg22 : memref<!tpu.dma_semaphore, #tpu.memory_space<semaphore_mem>>) src(%dma_wait3A_113 : memref<4000xi32, #tpu.memory_space<hbm>>) dst(%arg19 : memref<4000xi32, #tpu.memory_space<vmem>>)
        %add3A_114 = arith.constant 2 : i32
        %add3A_115 = arith.addi %mul3A_84, %add3A_114 : i32
        %lt3A_116 = arith.constant 80 : i32
        %lt3A_117 = arith.cmpi slt, %add3A_115, %lt3A_116 : i32
        %convert_element_type3A_118 = arith.extui %lt3A_117 : i1 to i32
        %cond3A_119 = arith.constant 0 : i32
        %cond3A_120 = arith.cmpi ne, %convert_element_type3A_118, %cond3A_119 : i32
        scf.if %cond3A_120 {
          %add3A_125 = arith.constant 2 : i32
          %add3A_126 = arith.addi %mul3A_84, %add3A_125 : i32
          %mul3A_127 = arith.constant 4000 : i32
          %mul3A_128 = arith.muli %add3A_126, %mul3A_127 : i32
          %dma_start3A_129 = tpu.memref_slice %arg2[%mul3A_128] : memref<320000xi32, #tpu.memory_space<hbm>> -> memref<4000xi32, #tpu.memory_space<hbm>>
          %dma_start3A_130 = tpu.memref_slice %arg2[%mul3A_128] : memref<320000xi32, #tpu.memory_space<hbm>> -> memref<4000xi32, #tpu.memory_space<hbm>>
          tpu.enqueue_dma source(%dma_start3A_130 : memref<4000xi32, #tpu.memory_space<hbm>>) target(%arg16 : memref<4000xi32, #tpu.memory_space<vmem>>) target_semaphore(%arg21 : memref<!tpu.dma_semaphore, #tpu.memory_space<semaphore_mem>>)
          %mul3A_131 = arith.constant 4000 : i32
          %mul3A_132 = arith.muli %add3A_126, %mul3A_131 : i32
          %dma_start3A_133 = tpu.memref_slice %arg3[%mul3A_132] : memref<320000xi32, #tpu.memory_space<hbm>> -> memref<4000xi32, #tpu.memory_space<hbm>>
          %dma_start3A_134 = tpu.memref_slice %arg3[%mul3A_132] : memref<320000xi32, #tpu.memory_space<hbm>> -> memref<4000xi32, #tpu.memory_space<hbm>>
          tpu.enqueue_dma source(%dma_start3A_134 : memref<4000xi32, #tpu.memory_space<hbm>>) target(%arg17 : memref<4000xi32, #tpu.memory_space<vmem>>) target_semaphore(%arg21 : memref<!tpu.dma_semaphore, #tpu.memory_space<semaphore_mem>>)
        } else {
        }
        %parallel_loop3A_121 = arith.constant 0 : i32
        %parallel_loop3A_122 = arith.constant 4000 : i32
        %parallel_loop3A_123 = arith.constant 16 : i32
        scf.for %parallel_loop3A_125 = %parallel_loop3A_121 to %parallel_loop3A_122 step %parallel_loop3A_123  : i32 {
          %parallel_loop3A_126 = arith.index_cast %parallel_loop3A_125 : i32 to index
          %parallel_loop3A_127 = tpu.vector_load %arg18[%parallel_loop3A_126] {strides = array<i32>} : memref<4000xi32, #tpu.memory_space<vmem>>, vector<16xi32>,
          %parallel_loop3A_128 = arith.index_cast %parallel_loop3A_125 : i32 to index
          %parallel_loop3A_129 = tpu.vector_load %arg19[%parallel_loop3A_128] {strides = array<i32>} : memref<4000xi32, #tpu.memory_space<vmem>>, vector<16xi32>,
          %parallel_loop3A_130 = tpu.vector_load_idx %arg12[%parallel_loop3A_127] : memref<10240xf32, #tpu.memory_space<vmem>>[vector<16xi32>], vector<16xf32>,
          %parallel_loop3A_131 = tpu.vector_load_idx %arg12[%parallel_loop3A_129] : memref<10240xf32, #tpu.memory_space<vmem>>[vector<16xi32>], vector<16xf32>,
          %parallel_loop3A_132 = arith.mulf %parallel_loop3A_130, %parallel_loop3A_131 : vector<16xf32>
          %parallel_loop3A_133 = tpu.vector_load_idx %arg10[%parallel_loop3A_127] : memref<20000xf32, #tpu.memory_space<vmem>>[vector<16xi32>], vector<16xf32>,
          %parallel_loop3A_134 = arith.mulf %parallel_loop3A_132, %parallel_loop3A_133 : vector<16xf32>
          tpu.vector_store_idx %arg11[%parallel_loop3A_129], %parallel_loop3A_134 {add = true} : memref<20000xf32, #tpu.memory_space<vmem>>[vector<16xi32>], vector<16xf32>,
          %parallel_loop3A_135 = tpu.vector_load_idx %arg10[%parallel_loop3A_129] : memref<20000xf32, #tpu.memory_space<vmem>>[vector<16xi32>], vector<16xf32>,
          %parallel_loop3A_136 = arith.mulf %parallel_loop3A_132, %parallel_loop3A_135 : vector<16xf32>
          tpu.vector_store_idx %arg11[%parallel_loop3A_127], %parallel_loop3A_136 {add = true} : memref<20000xf32, #tpu.memory_space<vmem>>[vector<16xi32>], vector<16xf32>,
          %parallel_loop3A_137 = arith.constant 10000 : i32
          %parallel_loop3A_138 = vector.broadcast %parallel_loop3A_137 : i32 to vector<16xi32>
          %parallel_loop3A_139 = arith.addi %parallel_loop3A_127, %parallel_loop3A_138 : vector<16xi32>
          %parallel_loop3A_140 = arith.constant 10000 : i32
          %parallel_loop3A_141 = vector.broadcast %parallel_loop3A_140 : i32 to vector<16xi32>
          %parallel_loop3A_142 = arith.addi %parallel_loop3A_129, %parallel_loop3A_141 : vector<16xi32>
          %parallel_loop3A_143 = tpu.vector_load_idx %arg10[%parallel_loop3A_139] : memref<20000xf32, #tpu.memory_space<vmem>>[vector<16xi32>], vector<16xf32>,
          %parallel_loop3A_144 = arith.mulf %parallel_loop3A_132, %parallel_loop3A_143 : vector<16xf32>
          tpu.vector_store_idx %arg11[%parallel_loop3A_142], %parallel_loop3A_144 {add = true} : memref<20000xf32, #tpu.memory_space<vmem>>[vector<16xi32>], vector<16xf32>,
          %parallel_loop3A_145 = tpu.vector_load_idx %arg10[%parallel_loop3A_142] : memref<20000xf32, #tpu.memory_space<vmem>>[vector<16xi32>], vector<16xf32>,
          %parallel_loop3A_146 = arith.mulf %parallel_loop3A_132, %parallel_loop3A_145 : vector<16xf32>
          tpu.vector_store_idx %arg11[%parallel_loop3A_139], %parallel_loop3A_146 {add = true} : memref<20000xf32, #tpu.memory_space<vmem>>[vector<16xi32>], vector<16xf32>,
        } {sc.loop_unroll_factor = 4 : i64, sc.parallel_access}
        %scan3A_124 = arith.constant 0 : i32
        scf.yield %scan3A_124 : i32
      }
      %scan3A_80 = arith.constant 40 : i32
    } else {
    }
    %scan3A_41 = arith.constant 0 : i32
    %scan3A_42 = arith.constant 0 : i32
    %scan3A_43 = arith.constant 625 : i32
    %scan3A_44 = arith.addi %scan3A_42, %scan3A_43 : i32
    %scan3A_45 = arith.constant 1 : i32
    %scan3A_46 = scf.for %scan3A_67 = %scan3A_42 to %scan3A_44 step %scan3A_45 iter_args(%scan3A_68 = %scan3A_41) -> (i32)  : i32 {
      %mul3A_69 = arith.constant 16 : i32
      %mul3A_70 = arith.muli %scan3A_67, %mul3A_69 : i32
      %get3A = arith.index_cast %mul3A_70 : i32 to index
      %get3A_71 = tpu.vector_load %arg12[%get3A] {strides = array<i32>} : memref<10240xf32, #tpu.memory_space<vmem>>, vector<16xf32>,
      %mul3A_72 = arith.mulf %get3A_71, %get3A_71 : vector<16xf32>
      %mul3A_73 = arith.constant 16 : i32
      %mul3A_74 = arith.muli %scan3A_67, %mul3A_73 : i32
      %add3A_75 = arith.constant 0 : i32
      %add3A_76 = arith.addi %add3A_75, %mul3A_74 : i32
      %get3A_77 = arith.index_cast %add3A_76 : i32 to index
      %get3A_78 = tpu.vector_load %arg11[%get3A_77] {strides = array<i32>} : memref<20000xf32, #tpu.memory_space<vmem>>, vector<16xf32>,
      %get3A_79 = arith.index_cast %add3A_76 : i32 to index
      %get3A_80 = tpu.vector_load %arg10[%get3A_79] {strides = array<i32>} : memref<20000xf32, #tpu.memory_space<vmem>>, vector<16xf32>,
      %mul3A_81 = arith.mulf %mul3A_72, %get3A_80 : vector<16xf32>
      %add3A_82 = arith.addf %get3A_78, %mul3A_81 : vector<16xf32>
      %swap3A = arith.index_cast %add3A_76 : i32 to index
      %swap3A_83 = tpu.vector_load %arg11[%swap3A] {strides = array<i32>} : memref<20000xf32, #tpu.memory_space<vmem>>, vector<16xf32>,
      tpu.vector_store %arg11[%swap3A], %add3A_82 {strides = array<i32>} : memref<20000xf32, #tpu.memory_space<vmem>>, vector<16xf32>,
      %mul3A_84 = arith.constant 16 : i32
      %mul3A_85 = arith.muli %scan3A_67, %mul3A_84 : i32
      %add3A_86 = arith.constant 10000 : i32
      %add3A_87 = arith.addi %add3A_86, %mul3A_85 : i32
      %get3A_88 = arith.index_cast %add3A_87 : i32 to index
      %get3A_89 = tpu.vector_load %arg11[%get3A_88] {strides = array<i32>} : memref<20000xf32, #tpu.memory_space<vmem>>, vector<16xf32>,
      %get3A_90 = arith.index_cast %add3A_87 : i32 to index
      %get3A_91 = tpu.vector_load %arg10[%get3A_90] {strides = array<i32>} : memref<20000xf32, #tpu.memory_space<vmem>>, vector<16xf32>,
      %mul3A_92 = arith.mulf %mul3A_72, %get3A_91 : vector<16xf32>
      %add3A_93 = arith.addf %get3A_89, %mul3A_92 : vector<16xf32>
      %swap3A_94 = arith.index_cast %add3A_87 : i32 to index
      %swap3A_95 = tpu.vector_load %arg11[%swap3A_94] {strides = array<i32>} : memref<20000xf32, #tpu.memory_space<vmem>>, vector<16xf32>,
      tpu.vector_store %arg11[%swap3A_94], %add3A_93 {strides = array<i32>} : memref<20000xf32, #tpu.memory_space<vmem>>, vector<16xf32>,
      %scan3A_96 = arith.constant 0 : i32
      scf.yield %scan3A_96 : i32
    }
    %scan3A_47 = arith.constant 625 : i32
    %iota3A = tpu.iota {dimensions = array<i32: 0>} : vector<16xi32>
    %lt3A_48 = arith.constant 8 : i32
    %lt3A_49 = arith.cmpi slt, %add3A, %lt3A_48 : i32
    %convert_element_type3A_50 = arith.extui %lt3A_49 : i1 to i32
    %cond3A_51 = arith.constant 0 : i32
    %cond3A_52 = arith.cmpi ne, %convert_element_type3A_50, %cond3A_51 : i32
    scf.if %cond3A_52 {
      %get3A = arith.constant 0 : index
      %get3A_67 = tpu.vector_load %arg20[%get3A] {strides = array<i32>} : memref<16xi32, #tpu.memory_space<vmem>>, vector<16xi32>,
      %gather3A = tpu.vector_load_idx %arg12[%get3A_67] : memref<10240xf32, #tpu.memory_space<vmem>>[vector<16xi32>], vector<16xf32>,
      %mul3A_68 = arith.mulf %gather3A, %gather3A : vector<16xf32>
      %eq3A_69 = arith.constant 0 : i32
      %eq3A_70 = vector.broadcast %eq3A_69 : i32 to vector<16xi32>
      %eq3A_71 = arith.cmpi eq, %iota3A, %eq3A_70 : vector<16xi32>
      tpu.vector_store_idx %arg13[%get3A_67], %mul3A_68 masked %eq3A_71 {add = true} : memref<10240xf32, #tpu.memory_space<vmem>>[vector<16xi32>], vector<16xf32>, vector<16xi1>
      %mul3A_72 = arith.constant 10240 : i32
      %mul3A_73 = arith.muli %add3A, %mul3A_72 : i32
      "tpu.region"() ({
        %run_scoped3A = tpu.sem_alloc : memref<!tpu.dma_semaphore, #tpu.memory_space<semaphore_mem>>
        %dma_start3A = tpu.memref_slice %arg8[%mul3A_73] : memref<81920xf32, #tpu.memory_space<hbm>> -> memref<10240xf32, #tpu.memory_space<hbm>>
        %dma_start3A_74 = tpu.memref_slice %arg8[%mul3A_73] : memref<81920xf32, #tpu.memory_space<hbm>> -> memref<10240xf32, #tpu.memory_space<hbm>>
        tpu.enqueue_dma source(%arg13 : memref<10240xf32, #tpu.memory_space<vmem>>) target(%dma_start3A_74 : memref<10240xf32, #tpu.memory_space<hbm>>) target_semaphore(%run_scoped3A : memref<!tpu.dma_semaphore, #tpu.memory_space<semaphore_mem>>)
        %dma_wait3A = tpu.memref_slice %arg8[%mul3A_73] : memref<81920xf32, #tpu.memory_space<hbm>> -> memref<10240xf32, #tpu.memory_space<hbm>>
        %dma_wait3A_75 = tpu.memref_slice %arg8[%mul3A_73] : memref<81920xf32, #tpu.memory_space<hbm>> -> memref<10240xf32, #tpu.memory_space<hbm>>
        tpu.wait_dma2 semaphore(%run_scoped3A : memref<!tpu.dma_semaphore, #tpu.memory_space<semaphore_mem>>) src(%arg13 : memref<10240xf32, #tpu.memory_space<vmem>>) dst(%dma_wait3A_75 : memref<10240xf32, #tpu.memory_space<hbm>>)
        tpu.yield
      }) : () -> ()
    } else {
    }
    %mul3A_53 = arith.constant 2 : i32
    %mul3A_54 = arith.muli %mul3A_53, %add3A : i32
    %mul3A_55 = arith.constant 10000 : i32
    %mul3A_56 = arith.muli %mul3A_54, %mul3A_55 : i32
    "tpu.region"() ({
      %run_scoped3A = tpu.sem_alloc : memref<!tpu.dma_semaphore, #tpu.memory_space<semaphore_mem>>
      %dma_start3A = arith.constant 0 : i32
      %dma_start3A_67 = tpu.memref_slice %arg11[%dma_start3A] : memref<20000xf32, #tpu.memory_space<vmem>> -> memref<10000xf32, #tpu.memory_space<vmem>>
      %dma_start3A_68 = tpu.memref_slice %arg7[%mul3A_56] : memref<640000xf32, #tpu.memory_space<hbm>> -> memref<10000xf32, #tpu.memory_space<hbm>>
      %dma_start3A_69 = tpu.memref_slice %arg7[%mul3A_56] : memref<640000xf32, #tpu.memory_space<hbm>> -> memref<10000xf32, #tpu.memory_space<hbm>>
      %dma_start3A_70 = arith.constant 0 : i32
      %dma_start3A_71 = tpu.memref_slice %arg11[%dma_start3A_70] : memref<20000xf32, #tpu.memory_space<vmem>> -> memref<10000xf32, #tpu.memory_space<vmem>>
      tpu.enqueue_dma source(%dma_start3A_71 : memref<10000xf32, #tpu.memory_space<vmem>>) target(%dma_start3A_69 : memref<10000xf32, #tpu.memory_space<hbm>>) target_semaphore(%run_scoped3A : memref<!tpu.dma_semaphore, #tpu.memory_space<semaphore_mem>>)
      %dma_wait3A = arith.constant 0 : i32
      %dma_wait3A_72 = tpu.memref_slice %arg11[%dma_wait3A] : memref<20000xf32, #tpu.memory_space<vmem>> -> memref<10000xf32, #tpu.memory_space<vmem>>
      %dma_wait3A_73 = tpu.memref_slice %arg7[%mul3A_56] : memref<640000xf32, #tpu.memory_space<hbm>> -> memref<10000xf32, #tpu.memory_space<hbm>>
      %dma_wait3A_74 = tpu.memref_slice %arg7[%mul3A_56] : memref<640000xf32, #tpu.memory_space<hbm>> -> memref<10000xf32, #tpu.memory_space<hbm>>
      %dma_wait3A_75 = arith.constant 0 : i32
      %dma_wait3A_76 = tpu.memref_slice %arg11[%dma_wait3A_75] : memref<20000xf32, #tpu.memory_space<vmem>> -> memref<10000xf32, #tpu.memory_space<vmem>>
      tpu.wait_dma2 semaphore(%run_scoped3A : memref<!tpu.dma_semaphore, #tpu.memory_space<semaphore_mem>>) src(%dma_wait3A_76 : memref<10000xf32, #tpu.memory_space<vmem>>) dst(%dma_wait3A_74 : memref<10000xf32, #tpu.memory_space<hbm>>)
      tpu.yield
    }) : () -> ()
    %mul3A_57 = arith.constant 2 : i32
    %mul3A_58 = arith.muli %mul3A_57, %add3A : i32
    %add3A_59 = arith.constant 1 : i32
    %add3A_60 = arith.addi %mul3A_58, %add3A_59 : i32
    %mul3A_61 = arith.constant 10000 : i32
    %mul3A_62 = arith.muli %add3A_60, %mul3A_61 : i32
    "tpu.region"() ({
      %run_scoped3A = tpu.sem_alloc : memref<!tpu.dma_semaphore, #tpu.memory_space<semaphore_mem>>
      %dma_start3A = arith.constant 10000 : i32
      %dma_start3A_67 = tpu.memref_slice %arg11[%dma_start3A] : memref<20000xf32, #tpu.memory_space<vmem>> -> memref<10000xf32, #tpu.memory_space<vmem>>
      %dma_start3A_68 = tpu.memref_slice %arg7[%mul3A_62] : memref<640000xf32, #tpu.memory_space<hbm>> -> memref<10000xf32, #tpu.memory_space<hbm>>
      %dma_start3A_69 = tpu.memref_slice %arg7[%mul3A_62] : memref<640000xf32, #tpu.memory_space<hbm>> -> memref<10000xf32, #tpu.memory_space<hbm>>
      %dma_start3A_70 = arith.constant 10000 : i32
      %dma_start3A_71 = tpu.memref_slice %arg11[%dma_start3A_70] : memref<20000xf32, #tpu.memory_space<vmem>> -> memref<10000xf32, #tpu.memory_space<vmem>>
      tpu.enqueue_dma source(%dma_start3A_71 : memref<10000xf32, #tpu.memory_space<vmem>>) target(%dma_start3A_69 : memref<10000xf32, #tpu.memory_space<hbm>>) target_semaphore(%run_scoped3A : memref<!tpu.dma_semaphore, #tpu.memory_space<semaphore_mem>>)
      %dma_wait3A = arith.constant 10000 : i32
      %dma_wait3A_72 = tpu.memref_slice %arg11[%dma_wait3A] : memref<20000xf32, #tpu.memory_space<vmem>> -> memref<10000xf32, #tpu.memory_space<vmem>>
      %dma_wait3A_73 = tpu.memref_slice %arg7[%mul3A_62] : memref<640000xf32, #tpu.memory_space<hbm>> -> memref<10000xf32, #tpu.memory_space<hbm>>
      %dma_wait3A_74 = tpu.memref_slice %arg7[%mul3A_62] : memref<640000xf32, #tpu.memory_space<hbm>> -> memref<10000xf32, #tpu.memory_space<hbm>>
      %dma_wait3A_75 = arith.constant 10000 : i32
      %dma_wait3A_76 = tpu.memref_slice %arg11[%dma_wait3A_75] : memref<20000xf32, #tpu.memory_space<vmem>> -> memref<10000xf32, #tpu.memory_space<vmem>>
      tpu.wait_dma2 semaphore(%run_scoped3A : memref<!tpu.dma_semaphore, #tpu.memory_space<semaphore_mem>>) src(%dma_wait3A_76 : memref<10000xf32, #tpu.memory_space<vmem>>) dst(%dma_wait3A_74 : memref<10000xf32, #tpu.memory_space<hbm>>)
      tpu.yield
    }) : () -> ()
    %eq3A = arith.constant 8 : i32
    %eq3A_63 = arith.cmpi eq, %add3A, %eq3A : i32
    %convert_element_type3A_64 = arith.extui %eq3A_63 : i1 to i32
    %cond3A_65 = arith.constant 0 : i32
    %cond3A_66 = arith.cmpi ne, %convert_element_type3A_64, %cond3A_65 : i32
    scf.if %cond3A_66 {
      "tpu.region"() ({
        %run_scoped3A = tpu.sem_alloc : memref<!tpu.dma_semaphore, #tpu.memory_space<semaphore_mem>>
        tpu.enqueue_dma source(%arg12 : memref<10240xf32, #tpu.memory_space<vmem>>) target(%arg9 : memref<10240xf32, #tpu.memory_space<hbm>>) target_semaphore(%run_scoped3A : memref<!tpu.dma_semaphore, #tpu.memory_space<semaphore_mem>>)
        tpu.wait_dma2 semaphore(%run_scoped3A : memref<!tpu.dma_semaphore, #tpu.memory_space<semaphore_mem>>) src(%arg12 : memref<10240xf32, #tpu.memory_space<vmem>>) dst(%arg9 : memref<10240xf32, #tpu.memory_space<hbm>>)
        tpu.yield
      }) : () -> ()
    } else {
    }
    return
  }
}

#map = affine_map<(d0, d1) -> (0)>
module attributes {stable_mosaic.version = 14 : i64} {
  func.func @_compact_kernel(%arg0: i32, %arg1: i32, %arg2: memref<320000xi32, #tpu.memory_space<hbm>>, %arg3: memref<320000xi32, #tpu.memory_space<hbm>>, %arg4: memref<10240xi32, #tpu.memory_space<hbm>>, %arg5: memref<10240xf32, #tpu.memory_space<hbm>>, %arg6: memref<320000xi32, #tpu.memory_space<hbm>>, %arg7: memref<320000xi32, #tpu.memory_space<hbm>>, %arg8: memref<320000xf32, #tpu.memory_space<hbm>>, %arg9: memref<512xi32, #tpu.memory_space<hbm>>, %arg10: memref<10240xi32, #tpu.memory_space<vmem>>, %arg11: memref<10240xf32, #tpu.memory_space<vmem>>, %arg12: memref<10016xi32, #tpu.memory_space<vmem>>, %arg13: memref<10016xi32, #tpu.memory_space<vmem>>, %arg14: memref<10016xf32, #tpu.memory_space<vmem>>, %arg15: memref<2000xi32, #tpu.memory_space<vmem>>, %arg16: memref<2000xi32, #tpu.memory_space<vmem>>, %arg17: memref<16xi32, #tpu.memory_space<vmem>>) attributes {dimension_semantics = [#tpu.dimension_semantics<core_parallel>, #tpu.dimension_semantics<subcore_parallel>], iteration_bounds = array<i64: 2, 16>, scalar_prefetch = 0 : i64, scratch_operands = 8 : i64, tpu.core_type = #tpu.core_type<sc_vector_subcore>, window_params = [{transform_indices = #map}, {transform_indices = #map}, {transform_indices = #map}, {transform_indices = #map}, {transform_indices = #map}, {transform_indices = #map}, {transform_indices = #map}, {transform_indices = #map}]} {
    %mul3A = arith.constant 2 : i32
    %mul3A_0 = arith.muli %arg1, %mul3A : i32
    %add3A = arith.addi %mul3A_0, %arg0 : i32
    "tpu.region"() ({
      %run_scoped3A = tpu.sem_alloc : memref<!tpu.dma_semaphore, #tpu.memory_space<semaphore_mem>>
      %dma_start3A = arith.constant 0 : i32
      %dma_start3A_45 = tpu.memref_slice %arg4[%dma_start3A] : memref<10240xi32, #tpu.memory_space<hbm>> -> memref<10240xi32, #tpu.memory_space<hbm>>
      %dma_start3A_46 = arith.constant 0 : i32
      %dma_start3A_47 = tpu.memref_slice %arg4[%dma_start3A_46] : memref<10240xi32, #tpu.memory_space<hbm>> -> memref<10240xi32, #tpu.memory_space<hbm>>
      tpu.enqueue_dma source(%dma_start3A_47 : memref<10240xi32, #tpu.memory_space<hbm>>) target(%arg10 : memref<10240xi32, #tpu.memory_space<vmem>>) target_semaphore(%run_scoped3A : memref<!tpu.dma_semaphore, #tpu.memory_space<semaphore_mem>>)
      %dma_wait3A = arith.constant 0 : i32
      %dma_wait3A_48 = tpu.memref_slice %arg4[%dma_wait3A] : memref<10240xi32, #tpu.memory_space<hbm>> -> memref<10240xi32, #tpu.memory_space<hbm>>
      %dma_wait3A_49 = arith.constant 0 : i32
      %dma_wait3A_50 = tpu.memref_slice %arg4[%dma_wait3A_49] : memref<10240xi32, #tpu.memory_space<hbm>> -> memref<10240xi32, #tpu.memory_space<hbm>>
      tpu.wait_dma2 semaphore(%run_scoped3A : memref<!tpu.dma_semaphore, #tpu.memory_space<semaphore_mem>>) src(%dma_wait3A_50 : memref<10240xi32, #tpu.memory_space<hbm>>) dst(%arg10 : memref<10240xi32, #tpu.memory_space<vmem>>)
      tpu.yield
    }) : () -> ()
    "tpu.region"() ({
      %run_scoped3A = tpu.sem_alloc : memref<!tpu.dma_semaphore, #tpu.memory_space<semaphore_mem>>
      tpu.enqueue_dma source(%arg5 : memref<10240xf32, #tpu.memory_space<hbm>>) target(%arg11 : memref<10240xf32, #tpu.memory_space<vmem>>) target_semaphore(%run_scoped3A : memref<!tpu.dma_semaphore, #tpu.memory_space<semaphore_mem>>)
      tpu.wait_dma2 semaphore(%run_scoped3A : memref<!tpu.dma_semaphore, #tpu.memory_space<semaphore_mem>>) src(%arg5 : memref<10240xf32, #tpu.memory_space<hbm>>) dst(%arg11 : memref<10240xf32, #tpu.memory_space<vmem>>)
      tpu.yield
    }) : () -> ()
    %broadcast_in_dim3A = arith.constant 0.000000e+00 : f32
    %broadcast_in_dim3A_1 = vector.broadcast %broadcast_in_dim3A : f32 to vector<16xf32>
    %broadcast_in_dim3A_2 = arith.constant 0 : i32
    %broadcast_in_dim3A_3 = vector.broadcast %broadcast_in_dim3A_2 : i32 to vector<16xi32>
    %scan3A = arith.constant 0 : i32
    %scan3A_4 = arith.constant 0 : i32
    %scan3A_5 = arith.constant 626 : i32
    %scan3A_6 = arith.addi %scan3A_4, %scan3A_5 : i32
    %scan3A_7 = arith.constant 1 : i32
    %scan3A_8 = scf.for %scan3A_45 = %scan3A_4 to %scan3A_6 step %scan3A_7 iter_args(%scan3A_46 = %scan3A) -> (i32)  : i32 {
      %mul3A_47 = arith.constant 16 : i32
      %mul3A_48 = arith.muli %scan3A_45, %mul3A_47 : i32
      %swap3A_49 = arith.index_cast %mul3A_48 : i32 to index
      %swap3A_50 = tpu.vector_load %arg12[%swap3A_49] {strides = array<i32>} : memref<10016xi32, #tpu.memory_space<vmem>>, vector<16xi32>,
      tpu.vector_store %arg12[%swap3A_49], %broadcast_in_dim3A_3 {strides = array<i32>} : memref<10016xi32, #tpu.memory_space<vmem>>, vector<16xi32>,
      %swap3A_51 = arith.index_cast %mul3A_48 : i32 to index
      %swap3A_52 = tpu.vector_load %arg13[%swap3A_51] {strides = array<i32>} : memref<10016xi32, #tpu.memory_space<vmem>>, vector<16xi32>,
      tpu.vector_store %arg13[%swap3A_51], %broadcast_in_dim3A_3 {strides = array<i32>} : memref<10016xi32, #tpu.memory_space<vmem>>, vector<16xi32>,
      %swap3A_53 = arith.index_cast %mul3A_48 : i32 to index
      %swap3A_54 = tpu.vector_load %arg14[%swap3A_53] {strides = array<i32>} : memref<10016xf32, #tpu.memory_space<vmem>>, vector<16xf32>,
      tpu.vector_store %arg14[%swap3A_53], %broadcast_in_dim3A_1 {strides = array<i32>} : memref<10016xf32, #tpu.memory_space<vmem>>, vector<16xf32>,
      %scan3A_55 = arith.constant 0 : i32
      scf.yield %scan3A_55 : i32
    }
    %scan3A_9 = arith.constant 626 : i32
    %mul3A_10 = arith.constant 10000 : i32
    %mul3A_11 = arith.muli %add3A, %mul3A_10 : i32
    %scan3A_12 = arith.constant 0 : i32
    %scan3A_13 = arith.constant 0 : i32
    %scan3A_14 = arith.constant 5 : i32
    %scan3A_15 = arith.addi %scan3A_13, %scan3A_14 : i32
    %scan3A_16 = arith.constant 1 : i32
    %scan3A_17 = scf.for %scan3A_45 = %scan3A_13 to %scan3A_15 step %scan3A_16 iter_args(%scan3A_46 = %scan3A_12) -> (i32)  : i32 {
      %mul3A_47 = arith.constant 2000 : i32
      %mul3A_48 = arith.muli %scan3A_45, %mul3A_47 : i32
      %add3A_49 = arith.addi %mul3A_11, %mul3A_48 : i32
      "tpu.region"() ({
        %run_scoped3A = tpu.sem_alloc : memref<!tpu.dma_semaphore, #tpu.memory_space<semaphore_mem>>
        %dma_start3A = tpu.memref_slice %arg2[%add3A_49] : memref<320000xi32, #tpu.memory_space<hbm>> -> memref<2000xi32, #tpu.memory_space<hbm>>
        %dma_start3A_56 = tpu.memref_slice %arg2[%add3A_49] : memref<320000xi32, #tpu.memory_space<hbm>> -> memref<2000xi32, #tpu.memory_space<hbm>>
        tpu.enqueue_dma source(%dma_start3A_56 : memref<2000xi32, #tpu.memory_space<hbm>>) target(%arg15 : memref<2000xi32, #tpu.memory_space<vmem>>) target_semaphore(%run_scoped3A : memref<!tpu.dma_semaphore, #tpu.memory_space<semaphore_mem>>)
        %dma_wait3A = tpu.memref_slice %arg2[%add3A_49] : memref<320000xi32, #tpu.memory_space<hbm>> -> memref<2000xi32, #tpu.memory_space<hbm>>
        %dma_wait3A_57 = tpu.memref_slice %arg2[%add3A_49] : memref<320000xi32, #tpu.memory_space<hbm>> -> memref<2000xi32, #tpu.memory_space<hbm>>
        tpu.wait_dma2 semaphore(%run_scoped3A : memref<!tpu.dma_semaphore, #tpu.memory_space<semaphore_mem>>) src(%dma_wait3A_57 : memref<2000xi32, #tpu.memory_space<hbm>>) dst(%arg15 : memref<2000xi32, #tpu.memory_space<vmem>>)
        tpu.yield
      }) : () -> ()
      "tpu.region"() ({
        %run_scoped3A = tpu.sem_alloc : memref<!tpu.dma_semaphore, #tpu.memory_space<semaphore_mem>>
        %dma_start3A = tpu.memref_slice %arg3[%add3A_49] : memref<320000xi32, #tpu.memory_space<hbm>> -> memref<2000xi32, #tpu.memory_space<hbm>>
        %dma_start3A_56 = tpu.memref_slice %arg3[%add3A_49] : memref<320000xi32, #tpu.memory_space<hbm>> -> memref<2000xi32, #tpu.memory_space<hbm>>
        tpu.enqueue_dma source(%dma_start3A_56 : memref<2000xi32, #tpu.memory_space<hbm>>) target(%arg16 : memref<2000xi32, #tpu.memory_space<vmem>>) target_semaphore(%run_scoped3A : memref<!tpu.dma_semaphore, #tpu.memory_space<semaphore_mem>>)
        %dma_wait3A = tpu.memref_slice %arg3[%add3A_49] : memref<320000xi32, #tpu.memory_space<hbm>> -> memref<2000xi32, #tpu.memory_space<hbm>>
        %dma_wait3A_57 = tpu.memref_slice %arg3[%add3A_49] : memref<320000xi32, #tpu.memory_space<hbm>> -> memref<2000xi32, #tpu.memory_space<hbm>>
        tpu.wait_dma2 semaphore(%run_scoped3A : memref<!tpu.dma_semaphore, #tpu.memory_space<semaphore_mem>>) src(%dma_wait3A_57 : memref<2000xi32, #tpu.memory_space<hbm>>) dst(%arg16 : memref<2000xi32, #tpu.memory_space<vmem>>)
        tpu.yield
      }) : () -> ()
      %scan3A_50 = arith.constant 0 : i32
      %scan3A_51 = arith.constant 125 : i32
      %scan3A_52 = arith.addi %scan3A_50, %scan3A_51 : i32
      %scan3A_53 = arith.constant 1 : i32
      %scan3A_54 = scf.for %scan3A_56 = %scan3A_50 to %scan3A_52 step %scan3A_53 iter_args(%scan3A_57 = %scan3A_46) -> (i32)  : i32 {
        %mul3A_58 = arith.constant 16 : i32
        %mul3A_59 = arith.muli %scan3A_56, %mul3A_58 : i32
        %get3A = arith.index_cast %mul3A_59 : i32 to index
        %get3A_60 = tpu.vector_load %arg15[%get3A] {strides = array<i32>} : memref<2000xi32, #tpu.memory_space<vmem>>, vector<16xi32>,
        %get3A_61 = arith.index_cast %mul3A_59 : i32 to index
        %get3A_62 = tpu.vector_load %arg16[%get3A_61] {strides = array<i32>} : memref<2000xi32, #tpu.memory_space<vmem>>, vector<16xi32>,
        %gather3A = tpu.vector_load_idx %arg10[%get3A_60] : memref<10240xi32, #tpu.memory_space<vmem>>[vector<16xi32>], vector<16xi32>,
        %gather3A_63 = tpu.vector_load_idx %arg10[%get3A_62] : memref<10240xi32, #tpu.memory_space<vmem>>[vector<16xi32>], vector<16xi32>,
        %add3A_64 = arith.addi %gather3A, %gather3A_63 : vector<16xi32>
        %gt3A = arith.constant 0 : i32
        %gt3A_65 = vector.broadcast %gt3A : i32 to vector<16xi32>
        %gt3A_66 = arith.cmpi sgt, %add3A_64, %gt3A_65 : vector<16xi32>
        %gather3A_67 = tpu.vector_load_idx %arg11[%get3A_60] : memref<10240xf32, #tpu.memory_space<vmem>>[vector<16xi32>], vector<16xf32>,
        %gather3A_68 = tpu.vector_load_idx %arg11[%get3A_62] : memref<10240xf32, #tpu.memory_space<vmem>>[vector<16xi32>], vector<16xf32>,
        %mul3A_69 = arith.mulf %gather3A_67, %gather3A_68 : vector<16xf32>
        %swap3A_70 = arith.index_cast %scan3A_57 : i32 to index
        %swap3A_71 = tpu.vector_load %arg12[%swap3A_70] masked %gt3A_66 {strides = array<i32>} : memref<10016xi32, #tpu.memory_space<vmem>>, vector<16xi32>, vector<16xi1>
        tpu.vector_store %arg12[%swap3A_70], %get3A_60 masked %gt3A_66 {strides = array<i32>} : memref<10016xi32, #tpu.memory_space<vmem>>, vector<16xi32>, vector<16xi1>
        %swap3A_72 = arith.index_cast %scan3A_57 : i32 to index
        %swap3A_73 = tpu.vector_load %arg13[%swap3A_72] masked %gt3A_66 {strides = array<i32>} : memref<10016xi32, #tpu.memory_space<vmem>>, vector<16xi32>, vector<16xi1>
        tpu.vector_store %arg13[%swap3A_72], %get3A_62 masked %gt3A_66 {strides = array<i32>} : memref<10016xi32, #tpu.memory_space<vmem>>, vector<16xi32>, vector<16xi1>
        %swap3A_74 = arith.index_cast %scan3A_57 : i32 to index
        %swap3A_75 = tpu.vector_load %arg14[%swap3A_74] masked %gt3A_66 {strides = array<i32>} : memref<10016xf32, #tpu.memory_space<vmem>>, vector<16xf32>, vector<16xi1>
        tpu.vector_store %arg14[%swap3A_74], %mul3A_69 masked %gt3A_66 {strides = array<i32>} : memref<10016xf32, #tpu.memory_space<vmem>>, vector<16xf32>, vector<16xi1>
        %all_reduce_population_count3A = tpu.all_reduce %gt3A_66 {dim = 0 : i64, kind = #tpu.reduction_kind<sum>} : vector<16xi1> -> vector<16xi32>
        %reduce_max3A = arith.constant true
        %reduce_max3A_76 = vector.broadcast %reduce_max3A : i1 to vector<16xi1>
        %reduce_max3A_77 = arith.constant -2147483648 : i32
        %reduce_max3A_78 = vector.broadcast %reduce_max3A_77 : i32 to vector<16xi32>
        %reduce_max3A_79 = arith.xori %all_reduce_population_count3A, %reduce_max3A_78 : vector<16xi32>
        %reduce_max3A_80 = tpu.scan <max>, %reduce_max3A_79 masked %reduce_max3A_76 : vector<16xi32>, vector<16xi1> -> vector<16xi32>
        %reduce_max3A_81 = arith.xori %reduce_max3A_80, %reduce_max3A_78 : vector<16xi32>
        %reduce_max3A_82 = vector.extract %reduce_max3A_81[15] : i32 from vector<16xi32>
        %add3A_83 = arith.addi %scan3A_57, %reduce_max3A_82 : i32
        scf.yield %add3A_83 : i32
      }
      %scan3A_55 = arith.constant 125 : i32
      scf.yield %scan3A_54 : i32
    }
    %scan3A_18 = arith.constant 5 : i32
    %add3A_19 = arith.constant 16 : i32
    %add3A_20 = arith.addi %scan3A_17, %add3A_19 : i32
    %sub3A = arith.constant 1 : i32
    %sub3A_21 = arith.subi %add3A_20, %sub3A : i32
    %jit3A = arith.constant 16 : i32
    %div3A = arith.divsi %sub3A_21, %jit3A : i32
    %sign3A = arith.constant 0 : i32
    %sign3A_22 = arith.cmpi sgt, %sub3A_21, %sign3A : i32
    %sign3A_23 = arith.extui %sign3A_22 : i1 to i32
    %sign3A_24 = arith.constant 0 : i32
    %sign3A_25 = arith.cmpi slt, %sub3A_21, %sign3A_24 : i32
    %sign3A_26 = arith.extui %sign3A_25 : i1 to i32
    %sign3A_27 = arith.subi %sign3A_23, %sign3A_26 : i32
    %sign3A_28 = arith.constant 0 : i32
    %sign3A_29 = arith.cmpi sgt, %jit3A, %sign3A_28 : i32
    %sign3A_30 = arith.extui %sign3A_29 : i1 to i32
    %sign3A_31 = arith.constant 0 : i32
    %sign3A_32 = arith.cmpi slt, %jit3A, %sign3A_31 : i32
    %sign3A_33 = arith.extui %sign3A_32 : i1 to i32
    %sign3A_34 = arith.subi %sign3A_30, %sign3A_33 : i32
    %ne3A = arith.cmpi ne, %sign3A_27, %sign3A_34 : i32
    %rem3A = arith.remsi %sub3A_21, %jit3A : i32
    %ne3A_35 = arith.constant 0 : i32
    %ne3A_36 = arith.cmpi ne, %rem3A, %ne3A_35 : i32
    %and3A = arith.andi %ne3A, %ne3A_36 : i1
    %sub3A_37 = arith.constant 1 : i32
    %sub3A_38 = arith.subi %div3A, %sub3A_37 : i32
    %select_n3A = arith.select %and3A, %sub3A_38, %div3A : i32
    %mul3A_39 = arith.constant 16 : i32
    %mul3A_40 = arith.muli %select_n3A, %mul3A_39 : i32
    %broadcast_in_dim3A_41 = vector.broadcast %mul3A_40 : i32 to vector<16xi32>
    %swap3A = arith.constant 0 : index
    %swap3A_42 = tpu.vector_load %arg17[%swap3A] {strides = array<i32>} : memref<16xi32, #tpu.memory_space<vmem>>, vector<16xi32>,
    tpu.vector_store %arg17[%swap3A], %broadcast_in_dim3A_41 {strides = array<i32>} : memref<16xi32, #tpu.memory_space<vmem>>, vector<16xi32>,
    %mul3A_43 = arith.constant 16 : i32
    %mul3A_44 = arith.muli %add3A, %mul3A_43 : i32
    "tpu.region"() ({
      %run_scoped3A = tpu.sem_alloc : memref<!tpu.dma_semaphore, #tpu.memory_space<semaphore_mem>>
      %dma_start3A = tpu.memref_slice %arg9[%mul3A_44] : memref<512xi32, #tpu.memory_space<hbm>> -> memref<16xi32, #tpu.memory_space<hbm>>
      %dma_start3A_45 = tpu.memref_slice %arg9[%mul3A_44] : memref<512xi32, #tpu.memory_space<hbm>> -> memref<16xi32, #tpu.memory_space<hbm>>
      tpu.enqueue_dma source(%arg17 : memref<16xi32, #tpu.memory_space<vmem>>) target(%dma_start3A_45 : memref<16xi32, #tpu.memory_space<hbm>>) target_semaphore(%run_scoped3A : memref<!tpu.dma_semaphore, #tpu.memory_space<semaphore_mem>>)
      %dma_wait3A = tpu.memref_slice %arg9[%mul3A_44] : memref<512xi32, #tpu.memory_space<hbm>> -> memref<16xi32, #tpu.memory_space<hbm>>
      %dma_wait3A_46 = tpu.memref_slice %arg9[%mul3A_44] : memref<512xi32, #tpu.memory_space<hbm>> -> memref<16xi32, #tpu.memory_space<hbm>>
      tpu.wait_dma2 semaphore(%run_scoped3A : memref<!tpu.dma_semaphore, #tpu.memory_space<semaphore_mem>>) src(%arg17 : memref<16xi32, #tpu.memory_space<vmem>>) dst(%dma_wait3A_46 : memref<16xi32, #tpu.memory_space<hbm>>)
      tpu.yield
    }) : () -> ()
    "tpu.region"() ({
      %run_scoped3A = tpu.sem_alloc : memref<!tpu.dma_semaphore, #tpu.memory_space<semaphore_mem>>
      %dma_start3A = arith.constant 0 : i32
      %dma_start3A_45 = tpu.memref_slice %arg12[%dma_start3A] : memref<10016xi32, #tpu.memory_space<vmem>> -> memref<10000xi32, #tpu.memory_space<vmem>>
      %dma_start3A_46 = tpu.memref_slice %arg6[%mul3A_11] : memref<320000xi32, #tpu.memory_space<hbm>> -> memref<10000xi32, #tpu.memory_space<hbm>>
      %dma_start3A_47 = tpu.memref_slice %arg6[%mul3A_11] : memref<320000xi32, #tpu.memory_space<hbm>> -> memref<10000xi32, #tpu.memory_space<hbm>>
      %dma_start3A_48 = arith.constant 0 : i32
      %dma_start3A_49 = tpu.memref_slice %arg12[%dma_start3A_48] : memref<10016xi32, #tpu.memory_space<vmem>> -> memref<10000xi32, #tpu.memory_space<vmem>>
      tpu.enqueue_dma source(%dma_start3A_49 : memref<10000xi32, #tpu.memory_space<vmem>>) target(%dma_start3A_47 : memref<10000xi32, #tpu.memory_space<hbm>>) target_semaphore(%run_scoped3A : memref<!tpu.dma_semaphore, #tpu.memory_space<semaphore_mem>>)
      %dma_wait3A = arith.constant 0 : i32
      %dma_wait3A_50 = tpu.memref_slice %arg12[%dma_wait3A] : memref<10016xi32, #tpu.memory_space<vmem>> -> memref<10000xi32, #tpu.memory_space<vmem>>
      %dma_wait3A_51 = tpu.memref_slice %arg6[%mul3A_11] : memref<320000xi32, #tpu.memory_space<hbm>> -> memref<10000xi32, #tpu.memory_space<hbm>>
      %dma_wait3A_52 = tpu.memref_slice %arg6[%mul3A_11] : memref<320000xi32, #tpu.memory_space<hbm>> -> memref<10000xi32, #tpu.memory_space<hbm>>
      %dma_wait3A_53 = arith.constant 0 : i32
      %dma_wait3A_54 = tpu.memref_slice %arg12[%dma_wait3A_53] : memref<10016xi32, #tpu.memory_space<vmem>> -> memref<10000xi32, #tpu.memory_space<vmem>>
      tpu.wait_dma2 semaphore(%run_scoped3A : memref<!tpu.dma_semaphore, #tpu.memory_space<semaphore_mem>>) src(%dma_wait3A_54 : memref<10000xi32, #tpu.memory_space<vmem>>) dst(%dma_wait3A_52 : memref<10000xi32, #tpu.memory_space<hbm>>)
      tpu.yield
    }) : () -> ()
    "tpu.region"() ({
      %run_scoped3A = tpu.sem_alloc : memref<!tpu.dma_semaphore, #tpu.memory_space<semaphore_mem>>
      %dma_start3A = arith.constant 0 : i32
      %dma_start3A_45 = tpu.memref_slice %arg13[%dma_start3A] : memref<10016xi32, #tpu.memory_space<vmem>> -> memref<10000xi32, #tpu.memory_space<vmem>>
      %dma_start3A_46 = tpu.memref_slice %arg7[%mul3A_11] : memref<320000xi32, #tpu.memory_space<hbm>> -> memref<10000xi32, #tpu.memory_space<hbm>>
      %dma_start3A_47 = tpu.memref_slice %arg7[%mul3A_11] : memref<320000xi32, #tpu.memory_space<hbm>> -> memref<10000xi32, #tpu.memory_space<hbm>>
      %dma_start3A_48 = arith.constant 0 : i32
      %dma_start3A_49 = tpu.memref_slice %arg13[%dma_start3A_48] : memref<10016xi32, #tpu.memory_space<vmem>> -> memref<10000xi32, #tpu.memory_space<vmem>>
      tpu.enqueue_dma source(%dma_start3A_49 : memref<10000xi32, #tpu.memory_space<vmem>>) target(%dma_start3A_47 : memref<10000xi32, #tpu.memory_space<hbm>>) target_semaphore(%run_scoped3A : memref<!tpu.dma_semaphore, #tpu.memory_space<semaphore_mem>>)
      %dma_wait3A = arith.constant 0 : i32
      %dma_wait3A_50 = tpu.memref_slice %arg13[%dma_wait3A] : memref<10016xi32, #tpu.memory_space<vmem>> -> memref<10000xi32, #tpu.memory_space<vmem>>
      %dma_wait3A_51 = tpu.memref_slice %arg7[%mul3A_11] : memref<320000xi32, #tpu.memory_space<hbm>> -> memref<10000xi32, #tpu.memory_space<hbm>>
      %dma_wait3A_52 = tpu.memref_slice %arg7[%mul3A_11] : memref<320000xi32, #tpu.memory_space<hbm>> -> memref<10000xi32, #tpu.memory_space<hbm>>
      %dma_wait3A_53 = arith.constant 0 : i32
      %dma_wait3A_54 = tpu.memref_slice %arg13[%dma_wait3A_53] : memref<10016xi32, #tpu.memory_space<vmem>> -> memref<10000xi32, #tpu.memory_space<vmem>>
      tpu.wait_dma2 semaphore(%run_scoped3A : memref<!tpu.dma_semaphore, #tpu.memory_space<semaphore_mem>>) src(%dma_wait3A_54 : memref<10000xi32, #tpu.memory_space<vmem>>) dst(%dma_wait3A_52 : memref<10000xi32, #tpu.memory_space<hbm>>)
      tpu.yield
    }) : () -> ()
    "tpu.region"() ({
      %run_scoped3A = tpu.sem_alloc : memref<!tpu.dma_semaphore, #tpu.memory_space<semaphore_mem>>
      %dma_start3A = arith.constant 0 : i32
      %dma_start3A_45 = tpu.memref_slice %arg14[%dma_start3A] : memref<10016xf32, #tpu.memory_space<vmem>> -> memref<10000xf32, #tpu.memory_space<vmem>>
      %dma_start3A_46 = tpu.memref_slice %arg8[%mul3A_11] : memref<320000xf32, #tpu.memory_space<hbm>> -> memref<10000xf32, #tpu.memory_space<hbm>>
      %dma_start3A_47 = tpu.memref_slice %arg8[%mul3A_11] : memref<320000xf32, #tpu.memory_space<hbm>> -> memref<10000xf32, #tpu.memory_space<hbm>>
      %dma_start3A_48 = arith.constant 0 : i32
      %dma_start3A_49 = tpu.memref_slice %arg14[%dma_start3A_48] : memref<10016xf32, #tpu.memory_space<vmem>> -> memref<10000xf32, #tpu.memory_space<vmem>>
      tpu.enqueue_dma source(%dma_start3A_49 : memref<10000xf32, #tpu.memory_space<vmem>>) target(%dma_start3A_47 : memref<10000xf32, #tpu.memory_space<hbm>>) target_semaphore(%run_scoped3A : memref<!tpu.dma_semaphore, #tpu.memory_space<semaphore_mem>>)
      %dma_wait3A = arith.constant 0 : i32
      %dma_wait3A_50 = tpu.memref_slice %arg14[%dma_wait3A] : memref<10016xf32, #tpu.memory_space<vmem>> -> memref<10000xf32, #tpu.memory_space<vmem>>
      %dma_wait3A_51 = tpu.memref_slice %arg8[%mul3A_11] : memref<320000xf32, #tpu.memory_space<hbm>> -> memref<10000xf32, #tpu.memory_space<hbm>>
      %dma_wait3A_52 = tpu.memref_slice %arg8[%mul3A_11] : memref<320000xf32, #tpu.memory_space<hbm>> -> memref<10000xf32, #tpu.memory_space<hbm>>
      %dma_wait3A_53 = arith.constant 0 : i32
      %dma_wait3A_54 = tpu.memref_slice %arg14[%dma_wait3A_53] : memref<10016xf32, #tpu.memory_space<vmem>> -> memref<10000xf32, #tpu.memory_space<vmem>>
      tpu.wait_dma2 semaphore(%run_scoped3A : memref<!tpu.dma_semaphore, #tpu.memory_space<semaphore_mem>>) src(%dma_wait3A_54 : memref<10000xf32, #tpu.memory_space<vmem>>) dst(%dma_wait3A_52 : memref<10000xf32, #tpu.memory_space<hbm>>)
      tpu.yield
    }) : () -> ()
    return
  }
}

module attributes {stable_mosaic.version = 14 : i64} {
  func.func @_n2l_body(%arg0: memref<10000x128xf32, #tpu.memory_space<vmem>>, %arg1: memref<128x64xf32, #tpu.memory_space<vmem>>, %arg2: memref<64x1xf32, #tpu.memory_space<vmem>>, %arg3: memref<64x10000xf32, #tpu.memory_space<vmem>>, %arg4: memref<64x10000xf32, #tpu.memory_space<vmem>>) attributes {dimension_semantics = [], scalar_prefetch = 0 : i64, scratch_operands = 0 : i64, tpu.core_type = #tpu.core_type<tc>} {
    %get3A = arith.constant 0 : index
    %get3A_0 = arith.constant 0 : index
    %get3A_1 = vector.load %arg1[%get3A, %get3A_0] : memref<128x64xf32, #tpu.memory_space<vmem>>, vector<128x64xf32>
    %get3A_2 = arith.constant 0 : index
    %get3A_3 = arith.constant 0 : index
    %get3A_4 = vector.load %arg0[%get3A_2, %get3A_3] : memref<10000x128xf32, #tpu.memory_space<vmem>>, vector<10000x128xf32>
    %dot_general3A = arith.constant dense<0.000000e+00> : vector<64x10000xf32>
    %dot_general3A_5 = tpu.matmul %get3A_1, %get3A_4, %dot_general3A {dimension_numbers = #tpu.dot_dimension_numbers<[0], [1], [1], [0], [0, 1, 1, 0], [], []>, transpose_lhs_hint = false} : vector<128x64xf32>, vector<10000x128xf32>, vector<64x10000xf32> -> vector<64x10000xf32>
    %get3A_6 = arith.constant 0 : index
    %get3A_7 = arith.constant 0 : index
    %get3A_8 = vector.load %arg2[%get3A_6, %get3A_7] : memref<64x1xf32, #tpu.memory_space<vmem>>, vector<64x1xf32>
    %add3A = vector.broadcast %get3A_8 : vector<64x1xf32> to vector<64x10000xf32>
    %add3A_9 = arith.addf %dot_general3A_5, %add3A : vector<64x10000xf32>
    %swap3A = arith.constant 0 : index
    %swap3A_10 = arith.constant 0 : index
    %swap3A_11 = vector.load %arg3[%swap3A, %swap3A_10] : memref<64x10000xf32, #tpu.memory_space<vmem>>, vector<64x10000xf32>
    tpu.vector_store %arg3[%swap3A, %swap3A_10], %add3A_9 {strides = array<i32>} : memref<64x10000xf32, #tpu.memory_space<vmem>>, vector<64x10000xf32>,
    %max3A = arith.constant 0.000000e+00 : f32
    %max3A_12 = vector.broadcast %max3A : f32 to vector<64x10000xf32>
    %max3A_13 = arith.maximumf %add3A_9, %max3A_12 : vector<64x10000xf32>
    %swap3A_14 = arith.constant 0 : index
    %swap3A_15 = arith.constant 0 : index
    %swap3A_16 = vector.load %arg4[%swap3A_14, %swap3A_15] : memref<64x10000xf32, #tpu.memory_space<vmem>>, vector<64x10000xf32>
    tpu.vector_store %arg4[%swap3A_14, %swap3A_15], %max3A_13 {strides = array<i32>} : memref<64x10000xf32, #tpu.memory_space<vmem>>, vector<64x10000xf32>,
    return
  }
}

module attributes {stable_mosaic.version = 14 : i64} {
  func.func @_flags_body(%arg0: memref<8x10240xf32, #tpu.memory_space<vmem>>, %arg1: memref<1x10240xi32, #tpu.memory_space<vmem>>) attributes {dimension_semantics = [], scalar_prefetch = 0 : i64, scratch_operands = 0 : i64, tpu.core_type = #tpu.core_type<tc>} {
    %get3A = arith.constant 0 : index
    %get3A_0 = arith.constant 0 : index
    %get3A_1 = vector.load %arg0[%get3A, %get3A_0] : memref<8x10240xf32, #tpu.memory_space<vmem>>, vector<8x10240xf32>
    %abs3A = math.absf %get3A_1 : vector<8x10240xf32>
    %reduce_max3A = arith.constant dense<0xFF800000> : vector<10240xf32>
    %reduce_max3A_2 = vector.multi_reduction <maximumf>, %abs3A, %reduce_max3A [0] : vector<8x10240xf32> to vector<10240xf32>
    %broadcast_in_dim3A = vector.shape_cast %reduce_max3A_2 : vector<10240xf32> to vector<1x10240xf32>
    %gt3A = arith.constant 0.000000e+00 : f32
    %gt3A_3 = vector.broadcast %gt3A : f32 to vector<1x10240xf32>
    %gt3A_4 = arith.cmpf ogt, %broadcast_in_dim3A, %gt3A_3 : vector<1x10240xf32>
    %convert_element_type3A = arith.extui %gt3A_4 : vector<1x10240xi1> to vector<1x10240xi32>
    %swap3A = arith.constant 0 : index
    %swap3A_5 = arith.constant 0 : index
    %swap3A_6 = vector.load %arg1[%swap3A, %swap3A_5] : memref<1x10240xi32, #tpu.memory_space<vmem>>, vector<1x10240xi32>
    tpu.vector_store %arg1[%swap3A, %swap3A_5], %convert_element_type3A {strides = array<i32>} : memref<1x10240xi32, #tpu.memory_space<vmem>>, vector<1x10240xi32>,
    return
  }
}

module attributes {stable_mosaic.version = 14 : i64} {
  func.func @_x1base_body(%arg0: memref<64x10000xf32, #tpu.memory_space<vmem>>, %arg1: memref<64x10000xf32, #tpu.memory_space<vmem>>, %arg2: memref<64x64xf32, #tpu.memory_space<vmem>>, %arg3: memref<64x1xf32, #tpu.memory_space<vmem>>, %arg4: memref<64x10000xf32, #tpu.memory_space<vmem>>) attributes {dimension_semantics = [], scalar_prefetch = 0 : i64, scratch_operands = 0 : i64, tpu.core_type = #tpu.core_type<tc>} {
    %get3A = arith.constant 0 : index
    %get3A_0 = arith.constant 0 : index
    %get3A_1 = vector.load %arg2[%get3A, %get3A_0] : memref<64x64xf32, #tpu.memory_space<vmem>>, vector<64x64xf32>
    %get3A_2 = arith.constant 0 : index
    %get3A_3 = arith.constant 0 : index
    %get3A_4 = vector.load %arg0[%get3A_2, %get3A_3] : memref<64x10000xf32, #tpu.memory_space<vmem>>, vector<64x10000xf32>
    %dot_general3A = arith.constant dense<0.000000e+00> : vector<64x10000xf32>
    %dot_general3A_5 = tpu.matmul %get3A_1, %get3A_4, %dot_general3A {dimension_numbers = #tpu.dot_dimension_numbers<[0], [0], [1], [1], [0, 1, 1, 1], [], []>, transpose_lhs_hint = false} : vector<64x64xf32>, vector<64x10000xf32>, vector<64x10000xf32> -> vector<64x10000xf32>
    %get3A_6 = arith.constant 0 : index
    %get3A_7 = arith.constant 0 : index
    %get3A_8 = vector.load %arg3[%get3A_6, %get3A_7] : memref<64x1xf32, #tpu.memory_space<vmem>>, vector<64x1xf32>
    %add3A = vector.broadcast %get3A_8 : vector<64x1xf32> to vector<64x10000xf32>
    %add3A_9 = arith.addf %dot_general3A_5, %add3A : vector<64x10000xf32>
    %get3A_10 = arith.constant 0 : index
    %get3A_11 = arith.constant 0 : index
    %get3A_12 = vector.load %arg1[%get3A_10, %get3A_11] : memref<64x10000xf32, #tpu.memory_space<vmem>>, vector<64x10000xf32>
    %add3A_13 = arith.addf %add3A_9, %get3A_12 : vector<64x10000xf32>
    %max3A = arith.constant 0.000000e+00 : f32
    %max3A_14 = vector.broadcast %max3A : f32 to vector<64x10000xf32>
    %max3A_15 = arith.maximumf %add3A_13, %max3A_14 : vector<64x10000xf32>
    %swap3A = arith.constant 0 : index
    %swap3A_16 = arith.constant 0 : index
    %swap3A_17 = vector.load %arg4[%swap3A, %swap3A_16] : memref<64x10000xf32, #tpu.memory_space<vmem>>, vector<64x10000xf32>
    tpu.vector_store %arg4[%swap3A, %swap3A_16], %max3A_15 {strides = array<i32>} : memref<64x10000xf32, #tpu.memory_space<vmem>>, vector<64x10000xf32>,
    return
  }
}

module attributes {stable_mosaic.version = 14 : i64} {
  func.func @_lvl1_body(%arg0: i32, %arg1: memref<64x10000xf32, #tpu.memory_space<vmem>>, %arg2: memref<64x10000xf32, #tpu.memory_space<vmem>>, %arg3: memref<1x1x10000xf32, #tpu.memory_space<vmem>>, %arg4: memref<1x64x1xf32, #tpu.memory_space<vmem>>, %arg5: memref<1x1x10000xf32, #tpu.memory_space<vmem>>, %arg6: memref<64x64xf32, #tpu.memory_space<vmem>>, %arg7: memref<64x1xf32, #tpu.memory_space<vmem>>, %arg8: memref<64x1xf32, #tpu.memory_space<vmem>>, %arg9: memref<1x64x10000xf32, #tpu.memory_space<vmem>>) attributes {dimension_semantics = [#tpu.dimension_semantics<arbitrary>], iteration_bounds = array<i64: 8>, scalar_prefetch = 0 : i64, scratch_operands = 0 : i64, tpu.core_type = #tpu.core_type<tc>, window_params = [{pipeline_mode = #tpu.pipeline_mode<synchronous>, transform_indices = @transform_0, window_bounds = array<i64: 64, 10000>}, {pipeline_mode = #tpu.pipeline_mode<synchronous>, transform_indices = @transform_1, window_bounds = array<i64: 64, 10000>}, {transform_indices = @transform_2, window_bounds = array<i64: 1, 1, 10000>}, {transform_indices = @transform_3, window_bounds = array<i64: 1, 64, 1>}, {transform_indices = @transform_4, window_bounds = array<i64: 1, 1, 10000>}, {pipeline_mode = #tpu.pipeline_mode<synchronous>, transform_indices = @transform_5, window_bounds = array<i64: 64, 64>}, {pipeline_mode = #tpu.pipeline_mode<synchronous>, transform_indices = @transform_6, window_bounds = array<i64: 64, 1>}, {pipeline_mode = #tpu.pipeline_mode<synchronous>, transform_indices = @transform_7, window_bounds = array<i64: 64, 1>}, {transform_indices = @transform_8, window_bounds = array<i64: 1, 64, 10000>}]} {
    %get3A = arith.constant 0 : index
    %get3A_0 = arith.constant 0 : index
    %get3A_1 = vector.load %arg6[%get3A, %get3A_0] : memref<64x64xf32, #tpu.memory_space<vmem>>, vector<64x64xf32>
    %get3A_2 = arith.constant 0 : index
    %get3A_3 = arith.constant 0 : index
    %get3A_4 = vector.load %arg1[%get3A_2, %get3A_3] : memref<64x10000xf32, #tpu.memory_space<vmem>>, vector<64x10000xf32>
    %dot_general3A = arith.constant dense<0.000000e+00> : vector<64x10000xf32>
    %dot_general3A_5 = tpu.matmul %get3A_1, %get3A_4, %dot_general3A {dimension_numbers = #tpu.dot_dimension_numbers<[0], [0], [1], [1], [0, 1, 1, 1], [], []>, transpose_lhs_hint = false} : vector<64x64xf32>, vector<64x10000xf32>, vector<64x10000xf32> -> vector<64x10000xf32>
    %get3A_6 = arith.constant 0 : index
    %get3A_7 = arith.constant 0 : index
    %get3A_8 = vector.load %arg7[%get3A_6, %get3A_7] : memref<64x1xf32, #tpu.memory_space<vmem>>, vector<64x1xf32>
    %add3A = vector.broadcast %get3A_8 : vector<64x1xf32> to vector<64x10000xf32>
    %add3A_9 = arith.addf %dot_general3A_5, %add3A : vector<64x10000xf32>
    %get3A_10 = arith.constant 0 : index
    %get3A_11 = arith.constant 0 : index
    %get3A_12 = vector.load %arg2[%get3A_10, %get3A_11] : memref<64x10000xf32, #tpu.memory_space<vmem>>, vector<64x10000xf32>
    %add3A_13 = arith.addf %add3A_9, %get3A_12 : vector<64x10000xf32>
    %get3A_14 = arith.constant 0 : index
    %get3A_15 = arith.constant 0 : index
    %get3A_16 = arith.constant 0 : index
    %get3A_17 = vector.load %arg4[%get3A_14, %get3A_15, %get3A_16] : memref<1x64x1xf32, #tpu.memory_space<vmem>>, vector<1x64x1xf32>
    %get3A_18 = vector.shape_cast %get3A_17 : vector<1x64x1xf32> to vector<64x1xf32>
    %get3A_19 = arith.constant 0 : index
    %get3A_20 = arith.constant 0 : index
    %get3A_21 = arith.constant 0 : index
    %get3A_22 = vector.load %arg3[%get3A_19, %get3A_20, %get3A_21] : memref<1x1x10000xf32, #tpu.memory_space<vmem>>, vector<1x1x10000xf32>
    %get3A_23 = vector.shape_cast %get3A_22 : vector<1x1x10000xf32> to vector<1x10000xf32>
    %mul3A = vector.broadcast %get3A_18 : vector<64x1xf32> to vector<64x10000xf32>
    %mul3A_24 = vector.broadcast %get3A_23 : vector<1x10000xf32> to vector<64x10000xf32>
    %mul3A_25 = arith.mulf %mul3A, %mul3A_24 : vector<64x10000xf32>
    %add3A_26 = arith.addf %add3A_13, %mul3A_25 : vector<64x10000xf32>
    %get3A_27 = arith.constant 0 : index
    %get3A_28 = arith.constant 0 : index
    %get3A_29 = vector.load %arg8[%get3A_27, %get3A_28] : memref<64x1xf32, #tpu.memory_space<vmem>>, vector<64x1xf32>
    %get3A_30 = arith.constant 0 : index
    %get3A_31 = arith.constant 0 : index
    %get3A_32 = arith.constant 0 : index
    %get3A_33 = vector.load %arg5[%get3A_30, %get3A_31, %get3A_32] : memref<1x1x10000xf32, #tpu.memory_space<vmem>>, vector<1x1x10000xf32>
    %get3A_34 = vector.shape_cast %get3A_33 : vector<1x1x10000xf32> to vector<1x10000xf32>
    %mul3A_35 = vector.broadcast %get3A_29 : vector<64x1xf32> to vector<64x10000xf32>
    %mul3A_36 = vector.broadcast %get3A_34 : vector<1x10000xf32> to vector<64x10000xf32>
    %mul3A_37 = arith.mulf %mul3A_35, %mul3A_36 : vector<64x10000xf32>
    %add3A_38 = arith.addf %add3A_26, %mul3A_37 : vector<64x10000xf32>
    %max3A = arith.constant 0.000000e+00 : f32
    %max3A_39 = vector.broadcast %max3A : f32 to vector<64x10000xf32>
    %max3A_40 = arith.maximumf %add3A_38, %max3A_39 : vector<64x10000xf32>
    %max3A_41 = arith.constant 0.000000e+00 : f32
    %max3A_42 = vector.broadcast %max3A_41 : f32 to vector<64x10000xf32>
    %max3A_43 = arith.maximumf %add3A_13, %max3A_42 : vector<64x10000xf32>
    %sub3A = arith.subf %max3A_40, %max3A_43 : vector<64x10000xf32>
    %broadcast_in_dim3A = vector.shape_cast %sub3A : vector<64x10000xf32> to vector<1x64x10000xf32>
    %swap3A = arith.constant 0 : index
    %swap3A_44 = arith.constant 0 : index
    %swap3A_45 = arith.constant 0 : index
    %swap3A_46 = vector.load %arg9[%swap3A, %swap3A_44, %swap3A_45] : memref<1x64x10000xf32, #tpu.memory_space<vmem>>, vector<1x64x10000xf32>
    tpu.vector_store %arg9[%swap3A, %swap3A_44, %swap3A_45], %broadcast_in_dim3A {strides = array<i32>} : memref<1x64x10000xf32, #tpu.memory_space<vmem>>, vector<1x64x10000xf32>,
    return
  }
  func.func @transform_0(%arg0: i32) -> (i32, i32) {
    %c0_i32 = arith.constant 0 : i32
    %c0_i32_0 = arith.constant 0 : i32
    %c0_i32_1 = arith.constant 0 : i32
    return %c0_i32, %c0_i32_0 : i32, i32
  }
  func.func @transform_1(%arg0: i32) -> (i32, i32) {
    %c0_i32 = arith.constant 0 : i32
    %c0_i32_0 = arith.constant 0 : i32
    %c0_i32_1 = arith.constant 0 : i32
    return %c0_i32, %c0_i32_0 : i32, i32
  }
  func.func @transform_2(%arg0: i32) -> (i32, i32, i32) {
    %c0_i32 = arith.constant 0 : i32
    %c0_i32_0 = arith.constant 0 : i32
    %c0_i32_1 = arith.constant 0 : i32
    return %arg0, %c0_i32, %c0_i32_0 : i32, i32, i32
  }
  func.func @transform_3(%arg0: i32) -> (i32, i32, i32) {
    %c0_i32 = arith.constant 0 : i32
    %c0_i32_0 = arith.constant 0 : i32
    %c0_i32_1 = arith.constant 0 : i32
    return %arg0, %c0_i32, %c0_i32_0 : i32, i32, i32
  }
  func.func @transform_4(%arg0: i32) -> (i32, i32, i32) {
    %c0_i32 = arith.constant 0 : i32
    %c0_i32_0 = arith.constant 0 : i32
    %c0_i32_1 = arith.constant 0 : i32
    return %arg0, %c0_i32, %c0_i32_0 : i32, i32, i32
  }
  func.func @transform_5(%arg0: i32) -> (i32, i32) {
    %c0_i32 = arith.constant 0 : i32
    %c0_i32_0 = arith.constant 0 : i32
    %c0_i32_1 = arith.constant 0 : i32
    return %c0_i32, %c0_i32_0 : i32, i32
  }
  func.func @transform_6(%arg0: i32) -> (i32, i32) {
    %c0_i32 = arith.constant 0 : i32
    %c0_i32_0 = arith.constant 0 : i32
    %c0_i32_1 = arith.constant 0 : i32
    return %c0_i32, %c0_i32_0 : i32, i32
  }
  func.func @transform_7(%arg0: i32) -> (i32, i32) {
    %c0_i32 = arith.constant 0 : i32
    %c0_i32_0 = arith.constant 0 : i32
    %c0_i32_1 = arith.constant 0 : i32
    return %c0_i32, %c0_i32_0 : i32, i32
  }
  func.func @transform_8(%arg0: i32) -> (i32, i32, i32) {
    %c0_i32 = arith.constant 0 : i32
    %c0_i32_0 = arith.constant 0 : i32
    %c0_i32_1 = arith.constant 0 : i32
    return %arg0, %c0_i32, %c0_i32_0 : i32, i32, i32
  }
}

module attributes {stable_mosaic.version = 14 : i64} {
  func.func @_readout_body(%arg0: i32, %arg1: memref<1x64x10000xf32, #tpu.memory_space<vmem>>, %arg2: memref<64x10000xf32, #tpu.memory_space<vmem>>, %arg3: memref<64x10000xf32, #tpu.memory_space<vmem>>, %arg4: memref<1x1x10000xf32, #tpu.memory_space<vmem>>, %arg5: memref<1x4x10000xf32, #tpu.memory_space<vmem>>, %arg6: memref<64x64xf32, #tpu.memory_space<vmem>>, %arg7: memref<64x1xf32, #tpu.memory_space<vmem>>, %arg8: memref<64x1xf32, #tpu.memory_space<vmem>>, %arg9: memref<128x64xf32, #tpu.memory_space<vmem>>, %arg10: memref<1x64xf32, #tpu.memory_space<vmem>>, %arg11: memref<64x64xf32, #tpu.memory_space<vmem>>, %arg12: memref<1x64xf32, #tpu.memory_space<vmem>>, %arg13: memref<1x1x1xf32, #tpu.memory_space<vmem>>) attributes {dimension_semantics = [#tpu.dimension_semantics<arbitrary>], iteration_bounds = array<i64: 8>, scalar_prefetch = 0 : i64, scratch_operands = 0 : i64, tpu.core_type = #tpu.core_type<tc>, window_params = [{transform_indices = @transform_0, window_bounds = array<i64: 1, 64, 10000>}, {pipeline_mode = #tpu.pipeline_mode<synchronous>, transform_indices = @transform_1, window_bounds = array<i64: 64, 10000>}, {pipeline_mode = #tpu.pipeline_mode<synchronous>, transform_indices = @transform_2, window_bounds = array<i64: 64, 10000>}, {transform_indices = @transform_3, window_bounds = array<i64: 1, 1, 10000>}, {transform_indices = @transform_4, window_bounds = array<i64: 1, 4, 10000>}, {pipeline_mode = #tpu.pipeline_mode<synchronous>, transform_indices = @transform_5, window_bounds = array<i64: 64, 64>}, {pipeline_mode = #tpu.pipeline_mode<synchronous>, transform_indices = @transform_6, window_bounds = array<i64: 64, 1>}, {pipeline_mode = #tpu.pipeline_mode<synchronous>, transform_indices = @transform_7, window_bounds = array<i64: 64, 1>}, {pipeline_mode = #tpu.pipeline_mode<synchronous>, transform_indices = @transform_8, window_bounds = array<i64: 128, 64>}, {pipeline_mode = #tpu.pipeline_mode<synchronous>, transform_indices = @transform_9, window_bounds = array<i64: 1, 64>}, {pipeline_mode = #tpu.pipeline_mode<synchronous>, transform_indices = @transform_10, window_bounds = array<i64: 64, 64>}, {pipeline_mode = #tpu.pipeline_mode<synchronous>, transform_indices = @transform_11, window_bounds = array<i64: 1, 64>}, {transform_indices = @transform_12, window_bounds = array<i64: 1, 1, 1>}]} {
    %get3A = arith.constant 0 : index
    %get3A_0 = arith.constant 0 : index
    %get3A_1 = vector.load %arg6[%get3A, %get3A_0] : memref<64x64xf32, #tpu.memory_space<vmem>>, vector<64x64xf32>
    %get3A_2 = arith.constant 0 : index
    %get3A_3 = arith.constant 0 : index
    %get3A_4 = arith.constant 0 : index
    %get3A_5 = vector.load %arg1[%get3A_2, %get3A_3, %get3A_4] : memref<1x64x10000xf32, #tpu.memory_space<vmem>>, vector<1x64x10000xf32>
    %get3A_6 = vector.shape_cast %get3A_5 : vector<1x64x10000xf32> to vector<64x10000xf32>
    %get3A_7 = arith.constant 0 : index
    %get3A_8 = arith.constant 0 : index
    %get3A_9 = vector.load %arg2[%get3A_7, %get3A_8] : memref<64x10000xf32, #tpu.memory_space<vmem>>, vector<64x10000xf32>
    %add3A = arith.addf %get3A_6, %get3A_9 : vector<64x10000xf32>
    %dot_general3A = arith.constant dense<0.000000e+00> : vector<64x10000xf32>
    %dot_general3A_10 = tpu.matmul %get3A_1, %add3A, %dot_general3A {dimension_numbers = #tpu.dot_dimension_numbers<[0], [0], [1], [1], [0, 1, 1, 1], [], []>, transpose_lhs_hint = false} : vector<64x64xf32>, vector<64x10000xf32>, vector<64x10000xf32> -> vector<64x10000xf32>
    %get3A_11 = arith.constant 0 : index
    %get3A_12 = arith.constant 0 : index
    %get3A_13 = vector.load %arg7[%get3A_11, %get3A_12] : memref<64x1xf32, #tpu.memory_space<vmem>>, vector<64x1xf32>
    %add3A_14 = vector.broadcast %get3A_13 : vector<64x1xf32> to vector<64x10000xf32>
    %add3A_15 = arith.addf %dot_general3A_10, %add3A_14 : vector<64x10000xf32>
    %get3A_16 = arith.constant 0 : index
    %get3A_17 = arith.constant 0 : index
    %get3A_18 = vector.load %arg3[%get3A_16, %get3A_17] : memref<64x10000xf32, #tpu.memory_space<vmem>>, vector<64x10000xf32>
    %add3A_19 = arith.addf %add3A_15, %get3A_18 : vector<64x10000xf32>
    %get3A_20 = arith.constant 0 : index
    %get3A_21 = arith.constant 0 : index
    %get3A_22 = vector.load %arg8[%get3A_20, %get3A_21] : memref<64x1xf32, #tpu.memory_space<vmem>>, vector<64x1xf32>
    %get3A_23 = arith.constant 0 : index
    %get3A_24 = arith.constant 0 : index
    %get3A_25 = arith.constant 0 : index
    %get3A_26 = vector.load %arg4[%get3A_23, %get3A_24, %get3A_25] : memref<1x1x10000xf32, #tpu.memory_space<vmem>>, vector<1x1x10000xf32>
    %get3A_27 = vector.shape_cast %get3A_26 : vector<1x1x10000xf32> to vector<1x10000xf32>
    %squeeze3A = vector.shape_cast %get3A_27 : vector<1x10000xf32> to vector<10000xf32>
    %broadcast_in_dim3A = vector.shape_cast %squeeze3A : vector<10000xf32> to vector<1x10000xf32>
    %mul3A = vector.broadcast %get3A_22 : vector<64x1xf32> to vector<64x10000xf32>
    %mul3A_28 = vector.broadcast %broadcast_in_dim3A : vector<1x10000xf32> to vector<64x10000xf32>
    %mul3A_29 = arith.mulf %mul3A, %mul3A_28 : vector<64x10000xf32>
    %add3A_30 = arith.addf %add3A_19, %mul3A_29 : vector<64x10000xf32>
    %max3A = arith.constant 0.000000e+00 : f32
    %max3A_31 = vector.broadcast %max3A : f32 to vector<64x10000xf32>
    %max3A_32 = arith.maximumf %add3A_30, %max3A_31 : vector<64x10000xf32>
    %get3A_33 = arith.constant 0 : index
    %get3A_34 = arith.constant 0 : index
    %get3A_35 = arith.constant 0 : index
    %get3A_36 = vector.load %arg5[%get3A_33, %get3A_34, %get3A_35] : memref<1x4x10000xf32, #tpu.memory_space<vmem>>, vector<1x4x10000xf32>
    %get3A_37 = vector.shape_cast %get3A_36 : vector<1x4x10000xf32> to vector<4x10000xf32>
    %dot_general3A_38 = arith.constant dense<0.000000e+00> : vector<4x64xf32>
    %dot_general3A_39 = tpu.matmul %get3A_37, %max3A_32, %dot_general3A_38 {dimension_numbers = #tpu.dot_dimension_numbers<[1], [1], [0], [0], [0, 0, 1, 0], [], []>, transpose_lhs_hint = false} : vector<4x10000xf32>, vector<64x10000xf32>, vector<4x64xf32> -> vector<4x64xf32>
    %slice3A = vector.extract_strided_slice %dot_general3A_39 {offsets = [0, 0], sizes = [1, 64], strides = [1, 1]} : vector<4x64xf32> to vector<1x64xf32>
    %slice3A_40 = vector.extract_strided_slice %dot_general3A_39 {offsets = [1, 0], sizes = [1, 64], strides = [1, 1]} : vector<4x64xf32> to vector<1x64xf32>
    %slice3A_41 = vector.extract_strided_slice %dot_general3A_39 {offsets = [2, 0], sizes = [1, 64], strides = [1, 1]} : vector<4x64xf32> to vector<1x64xf32>
    %concatenate3A = tpu.concatenate %slice3A_40, %slice3A_41 in 1 : vector<1x64xf32>, vector<1x64xf32> -> vector<1x128xf32>
    %get3A_42 = arith.constant 0 : index
    %get3A_43 = arith.constant 0 : index
    %get3A_44 = vector.load %arg9[%get3A_42, %get3A_43] : memref<128x64xf32, #tpu.memory_space<vmem>>, vector<128x64xf32>
    %dot_general3A_45 = arith.constant dense<0.000000e+00> : vector<1x64xf32>
    %dot_general3A_46 = tpu.matmul %concatenate3A, %get3A_44, %dot_general3A_45 {dimension_numbers = #tpu.dot_dimension_numbers<[1], [0], [0], [1], [0, 0, 1, 1], [], []>, transpose_lhs_hint = false} : vector<1x128xf32>, vector<128x64xf32>, vector<1x64xf32> -> vector<1x64xf32>
    %get3A_47 = arith.constant 0 : index
    %get3A_48 = arith.constant 0 : index
    %get3A_49 = vector.load %arg10[%get3A_47, %get3A_48] : memref<1x64xf32, #tpu.memory_space<vmem>>, vector<1x64xf32>
    %add3A_50 = arith.addf %dot_general3A_46, %get3A_49 : vector<1x64xf32>
    %max3A_51 = arith.constant 0.000000e+00 : f32
    %max3A_52 = vector.broadcast %max3A_51 : f32 to vector<1x64xf32>
    %max3A_53 = arith.maximumf %add3A_50, %max3A_52 : vector<1x64xf32>
    %get3A_54 = arith.constant 0 : index
    %get3A_55 = arith.constant 0 : index
    %get3A_56 = vector.load %arg11[%get3A_54, %get3A_55] : memref<64x64xf32, #tpu.memory_space<vmem>>, vector<64x64xf32>
    %dot_general3A_57 = arith.constant dense<0.000000e+00> : vector<1x64xf32>
    %dot_general3A_58 = tpu.matmul %max3A_53, %get3A_56, %dot_general3A_57 {dimension_numbers = #tpu.dot_dimension_numbers<[1], [0], [0], [1], [0, 0, 1, 1], [], []>, transpose_lhs_hint = false} : vector<1x64xf32>, vector<64x64xf32>, vector<1x64xf32> -> vector<1x64xf32>
    %get3A_59 = arith.constant 0 : index
    %get3A_60 = arith.constant 0 : index
    %get3A_61 = vector.load %arg12[%get3A_59, %get3A_60] : memref<1x64xf32, #tpu.memory_space<vmem>>, vector<1x64xf32>
    %add3A_62 = arith.addf %dot_general3A_58, %get3A_61 : vector<1x64xf32>
    %mul3A_63 = arith.mulf %add3A_62, %slice3A : vector<1x64xf32>
    %reduce_sum3A = vector.shape_cast %mul3A_63 : vector<1x64xf32> to vector<1x1x64xf32>
    %reduce_sum3A_64 = arith.constant dense<0.000000e+00> : vector<1xf32>
    %reduce_sum3A_65 = vector.multi_reduction <add>, %reduce_sum3A, %reduce_sum3A_64 [1, 2] : vector<1x1x64xf32> to vector<1xf32>
    %reduce_sum3A_66 = vector.shape_cast %reduce_sum3A_65 : vector<1xf32> to vector<1x1x1xf32>
    %reduce_sum3A_67 = vector.extract %reduce_sum3A_66[0, 0, 0] : f32 from vector<1x1x1xf32>
    %reshape3A = vector.broadcast %reduce_sum3A_67 : f32 to vector<1x1x1xf32>
    %swap3A = arith.constant 0 : index
    %swap3A_68 = arith.constant 0 : index
    %swap3A_69 = arith.constant 0 : index
    %swap3A_70 = vector.load %arg13[%swap3A, %swap3A_68, %swap3A_69] : memref<1x1x1xf32, #tpu.memory_space<vmem>>, vector<1x1x1xf32>
    tpu.vector_store %arg13[%swap3A, %swap3A_68, %swap3A_69], %reshape3A {strides = array<i32>} : memref<1x1x1xf32, #tpu.memory_space<vmem>>, vector<1x1x1xf32>,
    return
  }
  func.func @transform_0(%arg0: i32) -> (i32, i32, i32) {
    %c0_i32 = arith.constant 0 : i32
    %c0_i32_0 = arith.constant 0 : i32
    %c0_i32_1 = arith.constant 0 : i32
    return %arg0, %c0_i32, %c0_i32_0 : i32, i32, i32
  }
  func.func @transform_1(%arg0: i32) -> (i32, i32) {
    %c0_i32 = arith.constant 0 : i32
    %c0_i32_0 = arith.constant 0 : i32
    %c0_i32_1 = arith.constant 0 : i32
    return %c0_i32, %c0_i32_0 : i32, i32
  }
  func.func @transform_2(%arg0: i32) -> (i32, i32) {
    %c0_i32 = arith.constant 0 : i32
    %c0_i32_0 = arith.constant 0 : i32
    %c0_i32_1 = arith.constant 0 : i32
    return %c0_i32, %c0_i32_0 : i32, i32
  }
  func.func @transform_3(%arg0: i32) -> (i32, i32, i32) {
    %c0_i32 = arith.constant 0 : i32
    %c0_i32_0 = arith.constant 0 : i32
    %c0_i32_1 = arith.constant 0 : i32
    return %arg0, %c0_i32, %c0_i32_0 : i32, i32, i32
  }
  func.func @transform_4(%arg0: i32) -> (i32, i32, i32) {
    %c0_i32 = arith.constant 0 : i32
    %c0_i32_0 = arith.constant 0 : i32
    %c0_i32_1 = arith.constant 0 : i32
    return %arg0, %c0_i32, %c0_i32_0 : i32, i32, i32
  }
  func.func @transform_5(%arg0: i32) -> (i32, i32) {
    %c0_i32 = arith.constant 0 : i32
    %c0_i32_0 = arith.constant 0 : i32
    %c0_i32_1 = arith.constant 0 : i32
    return %c0_i32, %c0_i32_0 : i32, i32
  }
  func.func @transform_6(%arg0: i32) -> (i32, i32) {
    %c0_i32 = arith.constant 0 : i32
    %c0_i32_0 = arith.constant 0 : i32
    %c0_i32_1 = arith.constant 0 : i32
    return %c0_i32, %c0_i32_0 : i32, i32
  }
  func.func @transform_7(%arg0: i32) -> (i32, i32) {
    %c0_i32 = arith.constant 0 : i32
    %c0_i32_0 = arith.constant 0 : i32
    %c0_i32_1 = arith.constant 0 : i32
    return %c0_i32, %c0_i32_0 : i32, i32
  }
  func.func @transform_8(%arg0: i32) -> (i32, i32) {
    %c0_i32 = arith.constant 0 : i32
    %c0_i32_0 = arith.constant 0 : i32
    %c0_i32_1 = arith.constant 0 : i32
    return %c0_i32, %c0_i32_0 : i32, i32
  }
  func.func @transform_9(%arg0: i32) -> (i32, i32) {
    %c0_i32 = arith.constant 0 : i32
    %c0_i32_0 = arith.constant 0 : i32
    %c0_i32_1 = arith.constant 0 : i32
    return %c0_i32, %c0_i32_0 : i32, i32
  }
  func.func @transform_10(%arg0: i32) -> (i32, i32) {
    %c0_i32 = arith.constant 0 : i32
    %c0_i32_0 = arith.constant 0 : i32
    %c0_i32_1 = arith.constant 0 : i32
    return %c0_i32, %c0_i32_0 : i32, i32
  }
  func.func @transform_11(%arg0: i32) -> (i32, i32) {
    %c0_i32 = arith.constant 0 : i32
    %c0_i32_0 = arith.constant 0 : i32
    %c0_i32_1 = arith.constant 0 : i32
    return %c0_i32, %c0_i32_0 : i32, i32
  }
  func.func @transform_12(%arg0: i32) -> (i32, i32, i32) {
    %c0_i32 = arith.constant 0 : i32
    %c0_i32_0 = arith.constant 0 : i32
    %c0_i32_1 = arith.constant 0 : i32
    return %arg0, %c0_i32, %c0_i32_0 : i32, i32, i32
  }
}

</mosaic_0001>

<sc_bundles>
// kernel: kernel.11.cloned.1.call-start
scs
__scs_entry_jumppad:
0x0: {  	(pc) =	sbr.rel $0x88, $3  }
0x1: {  	(tag) =	ssettag $0x0;
	lr =	simm.s32 $0x1  }
0x2: {  	[smem:$0x3F93] =	sst lr;
	_ =	strace $0xD0000000  }
0x3: {  	_ = 	snop  }
0x4: {  	_ = 	snop  }
0x5: {  	_ = 	snop  }
0x6: {  	_ = 	snop  }
0x7: {  	_ = 	snop  }
__scs_overlays_trampoline_lowered:
0x8: {  	[smem:$0x3FA2] =	sst s0  }
0x9: {  	[smem:$0x3FA3] =	sst s1  }
0xa: {  	[smem:$0x3FA4] =	sst s2  }
0xb: {  	[smem:$0x3FA5] =	sst s3  }
0xc: {  	[smem:$0x3FA6] =	sst s4  }
0xd: {  	[smem:$0x3FA7] =	sst s5  }
0xe: {  	[smem:$0x3FA8] =	sst s6  }
0xf: {  	[smem:$0x3FA9] =	sst s7  }
0x10: {  	[smem:$0x3FAA] =	sst s8  }
0x11: {  	[smem:$0x3FAB] =	sst s9;
	s0 =	simm.s32 @!p0 $0x0  }
0x12: {  	s1 =	sld [smem:$0x3F91];
	s0 =	simm.s32 @p0 $0x1  }
0x13: {  	[smem:$0x3FAC] =	sst s0;
	s0 =	simm.s32 @!p1 $0x0  }
0x14: {  	s2 =	sld [smem:$0x3F90];
	s0 =	simm.s32 @p1 $0x1  }
0x15: {  	[smem:$0x3FAD] =	sst s0;
	s0 =	simm.s32 @!p2 $0x0  }
0x16: {  	s3 =	sld [smem:$0x3FDB];
	s0 =	simm.s32 @p2 $0x1  }
0x17: {  	s4 =	simm.s32 $0x1BF5;
	[smem:$0x3FAF] =	sst s0  }
0x18: {  	s0 =	sld [smem:$0x3F92];
	_ =	swait.ge [sflag:s4], $0x0  }
0x19: {  	s7 =	sld [smem:$0x3F93]  }
0x1a: {  	s8 =	sadd.s32 $0xFFFFE003, lr  }
0x1b: {  	s9 =	sadd.s32 $0xFFFFFEF7, lr;
	s5 =	simm.s32 $0xFFFFFFFF;
	p2 =	slt.u32 s8, $0xFFFFF086  }
0x1c: {  	p1 =	slt.u32 s9, $0xF7A;
	s5 =	simm.s32 @!p2 $0x0  }
0x1d: {  	s5 =	simm.s32 @p1 $0x1;
	p0 =	seq.s32 s7, s2  }
0x1e: {  	s7 =	smul.u32 @!p0 $0xF7A, s2;
	p2 =	seq.s32 @!p0 s5, $0x0  }
0x1f: {  	s9 =	smul.u32 $0xF7A, s1;
	s8 =	simm.s32 @!p0 $0x1BF5;
	p2 =	por !p2, p0  }
0x20: {  	[sflag:s8] =	ssyncset.s32 @!p0 $0xFFFFF086;
	s6 =	sadd.s32 @!p0 s3, s7;
	s7 =	simm.s32 @!p0 $0x108  }
0x21: {  	s3 =	sadd.s32 s3, s9;
	s6 =	sadd.s32 @!p0 $0x88, s6;
	s7 =	simm.s32 @p2 $0x1082  }
0x22: {  	[simem:s7], [sflag:s8] =	dma.local @!p0 [hbm:s6], $0xF7A  }
0x23: {  	s9 =	sor.u32 $0xD0000000, s2;
	s6 =	simm.s32 $0x108;
	_ =	swait.ge @!p0 [sflag:s8], $0x0  }
0x24: {  	s3 =	sadd.s32 $0x88, s3;
	s6 =	simm.s32 @!p1 $0x1082;
	[sflag:s4] =	ssyncset.s32 $0xFFFFF086  }
0x25: {  	[simem:s6], [sflag:s4] =	dma.local [hbm:s3], $0xF7A  }
0x26: {  	[smem:$0x3F93] =	sst s1;
	(tag) =	ssettag s2;
	_ =	strace s9  }
0x27: {  	s1 =	sld [smem:$0x3FA3]  }
0x28: {  	s2 =	sld [smem:$0x3FA4]  }
0x29: {  	s4 =	sld [smem:$0x3FA6]  }
0x2a: {  	p0 =	seq.s32 s5, $0x0;
	s5 =	sld [smem:$0x3FA7]  }
0x2b: {  	s6 =	sld [smem:$0x3FA8]  }
0x2c: {  	s7 =	sld [smem:$0x3FA9]  }
0x2d: {  	s3 =	simm.s32 $0x108;
	s8 =	sld [smem:$0x3FAA]  }
0x2e: {  	s3 =	simm.s32 @!p0 $0x1082;
	s9 =	sld [smem:$0x3FAB]  }
0x2f: {  	lr =	sadd.s32 s0, s3;
	s0 =	sld [smem:$0x3FA2]  }
0x30: {  	s3 =	sld [smem:$0x3FA5]  }
0x31: {  	[smem:$0x3FAE] =	sst s10  }
0x32: {  	s10 =	sld [smem:$0x3FAC];
	_ =	sdelay $0x3  }
0x33: {  	p0 =	seq.s32 s10, $0x1;
	s10 =	sld [smem:$0x3FAE];
	_ =	sdelay $0x3  }
0x34: {  	[smem:$0x3FAE] =	sst s10  }
0x35: {  	s10 =	sld [smem:$0x3FAD];
	_ =	sdelay $0x3  }
0x36: {  	p1 =	seq.s32 s10, $0x1;
	s10 =	sld [smem:$0x3FAE];
	_ =	sdelay $0x3  }
0x37: {  	[smem:$0x3FAE] =	sst s10  }
0x38: {  	s10 =	sld [smem:$0x3FAF]  }
0x39: {  	_ = 	snop;
	(pc) =	sbr.ind lr, $3  }
0x3a: {  	_ = 	snop  }
0x3b: {  	_ = 	snop  }
0x3c: {  	p2 =	seq.s32 s10, $0x1;
	s10 =	sld [smem:$0x3FAE]  }
0x3d: {  	_ =	shalt  }
0x3e: {  	_ =	shalt  }
0x3f: {  	_ =	shalt  }
0x40: {  	_ =	shalt  }
0x41: {  	_ =	shalt  }
0x42: {  	_ =	shalt  }
0x43: {  	_ =	shalt  }
0x44: {  	_ =	shalt  }
0x45: {  	_ =	shalt  }
0x46: {  	_ =	shalt  }
0x47: {  	_ =	shalt  }
0x48: {  	_ =	shalt  }
0x49: {  	_ =	shalt  }
0x4a: {  	_ =	shalt  }
0x4b: {  	_ =	shalt  }
0x4c: {  	_ =	shalt  }
0x4d: {  	_ =	shalt  }
0x4e: {  	_ =	shalt  }
0x4f: {  	_ =	shalt  }
0x50: {  	_ =	shalt  }
0x51: {  	_ =	shalt  }
0x52: {  	_ =	shalt  }
0x53: {  	_ =	shalt  }
0x54: {  	_ =	shalt  }
0x55: {  	_ =	shalt  }
0x56: {  	_ =	shalt  }
0x57: {  	_ =	shalt  }
0x58: {  	_ =	shalt  }
0x59: {  	_ =	shalt  }
0x5a: {  	_ =	shalt  }
0x5b: {  	_ =	shalt  }
0x5c: {  	_ =	shalt  }
0x5d: {  	_ =	shalt  }
0x5e: {  	_ =	shalt  }
0x5f: {  	_ =	shalt  }
0x60: {  	_ =	shalt  }
0x61: {  	_ =	shalt  }
0x62: {  	_ =	shalt  }
0x63: {  	_ =	shalt  }
0x64: {  	_ =	shalt  }
0x65: {  	_ =	shalt  }
0x66: {  	_ =	shalt  }
0x67: {  	_ =	shalt  }
0x68: {  	_ =	shalt  }
0x69: {  	_ =	shalt  }
0x6a: {  	_ =	shalt  }
0x6b: {  	_ =	shalt  }
0x6c: {  	_ =	shalt  }
0x6d: {  	_ =	shalt  }
0x6e: {  	_ =	shalt  }
0x6f: {  	_ =	shalt  }
0x70: {  	_ =	shalt  }
0x71: {  	_ =	shalt  }
0x72: {  	_ =	shalt  }
0x73: {  	_ =	shalt  }
0x74: {  	_ =	shalt  }
0x75: {  	_ =	shalt  }
0x76: {  	_ =	shalt  }
0x77: {  	_ =	shalt  }
0x78: {  	_ =	shalt  }
0x79: {  	_ =	shalt  }
0x7a: {  	_ =	shalt  }
0x7b: {  	_ =	shalt  }
0x7c: {  	_ =	shalt  }
0x7d: {  	_ =	shalt  }
0x7e: {  	_ =	shalt  }
0x7f: {  	_ =	shalt  }
0x80: {  	_ =	shalt  }
0x81: {  	_ =	shalt  }
0x82: {  	_ =	shalt  }
0x83: {  	_ =	shalt  }
0x84: {  	_ =	shalt  }
0x85: {  	_ =	shalt  }
0x86: {  	_ =	shalt  }
0x87: {  	_ =	shalt  }
.Lfunc_end0:
.L_simem_size_0:
called_computation_lowered:
.L_overlay_start_0:
0x88: {  	s2 =	sld [smem:$0x3FD9]  }
0x89: {  	s3 =	sld [smem:$0x3FFE];
	_ =	sdelay $0x1  }
0x8a: {  	s1 =	srdreg.scid  }
0x8b: {  	s0 =	sand.u32 $0x1, s1  }
0x8c: {  	s16 =	sshll.u32 s0, $0xA;
	s2 =	sadd.s32 s3, s2  }
0x8d: {  	s2 =	sadd.s32 s2, s16  }
0x8e: {  	[smem:$0x3FBA] =	sst s2  }
0x8f: {  	_ = 	snop  }
0x90: {  	(tm) =	ssettm $0x1  }
0x91: {  	s17 =	sld [smem:$0x3FFB];
	_ =	sdelay $0x3  }
0x92: {  	_ =	strace s17  }
0x93: {  	s2 =	sld [smem:$0x3FFC];
	_ =	sdelay $0x3  }
0x94: {  	_ =	strace s2  }
0x95: {  	s2 =	sld [smem:$0x3FFD];
	_ =	sdelay $0x3  }
0x96: {  	_ =	strace s2  }
0x97: {  	_ =	strace $0x8FFFFFFF  }
0x98: {  	s18 =	sld [smem:$0x3FDB];
	_ =	sdelay $0x1  }
0x99: {  	s19 =	simm.s32 $_scs_section_size  }
0x9a: {  	s4 =	simm.s32 $_size__tile_overlayer_lowered;
	s5 =	simm.s32 $_tile_overlayer_lowered  }
0x9b: {  	s22 =	simm.s32 $0x1BFF;
	s21 =	sshll.u32 s5, $0x1;
	s2 =	sadd.s32 s19, s18  }
0x9c: {  	s6 =	simm.s32 $0x0;
	s20 =	sshll.u32 s4, $0x1;
	s4 =	sadd.s32 s21, s2  }
0x9d: {  	[timem:s6], [sflag:s22] =	dma.local [hbm:s4], s20  }
0x9e: {  	_ =	swait.ge [sflag:s22], s20  }
0x9f: {  	s3 =	ssub.s32 $0x0, s20;
	[sflag:s22] =	ssyncset.done $0x0  }
0xa0: {  	[sflag:s22] =	ssyncadd.s32 s3;
	_ =	sdelay $0x1  }
0xa1: {  	s23 =	simm.s32 $0x1B8B  }
0xa2: {  	_ =	swait.ge [sflag:s23], $0x1  }
0xa3: {  	[sflag:s23] =	ssyncset.done $0x0  }
0xa4: {  	s25 =	simm.s32 $0x1B8E;
	s24 =	sld [smem:$0x3FFE];
	[sflag:s23] =	ssyncadd.s32 $0xFFFFFFFF  }
0xa5: {  	s26 =	simm.s32 $execute0_lowered;
	[smem:$0x3FD2] =	sst s25  }
0xa6: {  	s4 =	sshll.u32 s26, $0x1;
	_ =	strace $0x80000046;
	[dreg:$0x1] =	wrdreg $0xFFFFFFFF  }
0xa7: {  	s28 =	simm.s32 $_size_execute0_lowered;
	s2 =	sadd.s32 s2, s4;
	[dreg:$0x0] =	wrdreg $0x0  }
0xa8: {  	s4 =	sshll.u32 s28, $0x1;
	[dreg:$0x2] =	wrdreg s2  }
0xa9: {  	[dreg:$0x3] =	wrdreg s4  }
0xaa: {  	[dreg:$0x4] =	wrdreg $0xC0  }
0xab: {  	_ =	task [dreg:s6], $0x5FFFF  }
0xac: {  	[dreg:$0x1] =	wrdreg $0xFFFFFFFF  }
0xad: {  	[dreg:$0x0] =	wrdreg $0x60  }
0xae: {  	[dreg:$0x2] =	wrdreg s24  }
0xaf: {  	[dreg:$0x3] =	wrdreg $0x3D000  }
0xb0: {  	[dreg:$0x4] =	wrdreg $0x9  }
0xb1: {  	_ =	task.clear_ibuf [dreg:s6], $0x5FFFF;
	_ =	strace $0x90000046  }
0xb2: {  	s29 =	simm.s32 $0x9;
	_ =	strace $0x80000048  }
0xb3: {  	_ =	swait.ge [sflag:s29], $0x1  }
0xb4: {  	[sflag:s29] =	ssyncadd.s32 $0xFFFFFFFF  }
0xb5: {  	_ =	strace $0x90000048  }
0xb6: {  	_ =	sfence  }
0xb7: {  	s30 =	sld [smem:$0x0];
	_ =	sdelay $0x2  }
0xb8: {  	s31 =	sshll.u32 s1, $0xD;
	s1 =	sshrl.u32 s1, $0x2  }
0xb9: {  	s3 =	sand.u32 $0x4000, s31;
	s1 =	sadd.s32 s1, s30  }
0xba: {  	s0 =	sor.u32 s3, s0;
	s1 =	sshll.u32 s1, $0x11  }
0xbb: {  	s0 =	sor.u32 s1, s0  }
0xbc: {  	s0 =	sadd.s32 $0x8F2B, s0  }
0xbd: {  	[sflag:s0] =	ssyncadd.remote.s32 $0x1  }
0xbe: {  	_ =	sfence.sel $0xFFFF  }
0xbf: {  	[dreg:$0x0] =	wrdreg $0xFFFFFFFF;
	(pc) =	sbr.abs _section_cstart, $3  }
0xc0: {  	[dreg:$0x1] =	wrdreg $0xFFFFFFFF  }
0xc1: {  	_ =	task.clear_ibuf [dreg:s6], $0x2FFFF;
	_ =	strace $0x9FFFFFFF  }
0xc2: {  	(tm) =	ssettm $0x7FFFFFFF  }
0xc3: {  	_ =	shalt  }
tec
execute0_lowered:
.L_overlay_start_1:
0x0: {  	(tag) =	ssettag $0x1  }
0x1: {  	s5 =	rddreg [dreg:$0x0]  }
0x2: {  	s1 =	srdreg.scid;
	s0 =	stileid.u32  }
0x3: {  	s7 =	rddreg [dreg:$0x1];
	s2 =	simm.s32 $0x0;
	s13 =	simm.s32 $0x80  }
0x4: {  	s14 =	simm.s32 $0x400;
	s15 =	simm.s32 $0x3800;
	s16 =	simm.s32 $0x3A80  }
0x5: {  	s17 =	simm.s32 $0x0;
	s6 =	sand.u32 $0x1, s1;
	s1 =	rddreg [dreg:$0x2]  }
0x6: {  	s3 =	smul.u32 $0x280, s0;
	[smem:$0x7FF] =	sst s2;
	s9 =	sshrl.u32 s0, $0x3  }
0x7: {  	s11 =	sshll.u32 s0, $0x1;
	s30 =	smul.u32 $0x5000, s0;
	s31 =	sshll.u32 s0, $0x7  }
0x8: {  	s4 =	smul.u32 $0x2800, s6;
	_ =	strace $0x80000047;
	s28 =	ssub.s32 $0x2, s6  }
0x9: {  	s9 =	smul.u32 $0x50000, s9;
	s29 =	sor.u32 s6, s11;
	s11 =	sand.u32 $0x380, s31  }
0xa: {  	s10 =	sshrl.u32 s28, $0x1;
	s12 =	sshrl.u32 s30, $0x2;
	s8 =	sadd.s32 s3, s4  }
0xb: {  	s3 =	sadd.s32 $0xD600, s5;
	s4 =	sadd.s32 $0x3800, s5;
	s9 =	sshrl.u32 s9, $0x2  }
0xc: {  	s10 =	ssub.s32 s28, s10;
	s8 =	sshrl.u32 s8, $0x3;
	s9 =	sadd.s32 s9, s7  }
0xd: {  	s7 =	sadd.s32 s12, s7;
	s12 =	simm.s32 $0x3000;
	s8 =	sadd.s32 s8, s5  }
0xe: {  	s5 =	smul.u32 $0x2710, s29;
	s6 =	sadd.s32 s11, s9;
	s9 =	smax.u32 s10, $0x1  }
0xf: {  	v0 =	vimm.s32 $0x0;
	v1 =	vimm.s32 $0x1;
	s10 =	simm.s32 $0x2800;
	s11 =	simm.s32 $0x1;
	s8 =	sadd.s32 $0x17400, s8  }
.LBB2_1:
0x10: {  	s18 =	simm.s32 $0x40;
	s19 =	simm.s32 $0x0  }
.LBB2_2:
0x11: {  	p0 =	sne.s32 s18, $0x9FC0;
	[tilespmem:s19+$0x0] =	vst v0;
	s19 =	smov.u32 s18;
	s18 =	sadd.s32 $0x40, s18  }
.Ltmp0:
0x12: {  	(pc) =	sbr.rel @p0 .LBB2_2-.Ltmp0, $2  }
0x13: {  	_ =	sdelay $0x2  }
0x14: {  	s19 =	sshra.s32 s19, $0x2  }
0x15: {  	[tilespmem:s19+$0x0] =	vst v0;
	s18 =	simm.s32 $0x0;
	s19 =	simm.s32 $0x0  }
.LBB2_4:
0x16: {  	s20 =	smul.u32 $0x7D0, s19;
	_ =	sdelay $0x1  }
0x17: {  	s20 =	sadd.s32 s5, s20  }
0x18: {  	s20 =	sshrl.u32 s20, $0x3  }
0x19: {  	s21 =	sadd.s32 s3, s20  }
0x1a: {  	[tilespmem:s10], [sflag:$0x1] =	stream.linear.gather [hbm4b:s21+s18], $0x7D0, $0x38;
	[tilespmem:$0x6500] =	vst v63  }
0x1b: {  	_ =	swait.ge [sflag:s11], $0x7D0  }
0x1c: {  	[sflag:s11] =	ssyncset.done $0x0  }
0x1d: {  	s20 =	sadd.s32 s4, s20;
	[sflag:s11] =	ssyncadd.s32 $0xFFFFF830  }
0x1e: {  	[tilespmem:s12], [sflag:$0x1] =	stream.linear.gather [hbm4b:s20+s18], $0x7D0, $0x38;
	[tilespmem:$0x6500] =	vst v63  }
0x1f: {  	_ =	swait.ge [sflag:s11], $0x7D0  }
0x20: {  	[sflag:s11] =	ssyncset.done $0x0  }
0x21: {  	s21 =	simm.s32 $0x0;
	s20 =	simm.s32 $0x40;
	[sflag:s11] =	ssyncadd.s32 $0xFFFFF830  }
.LBB2_5:
0x22: {  	p0 =	sne.s32 s20, $0x1F00;
	v2 =	vld [tilespmem:s21+$0x2800];
	_ =	sdelay $0x7  }
0x23: {  	[tilespmem:v2+s2+$0x0] =	vst.idx.add.s32.msk $0xffff, v1  }
0x24: {  	v2 =	vld [tilespmem:s21+$0x3000];
	_ =	sdelay $0x3  }
.Ltmp1:
0x25: {  	(pc) =	sbr.rel @p0 .LBB2_5-.Ltmp1, $2  }
0x26: {  	_ =	sdelay $0x2  }
0x27: {  	s21 =	sshra.s32 s20, $0x2;
	s20 =	sadd.s32 $0x40, s20;
	[tilespmem:v2+s2+$0x0] =	vst.idx.add.s32.msk $0xffff, v1  }
0x28: {  	v2 =	vld [tilespmem:s21+$0x2800];
	_ =	sdelay $0x7  }
0x29: {  	[tilespmem:v2+s2+$0x0] =	vst.idx.add.s32.msk $0xffff, v1  }
0x2a: {  	v2 =	vld [tilespmem:s21+$0x3000];
	_ =	sdelay $0x1  }
0x2b: {  	s19 =	sadd.s32 $0x1, s19  }
0x2c: {  	p0 =	sne.s32 s19, $0x5  }
.Ltmp2:
0x2d: {  	_ = 	snop;
	(pc) =	sbr.rel @p0 .LBB2_4-.Ltmp2, $2  }
0x2e: {  	_ =	sdelay $0x2  }
0x2f: {  	[tilespmem:v2+s2+$0x0] =	vst.idx.add.s32.msk $0xffff, v1  }
0x30: {  	[spmem:s6] =	stream.strided.scatter [tilespmem:s2], [sflag:$0x1], $0x2800, s14, s13, $0x38;
	[tilespmem:$0x6500] =	vst v63  }
0x31: {  	s18 =	simm.s32 $0x1  }
0x32: {  	_ =	swait.ge [sflag:s18], $0x2800  }
0x33: {  	[sflag:s18] =	ssyncset.done $0x0  }
0x34: {  	[sflag:s18] =	ssyncadd.s32 $0xFFFFD800  }
0x35: {  	[bflag:$0x0] =	sbarrier.arrive $0xFFFF  }
0x36: {  	[tilespmem:s15], [sflag:$0x1] =	stream.strided.gather [spmem:s7], $0x280, s14, s13, $0x38;
	[tilespmem:$0x6500] =	vst v63  }
0x37: {  	_ =	swait.ge [sflag:s18], $0x280  }
0x38: {  	[sflag:s18] =	ssyncset.done $0x0  }
0x39: {  	[sflag:s18] =	ssyncadd.s32 $0xFFFFFD80  }
.LBB2_8:
0x3a: {  	s19 =	sshrl.u32 s18, $0x3  }
0x3b: {  	s19 =	smul.u32 $0x50000, s19;
	_ =	sdelay $0x1  }
0x3c: {  	s20 =	sshll.u32 s18, $0x7;
	s19 =	sshra.s32 s19, $0x2  }
0x3d: {  	s20 =	sand.u32 $0x380, s20;
	s19 =	sadd.s32 s19, s7  }
0x3e: {  	s19 =	sadd.s32 s20, s19  }
0x3f: {  	[tilespmem:s16], [sflag:$0x1] =	stream.strided.gather [spmem:s19], $0x280, s14, s13, $0x38;
	[tilespmem:$0x6500] =	vst v63  }
0x40: {  	_ =	swait.ge [sflag:s11], $0x280  }
0x41: {  	[sflag:s11] =	ssyncset.done $0x0  }
0x42: {  	s19 =	simm.s32 $0x0;
	[sflag:s11] =	ssyncadd.s32 $0xFFFFFD80  }
0x43: {  	s20 =	simm.s32 $0x40;
	v2 =	vld [tilespmem:s19+$0x3A80]  }
.LBB2_9:
0x44: {  	p0 =	sne.s32 s20, $0x9C0;
	v3 =	vld [tilespmem:s19+$0x3800];
	_ =	sdelay $0x1  }
.Ltmp3:
0x45: {  	(pc) =	sbr.rel @p0 .LBB2_9-.Ltmp3, $3  }
0x46: {  	_ =	sdelay $0x1  }
0x47: {  	s21 =	sshra.s32 s20, $0x2;
	v3 =	vadd.s32 v3, v2  }
0x48: {  	s20 =	sadd.s32 $0x40, s20;
	v2 =	vld [tilespmem:s21+$0x3A80];
	[tilespmem:s19+$0x3800] =	vst v3;
	s19 =	smov.u32 s21  }
0x49: {  	v3 =	vld [tilespmem:s19+$0x3800];
	s18 =	sadd.s32 $0x1, s18  }
0x4a: {  	p0 =	sne.s32 s18, $0x10  }
.Ltmp4:
0x4b: {  	_ = 	snop;
	(pc) =	sbr.rel @p0 .LBB2_8-.Ltmp4, $3  }
0x4c: {  	_ =	sdelay $0x1  }
0x4d: {  	v2 =	vadd.s32 v3, v2  }
0x4e: {  	[tilespmem:s19+$0x3800] =	vst v2  }
0x4f: {  	s17 =	sadd.s32 $0x1, s17  }
0x50: {  	p0 =	sne.s32 s17, s9  }
.Ltmp5:
0x51: {  	_ = 	snop;
	(pc) =	sbr.rel @p0 .LBB2_1-.Ltmp5, $4  }
0x52: {  	[hbm4b:s8+s2] =	stream.linear.scatter [tilespmem:s15], [sflag:$0x1], $0x280, $0x38;
	[tilespmem:$0x6500] =	vst v63  }
0x53: {  	_ =	swait.ge [sflag:s11], $0x280  }
0x54: {  	[sflag:s11] =	ssyncset.done $0x0  }
0x55: {  	[sflag:s11] =	ssyncadd.s32 $0xFFFFFD80  }
0x56: {  	_ =	sfence.sel $0x180000  }
0x57: {  	[bflag:$0x0] =	sbarrier.arrive $0xFFFF  }
0x58: {  	p0 =	sne.s32 s0, $0x0;
	_ =	strace $0x90000047  }
0x59: {  	s0 =	sadd.s32 @!p0 $0x100000, s1;
	[bflag:$0x2] =	sbarrier.arrive $0xFFFF  }
0x5a: {  	[sflag:s0] =	ssyncadd.tile.s32 @!p0 $0x1;
	_ =	shalt  }
.Lfunc_end2:
_tile_overlayer_lowered:
.L_overlay_start_2:
0x5b: {  	(tag) =	ssettag $0x2  }
0x5c: {  	s0 =	rddreg [dreg:$0x0];
	s2 =	stileid.u32  }
0x5d: {  	s1 =	rddreg [dreg:$0x1];
	p0 =	sne.s32 s2, $0x0  }
0x5e: {  	s3 =	rddreg [dreg:$0x2];
	[bflag:$0x3] =	sbarrier.arrive $0xFFFF;
	s2 =	simm.s32 @!p0 $0x1C01  }
0x5f: {  	[timem:s3], [sflag:s2] =	dma.local @!p0 [hbm:s0], s1  }
0x60: {  	s0 =	simm.s32 @!p0 $0x1  }
0x61: {  	_ =	swait.ge @!p0 [sflag:s0], s1  }
0x62: {  	s1 =	ssub.s32 @!p0 $0x0, s1;
	[sflag:s0] =	ssyncset.done @!p0 $0x0  }
0x63: {  	[sflag:s0] =	ssyncadd.s32 @!p0 s1  }
0x64: {  	[bflag:$0x3] =	sbarrier.arrive $0xFFFF  }
0x65: {  	_ =	shalt  }

// kernel: kernel.14.cloned.1.call-start
scs
__scs_entry_jumppad:
0x0: {  	(pc) =	sbr.rel $0x88, $3  }
0x1: {  	(tag) =	ssettag $0x0;
	lr =	simm.s32 $0x1  }
0x2: {  	[smem:$0x3F93] =	sst lr;
	_ =	strace $0xD0000000  }
0x3: {  	_ = 	snop  }
0x4: {  	_ = 	snop  }
0x5: {  	_ = 	snop  }
0x6: {  	_ = 	snop  }
0x7: {  	_ = 	snop  }
__scs_overlays_trampoline_lowered:
0x8: {  	[smem:$0x3FA2] =	sst s0  }
0x9: {  	[smem:$0x3FA3] =	sst s1  }
0xa: {  	[smem:$0x3FA4] =	sst s2  }
0xb: {  	[smem:$0x3FA5] =	sst s3  }
0xc: {  	[smem:$0x3FA6] =	sst s4  }
0xd: {  	[smem:$0x3FA7] =	sst s5  }
0xe: {  	[smem:$0x3FA8] =	sst s6  }
0xf: {  	[smem:$0x3FA9] =	sst s7  }
0x10: {  	[smem:$0x3FAA] =	sst s8  }
0x11: {  	[smem:$0x3FAB] =	sst s9;
	s0 =	simm.s32 @!p0 $0x0  }
0x12: {  	s1 =	sld [smem:$0x3F91];
	s0 =	simm.s32 @p0 $0x1  }
0x13: {  	[smem:$0x3FAC] =	sst s0;
	s0 =	simm.s32 @!p1 $0x0  }
0x14: {  	s2 =	sld [smem:$0x3F90];
	s0 =	simm.s32 @p1 $0x1  }
0x15: {  	[smem:$0x3FAD] =	sst s0;
	s0 =	simm.s32 @!p2 $0x0  }
0x16: {  	s3 =	sld [smem:$0x3FDB];
	s0 =	simm.s32 @p2 $0x1  }
0x17: {  	s4 =	simm.s32 $0x1BF5;
	[smem:$0x3FAF] =	sst s0  }
0x18: {  	s0 =	sld [smem:$0x3F92];
	_ =	swait.ge [sflag:s4], $0x0  }
0x19: {  	s7 =	sld [smem:$0x3F93]  }
0x1a: {  	s8 =	sadd.s32 $0xFFFFE003, lr  }
0x1b: {  	s9 =	sadd.s32 $0xFFFFFEF7, lr;
	s5 =	simm.s32 $0xFFFFFFFF;
	p2 =	slt.u32 s8, $0xFFFFF086  }
0x1c: {  	p1 =	slt.u32 s9, $0xF7A;
	s5 =	simm.s32 @!p2 $0x0  }
0x1d: {  	s5 =	simm.s32 @p1 $0x1;
	p0 =	seq.s32 s7, s2  }
0x1e: {  	s7 =	smul.u32 @!p0 $0xF7A, s2;
	p2 =	seq.s32 @!p0 s5, $0x0  }
0x1f: {  	s9 =	smul.u32 $0xF7A, s1;
	s8 =	simm.s32 @!p0 $0x1BF5;
	p2 =	por !p2, p0  }
0x20: {  	[sflag:s8] =	ssyncset.s32 @!p0 $0xFFFFF086;
	s6 =	sadd.s32 @!p0 s3, s7;
	s7 =	simm.s32 @!p0 $0x108  }
0x21: {  	s3 =	sadd.s32 s3, s9;
	s6 =	sadd.s32 @!p0 $0x88, s6;
	s7 =	simm.s32 @p2 $0x1082  }
0x22: {  	[simem:s7], [sflag:s8] =	dma.local @!p0 [hbm:s6], $0xF7A  }
0x23: {  	s9 =	sor.u32 $0xD0000000, s2;
	s6 =	simm.s32 $0x108;
	_ =	swait.ge @!p0 [sflag:s8], $0x0  }
0x24: {  	s3 =	sadd.s32 $0x88, s3;
	s6 =	simm.s32 @!p1 $0x1082;
	[sflag:s4] =	ssyncset.s32 $0xFFFFF086  }
0x25: {  	[simem:s6], [sflag:s4] =	dma.local [hbm:s3], $0xF7A  }
0x26: {  	[smem:$0x3F93] =	sst s1;
	(tag) =	ssettag s2;
	_ =	strace s9  }
0x27: {  	s1 =	sld [smem:$0x3FA3]  }
0x28: {  	s2 =	sld [smem:$0x3FA4]  }
0x29: {  	s4 =	sld [smem:$0x3FA6]  }
0x2a: {  	p0 =	seq.s32 s5, $0x0;
	s5 =	sld [smem:$0x3FA7]  }
0x2b: {  	s6 =	sld [smem:$0x3FA8]  }
0x2c: {  	s7 =	sld [smem:$0x3FA9]  }
0x2d: {  	s3 =	simm.s32 $0x108;
	s8 =	sld [smem:$0x3FAA]  }
0x2e: {  	s3 =	simm.s32 @!p0 $0x1082;
	s9 =	sld [smem:$0x3FAB]  }
0x2f: {  	lr =	sadd.s32 s0, s3;
	s0 =	sld [smem:$0x3FA2]  }
0x30: {  	s3 =	sld [smem:$0x3FA5]  }
0x31: {  	[smem:$0x3FAE] =	sst s10  }
0x32: {  	s10 =	sld [smem:$0x3FAC];
	_ =	sdelay $0x3  }
0x33: {  	p0 =	seq.s32 s10, $0x1;
	s10 =	sld [smem:$0x3FAE];
	_ =	sdelay $0x3  }
0x34: {  	[smem:$0x3FAE] =	sst s10  }
0x35: {  	s10 =	sld [smem:$0x3FAD];
	_ =	sdelay $0x3  }
0x36: {  	p1 =	seq.s32 s10, $0x1;
	s10 =	sld [smem:$0x3FAE];
	_ =	sdelay $0x3  }
0x37: {  	[smem:$0x3FAE] =	sst s10  }
0x38: {  	s10 =	sld [smem:$0x3FAF]  }
0x39: {  	_ = 	snop;
	(pc) =	sbr.ind lr, $3  }
0x3a: {  	_ = 	snop  }
0x3b: {  	_ = 	snop  }
0x3c: {  	p2 =	seq.s32 s10, $0x1;
	s10 =	sld [smem:$0x3FAE]  }
0x3d: {  	_ =	shalt  }
0x3e: {  	_ =	shalt  }
0x3f: {  	_ =	shalt  }
0x40: {  	_ =	shalt  }
0x41: {  	_ =	shalt  }
0x42: {  	_ =	shalt  }
0x43: {  	_ =	shalt  }
0x44: {  	_ =	shalt  }
0x45: {  	_ =	shalt  }
0x46: {  	_ =	shalt  }
0x47: {  	_ =	shalt  }
0x48: {  	_ =	shalt  }
0x49: {  	_ =	shalt  }
0x4a: {  	_ =	shalt  }
0x4b: {  	_ =	shalt  }
0x4c: {  	_ =	shalt  }
0x4d: {  	_ =	shalt  }
0x4e: {  	_ =	shalt  }
0x4f: {  	_ =	shalt  }
0x50: {  	_ =	shalt  }
0x51: {  	_ =	shalt  }
0x52: {  	_ =	shalt  }
0x53: {  	_ =	shalt  }
0x54: {  	_ =	shalt  }
0x55: {  	_ =	shalt  }
0x56: {  	_ =	shalt  }
0x57: {  	_ =	shalt  }
0x58: {  	_ =	shalt  }
0x59: {  	_ =	shalt  }
0x5a: {  	_ =	shalt  }
0x5b: {  	_ =	shalt  }
0x5c: {  	_ =	shalt  }
0x5d: {  	_ =	shalt  }
0x5e: {  	_ =	shalt  }
0x5f: {  	_ =	shalt  }
0x60: {  	_ =	shalt  }
0x61: {  	_ =	shalt  }
0x62: {  	_ =	shalt  }
0x63: {  	_ =	shalt  }
0x64: {  	_ =	shalt  }
0x65: {  	_ =	shalt  }
0x66: {  	_ =	shalt  }
0x67: {  	_ =	shalt  }
0x68: {  	_ =	shalt  }
0x69: {  	_ =	shalt  }
0x6a: {  	_ =	shalt  }
0x6b: {  	_ =	shalt  }
0x6c: {  	_ =	shalt  }
0x6d: {  	_ =	shalt  }
0x6e: {  	_ =	shalt  }
0x6f: {  	_ =	shalt  }
0x70: {  	_ =	shalt  }
0x71: {  	_ =	shalt  }
0x72: {  	_ =	shalt  }
0x73: {  	_ =	shalt  }
0x74: {  	_ =	shalt  }
0x75: {  	_ =	shalt  }
0x76: {  	_ =	shalt  }
0x77: {  	_ =	shalt  }
0x78: {  	_ =	shalt  }
0x79: {  	_ =	shalt  }
0x7a: {  	_ =	shalt  }
0x7b: {  	_ =	shalt  }
0x7c: {  	_ =	shalt  }
0x7d: {  	_ =	shalt  }
0x7e: {  	_ =	shalt  }
0x7f: {  	_ =	shalt  }
0x80: {  	_ =	shalt  }
0x81: {  	_ =	shalt  }
0x82: {  	_ =	shalt  }
0x83: {  	_ =	shalt  }
0x84: {  	_ =	shalt  }
0x85: {  	_ =	shalt  }
0x86: {  	_ =	shalt  }
0x87: {  	_ =	shalt  }
.Lfunc_end0:
.L_simem_size_0:
called_computation.1_lowered:
.L_overlay_start_0:
0x88: {  	s2 =	sld [smem:$0x3FD9]  }
0x89: {  	s3 =	sld [smem:$0x3FFE];
	_ =	sdelay $0x1  }
0x8a: {  	s1 =	srdreg.scid  }
0x8b: {  	s0 =	sand.u32 $0x1, s1  }
0x8c: {  	s17 =	sshll.u32 s0, $0xA;
	s2 =	sadd.s32 s3, s2  }
0x8d: {  	s2 =	sadd.s32 s2, s17  }
0x8e: {  	[smem:$0x3FBA] =	sst s2  }
0x8f: {  	_ = 	snop  }
0x90: {  	s2 =	sld [smem:$0x3FD0];
	(tm) =	ssettm $0x1  }
0x91: {  	s18 =	sld [smem:$0x3FFB];
	_ =	sdelay $0x3  }
0x92: {  	_ =	strace s18  }
0x93: {  	s3 =	sld [smem:$0x3FFC];
	_ =	sdelay $0x3  }
0x94: {  	_ =	strace s3  }
0x95: {  	s3 =	sld [smem:$0x3FFD];
	_ =	sdelay $0x3  }
0x96: {  	_ =	strace s3  }
0x97: {  	_ =	strace $0x8FFFFFFF  }
0x98: {  	s19 =	sld [smem:$0x3FDB];
	_ =	sdelay $0x1  }
0x99: {  	s4 =	simm.s32 $_scs_section_size  }
0x9a: {  	s5 =	simm.s32 $_size__tile_overlayer_lowered;
	s6 =	simm.s32 $_tile_overlayer_lowered  }
0x9b: {  	s22 =	simm.s32 $0x1BFF;
	s21 =	sshll.u32 s6, $0x1;
	s3 =	sadd.s32 s4, s19  }
0x9c: {  	s7 =	simm.s32 $0x0;
	s20 =	sshll.u32 s5, $0x1;
	s5 =	sadd.s32 s21, s3  }
0x9d: {  	[timem:s7], [sflag:s22] =	dma.local [hbm:s5], s20  }
0x9e: {  	_ =	swait.ge [sflag:s22], s20  }
0x9f: {  	s4 =	ssub.s32 $0x0, s20;
	[sflag:s22] =	ssyncset.done $0x0  }
0xa0: {  	[sflag:s22] =	ssyncadd.s32 s4;
	_ =	sdelay $0x1  }
0xa1: {  	s23 =	simm.s32 $0x1B8B  }
0xa2: {  	_ =	swait.ge [sflag:s23], $0x1  }
0xa3: {  	[sflag:s23] =	ssyncset.done $0x0  }
0xa4: {  	s25 =	simm.s32 $0x1B8E;
	s24 =	sld [smem:$0x3FFE];
	[sflag:s23] =	ssyncadd.s32 $0xFFFFFFFF  }
0xa5: {  	s26 =	simm.s32 $execute0_lowered;
	[smem:$0x3FD2] =	sst s25  }
0xa6: {  	s5 =	sshll.u32 s26, $0x1;
	_ =	strace $0x80000049;
	[dreg:$0x1] =	wrdreg $0xFFFFFFFF  }
0xa7: {  	s28 =	simm.s32 $_size_execute0_lowered;
	s3 =	sadd.s32 s3, s5;
	[dreg:$0x0] =	wrdreg $0x0  }
0xa8: {  	s5 =	sshll.u32 s28, $0x1;
	[dreg:$0x2] =	wrdreg s3  }
0xa9: {  	[dreg:$0x3] =	wrdreg s5  }
0xaa: {  	[dreg:$0x4] =	wrdreg $0xC0  }
0xab: {  	_ =	task [dreg:s7], $0x5FFFF  }
0xac: {  	[dreg:$0x1] =	wrdreg $0xFFFFFFFF  }
0xad: {  	[dreg:$0x0] =	wrdreg $0x60  }
0xae: {  	[dreg:$0x2] =	wrdreg s24  }
0xaf: {  	[dreg:$0x3] =	wrdreg s2  }
0xb0: {  	[dreg:$0x4] =	wrdreg $0x9  }
0xb1: {  	_ =	task.clear_ibuf [dreg:s7], $0x5FFFF;
	_ =	strace $0x90000049  }
0xb2: {  	s29 =	simm.s32 $0x9;
	_ =	strace $0x8000004B  }
0xb3: {  	_ =	swait.ge [sflag:s29], $0x1  }
0xb4: {  	[sflag:s29] =	ssyncadd.s32 $0xFFFFFFFF  }
0xb5: {  	_ =	strace $0x9000004B  }
0xb6: {  	_ =	sfence  }
0xb7: {  	s30 =	sld [smem:$0x0];
	_ =	sdelay $0x2  }
0xb8: {  	s31 =	sshll.u32 s1, $0xD;
	s1 =	sshrl.u32 s1, $0x2  }
0xb9: {  	s3 =	sand.u32 $0x4000, s31;
	s1 =	sadd.s32 s1, s30  }
0xba: {  	s0 =	sor.u32 s3, s0;
	s1 =	sshll.u32 s1, $0x11  }
0xbb: {  	s0 =	sor.u32 s1, s0  }
0xbc: {  	s0 =	sadd.s32 $0x8F2B, s0  }
0xbd: {  	[sflag:s0] =	ssyncadd.remote.s32 $0x1  }
0xbe: {  	_ =	sfence.sel $0xFFFF  }
0xbf: {  	[dreg:$0x0] =	wrdreg $0xFFFFFFFF;
	(pc) =	sbr.abs _section_cstart, $3  }
0xc0: {  	[dreg:$0x1] =	wrdreg $0xFFFFFFFF  }
0xc1: {  	_ =	task.clear_ibuf [dreg:s7], $0x2FFFF;
	_ =	strace $0x9FFFFFFF  }
0xc2: {  	(tm) =	ssettm $0x7FFFFFFF  }
0xc3: {  	_ =	shalt  }
tec
execute0_lowered:
.L_overlay_start_1:
0x0: {  	(tag) =	ssettag $0x1  }
0x1: {  	s0 =	rddreg [dreg:$0x0]  }
0x2: {  	s1 =	rddreg [dreg:$0x1]  }
0x3: {  	s2 =	simm.s32 $0x0;
	s3 =	srdreg.scid;
	s17 =	stileid.u32  }
0x4: {  	s16 =	simm.s32 $0x3;
	s22 =	simm.s32 $0x1;
	s23 =	simm.s32 $0x15D00  }
0x5: {  	s28 =	simm.s32 $0xC500;
	s29 =	simm.s32 $0x2;
	s30 =	simm.s32 $0x7590  }
0x6: {  	s31 =	simm.s32 $0x0;
	[smem:$0x7FF] =	sst s2;
	s6 =	sand.u32 $0x1, s3  }
0x7: {  	s4 =	sshll.u32 s17, $0x1;
	s3 =	sadd.s32 $0xD600, s0;
	s9 =	sadd.s32 $0x17E00, s0  }
0x8: {  	s5 =	sadd.s32 $0x17400, s0;
	s13 =	sadd.s32 $0x2E000, s0;
	s15 =	sor.u32 s6, s4  }
0x9: {  	p0 =	sgt.u32 s17, $0x3;
	_ =	strace $0x8000004A;
	s7 =	smul.u32 $0x500, s15  }
0xa: {  	s4 =	sadd.s32 $0x3800, s0;
	s8 =	ssub.s32 $0x2, s6;
	s10 =	smul.u32 $0x4E20, s15  }
0xb: {  	s6 =	sadd.s32 $0x41A00, s0;
	s24 =	sshrl.u32 s8, $0x1;
	s12 =	smul.u32 $0x9C4, s15  }
0xc: {  	s26 =	smin.u32 s15, $0x7;
	p1 =	sne.s32 s15, $0x8;
	s14 =	ssub.s32 s8, s24  }
0xd: {  	s24 =	simm.s32 $0x16D00;
	s11 =	sadd.s32 s7, s0;
	s7 =	sadd.s32 $0x17900, s0  }
0xe: {  	s25 =	sshrl.u32 s10, $0x3;
	s8 =	sadd.s32 s9, s12;
	s10 =	sshll.u32 s26, $0x1  }
0xf: {  	s12 =	sadd.s32 s13, s12;
	s14 =	smax.u32 s14, $0x1;
	s26 =	simm.s32 $0x4E80  }
0x10: {  	s0 =	sadd.s32 $0x4E2, s25;
	s10 =	sadd.s32 s1, s10;
	s11 =	sadd.s32 $0x2B800, s11  }
0x11: {  	v0 =	vimm.f32 $0.0e+00;
	s25 =	simm.s32 $0x9D00;
	s9 =	sadd.s32 s9, s0;
	s13 =	sadd.s32 s13, s0  }
.LBB2_1:
0x12: {  	s0 =	simm.s32 $0xED00  }
0x13: {  	[tilespmem:s0], [sflag:$0x3] =	stream.linear.gather [hbm4b:s5+s2], $0x2800, $0x38;
	[tilespmem:$0x17D80] =	vst v63  }
0x14: {  	_ =	swait.ge [sflag:s16], $0x2800  }
0x15: {  	[sflag:s16] =	ssyncset.done $0x0  }
0x16: {  	s21 =	simm.s32 $0x11500;
	[sflag:s16] =	ssyncadd.s32 $0xFFFFD800  }
0x17: {  	[tilespmem:s21], [sflag:$0x3] =	stream.linear.gather [hbm4b:s7+s2], $0x2800, $0x38;
	[tilespmem:$0x17D80] =	vst v63  }
0x18: {  	_ =	swait.ge [sflag:s16], $0x2800  }
0x19: {  	[sflag:s16] =	ssyncset.done $0x0  }
0x1a: {  	s1 =	simm.s32 $0x0;
	[sflag:s16] =	ssyncadd.s32 $0xFFFFD800  }
0x1b: {  	v1 =	vld [tilespmem:s1+$0xED00]  }
0x1c: {  	v2 =	vld [tilespmem:s1+$0x11500];
	_ =	sdelay $0x4  }
0x1d: {  	s0 =	simm.s32 $0x10;
	v1 =	vadd.s32 v2, v1  }
0x1e: {  	v3 =	vld [tilespmem:s0+$0x11500];
	v1 =	vadd.s32 $0x1, v1  }
0x1f: {  	v2 =	vld [tilespmem:s0+$0xED00];
	v1 =	vcvt.s32.f32 v1;
	_ =	sdelay $0x1  }
0x20: {  	v4 =	vshra.s32 v1, $0x1;
	v5 =	vmul.f32 $5.000000000e-01, v1  }
0x21: {  	v1 =	vsub.s32 $0x5F3759DF, v4  }
0x22: {  	v4 =	vmul.f32 v1, v5  }
0x23: {  	s15 =	simm.s32 $0x20;
	v2 =	vadd.s32 v3, v2  }
0x24: {  	v6 =	vld [tilespmem:s15+$0x11500];
	v2 =	vadd.s32 $0x1, v2;
	v4 =	vmul.f32 v1, v4  }
0x25: {  	v3 =	vld [tilespmem:s15+$0xED00];
	v2 =	vcvt.s32.f32 v2  }
0x26: {  	v4 =	vsub.f32 $1.500000000e+00, v4  }
0x27: {  	v7 =	vshra.s32 v2, $0x1;
	v12 =	vmul.f32 $5.000000000e-01, v2  }
0x28: {  	v2 =	vsub.s32 $0x5F3759DF, v7;
	v4 =	vmul.f32 v1, v4  }
0x29: {  	v1 =	vmul.f32 v2, v12  }
0x2a: {  	s17 =	simm.s32 $0x30;
	v3 =	vadd.s32 v6, v3;
	v6 =	vmul.f32 v4, v5  }
0x2b: {  	v8 =	vld [tilespmem:s17+$0x11500];
	v3 =	vadd.s32 $0x1, v3;
	v1 =	vmul.f32 v2, v1  }
0x2c: {  	v7 =	vld [tilespmem:s17+$0xED00];
	v3 =	vcvt.s32.f32 v3;
	v6 =	vmul.f32 v6, v4  }
0x2d: {  	v9 =	vsub.f32 $1.500000000e+00, v1  }
0x2e: {  	v10 =	vshra.s32 v3, $0x1;
	v1 =	vmul.f32 $5.000000000e-01, v3;
	v3 =	vsub.f32 $1.500000000e+00, v6  }
0x2f: {  	v10 =	vsub.s32 $0x5F3759DF, v10;
	v9 =	vmul.f32 v2, v9  }
0x30: {  	v2 =	vmul.f32 v10, v1;
	v11 =	vmul.f32 v3, v4  }
0x31: {  	s18 =	simm.s32 $0x40;
	v3 =	vadd.s32 v8, v7;
	v4 =	vmul.f32 v9, v12  }
0x32: {  	v7 =	vld [tilespmem:s18+$0xED00];
	v2 =	vmul.f32 v10, v2;
	v3 =	vadd.s32 $0x1, v3;
	v5 =	vmul.f32 v11, v5  }
0x33: {  	v8 =	vld [tilespmem:s18+$0x11500];
	v3 =	vcvt.s32.f32 v3;
	v4 =	vmul.f32 v4, v9  }
0x34: {  	v13 =	vsub.f32 $1.500000000e+00, v2;
	v5 =	vmul.f32 v5, v11  }
0x35: {  	v6 =	vshra.s32 v3, $0x1;
	v2 =	vmul.f32 $5.000000000e-01, v3;
	v4 =	vsub.f32 $1.500000000e+00, v4  }
0x36: {  	v3 =	vmul.f32 v10, v13;
	v6 =	vsub.s32 $0x5F3759DF, v6;
	v5 =	vsub.f32 $1.500000000e+00, v5  }
0x37: {  	v10 =	vmul.f32 v6, v2;
	v4 =	vmul.f32 v4, v9  }
0x38: {  	s19 =	simm.s32 $0x50;
	v7 =	vadd.s32 v8, v7;
	v8 =	vmul.f32 v3, v1;
	v5 =	vmul.f32 v5, v11  }
0x39: {  	s20 =	simm.s32 $0x180;
	v9 =	vld [tilespmem:s19+$0xED00];
	v11 =	vadd.s32 $0x1, v7;
	v10 =	vmul.f32 v6, v10;
	v7 =	vmul.f32 v4, v12  }
.LBB2_2:
0x3a: {  	p2 =	sne.s32 s20, $0x9FC0;
	v12 =	vld [tilespmem:s19+$0x11500];
	v11 =	vcvt.s32.f32 v11;
	v8 =	vmul.f32 v8, v3;
	[tilespmem:s1+$0x9D00] =	vst v5;
	v5 =	vmov v4;
	s1 =	smov.u32 s0;
	s0 =	smov.u32 s15  }
0x3b: {  	s15 =	smov.u32 s17;
	s17 =	smov.u32 s18;
	s18 =	smov.u32 s19;
	v4 =	vsub.f32 $1.500000000e+00, v10;
	v7 =	vmul.f32 v7, v5  }
.Ltmp0:
0x3c: {  	v10 =	vshra.s32 v11, $0x1;
	v13 =	vmul.f32 $5.000000000e-01, v11;
	v8 =	vsub.f32 $1.500000000e+00, v8;
	(pc) =	sbr.rel @p2 .LBB2_2-.Ltmp0, $4  }
0x3d: {  	v11 =	vmul.f32 v6, v4;
	v6 =	vsub.s32 $0x5F3759DF, v10;
	v7 =	vsub.f32 $1.500000000e+00, v7  }
0x3e: {  	v10 =	vmul.f32 v6, v13;
	v4 =	vmul.f32 v8, v3  }
0x3f: {  	s19 =	sshra.s32 s20, $0x2;
	v12 =	vadd.s32 v12, v9;
	v8 =	vmul.f32 v11, v2;
	v5 =	vmul.f32 v7, v5;
	v3 =	vmovc v11  }
0x40: {  	s20 =	sadd.s32 $0x40, s20;
	v9 =	vld [tilespmem:s19+$0xED00];
	v11 =	vadd.s32 $0x1, v12;
	v10 =	vmul.f32 v6, v10;
	v7 =	vmul.f32 v4, v1;
	v1 =	vmovc v2;
	v2 =	vmovc v13  }
0x41: {  	v12 =	vld [tilespmem:s19+$0x11500];
	_ =	sdelay $0x4  }
0x42: {  	v9 =	vadd.s32 v12, v9  }
0x43: {  	v11 =	vcvt.s32.f32 v11;
	v9 =	vadd.s32 $0x1, v9  }
0x44: {  	v9 =	vcvt.s32.f32 v9  }
0x45: {  	v52 =	vshra.s32 v11, $0x1;
	v11 =	vmul.f32 $5.000000000e-01, v11  }
0x46: {  	v12 =	vsub.s32 $0x5F3759DF, v52;
	v14 =	vshra.s32 v9, $0x1;
	v9 =	vmul.f32 $5.000000000e-01, v9  }
0x47: {  	v13 =	vmul.f32 v12, v11;
	v14 =	vsub.s32 $0x5F3759DF, v14  }
0x48: {  	v15 =	vmul.f32 v14, v9  }
0x49: {  	v13 =	vmul.f32 v12, v13  }
0x4a: {  	v10 =	vsub.f32 $1.500000000e+00, v10;
	v15 =	vmul.f32 v14, v15  }
0x4b: {  	v13 =	vsub.f32 $1.500000000e+00, v13  }
0x4c: {  	v6 =	vmul.f32 v6, v10;
	v54 =	vsub.f32 $1.500000000e+00, v15  }
0x4d: {  	v53 =	vmul.f32 v12, v13  }
0x4e: {  	v55 =	vmul.f32 v6, v2;
	v12 =	vmul.f32 v14, v54  }
0x4f: {  	v8 =	vmul.f32 v8, v3;
	v56 =	vmul.f32 v53, v11  }
0x50: {  	v13 =	vmul.f32 v55, v6;
	v58 =	vmul.f32 v12, v9  }
0x51: {  	v8 =	vsub.f32 $1.500000000e+00, v8;
	v57 =	vmul.f32 v56, v53  }
0x52: {  	v13 =	vsub.f32 $1.500000000e+00, v13;
	v15 =	vmul.f32 v58, v12  }
0x53: {  	v3 =	vmul.f32 v8, v3;
	v14 =	vsub.f32 $1.500000000e+00, v57  }
0x54: {  	v7 =	vmul.f32 v7, v4;
	v6 =	vmul.f32 v13, v6;
	v60 =	vsub.f32 $1.500000000e+00, v15  }
0x55: {  	v1 =	vmul.f32 v3, v1;
	v59 =	vmul.f32 v14, v53  }
0x56: {  	v2 =	vmul.f32 v6, v2;
	v10 =	vmul.f32 v60, v12  }
0x57: {  	v1 =	vmul.f32 v1, v3;
	v11 =	vmul.f32 v59, v11  }
0x58: {  	v7 =	vsub.f32 $1.500000000e+00, v7;
	v2 =	vmul.f32 v2, v6;
	v9 =	vmul.f32 v10, v9  }
0x59: {  	v1 =	vsub.f32 $1.500000000e+00, v1;
	v11 =	vmul.f32 v11, v59  }
0x5a: {  	v61 =	vmul.f32 v7, v4;
	v2 =	vsub.f32 $1.500000000e+00, v2;
	v62 =	vmul.f32 v9, v10  }
0x5b: {  	[tilespmem:s1+$0x9D00] =	vst v5;
	v1 =	vmul.f32 v1, v3;
	v3 =	vsub.f32 $1.500000000e+00, v11  }
0x5c: {  	[tilespmem:s0+$0x9D00] =	vst v61;
	v2 =	vmul.f32 v2, v6;
	v63 =	vsub.f32 $1.500000000e+00, v62  }
0x5d: {  	[tilespmem:s15+$0x9D00] =	vst v1;
	v1 =	vmul.f32 v3, v59  }
0x5e: {  	[tilespmem:s17+$0x9D00] =	vst v2;
	v2 =	vmul.f32 v63, v10  }
0x5f: {  	[tilespmem:s18+$0x9D00] =	vst v1  }
0x60: {  	[tilespmem:s19+$0x9D00] =	vst v2;
	s19 =	simm.s32 $0x0  }
0x61: {  	[tilespmem:s19], [sflag:$0x3] =	stream.linear.gather [hbm4b:s8+s19], $0x2710, $0x38;
	[tilespmem:$0x17D80] =	vst v63  }
0x62: {  	_ =	swait.ge [sflag:s16], $0x2710  }
0x63: {  	[sflag:s16] =	ssyncset.done $0x0  }
0x64: {  	s20 =	simm.s32 $0x2710;
	[sflag:s16] =	ssyncadd.s32 $0xFFFFD8F0  }
0x65: {  	[tilespmem:s20], [sflag:$0x3] =	stream.linear.gather [hbm4b:s9+s19], $0x2710, $0x38;
	[tilespmem:$0x17D80] =	vst v63  }
0x66: {  	_ =	swait.ge [sflag:s16], $0x2710  }
0x67: {  	[sflag:s16] =	ssyncset.done $0x0  }
0x68: {  	s21 =	simm.s32 $0x17D00;
	[sflag:s16] =	ssyncadd.s32 $0xFFFFD8F0  }
0x69: {  	[tilespmem:s21], [sflag:$0x3] =	stream.linear.gather [hbm4b:s10+s19], $0x10, $0x38;
	[tilespmem:$0x17D80] =	vst v63  }
0x6a: {  	_ =	swait.ge [sflag:s16], $0x10  }
0x6b: {  	[sflag:s16] =	ssyncset.done $0x0  }
0x6c: {  	s1 =	simm.s32 $0x0;
	s0 =	simm.s32 $0x40;
	[sflag:s16] =	ssyncadd.s32 $0xFFFFFFF0  }
.LBB2_4:
0x6d: {  	p2 =	sne.s32 s0, $0x13840;
	[tilespmem:s1+$0x4E80] =	vst v0;
	s1 =	smov.u32 s0;
	s0 =	sadd.s32 $0x40, s0  }
.Ltmp1:
0x6e: {  	(pc) =	sbr.rel @p2 .LBB2_4-.Ltmp1, $2  }
0x6f: {  	_ =	sdelay $0x2  }
0x70: {  	s1 =	sshra.s32 s1, $0x2  }
0x71: {  	[tilespmem:s1+$0x4E80] =	vst v0;
	s0 =	simm.s32 $0x40;
	s1 =	simm.s32 $0x0  }
.LBB2_6:
0x72: {  	p2 =	sne.s32 s0, $0x9FC0;
	[tilespmem:s1+$0xC500] =	vst v0;
	s1 =	smov.u32 s0;
	s0 =	sadd.s32 $0x40, s0  }
.Ltmp2:
0x73: {  	(pc) =	sbr.rel @p2 .LBB2_6-.Ltmp2, $2  }
0x74: {  	_ =	sdelay $0x2  }
0x75: {  	s1 =	sshra.s32 s1, $0x2  }
.Ltmp3:
0x76: {  	(pc) =	sbr.rel @p0 .LBB2_17-.Ltmp3, $4  }
0x77: {  	[tilespmem:s1+$0xC500] =	vst v0;
	s0 =	simm.s32 $0x0;
	s20 =	simm.s32 $0x13D00  }
0x78: {  	[tilespmem:s20], [sflag:$0x1] =	stream.linear.gather [hbm4b:s3+s0], $0xFA0, $0x38;
	[tilespmem:$0x17D80] =	vst v63  }
0x79: {  	s21 =	simm.s32 $0x14D00  }
0x7a: {  	[tilespmem:s21], [sflag:$0x1] =	stream.linear.gather [hbm4b:s4+s0], $0xFA0, $0x38;
	[tilespmem:$0x17D80] =	vst v63  }
.LBB2_8:
0x7b: {  	_ =	swait.ge [sflag:s22], $0xFA0  }
0x7c: {  	s1 =	smul.u32 $0x1F40, s0;
	[sflag:s22] =	ssyncset.done $0x0  }
0x7d: {  	[sflag:s22] =	ssyncadd.s32 $0xFFFFF060  }
0x7e: {  	s15 =	sshrl.u32 s1, $0x3;
	_ =	swait.ge [sflag:s22], $0xFA0  }
0x7f: {  	s15 =	sadd.s32 $0x1F4, s15;
	[sflag:s22] =	ssyncset.done $0x0  }
0x80: {  	s17 =	sadd.s32 s3, s15;
	[sflag:s22] =	ssyncadd.s32 $0xFFFFF060  }
0x81: {  	[tilespmem:s23], [sflag:$0x2] =	stream.linear.gather [hbm4b:s17+s2], $0xFA0, $0x38;
	[tilespmem:$0x17D80] =	vst v63  }
0x82: {  	s21 =	simm.s32 $0x13D20;
	s15 =	sadd.s32 s4, s15  }
0x83: {  	[tilespmem:s24], [sflag:$0x2] =	stream.linear.gather [hbm4b:s15+s2], $0xFA0, $0x38;
	[tilespmem:$0x17D80] =	vst v63  }
0x84: {  	s15 =	simm.s32 $0x14D20;
	v12 =	vld [tilespmem:s21+$0x10]  }
0x85: {  	v13 =	vld [tilespmem:s15+$0x10]  }
0x86: {  	v4 =	vld [tilespmem:s15+$0xFFFFFFE0]  }
0x87: {  	v1 =	vld [tilespmem:s21+$0xFFFFFFF0]  }
0x88: {  	v3 =	vld [tilespmem:s15+$0xFFFFFFF0]  }
0x89: {  	v2 =	vld [tilespmem:s21+$0x0]  }
0x8a: {  	v6 =	vld [tilespmem:s21+$0xFFFFFFE0]  }
0x8b: {  	v5 =	vld [tilespmem:s15+$0x0]  }
0x8c: {  	v7 =	vld.idx.msk [tilespmem:v12+s25+$0x0], $0xffff  }
0x8d: {  	v8 =	vld.idx.msk [tilespmem:v13+s25+$0x0], $0xffff  }
0x8e: {  	v9 =	vld.idx.msk [tilespmem:v4+s25+$0x0], $0xffff  }
0x8f: {  	v10 =	vld.idx.msk [tilespmem:v12+s2+$0x0], $0xffff  }
0x90: {  	v11 =	vld.idx.msk [tilespmem:v1+s25+$0x0], $0xffff  }
0x91: {  	v14 =	vld.idx.msk [tilespmem:v3+s25+$0x0], $0xffff  }
0x92: {  	v16 =	vld.idx.msk [tilespmem:v6+s25+$0x0], $0xffff;
	v19 =	vmul.f32 v8, v7  }
0x93: {  	v15 =	vld.idx.msk [tilespmem:v2+s25+$0x0], $0xffff  }
0x94: {  	v18 =	vld.idx.msk [tilespmem:v6+s2+$0x0], $0xffff;
	v7 =	vmul.f32 v10, v19  }
0x95: {  	v10 =	vld.idx.msk [tilespmem:v1+s2+$0x0], $0xffff  }
0x96: {  	[tilespmem:v13+s26+$0x0] =	vst.idx.add.f32.msk $0xffff, v7  }
0x97: {  	v8 =	vmul.f32 v9, v16;
	v20 =	vld.idx.msk [tilespmem:v13+s2+$0x0], $0xffff  }
0x98: {  	v17 =	vld.idx.msk [tilespmem:v5+s25+$0x0], $0xffff;
	v7 =	vmul.f32 v14, v11  }
0x99: {  	v9 =	vmul.f32 v18, v8  }
0x9a: {  	v60 =	vadd.s32 $0x2710, v12;
	v11 =	vld.idx.msk [tilespmem:v2+s2+$0x0], $0xffff;
	v10 =	vmul.f32 v10, v7  }
0x9b: {  	[tilespmem:v4+s26+$0x0] =	vst.idx.add.f32.msk $0xffff, v9  }
0x9c: {  	[tilespmem:v3+s26+$0x0] =	vst.idx.add.f32.msk $0xffff, v10;
	v10 =	vmul.f32 v20, v19  }
0x9d: {  	v9 =	vmul.f32 v17, v15;
	v15 =	vld.idx.msk [tilespmem:v4+s2+$0x0], $0xffff  }
0x9e: {  	[tilespmem:v12+s26+$0x0] =	vst.idx.add.f32.msk $0xffff, v10  }
0x9f: {  	v11 =	vmul.f32 v11, v9;
	v10 =	vld.idx.msk [tilespmem:v60+s2+$0x0], $0xffff  }
0xa0: {  	v16 =	vadd.s32 $0x2710, v6;
	v17 =	vld.idx.msk [tilespmem:v3+s2+$0x0], $0xffff  }
0xa1: {  	v18 =	vadd.s32 $0x2710, v13;
	[tilespmem:v5+s26+$0x0] =	vst.idx.add.f32.msk $0xffff, v11  }
0xa2: {  	v11 =	vmul.f32 v15, v8;
	v20 =	vld.idx.msk [tilespmem:v5+s2+$0x0], $0xffff;
	_ =	sdelay $0x1  }
0xa3: {  	[tilespmem:v6+s26+$0x0] =	vst.idx.add.f32.msk $0xffff, v11;
	v15 =	vmul.f32 v10, v19  }
0xa4: {  	v21 =	vld.idx.msk [tilespmem:v16+s2+$0x0], $0xffff;
	v10 =	vadd.s32 $0x2710, v1  }
0xa5: {  	v11 =	vadd.s32 $0x2710, v2;
	v17 =	vmul.f32 v17, v7;
	[tilespmem:v18+s26+$0x0] =	vst.idx.add.f32.msk $0xffff, v15  }
0xa6: {  	v20 =	vmul.f32 v20, v9;
	v15 =	vadd.s32 $0x2710, v4;
	v18 =	vld.idx.msk [tilespmem:v18+s2+$0x0], $0xffff  }
0xa7: {  	[tilespmem:v1+s26+$0x0] =	vst.idx.add.f32.msk $0xffff, v17  }
0xa8: {  	[tilespmem:v2+s26+$0x0] =	vst.idx.add.f32.msk $0xffff, v20  }
0xa9: {  	v20 =	vmul.f32 v21, v8;
	v17 =	vld.idx.msk [tilespmem:v10+s2+$0x0], $0xffff  }
0xaa: {  	v61 =	vld.idx.msk [tilespmem:v11+s2+$0x0], $0xffff  }
0xab: {  	v22 =	vadd.s32 $0x2710, v3;
	[tilespmem:v15+s26+$0x0] =	vst.idx.add.f32.msk $0xffff, v20;
	v18 =	vmul.f32 v18, v19  }
0xac: {  	v20 =	vadd.s32 $0x2710, v5;
	v15 =	vld.idx.msk [tilespmem:v15+s2+$0x0], $0xffff  }
0xad: {  	[tilespmem:v60+s26+$0x0] =	vst.idx.add.f32.msk $0xffff, v18  }
0xae: {  	v62 =	vmul.f32 v17, v7;
	v17 =	vld [tilespmem:$0x17D00]  }
0xaf: {  	v18 =	vmul.f32 v61, v9  }
0xb0: {  	[tilespmem:v22+s26+$0x0] =	vst.idx.add.f32.msk $0xffff, v62  }
0xb1: {  	[tilespmem:v20+s26+$0x0] =	vst.idx.add.f32.msk $0xffff, v18  }
0xb2: {  	v63 =	vmul.f32 v15, v8;
	v15 =	vld.idx.msk [tilespmem:v22+s2+$0x0], $0xffff  }
0xb3: {  	v18 =	vld.idx.msk [tilespmem:v20+s2+$0x0], $0xffff;
	vm0 =	veq.s32 v12, v17  }
0xb4: {  	[tilespmem:v16+s26+$0x0] =	vst.idx.add.f32.msk $0xffff, v63;
	vm2 =	veq.s32 v13, v17  }
0xb5: {  	v14 =	vld [tilespmem:$0x17D00];
	_ =	sdelay $0x3  }
0xb6: {  	s20 =	simm.s32 $0x0;
	s18 =	simm.s32 $0xF70;
	v17 =	vmul.f32 v15, v7;
	v18 =	vmul.f32 v18, v9;
	[tilespmem:v13+s28+$0x0] =	vst.idx.add.f32.msk vm0, v19  }
0xb7: {  	s19 =	simm.s32 $0x15C80;
	s17 =	simm.s32 $0x14C80;
	s21 =	simm.s32 $0x13D60;
	vm1 =	veq.s32 v6, v14;
	vm0 =	veq.s32 v4, v14;
	[tilespmem:v12+s28+$0x0] =	vst.idx.add.f32.msk vm2, v19  }
.LBB2_9:
0xb8: {  	v12 =	vld [tilespmem:s21+$0x10];
	s15 =	sadd.s32 $0x40, s15  }
0xb9: {  	v13 =	vld [tilespmem:s15+$0x10]  }
0xba: {  	s20 =	sadd.s32 $0x40, s20;
	v19 =	vld [tilespmem:s15+$0xFFFFFFE0]  }
0xbb: {  	p2 =	slt.u32 s20, $0xF40;
	v15 =	vld [tilespmem:s21+$0xFFFFFFF0]  }
0xbc: {  	v20 =	vld [tilespmem:s15+$0xFFFFFFF0]  }
0xbd: {  	v14 =	vld [tilespmem:s21+$0x0]  }
0xbe: {  	v16 =	vld [tilespmem:s15+$0x0]  }
0xbf: {  	v21 =	vld [tilespmem:s21+$0xFFFFFFE0];
	v22 =	vadd.s32 $0x2710, v19  }
0xc0: {  	v23 =	vadd.s32 $0x2710, v15;
	v24 =	vld.idx.msk [tilespmem:v12+s25+$0x0], $0xffff  }
0xc1: {  	v25 =	vadd.s32 $0x2710, v20;
	v26 =	vld.idx.msk [tilespmem:v13+s25+$0x0], $0xffff  }
0xc2: {  	v27 =	vld.idx.msk [tilespmem:v19+s25+$0x0], $0xffff;
	v28 =	vadd.s32 $0x2710, v14  }
0xc3: {  	v29 =	vadd.s32 $0x2710, v16;
	v30 =	vld.idx.msk [tilespmem:v12+s2+$0x0], $0xffff  }
0xc4: {  	v31 =	vadd.s32 $0x2710, v21;
	v32 =	vld.idx.msk [tilespmem:v15+s25+$0x0], $0xffff  }
0xc5: {  	v33 =	vld.idx.msk [tilespmem:v20+s25+$0x0], $0xffff  }
0xc6: {  	v34 =	vld.idx.msk [tilespmem:v14+s25+$0x0], $0xffff  }
0xc7: {  	v24 =	vmul.f32 v26, v24;
	v35 =	vld.idx.msk [tilespmem:v21+s25+$0x0], $0xffff  }
0xc8: {  	v26 =	vld.idx.msk [tilespmem:v16+s25+$0x0], $0xffff  }
0xc9: {  	v30 =	vmul.f32 v30, v24;
	v36 =	vld.idx.msk [tilespmem:v21+s2+$0x0], $0xffff  }
0xca: {  	v37 =	vld.idx.msk [tilespmem:v15+s2+$0x0], $0xffff  }
0xcb: {  	v32 =	vmul.f32 v33, v32;
	[tilespmem:v13+s26+$0x0] =	vst.idx.add.f32.msk $0xffff, v30  }
0xcc: {  	v30 =	vld.idx.msk [tilespmem:v13+s2+$0x0], $0xffff  }
0xcd: {  	v27 =	vmul.f32 v27, v35;
	v33 =	vld.idx.msk [tilespmem:v14+s2+$0x0], $0xffff  }
0xce: {  	v26 =	vmul.f32 v26, v34;
	[tilespmem:v10+s26+$0x0] =	vst.idx.add.f32.msk $0xffff, v17;
	v10 =	vmov v23  }
0xcf: {  	v17 =	vmul.f32 v36, v27;
	[tilespmem:v11+s26+$0x0] =	vst.idx.add.f32.msk $0xffff, v18;
	v11 =	vmov v28  }
0xd0: {  	v23 =	vadd.s32 $0x2710, v12;
	v18 =	vmul.f32 v37, v32;
	v28 =	vld [tilespmem:$0x17D00]  }
0xd1: {  	[tilespmem:v19+s26+$0x0] =	vst.idx.add.f32.msk $0xffff, v17  }
0xd2: {  	v17 =	vmul.f32 v30, v24;
	[tilespmem:v20+s26+$0x0] =	vst.idx.add.f32.msk $0xffff, v18  }
0xd3: {  	v30 =	vmul.f32 v33, v26;
	v18 =	vld.idx.msk [tilespmem:v19+s2+$0x0], $0xffff  }
0xd4: {  	[tilespmem:v12+s26+$0x0] =	vst.idx.add.f32.msk $0xffff, v17  }
0xd5: {  	v17 =	vld.idx.msk [tilespmem:v23+s2+$0x0], $0xffff;
	vm3 =	veq.s32 v1, v28;
	vm2 =	veq.s32 v3, v28  }
0xd6: {  	[tilespmem:v16+s26+$0x0] =	vst.idx.add.f32.msk $0xffff, v30  }
0xd7: {  	v28 =	vld.idx.msk [tilespmem:v20+s2+$0x0], $0xffff  }
0xd8: {  	v33 =	vadd.s32 $0x2710, v13;
	v30 =	vld.idx.msk [tilespmem:v16+s2+$0x0], $0xffff  }
0xd9: {  	v18 =	vmul.f32 v18, v27;
	v34 =	vld [tilespmem:$0x17D00]  }
0xda: {  	[tilespmem:v4+s28+$0x0] =	vst.idx.add.f32.msk vm1, v8;
	v4 =	vmov v19  }
0xdb: {  	v17 =	vmul.f32 v17, v24;
	[tilespmem:v21+s26+$0x0] =	vst.idx.add.f32.msk $0xffff, v18  }
0xdc: {  	v18 =	vld.idx.msk [tilespmem:v31+s2+$0x0], $0xffff  }
0xdd: {  	v19 =	vmul.f32 v28, v32;
	[tilespmem:v33+s26+$0x0] =	vst.idx.add.f32.msk $0xffff, v17  }
0xde: {  	v17 =	vmul.f32 v30, v26;
	v28 =	vld.idx.msk [tilespmem:v33+s2+$0x0], $0xffff;
	vm4 =	veq.s32 v2, v34;
	vm1 =	veq.s32 v5, v34  }
0xdf: {  	[tilespmem:v15+s26+$0x0] =	vst.idx.add.f32.msk $0xffff, v19  }
0xe0: {  	[tilespmem:v14+s26+$0x0] =	vst.idx.add.f32.msk $0xffff, v17  }
0xe1: {  	v17 =	vld.idx.msk [tilespmem:v10+s2+$0x0], $0xffff  }
0xe2: {  	v18 =	vmul.f32 v18, v27;
	v19 =	vld.idx.msk [tilespmem:v11+s2+$0x0], $0xffff  }
0xe3: {  	[tilespmem:v6+s28+$0x0] =	vst.idx.add.f32.msk vm0, v8;
	v6 =	vmov v21;
	v8 =	vmov v27  }
0xe4: {  	[tilespmem:v22+s26+$0x0] =	vst.idx.add.f32.msk $0xffff, v18;
	v18 =	vmul.f32 v28, v24  }
0xe5: {  	v21 =	vld.idx.msk [tilespmem:v22+s2+$0x0], $0xffff  }
0xe6: {  	[tilespmem:v23+s26+$0x0] =	vst.idx.add.f32.msk $0xffff, v18  }
0xe7: {  	v17 =	vmul.f32 v17, v32;
	v18 =	vld [tilespmem:$0x17D00]  }
0xe8: {  	v19 =	vmul.f32 v19, v26;
	[tilespmem:v3+s28+$0x0] =	vst.idx.add.f32.msk vm3, v7;
	v3 =	vmov v20  }
0xe9: {  	[tilespmem:v25+s26+$0x0] =	vst.idx.add.f32.msk $0xffff, v17  }
0xea: {  	[tilespmem:v29+s26+$0x0] =	vst.idx.add.f32.msk $0xffff, v19  }
0xeb: {  	v17 =	vmul.f32 v21, v8;
	v19 =	vld.idx.msk [tilespmem:v25+s2+$0x0], $0xffff  }
0xec: {  	v20 =	vld.idx.msk [tilespmem:v29+s2+$0x0], $0xffff;
	vm0 =	veq.s32 v12, v18  }
0xed: {  	vm3 =	veq.s32 v13, v18;
	[tilespmem:v31+s26+$0x0] =	vst.idx.add.f32.msk $0xffff, v17  }
0xee: {  	v21 =	vld [tilespmem:$0x17D00]  }
.Ltmp4:
0xef: {  	[tilespmem:v1+s28+$0x0] =	vst.idx.add.f32.msk vm2, v7;
	v1 =	vmov v15;
	v7 =	vmov v32;
	(pc) =	sbr.rel @p2 .LBB2_9-.Ltmp4, $4  }
0xf0: {  	[tilespmem:v5+s28+$0x0] =	vst.idx.add.f32.msk vm4, v9;
	v5 =	vmov v16  }
0xf1: {  	v17 =	vmul.f32 v19, v7;
	[tilespmem:v2+s28+$0x0] =	vst.idx.add.f32.msk vm1, v9;
	v2 =	vmov v14;
	v9 =	vmov v26  }
0xf2: {  	v18 =	vmul.f32 v20, v9;
	[tilespmem:v13+s28+$0x0] =	vst.idx.add.f32.msk vm0, v24  }
0xf3: {  	s21 =	sadd.s32 $0x40, s21;
	vm1 =	veq.s32 v6, v21;
	vm0 =	veq.s32 v4, v21;
	[tilespmem:v12+s28+$0x0] =	vst.idx.add.f32.msk vm3, v24  }
0xf4: {  	_ =	sdelay $0x3  }
0xf5: {  	[tilespmem:v10+s26+$0x0] =	vst.idx.add.f32.msk $0xffff, v17  }
0xf6: {  	[tilespmem:v11+s26+$0x0] =	vst.idx.add.f32.msk $0xffff, v18  }
0xf7: {  	v10 =	vld [tilespmem:$0x17D00]  }
0xf8: {  	v11 =	vld [tilespmem:$0x17D00];
	_ =	sdelay $0x3  }
0xf9: {  	vm2 =	veq.s32 v1, v10  }
0xfa: {  	vm4 =	veq.s32 v2, v11  }
0xfb: {  	vm3 =	veq.s32 v3, v10  }
0xfc: {  	vm5 =	veq.s32 v5, v11  }
0xfd: {  	[tilespmem:v4+s28+$0x0] =	vst.idx.add.f32.msk vm1, v8  }
0xfe: {  	[tilespmem:v6+s28+$0x0] =	vst.idx.add.f32.msk vm0, v8  }
0xff: {  	[tilespmem:v3+s28+$0x0] =	vst.idx.add.f32.msk vm2, v7  }
0x100: {  	[tilespmem:v5+s28+$0x0] =	vst.idx.add.f32.msk vm4, v9  }
0x101: {  	[tilespmem:v1+s28+$0x0] =	vst.idx.add.f32.msk vm3, v7  }
0x102: {  	[tilespmem:v2+s28+$0x0] =	vst.idx.add.f32.msk vm5, v9  }
.LBB2_11:
0x103: {  	v1 =	vld [tilespmem:s17+$0x0]  }
0x104: {  	v2 =	vld [tilespmem:s19+$0x0];
	_ =	sdelay $0x6  }
0x105: {  	v3 =	vld.idx.msk [tilespmem:v1+s25+$0x0], $0xffff  }
0x106: {  	v4 =	vld.idx.msk [tilespmem:v2+s25+$0x0], $0xffff;
	_ =	sdelay $0x1  }
0x107: {  	v5 =	vld.idx.msk [tilespmem:v1+s2+$0x0], $0xffff;
	_ =	sdelay $0x2  }
0x108: {  	v3 =	vmul.f32 v4, v3;
	_ =	sdelay $0x1  }
0x109: {  	v4 =	vmul.f32 v5, v3;
	_ =	sdelay $0x1  }
0x10a: {  	[tilespmem:v2+s26+$0x0] =	vst.idx.add.f32.msk $0xffff, v4  }
0x10b: {  	v4 =	vld.idx.msk [tilespmem:v2+s2+$0x0], $0xffff;
	_ =	sdelay $0x2  }
0x10c: {  	v63 =	vadd.s32 $0x2710, v1;
	_ =	sdelay $0x1  }
0x10d: {  	v4 =	vmul.f32 v4, v3;
	_ =	sdelay $0x1  }
0x10e: {  	[tilespmem:v1+s26+$0x0] =	vst.idx.add.f32.msk $0xffff, v4  }
0x10f: {  	v4 =	vld.idx.msk [tilespmem:v63+s2+$0x0], $0xffff;
	_ =	sdelay $0x1  }
0x110: {  	v6 =	vadd.s32 $0x2710, v2;
	_ =	sdelay $0x2  }
0x111: {  	v4 =	vmul.f32 v4, v3;
	_ =	sdelay $0x1  }
0x112: {  	[tilespmem:v6+s26+$0x0] =	vst.idx.add.f32.msk $0xffff, v4  }
0x113: {  	v4 =	vld.idx.msk [tilespmem:v6+s2+$0x0], $0xffff;
	_ =	sdelay $0x4  }
0x114: {  	v4 =	vmul.f32 v4, v3;
	_ =	sdelay $0x1  }
0x115: {  	[tilespmem:v63+s26+$0x0] =	vst.idx.add.f32.msk $0xffff, v4  }
0x116: {  	v4 =	vld [tilespmem:$0x17D00];
	_ =	sdelay $0x4  }
0x117: {  	vm0 =	veq.s32 v1, v4  }
0x118: {  	s18 =	sadd.s32 $0x10, s18;
	vm1 =	veq.s32 v2, v4  }
0x119: {  	p2 =	slt.u32 s18, $0xF90  }
.Ltmp5:
0x11a: {  	_ = 	snop;
	(pc) =	sbr.rel @p2 .LBB2_11-.Ltmp5, $3  }
0x11b: {  	_ =	sdelay $0x1  }
0x11c: {  	[tilespmem:v2+s28+$0x0] =	vst.idx.add.f32.msk vm0, v3  }
0x11d: {  	s19 =	sadd.s32 $0x10, s19;
	s17 =	sadd.s32 $0x10, s17;
	[tilespmem:v1+s28+$0x0] =	vst.idx.add.f32.msk vm1, v3  }
0x11e: {  	_ =	swait.ge [sflag:s29], $0xFA0  }
0x11f: {  	[sflag:s29] =	ssyncset.done $0x0  }
0x120: {  	p2 =	seq.s32 s0, $0x27;
	[sflag:s29] =	ssyncadd.s32 $0xFFFFF060  }
0x121: {  	s1 =	sshrl.u32 @!p2 s1, $0x3;
	_ =	swait.ge [sflag:s29], $0xFA0  }
0x122: {  	s17 =	simm.s32 @!p2 $0x0;
	s1 =	sadd.s32 @!p2 $0x3E8, s1;
	[sflag:s29] =	ssyncset.done $0x0  }
0x123: {  	s18 =	simm.s32 @!p2 $0x13D00;
	s15 =	sadd.s32 @!p2 s3, s1;
	[sflag:s29] =	ssyncadd.s32 $0xFFFFF060  }
0x124: {  	[tilespmem:s18], [sflag:$0x1] =	stream.linear.gather @!p2 [hbm4b:s15+s17], $0xFA0, $0x38;
	[tilespmem:$0x17D80] =	vst v63  }
0x125: {  	s21 =	simm.s32 $0x15D20;
	s1 =	sadd.s32 @!p2 s4, s1;
	s15 =	simm.s32 @!p2 $0x14D00  }
0x126: {  	[tilespmem:s15], [sflag:$0x1] =	stream.linear.gather @!p2 [hbm4b:s1+s17], $0xFA0, $0x38;
	[tilespmem:$0x17D80] =	vst v63  }
0x127: {  	s1 =	simm.s32 $0x16D20;
	v12 =	vld [tilespmem:s21+$0x10]  }
0x128: {  	v13 =	vld [tilespmem:s1+$0x10]  }
0x129: {  	v4 =	vld [tilespmem:s1+$0xFFFFFFE0]  }
0x12a: {  	v1 =	vld [tilespmem:s21+$0xFFFFFFF0]  }
0x12b: {  	v3 =	vld [tilespmem:s1+$0xFFFFFFF0]  }
0x12c: {  	v2 =	vld [tilespmem:s21+$0x0]  }
0x12d: {  	v6 =	vld [tilespmem:s21+$0xFFFFFFE0]  }
0x12e: {  	v5 =	vld [tilespmem:s1+$0x0]  }
0x12f: {  	v7 =	vld.idx.msk [tilespmem:v12+s25+$0x0], $0xffff  }
0x130: {  	v8 =	vld.idx.msk [tilespmem:v13+s25+$0x0], $0xffff  }
0x131: {  	v9 =	vld.idx.msk [tilespmem:v4+s25+$0x0], $0xffff  }
0x132: {  	v10 =	vld.idx.msk [tilespmem:v12+s2+$0x0], $0xffff  }
0x133: {  	v11 =	vld.idx.msk [tilespmem:v1+s25+$0x0], $0xffff  }
0x134: {  	v14 =	vld.idx.msk [tilespmem:v3+s25+$0x0], $0xffff  }
0x135: {  	v16 =	vld.idx.msk [tilespmem:v6+s25+$0x0], $0xffff;
	v19 =	vmul.f32 v8, v7  }
0x136: {  	v15 =	vld.idx.msk [tilespmem:v2+s25+$0x0], $0xffff  }
0x137: {  	v18 =	vld.idx.msk [tilespmem:v6+s2+$0x0], $0xffff;
	v7 =	vmul.f32 v10, v19  }
0x138: {  	v10 =	vld.idx.msk [tilespmem:v1+s2+$0x0], $0xffff  }
0x139: {  	[tilespmem:v13+s26+$0x0] =	vst.idx.add.f32.msk $0xffff, v7  }
0x13a: {  	v8 =	vmul.f32 v9, v16;
	v20 =	vld.idx.msk [tilespmem:v13+s2+$0x0], $0xffff  }
0x13b: {  	v17 =	vld.idx.msk [tilespmem:v5+s25+$0x0], $0xffff;
	v7 =	vmul.f32 v14, v11  }
0x13c: {  	v9 =	vmul.f32 v18, v8  }
0x13d: {  	v60 =	vadd.s32 $0x2710, v12;
	v11 =	vld.idx.msk [tilespmem:v2+s2+$0x0], $0xffff;
	v10 =	vmul.f32 v10, v7  }
0x13e: {  	[tilespmem:v4+s26+$0x0] =	vst.idx.add.f32.msk $0xffff, v9  }
0x13f: {  	[tilespmem:v3+s26+$0x0] =	vst.idx.add.f32.msk $0xffff, v10;
	v10 =	vmul.f32 v20, v19  }
0x140: {  	v9 =	vmul.f32 v17, v15;
	v15 =	vld.idx.msk [tilespmem:v4+s2+$0x0], $0xffff  }
0x141: {  	[tilespmem:v12+s26+$0x0] =	vst.idx.add.f32.msk $0xffff, v10  }
0x142: {  	v11 =	vmul.f32 v11, v9;
	v10 =	vld.idx.msk [tilespmem:v60+s2+$0x0], $0xffff  }
0x143: {  	v16 =	vadd.s32 $0x2710, v6;
	v17 =	vld.idx.msk [tilespmem:v3+s2+$0x0], $0xffff  }
0x144: {  	v18 =	vadd.s32 $0x2710, v13;
	[tilespmem:v5+s26+$0x0] =	vst.idx.add.f32.msk $0xffff, v11  }
0x145: {  	v11 =	vmul.f32 v15, v8;
	v20 =	vld.idx.msk [tilespmem:v5+s2+$0x0], $0xffff;
	_ =	sdelay $0x1  }
0x146: {  	[tilespmem:v6+s26+$0x0] =	vst.idx.add.f32.msk $0xffff, v11;
	v15 =	vmul.f32 v10, v19  }
0x147: {  	v21 =	vld.idx.msk [tilespmem:v16+s2+$0x0], $0xffff;
	v10 =	vadd.s32 $0x2710, v1  }
0x148: {  	v11 =	vadd.s32 $0x2710, v2;
	v17 =	vmul.f32 v17, v7;
	[tilespmem:v18+s26+$0x0] =	vst.idx.add.f32.msk $0xffff, v15  }
0x149: {  	v20 =	vmul.f32 v20, v9;
	v15 =	vadd.s32 $0x2710, v4;
	v18 =	vld.idx.msk [tilespmem:v18+s2+$0x0], $0xffff  }
0x14a: {  	[tilespmem:v1+s26+$0x0] =	vst.idx.add.f32.msk $0xffff, v17  }
0x14b: {  	[tilespmem:v2+s26+$0x0] =	vst.idx.add.f32.msk $0xffff, v20  }
0x14c: {  	v20 =	vmul.f32 v21, v8;
	v17 =	vld.idx.msk [tilespmem:v10+s2+$0x0], $0xffff  }
0x14d: {  	v61 =	vld.idx.msk [tilespmem:v11+s2+$0x0], $0xffff  }
0x14e: {  	v22 =	vadd.s32 $0x2710, v3;
	[tilespmem:v15+s26+$0x0] =	vst.idx.add.f32.msk $0xffff, v20;
	v18 =	vmul.f32 v18, v19  }
0x14f: {  	v20 =	vadd.s32 $0x2710, v5;
	v15 =	vld.idx.msk [tilespmem:v15+s2+$0x0], $0xffff  }
0x150: {  	[tilespmem:v60+s26+$0x0] =	vst.idx.add.f32.msk $0xffff, v18  }
0x151: {  	v62 =	vmul.f32 v17, v7;
	v17 =	vld [tilespmem:$0x17D00]  }
0x152: {  	v18 =	vmul.f32 v61, v9  }
0x153: {  	[tilespmem:v22+s26+$0x0] =	vst.idx.add.f32.msk $0xffff, v62  }
0x154: {  	[tilespmem:v20+s26+$0x0] =	vst.idx.add.f32.msk $0xffff, v18  }
0x155: {  	v63 =	vmul.f32 v15, v8;
	v15 =	vld.idx.msk [tilespmem:v22+s2+$0x0], $0xffff  }
0x156: {  	v18 =	vld.idx.msk [tilespmem:v20+s2+$0x0], $0xffff;
	vm0 =	veq.s32 v12, v17  }
0x157: {  	[tilespmem:v16+s26+$0x0] =	vst.idx.add.f32.msk $0xffff, v63;
	vm2 =	veq.s32 v13, v17  }
0x158: {  	v14 =	vld [tilespmem:$0x17D00];
	_ =	sdelay $0x3  }
0x159: {  	s19 =	simm.s32 $0x15D60;
	v17 =	vmul.f32 v15, v7;
	v18 =	vmul.f32 v18, v9;
	[tilespmem:v13+s28+$0x0] =	vst.idx.add.f32.msk vm0, v19  }
0x15a: {  	s18 =	simm.s32 $0x0;
	s15 =	simm.s32 $0x16C80;
	s17 =	simm.s32 $0x17C80;
	vm1 =	veq.s32 v6, v14;
	vm0 =	veq.s32 v4, v14;
	[tilespmem:v12+s28+$0x0] =	vst.idx.add.f32.msk vm2, v19  }
.LBB2_13:
0x15b: {  	v12 =	vld [tilespmem:s19+$0x10];
	s1 =	sadd.s32 $0x40, s1  }
0x15c: {  	v13 =	vld [tilespmem:s1+$0x10]  }
0x15d: {  	s18 =	sadd.s32 $0x40, s18;
	v19 =	vld [tilespmem:s1+$0xFFFFFFE0]  }
0x15e: {  	p2 =	slt.u32 s18, $0xF40;
	v15 =	vld [tilespmem:s19+$0xFFFFFFF0]  }
0x15f: {  	v20 =	vld [tilespmem:s1+$0xFFFFFFF0]  }
0x160: {  	v14 =	vld [tilespmem:s19+$0x0]  }
0x161: {  	v16 =	vld [tilespmem:s1+$0x0]  }
0x162: {  	v21 =	vld [tilespmem:s19+$0xFFFFFFE0];
	v22 =	vadd.s32 $0x2710, v19  }
0x163: {  	v23 =	vadd.s32 $0x2710, v15;
	v24 =	vld.idx.msk [tilespmem:v12+s25+$0x0], $0xffff  }
0x164: {  	v25 =	vadd.s32 $0x2710, v20;
	v26 =	vld.idx.msk [tilespmem:v13+s25+$0x0], $0xffff  }
0x165: {  	v27 =	vld.idx.msk [tilespmem:v19+s25+$0x0], $0xffff;
	v28 =	vadd.s32 $0x2710, v14  }
0x166: {  	v29 =	vadd.s32 $0x2710, v16;
	v30 =	vld.idx.msk [tilespmem:v12+s2+$0x0], $0xffff  }
0x167: {  	v31 =	vadd.s32 $0x2710, v21;
	v32 =	vld.idx.msk [tilespmem:v15+s25+$0x0], $0xffff  }
0x168: {  	v33 =	vld.idx.msk [tilespmem:v20+s25+$0x0], $0xffff  }
0x169: {  	v34 =	vld.idx.msk [tilespmem:v14+s25+$0x0], $0xffff  }
0x16a: {  	v24 =	vmul.f32 v26, v24;
	v35 =	vld.idx.msk [tilespmem:v21+s25+$0x0], $0xffff  }
0x16b: {  	v26 =	vld.idx.msk [tilespmem:v16+s25+$0x0], $0xffff  }
0x16c: {  	v30 =	vmul.f32 v30, v24;
	v36 =	vld.idx.msk [tilespmem:v21+s2+$0x0], $0xffff  }
0x16d: {  	v37 =	vld.idx.msk [tilespmem:v15+s2+$0x0], $0xffff  }
0x16e: {  	v32 =	vmul.f32 v33, v32;
	[tilespmem:v13+s26+$0x0] =	vst.idx.add.f32.msk $0xffff, v30  }
0x16f: {  	v30 =	vld.idx.msk [tilespmem:v13+s2+$0x0], $0xffff  }
0x170: {  	v27 =	vmul.f32 v27, v35;
	v33 =	vld.idx.msk [tilespmem:v14+s2+$0x0], $0xffff  }
0x171: {  	v26 =	vmul.f32 v26, v34;
	[tilespmem:v10+s26+$0x0] =	vst.idx.add.f32.msk $0xffff, v17;
	v10 =	vmov v23  }
0x172: {  	v17 =	vmul.f32 v36, v27;
	[tilespmem:v11+s26+$0x0] =	vst.idx.add.f32.msk $0xffff, v18;
	v11 =	vmov v28  }
0x173: {  	v23 =	vadd.s32 $0x2710, v12;
	v18 =	vmul.f32 v37, v32;
	v28 =	vld [tilespmem:$0x17D00]  }
0x174: {  	[tilespmem:v19+s26+$0x0] =	vst.idx.add.f32.msk $0xffff, v17  }
0x175: {  	v17 =	vmul.f32 v30, v24;
	[tilespmem:v20+s26+$0x0] =	vst.idx.add.f32.msk $0xffff, v18  }
0x176: {  	v30 =	vmul.f32 v33, v26;
	v18 =	vld.idx.msk [tilespmem:v19+s2+$0x0], $0xffff  }
0x177: {  	[tilespmem:v12+s26+$0x0] =	vst.idx.add.f32.msk $0xffff, v17  }
0x178: {  	v17 =	vld.idx.msk [tilespmem:v23+s2+$0x0], $0xffff;
	vm3 =	veq.s32 v1, v28;
	vm2 =	veq.s32 v3, v28  }
0x179: {  	[tilespmem:v16+s26+$0x0] =	vst.idx.add.f32.msk $0xffff, v30  }
0x17a: {  	v28 =	vld.idx.msk [tilespmem:v20+s2+$0x0], $0xffff  }
0x17b: {  	v33 =	vadd.s32 $0x2710, v13;
	v30 =	vld.idx.msk [tilespmem:v16+s2+$0x0], $0xffff  }
0x17c: {  	v18 =	vmul.f32 v18, v27;
	v34 =	vld [tilespmem:$0x17D00]  }
0x17d: {  	[tilespmem:v4+s28+$0x0] =	vst.idx.add.f32.msk vm1, v8;
	v4 =	vmov v19  }
0x17e: {  	v17 =	vmul.f32 v17, v24;
	[tilespmem:v21+s26+$0x0] =	vst.idx.add.f32.msk $0xffff, v18  }
0x17f: {  	v18 =	vld.idx.msk [tilespmem:v31+s2+$0x0], $0xffff  }
0x180: {  	v19 =	vmul.f32 v28, v32;
	[tilespmem:v33+s26+$0x0] =	vst.idx.add.f32.msk $0xffff, v17  }
0x181: {  	v17 =	vmul.f32 v30, v26;
	v28 =	vld.idx.msk [tilespmem:v33+s2+$0x0], $0xffff;
	vm4 =	veq.s32 v2, v34;
	vm1 =	veq.s32 v5, v34  }
0x182: {  	[tilespmem:v15+s26+$0x0] =	vst.idx.add.f32.msk $0xffff, v19  }
0x183: {  	[tilespmem:v14+s26+$0x0] =	vst.idx.add.f32.msk $0xffff, v17  }
0x184: {  	v17 =	vld.idx.msk [tilespmem:v10+s2+$0x0], $0xffff  }
0x185: {  	v18 =	vmul.f32 v18, v27;
	v19 =	vld.idx.msk [tilespmem:v11+s2+$0x0], $0xffff  }
0x186: {  	[tilespmem:v6+s28+$0x0] =	vst.idx.add.f32.msk vm0, v8;
	v6 =	vmov v21;
	v8 =	vmov v27  }
0x187: {  	[tilespmem:v22+s26+$0x0] =	vst.idx.add.f32.msk $0xffff, v18;
	v18 =	vmul.f32 v28, v24  }
0x188: {  	v21 =	vld.idx.msk [tilespmem:v22+s2+$0x0], $0xffff  }
0x189: {  	[tilespmem:v23+s26+$0x0] =	vst.idx.add.f32.msk $0xffff, v18  }
0x18a: {  	v17 =	vmul.f32 v17, v32;
	v18 =	vld [tilespmem:$0x17D00]  }
0x18b: {  	v19 =	vmul.f32 v19, v26;
	[tilespmem:v3+s28+$0x0] =	vst.idx.add.f32.msk vm3, v7;
	v3 =	vmov v20  }
0x18c: {  	[tilespmem:v25+s26+$0x0] =	vst.idx.add.f32.msk $0xffff, v17  }
0x18d: {  	[tilespmem:v29+s26+$0x0] =	vst.idx.add.f32.msk $0xffff, v19  }
0x18e: {  	v17 =	vmul.f32 v21, v8;
	v19 =	vld.idx.msk [tilespmem:v25+s2+$0x0], $0xffff  }
0x18f: {  	v20 =	vld.idx.msk [tilespmem:v29+s2+$0x0], $0xffff;
	vm0 =	veq.s32 v12, v18  }
0x190: {  	vm3 =	veq.s32 v13, v18;
	[tilespmem:v31+s26+$0x0] =	vst.idx.add.f32.msk $0xffff, v17  }
0x191: {  	v21 =	vld [tilespmem:$0x17D00]  }
.Ltmp6:
0x192: {  	[tilespmem:v1+s28+$0x0] =	vst.idx.add.f32.msk vm2, v7;
	v1 =	vmov v15;
	v7 =	vmov v32;
	(pc) =	sbr.rel @p2 .LBB2_13-.Ltmp6, $4  }
0x193: {  	[tilespmem:v5+s28+$0x0] =	vst.idx.add.f32.msk vm4, v9;
	v5 =	vmov v16  }
0x194: {  	v17 =	vmul.f32 v19, v7;
	[tilespmem:v2+s28+$0x0] =	vst.idx.add.f32.msk vm1, v9;
	v2 =	vmov v14;
	v9 =	vmov v26  }
0x195: {  	v18 =	vmul.f32 v20, v9;
	[tilespmem:v13+s28+$0x0] =	vst.idx.add.f32.msk vm0, v24  }
0x196: {  	s20 =	simm.s32 $0xF70;
	s19 =	sadd.s32 $0x40, s19;
	vm1 =	veq.s32 v6, v21;
	vm0 =	veq.s32 v4, v21;
	[tilespmem:v12+s28+$0x0] =	vst.idx.add.f32.msk vm3, v24  }
0x197: {  	_ =	sdelay $0x3  }
0x198: {  	[tilespmem:v10+s26+$0x0] =	vst.idx.add.f32.msk $0xffff, v17  }
0x199: {  	[tilespmem:v11+s26+$0x0] =	vst.idx.add.f32.msk $0xffff, v18  }
0x19a: {  	v10 =	vld [tilespmem:$0x17D00]  }
0x19b: {  	v11 =	vld [tilespmem:$0x17D00];
	_ =	sdelay $0x3  }
0x19c: {  	vm2 =	veq.s32 v1, v10  }
0x19d: {  	vm4 =	veq.s32 v2, v11  }
0x19e: {  	vm3 =	veq.s32 v3, v10  }
0x19f: {  	vm5 =	veq.s32 v5, v11  }
0x1a0: {  	[tilespmem:v4+s28+$0x0] =	vst.idx.add.f32.msk vm1, v8  }
0x1a1: {  	[tilespmem:v6+s28+$0x0] =	vst.idx.add.f32.msk vm0, v8  }
0x1a2: {  	[tilespmem:v3+s28+$0x0] =	vst.idx.add.f32.msk vm2, v7  }
0x1a3: {  	[tilespmem:v5+s28+$0x0] =	vst.idx.add.f32.msk vm4, v9  }
0x1a4: {  	[tilespmem:v1+s28+$0x0] =	vst.idx.add.f32.msk vm3, v7  }
0x1a5: {  	[tilespmem:v2+s28+$0x0] =	vst.idx.add.f32.msk vm5, v9  }
.LBB2_15:
0x1a6: {  	v1 =	vld [tilespmem:s15+$0x0]  }
0x1a7: {  	v2 =	vld [tilespmem:s17+$0x0];
	_ =	sdelay $0x6  }
0x1a8: {  	v3 =	vld.idx.msk [tilespmem:v1+s25+$0x0], $0xffff  }
0x1a9: {  	v4 =	vld.idx.msk [tilespmem:v2+s25+$0x0], $0xffff;
	_ =	sdelay $0x1  }
0x1aa: {  	v5 =	vld.idx.msk [tilespmem:v1+s2+$0x0], $0xffff;
	_ =	sdelay $0x2  }
0x1ab: {  	v3 =	vmul.f32 v4, v3;
	_ =	sdelay $0x1  }
0x1ac: {  	v4 =	vmul.f32 v5, v3;
	_ =	sdelay $0x1  }
0x1ad: {  	[tilespmem:v2+s26+$0x0] =	vst.idx.add.f32.msk $0xffff, v4  }
0x1ae: {  	v4 =	vld.idx.msk [tilespmem:v2+s2+$0x0], $0xffff;
	_ =	sdelay $0x2  }
0x1af: {  	v63 =	vadd.s32 $0x2710, v1;
	_ =	sdelay $0x1  }
0x1b0: {  	v4 =	vmul.f32 v4, v3;
	_ =	sdelay $0x1  }
0x1b1: {  	[tilespmem:v1+s26+$0x0] =	vst.idx.add.f32.msk $0xffff, v4  }
0x1b2: {  	v4 =	vld.idx.msk [tilespmem:v63+s2+$0x0], $0xffff;
	_ =	sdelay $0x1  }
0x1b3: {  	v6 =	vadd.s32 $0x2710, v2;
	_ =	sdelay $0x2  }
0x1b4: {  	v4 =	vmul.f32 v4, v3;
	_ =	sdelay $0x1  }
0x1b5: {  	[tilespmem:v6+s26+$0x0] =	vst.idx.add.f32.msk $0xffff, v4  }
0x1b6: {  	v4 =	vld.idx.msk [tilespmem:v6+s2+$0x0], $0xffff;
	_ =	sdelay $0x4  }
0x1b7: {  	v4 =	vmul.f32 v4, v3;
	_ =	sdelay $0x1  }
0x1b8: {  	[tilespmem:v63+s26+$0x0] =	vst.idx.add.f32.msk $0xffff, v4  }
0x1b9: {  	v4 =	vld [tilespmem:$0x17D00];
	_ =	sdelay $0x4  }
0x1ba: {  	vm0 =	veq.s32 v1, v4  }
0x1bb: {  	s20 =	sadd.s32 $0x10, s20;
	vm1 =	veq.s32 v2, v4  }
0x1bc: {  	p2 =	slt.u32 s20, $0xF90  }
.Ltmp7:
0x1bd: {  	_ = 	snop;
	(pc) =	sbr.rel @p2 .LBB2_15-.Ltmp7, $3  }
0x1be: {  	_ =	sdelay $0x1  }
0x1bf: {  	[tilespmem:v2+s28+$0x0] =	vst.idx.add.f32.msk vm0, v3  }
0x1c0: {  	s17 =	sadd.s32 $0x10, s17;
	s15 =	sadd.s32 $0x10, s15;
	[tilespmem:v1+s28+$0x0] =	vst.idx.add.f32.msk vm1, v3  }
0x1c1: {  	s0 =	sadd.s32 $0x1, s0  }
0x1c2: {  	p2 =	seq.s32 s0, $0x28  }
.Ltmp8:
0x1c3: {  	_ = 	snop;
	(pc) =	sbr.rel @!p2 .LBB2_8-.Ltmp8, $4  }
.Ltmp9:
0x1c4: {  	_ = 	snop;
	(pc) =	sbr.rel @p2 .LBB2_26-.Ltmp9, $4  }
0x1c5: {  	_ = 	snop  }
0x1c6: {  	_ = 	snop  }
0x1c7: {  	_ = 	snop  }
0x1c8: {  	_ = 	snop  }
.LBB2_17:
0x1c9: {  	_ =	swait.ge [sflag:s22], $0xFA0  }
0x1ca: {  	s1 =	smul.u32 $0x1F40, s0;
	[sflag:s22] =	ssyncset.done $0x0  }
0x1cb: {  	[sflag:s22] =	ssyncadd.s32 $0xFFFFF060  }
0x1cc: {  	s15 =	sshrl.u32 s1, $0x3;
	_ =	swait.ge [sflag:s22], $0xFA0  }
0x1cd: {  	s15 =	sadd.s32 $0x1F4, s15;
	[sflag:s22] =	ssyncset.done $0x0  }
0x1ce: {  	s17 =	sadd.s32 s3, s15;
	[sflag:s22] =	ssyncadd.s32 $0xFFFFF060  }
0x1cf: {  	[tilespmem:s23], [sflag:$0x2] =	stream.linear.gather [hbm4b:s17+s2], $0xFA0, $0x38;
	[tilespmem:$0x17D80] =	vst v63  }
0x1d0: {  	s21 =	simm.s32 $0x13D20;
	s15 =	sadd.s32 s4, s15  }
0x1d1: {  	[tilespmem:s24], [sflag:$0x2] =	stream.linear.gather [hbm4b:s15+s2], $0xFA0, $0x38;
	[tilespmem:$0x17D80] =	vst v63  }
0x1d2: {  	s15 =	simm.s32 $0x14D20;
	v3 =	vld [tilespmem:s21+$0x10]  }
0x1d3: {  	v4 =	vld [tilespmem:s15+$0x10];
	_ =	sdelay $0x2  }
0x1d4: {  	v6 =	vld [tilespmem:s15+$0xFFFFFFE0]  }
0x1d5: {  	v7 =	vld [tilespmem:s21+$0xFFFFFFF0]  }
0x1d6: {  	v9 =	vld [tilespmem:s15+$0xFFFFFFF0]  }
0x1d7: {  	v5 =	vld [tilespmem:s21+$0xFFFFFFE0]  }
0x1d8: {  	v1 =	vld.idx.msk [tilespmem:v3+s25+$0x0], $0xffff  }
0x1d9: {  	v2 =	vld.idx.msk [tilespmem:v4+s25+$0x0], $0xffff  }
0x1da: {  	v10 =	vld [tilespmem:s21+$0x0]  }
0x1db: {  	v8 =	vld.idx.msk [tilespmem:v3+s2+$0x0], $0xffff  }
0x1dc: {  	v12 =	vld [tilespmem:s15+$0x0]  }
0x1dd: {  	v11 =	vld.idx.msk [tilespmem:v6+s25+$0x0], $0xffff  }
0x1de: {  	v13 =	vld.idx.msk [tilespmem:v7+s25+$0x0], $0xffff;
	v15 =	vmul.f32 v2, v1  }
0x1df: {  	v1 =	vld.idx.msk [tilespmem:v5+s25+$0x0], $0xffff  }
0x1e0: {  	v14 =	vld.idx.msk [tilespmem:v9+s25+$0x0], $0xffff;
	v8 =	vmul.f32 v8, v15  }
0x1e1: {  	v16 =	vld.idx.msk [tilespmem:v5+s2+$0x0], $0xffff  }
0x1e2: {  	[tilespmem:v4+s26+$0x0] =	vst.idx.add.f32.msk $0xffff, v8  }
0x1e3: {  	v17 =	vld.idx.msk [tilespmem:v4+s2+$0x0], $0xffff  }
0x1e4: {  	v8 =	vmul.f32 v11, v1;
	v11 =	vld.idx.msk [tilespmem:v7+s2+$0x0], $0xffff  }
0x1e5: {  	v18 =	vld.idx.msk [tilespmem:v12+s25+$0x0], $0xffff  }
0x1e6: {  	v2 =	vld.idx.msk [tilespmem:v10+s25+$0x0], $0xffff;
	v16 =	vmul.f32 v16, v8  }
0x1e7: {  	v19 =	vadd.s32 $0x2710, v3;
	v20 =	vld.idx.msk [tilespmem:v10+s2+$0x0], $0xffff;
	v1 =	vmul.f32 v14, v13  }
0x1e8: {  	[tilespmem:v6+s26+$0x0] =	vst.idx.add.f32.msk $0xffff, v16;
	v56 =	vmul.f32 v17, v15  }
0x1e9: {  	v57 =	vld.idx.msk [tilespmem:v6+s2+$0x0], $0xffff;
	v11 =	vmul.f32 v11, v1  }
0x1ea: {  	[tilespmem:v3+s26+$0x0] =	vst.idx.add.f32.msk $0xffff, v56  }
0x1eb: {  	v2 =	vmul.f32 v18, v2;
	[tilespmem:v9+s26+$0x0] =	vst.idx.add.f32.msk $0xffff, v11  }
0x1ec: {  	v13 =	vld.idx.msk [tilespmem:v19+s2+$0x0], $0xffff  }
0x1ed: {  	v3 =	vadd.s32 $0x2710, v5;
	v11 =	vmul.f32 v20, v2;
	v58 =	vld.idx.msk [tilespmem:v9+s2+$0x0], $0xffff  }
0x1ee: {  	v59 =	vadd.s32 $0x2710, v4  }
0x1ef: {  	[tilespmem:v12+s26+$0x0] =	vst.idx.add.f32.msk $0xffff, v11;
	v11 =	vmul.f32 v57, v8  }
0x1f0: {  	v60 =	vld.idx.msk [tilespmem:v12+s2+$0x0], $0xffff  }
0x1f1: {  	v4 =	vadd.s32 $0x2710, v7;
	[tilespmem:v5+s26+$0x0] =	vst.idx.add.f32.msk $0xffff, v11;
	v11 =	vmul.f32 v13, v15  }
0x1f2: {  	v61 =	vld.idx.msk [tilespmem:v3+s2+$0x0], $0xffff;
	v16 =	vmul.f32 v58, v1  }
0x1f3: {  	v5 =	vadd.s32 $0x2710, v10;
	[tilespmem:v59+s26+$0x0] =	vst.idx.add.f32.msk $0xffff, v11  }
0x1f4: {  	[tilespmem:v7+s26+$0x0] =	vst.idx.add.f32.msk $0xffff, v16  }
0x1f5: {  	v6 =	vadd.s32 $0x2710, v6;
	v11 =	vmul.f32 v60, v2;
	v17 =	vld.idx.msk [tilespmem:v59+s2+$0x0], $0xffff  }
0x1f6: {  	v62 =	vld.idx.msk [tilespmem:v4+s2+$0x0], $0xffff  }
0x1f7: {  	[tilespmem:v10+s26+$0x0] =	vst.idx.add.f32.msk $0xffff, v11  }
0x1f8: {  	v7 =	vmul.f32 v61, v8;
	v11 =	vld.idx.msk [tilespmem:v5+s2+$0x0], $0xffff;
	_ =	sdelay $0x1  }
0x1f9: {  	[tilespmem:v6+s26+$0x0] =	vst.idx.add.f32.msk $0xffff, v7;
	v63 =	vmul.f32 v17, v15  }
0x1fa: {  	s20 =	simm.s32 $0x0;
	s18 =	simm.s32 $0x15C80;
	v10 =	vld.idx.msk [tilespmem:v6+s2+$0x0], $0xffff  }
0x1fb: {  	s19 =	simm.s32 $0x14C80;
	s17 =	simm.s32 $0xF70;
	s21 =	simm.s32 $0x13D60;
	v7 =	vadd.s32 $0x2710, v12;
	v6 =	vadd.s32 $0x2710, v9;
	v9 =	vmul.f32 v62, v1;
	[tilespmem:v19+s26+$0x0] =	vst.idx.add.f32.msk $0xffff, v63  }
.LBB2_18:
0x1fc: {  	v12 =	vld [tilespmem:s21+$0x10];
	v11 =	vmul.f32 v11, v2;
	s15 =	sadd.s32 $0x40, s15  }
0x1fd: {  	s20 =	sadd.s32 $0x40, s20;
	v13 =	vld [tilespmem:s15+$0x10]  }
0x1fe: {  	p2 =	slt.u32 s20, $0xF40;
	v14 =	vld [tilespmem:s15+$0xFFFFFFE0]  }
0x1ff: {  	v10 =	vmul.f32 v10, v8;
	v15 =	vld [tilespmem:s21+$0xFFFFFFF0]  }
0x200: {  	v16 =	vld [tilespmem:s15+$0xFFFFFFF0]  }
0x201: {  	v17 =	vld [tilespmem:s21+$0x0]  }
0x202: {  	v18 =	vld [tilespmem:s15+$0x0]  }
0x203: {  	v19 =	vld [tilespmem:s21+$0xFFFFFFE0];
	v20 =	vadd.s32 $0x2710, v14  }
0x204: {  	v21 =	vadd.s32 $0x2710, v15;
	v8 =	vld.idx.msk [tilespmem:v12+s25+$0x0], $0xffff  }
0x205: {  	v22 =	vadd.s32 $0x2710, v16;
	v23 =	vld.idx.msk [tilespmem:v13+s25+$0x0], $0xffff  }
0x206: {  	v24 =	vld.idx.msk [tilespmem:v14+s25+$0x0], $0xffff;
	v25 =	vadd.s32 $0x2710, v17  }
0x207: {  	v26 =	vadd.s32 $0x2710, v18;
	v27 =	vld.idx.msk [tilespmem:v12+s2+$0x0], $0xffff  }
0x208: {  	v28 =	vadd.s32 $0x2710, v19;
	v29 =	vld.idx.msk [tilespmem:v15+s25+$0x0], $0xffff  }
0x209: {  	v30 =	vld.idx.msk [tilespmem:v16+s25+$0x0], $0xffff  }
0x20a: {  	v31 =	vld.idx.msk [tilespmem:v17+s25+$0x0], $0xffff  }
0x20b: {  	v23 =	vmul.f32 v23, v8;
	v32 =	vld.idx.msk [tilespmem:v19+s25+$0x0], $0xffff  }
0x20c: {  	v33 =	vld.idx.msk [tilespmem:v18+s25+$0x0], $0xffff  }
0x20d: {  	v8 =	vmul.f32 v27, v23;
	v34 =	vld.idx.msk [tilespmem:v19+s2+$0x0], $0xffff  }
0x20e: {  	v27 =	vld.idx.msk [tilespmem:v15+s2+$0x0], $0xffff  }
0x20f: {  	v29 =	vmul.f32 v30, v29;
	[tilespmem:v13+s26+$0x0] =	vst.idx.add.f32.msk $0xffff, v8  }
0x210: {  	v30 =	vld.idx.msk [tilespmem:v13+s2+$0x0], $0xffff  }
0x211: {  	v8 =	vmul.f32 v24, v32;
	v24 =	vld.idx.msk [tilespmem:v17+s2+$0x0], $0xffff  }
0x212: {  	v31 =	vmul.f32 v33, v31;
	[tilespmem:v6+s26+$0x0] =	vst.idx.add.f32.msk $0xffff, v9  }
0x213: {  	v9 =	vmul.f32 v34, v8;
	[tilespmem:v7+s26+$0x0] =	vst.idx.add.f32.msk $0xffff, v11  }
0x214: {  	v11 =	vmul.f32 v27, v29;
	v27 =	vadd.s32 $0x2710, v12;
	v32 =	vld.idx.msk [tilespmem:v6+s2+$0x0], $0xffff;
	v6 =	vmov v22  }
0x215: {  	[tilespmem:v14+s26+$0x0] =	vst.idx.add.f32.msk $0xffff, v9  }
0x216: {  	v9 =	vmul.f32 v30, v23;
	[tilespmem:v16+s26+$0x0] =	vst.idx.add.f32.msk $0xffff, v11  }
0x217: {  	v11 =	vld.idx.msk [tilespmem:v14+s2+$0x0], $0xffff;
	v14 =	vmul.f32 v24, v31  }
0x218: {  	[tilespmem:v12+s26+$0x0] =	vst.idx.add.f32.msk $0xffff, v9  }
0x219: {  	v9 =	vld.idx.msk [tilespmem:v27+s2+$0x0], $0xffff  }
0x21a: {  	v12 =	vmul.f32 v32, v1;
	v1 =	vmov v29;
	[tilespmem:v18+s26+$0x0] =	vst.idx.add.f32.msk $0xffff, v14  }
0x21b: {  	v14 =	vld.idx.msk [tilespmem:v16+s2+$0x0], $0xffff  }
0x21c: {  	v13 =	vadd.s32 $0x2710, v13;
	v16 =	vld.idx.msk [tilespmem:v18+s2+$0x0], $0xffff  }
0x21d: {  	v11 =	vmul.f32 v11, v8;
	v18 =	vld.idx.msk [tilespmem:v7+s2+$0x0], $0xffff;
	v7 =	vmov v26  }
0x21e: {  	[tilespmem:v3+s26+$0x0] =	vst.idx.add.f32.msk $0xffff, v10;
	v3 =	vmov v28  }
0x21f: {  	v9 =	vmul.f32 v9, v23;
	[tilespmem:v19+s26+$0x0] =	vst.idx.add.f32.msk $0xffff, v11  }
0x220: {  	v10 =	vld.idx.msk [tilespmem:v28+s2+$0x0], $0xffff  }
0x221: {  	v11 =	vmul.f32 v14, v1;
	[tilespmem:v13+s26+$0x0] =	vst.idx.add.f32.msk $0xffff, v9  }
0x222: {  	v9 =	vmul.f32 v16, v31;
	v13 =	vld.idx.msk [tilespmem:v13+s2+$0x0], $0xffff  }
0x223: {  	v14 =	vmul.f32 v18, v2;
	v2 =	vmov v31;
	[tilespmem:v15+s26+$0x0] =	vst.idx.add.f32.msk $0xffff, v11  }
0x224: {  	[tilespmem:v17+s26+$0x0] =	vst.idx.add.f32.msk $0xffff, v9  }
0x225: {  	v9 =	vld.idx.msk [tilespmem:v21+s2+$0x0], $0xffff  }
0x226: {  	v10 =	vmul.f32 v10, v8;
	v11 =	vld.idx.msk [tilespmem:v25+s2+$0x0], $0xffff  }
.Ltmp10:
0x227: {  	[tilespmem:v4+s26+$0x0] =	vst.idx.add.f32.msk $0xffff, v12;
	v4 =	vmov v21;
	(pc) =	sbr.rel @p2 .LBB2_18-.Ltmp10, $4  }
0x228: {  	v12 =	vmul.f32 v13, v23;
	[tilespmem:v20+s26+$0x0] =	vst.idx.add.f32.msk $0xffff, v10  }
0x229: {  	v10 =	vld.idx.msk [tilespmem:v20+s2+$0x0], $0xffff  }
0x22a: {  	[tilespmem:v27+s26+$0x0] =	vst.idx.add.f32.msk $0xffff, v12  }
0x22b: {  	s21 =	sadd.s32 $0x40, s21;
	v9 =	vmul.f32 v9, v1;
	[tilespmem:v5+s26+$0x0] =	vst.idx.add.f32.msk $0xffff, v14;
	v5 =	vmov v25  }
0x22c: {  	_ =	sdelay $0x2  }
0x22d: {  	v11 =	vmul.f32 v11, v2  }
0x22e: {  	[tilespmem:v6+s26+$0x0] =	vst.idx.add.f32.msk $0xffff, v9  }
0x22f: {  	[tilespmem:v7+s26+$0x0] =	vst.idx.add.f32.msk $0xffff, v11  }
0x230: {  	v6 =	vld.idx.msk [tilespmem:v6+s2+$0x0], $0xffff  }
0x231: {  	v7 =	vld.idx.msk [tilespmem:v7+s2+$0x0], $0xffff;
	_ =	sdelay $0x2  }
0x232: {  	v8 =	vmul.f32 v10, v8  }
0x233: {  	v1 =	vmul.f32 v6, v1  }
0x234: {  	[tilespmem:v3+s26+$0x0] =	vst.idx.add.f32.msk $0xffff, v8;
	v2 =	vmul.f32 v7, v2  }
0x235: {  	[tilespmem:v4+s26+$0x0] =	vst.idx.add.f32.msk $0xffff, v1  }
0x236: {  	[tilespmem:v5+s26+$0x0] =	vst.idx.add.f32.msk $0xffff, v2  }
.LBB2_20:
0x237: {  	v1 =	vld [tilespmem:s19+$0x0]  }
0x238: {  	v2 =	vld [tilespmem:s18+$0x0];
	_ =	sdelay $0x6  }
0x239: {  	v3 =	vld.idx.msk [tilespmem:v1+s25+$0x0], $0xffff  }
0x23a: {  	v4 =	vld.idx.msk [tilespmem:v2+s25+$0x0], $0xffff;
	_ =	sdelay $0x1  }
0x23b: {  	v5 =	vld.idx.msk [tilespmem:v1+s2+$0x0], $0xffff;
	_ =	sdelay $0x2  }
0x23c: {  	v3 =	vmul.f32 v4, v3;
	_ =	sdelay $0x1  }
0x23d: {  	v4 =	vmul.f32 v5, v3;
	_ =	sdelay $0x1  }
0x23e: {  	[tilespmem:v2+s26+$0x0] =	vst.idx.add.f32.msk $0xffff, v4  }
0x23f: {  	v4 =	vld.idx.msk [tilespmem:v2+s2+$0x0], $0xffff;
	_ =	sdelay $0x2  }
0x240: {  	v63 =	vadd.s32 $0x2710, v1;
	_ =	sdelay $0x1  }
0x241: {  	v4 =	vmul.f32 v4, v3;
	_ =	sdelay $0x1  }
0x242: {  	[tilespmem:v1+s26+$0x0] =	vst.idx.add.f32.msk $0xffff, v4  }
0x243: {  	v1 =	vld.idx.msk [tilespmem:v63+s2+$0x0], $0xffff;
	_ =	sdelay $0x1  }
0x244: {  	v2 =	vadd.s32 $0x2710, v2;
	_ =	sdelay $0x2  }
0x245: {  	v1 =	vmul.f32 v1, v3;
	_ =	sdelay $0x1  }
0x246: {  	[tilespmem:v2+s26+$0x0] =	vst.idx.add.f32.msk $0xffff, v1  }
0x247: {  	v1 =	vld.idx.msk [tilespmem:v2+s2+$0x0], $0xffff  }
0x248: {  	s17 =	sadd.s32 $0x10, s17  }
0x249: {  	p2 =	slt.u32 s17, $0xF90  }
.Ltmp11:
0x24a: {  	_ = 	snop;
	(pc) =	sbr.rel @p2 .LBB2_20-.Ltmp11, $3  }
0x24b: {  	_ = 	snop  }
0x24c: {  	v1 =	vmul.f32 v1, v3;
	_ =	sdelay $0x1  }
0x24d: {  	s18 =	sadd.s32 $0x10, s18;
	s19 =	sadd.s32 $0x10, s19;
	[tilespmem:v63+s26+$0x0] =	vst.idx.add.f32.msk $0xffff, v1  }
0x24e: {  	_ =	swait.ge [sflag:s29], $0xFA0  }
0x24f: {  	[sflag:s29] =	ssyncset.done $0x0  }
0x250: {  	p2 =	seq.s32 s0, $0x27;
	[sflag:s29] =	ssyncadd.s32 $0xFFFFF060  }
0x251: {  	s1 =	sshrl.u32 @!p2 s1, $0x3;
	_ =	swait.ge [sflag:s29], $0xFA0  }
0x252: {  	s17 =	simm.s32 @!p2 $0x0;
	s1 =	sadd.s32 @!p2 $0x3E8, s1;
	[sflag:s29] =	ssyncset.done $0x0  }
0x253: {  	s18 =	simm.s32 @!p2 $0x13D00;
	s15 =	sadd.s32 @!p2 s3, s1;
	[sflag:s29] =	ssyncadd.s32 $0xFFFFF060  }
0x254: {  	[tilespmem:s18], [sflag:$0x1] =	stream.linear.gather @!p2 [hbm4b:s15+s17], $0xFA0, $0x38;
	[tilespmem:$0x17D80] =	vst v63  }
0x255: {  	s21 =	simm.s32 $0x15D20;
	s1 =	sadd.s32 @!p2 s4, s1;
	s15 =	simm.s32 @!p2 $0x14D00  }
0x256: {  	[tilespmem:s15], [sflag:$0x1] =	stream.linear.gather @!p2 [hbm4b:s1+s17], $0xFA0, $0x38;
	[tilespmem:$0x17D80] =	vst v63  }
0x257: {  	s1 =	simm.s32 $0x16D20;
	v3 =	vld [tilespmem:s21+$0x10]  }
0x258: {  	v4 =	vld [tilespmem:s1+$0x10];
	_ =	sdelay $0x2  }
0x259: {  	v6 =	vld [tilespmem:s1+$0xFFFFFFE0]  }
0x25a: {  	v7 =	vld [tilespmem:s21+$0xFFFFFFF0]  }
0x25b: {  	v9 =	vld [tilespmem:s1+$0xFFFFFFF0]  }
0x25c: {  	v5 =	vld [tilespmem:s21+$0xFFFFFFE0]  }
0x25d: {  	v1 =	vld.idx.msk [tilespmem:v3+s25+$0x0], $0xffff  }
0x25e: {  	v2 =	vld.idx.msk [tilespmem:v4+s25+$0x0], $0xffff  }
0x25f: {  	v10 =	vld [tilespmem:s21+$0x0]  }
0x260: {  	v8 =	vld.idx.msk [tilespmem:v3+s2+$0x0], $0xffff  }
0x261: {  	v12 =	vld [tilespmem:s1+$0x0]  }
0x262: {  	v11 =	vld.idx.msk [tilespmem:v6+s25+$0x0], $0xffff  }
0x263: {  	v13 =	vld.idx.msk [tilespmem:v7+s25+$0x0], $0xffff;
	v15 =	vmul.f32 v2, v1  }
0x264: {  	v1 =	vld.idx.msk [tilespmem:v5+s25+$0x0], $0xffff  }
0x265: {  	v14 =	vld.idx.msk [tilespmem:v9+s25+$0x0], $0xffff;
	v8 =	vmul.f32 v8, v15  }
0x266: {  	v16 =	vld.idx.msk [tilespmem:v5+s2+$0x0], $0xffff  }
0x267: {  	[tilespmem:v4+s26+$0x0] =	vst.idx.add.f32.msk $0xffff, v8  }
0x268: {  	v17 =	vld.idx.msk [tilespmem:v4+s2+$0x0], $0xffff  }
0x269: {  	v8 =	vmul.f32 v11, v1;
	v11 =	vld.idx.msk [tilespmem:v7+s2+$0x0], $0xffff  }
0x26a: {  	v18 =	vld.idx.msk [tilespmem:v12+s25+$0x0], $0xffff  }
0x26b: {  	v2 =	vld.idx.msk [tilespmem:v10+s25+$0x0], $0xffff;
	v16 =	vmul.f32 v16, v8  }
0x26c: {  	v19 =	vadd.s32 $0x2710, v3;
	v20 =	vld.idx.msk [tilespmem:v10+s2+$0x0], $0xffff;
	v1 =	vmul.f32 v14, v13  }
0x26d: {  	[tilespmem:v6+s26+$0x0] =	vst.idx.add.f32.msk $0xffff, v16;
	v56 =	vmul.f32 v17, v15  }
0x26e: {  	v57 =	vld.idx.msk [tilespmem:v6+s2+$0x0], $0xffff;
	v11 =	vmul.f32 v11, v1  }
0x26f: {  	[tilespmem:v3+s26+$0x0] =	vst.idx.add.f32.msk $0xffff, v56  }
0x270: {  	v2 =	vmul.f32 v18, v2;
	[tilespmem:v9+s26+$0x0] =	vst.idx.add.f32.msk $0xffff, v11  }
0x271: {  	v13 =	vld.idx.msk [tilespmem:v19+s2+$0x0], $0xffff  }
0x272: {  	v3 =	vadd.s32 $0x2710, v5;
	v11 =	vmul.f32 v20, v2;
	v58 =	vld.idx.msk [tilespmem:v9+s2+$0x0], $0xffff  }
0x273: {  	v59 =	vadd.s32 $0x2710, v4  }
0x274: {  	[tilespmem:v12+s26+$0x0] =	vst.idx.add.f32.msk $0xffff, v11;
	v11 =	vmul.f32 v57, v8  }
0x275: {  	v60 =	vld.idx.msk [tilespmem:v12+s2+$0x0], $0xffff  }
0x276: {  	v4 =	vadd.s32 $0x2710, v7;
	[tilespmem:v5+s26+$0x0] =	vst.idx.add.f32.msk $0xffff, v11;
	v11 =	vmul.f32 v13, v15  }
0x277: {  	v61 =	vld.idx.msk [tilespmem:v3+s2+$0x0], $0xffff;
	v16 =	vmul.f32 v58, v1  }
0x278: {  	v5 =	vadd.s32 $0x2710, v10;
	[tilespmem:v59+s26+$0x0] =	vst.idx.add.f32.msk $0xffff, v11  }
0x279: {  	[tilespmem:v7+s26+$0x0] =	vst.idx.add.f32.msk $0xffff, v16  }
0x27a: {  	v6 =	vadd.s32 $0x2710, v6;
	v11 =	vmul.f32 v60, v2;
	v17 =	vld.idx.msk [tilespmem:v59+s2+$0x0], $0xffff  }
0x27b: {  	v62 =	vld.idx.msk [tilespmem:v4+s2+$0x0], $0xffff  }
0x27c: {  	[tilespmem:v10+s26+$0x0] =	vst.idx.add.f32.msk $0xffff, v11  }
0x27d: {  	v7 =	vmul.f32 v61, v8;
	v11 =	vld.idx.msk [tilespmem:v5+s2+$0x0], $0xffff;
	_ =	sdelay $0x1  }
0x27e: {  	[tilespmem:v6+s26+$0x0] =	vst.idx.add.f32.msk $0xffff, v7;
	v63 =	vmul.f32 v17, v15  }
0x27f: {  	s19 =	simm.s32 $0x15D60;
	v10 =	vld.idx.msk [tilespmem:v6+s2+$0x0], $0xffff  }
0x280: {  	s18 =	simm.s32 $0x0;
	s15 =	simm.s32 $0x17C80;
	s17 =	simm.s32 $0x16C80;
	v7 =	vadd.s32 $0x2710, v12;
	v6 =	vadd.s32 $0x2710, v9;
	v9 =	vmul.f32 v62, v1;
	[tilespmem:v19+s26+$0x0] =	vst.idx.add.f32.msk $0xffff, v63  }
.LBB2_22:
0x281: {  	v12 =	vld [tilespmem:s19+$0x10];
	v11 =	vmul.f32 v11, v2;
	s1 =	sadd.s32 $0x40, s1  }
0x282: {  	s18 =	sadd.s32 $0x40, s18;
	v13 =	vld [tilespmem:s1+$0x10]  }
0x283: {  	p2 =	slt.u32 s18, $0xF40;
	v14 =	vld [tilespmem:s1+$0xFFFFFFE0]  }
0x284: {  	v10 =	vmul.f32 v10, v8;
	v15 =	vld [tilespmem:s19+$0xFFFFFFF0]  }
0x285: {  	v16 =	vld [tilespmem:s1+$0xFFFFFFF0]  }
0x286: {  	v17 =	vld [tilespmem:s19+$0x0]  }
0x287: {  	v18 =	vld [tilespmem:s1+$0x0]  }
0x288: {  	v19 =	vld [tilespmem:s19+$0xFFFFFFE0];
	v20 =	vadd.s32 $0x2710, v14  }
0x289: {  	v21 =	vadd.s32 $0x2710, v15;
	v8 =	vld.idx.msk [tilespmem:v12+s25+$0x0], $0xffff  }
0x28a: {  	v22 =	vadd.s32 $0x2710, v16;
	v23 =	vld.idx.msk [tilespmem:v13+s25+$0x0], $0xffff  }
0x28b: {  	v24 =	vld.idx.msk [tilespmem:v14+s25+$0x0], $0xffff;
	v25 =	vadd.s32 $0x2710, v17  }
0x28c: {  	v26 =	vadd.s32 $0x2710, v18;
	v27 =	vld.idx.msk [tilespmem:v12+s2+$0x0], $0xffff  }
0x28d: {  	v28 =	vadd.s32 $0x2710, v19;
	v29 =	vld.idx.msk [tilespmem:v15+s25+$0x0], $0xffff  }
0x28e: {  	v30 =	vld.idx.msk [tilespmem:v16+s25+$0x0], $0xffff  }
0x28f: {  	v31 =	vld.idx.msk [tilespmem:v17+s25+$0x0], $0xffff  }
0x290: {  	v23 =	vmul.f32 v23, v8;
	v32 =	vld.idx.msk [tilespmem:v19+s25+$0x0], $0xffff  }
0x291: {  	v33 =	vld.idx.msk [tilespmem:v18+s25+$0x0], $0xffff  }
0x292: {  	v8 =	vmul.f32 v27, v23;
	v34 =	vld.idx.msk [tilespmem:v19+s2+$0x0], $0xffff  }
0x293: {  	v27 =	vld.idx.msk [tilespmem:v15+s2+$0x0], $0xffff  }
0x294: {  	v29 =	vmul.f32 v30, v29;
	[tilespmem:v13+s26+$0x0] =	vst.idx.add.f32.msk $0xffff, v8  }
0x295: {  	v30 =	vld.idx.msk [tilespmem:v13+s2+$0x0], $0xffff  }
0x296: {  	v8 =	vmul.f32 v24, v32;
	v24 =	vld.idx.msk [tilespmem:v17+s2+$0x0], $0xffff  }
0x297: {  	v31 =	vmul.f32 v33, v31;
	[tilespmem:v6+s26+$0x0] =	vst.idx.add.f32.msk $0xffff, v9  }
0x298: {  	v9 =	vmul.f32 v34, v8;
	[tilespmem:v7+s26+$0x0] =	vst.idx.add.f32.msk $0xffff, v11  }
0x299: {  	v11 =	vmul.f32 v27, v29;
	v27 =	vadd.s32 $0x2710, v12;
	v32 =	vld.idx.msk [tilespmem:v6+s2+$0x0], $0xffff;
	v6 =	vmov v22  }
0x29a: {  	[tilespmem:v14+s26+$0x0] =	vst.idx.add.f32.msk $0xffff, v9  }
0x29b: {  	v9 =	vmul.f32 v30, v23;
	[tilespmem:v16+s26+$0x0] =	vst.idx.add.f32.msk $0xffff, v11  }
0x29c: {  	v11 =	vld.idx.msk [tilespmem:v14+s2+$0x0], $0xffff;
	v14 =	vmul.f32 v24, v31  }
0x29d: {  	[tilespmem:v12+s26+$0x0] =	vst.idx.add.f32.msk $0xffff, v9  }
0x29e: {  	v9 =	vld.idx.msk [tilespmem:v27+s2+$0x0], $0xffff  }
0x29f: {  	v12 =	vmul.f32 v32, v1;
	v1 =	vmov v29;
	[tilespmem:v18+s26+$0x0] =	vst.idx.add.f32.msk $0xffff, v14  }
0x2a0: {  	v14 =	vld.idx.msk [tilespmem:v16+s2+$0x0], $0xffff  }
0x2a1: {  	v13 =	vadd.s32 $0x2710, v13;
	v16 =	vld.idx.msk [tilespmem:v18+s2+$0x0], $0xffff  }
0x2a2: {  	v11 =	vmul.f32 v11, v8;
	v18 =	vld.idx.msk [tilespmem:v7+s2+$0x0], $0xffff;
	v7 =	vmov v26  }
0x2a3: {  	[tilespmem:v3+s26+$0x0] =	vst.idx.add.f32.msk $0xffff, v10;
	v3 =	vmov v28  }
0x2a4: {  	v9 =	vmul.f32 v9, v23;
	[tilespmem:v19+s26+$0x0] =	vst.idx.add.f32.msk $0xffff, v11  }
0x2a5: {  	v10 =	vld.idx.msk [tilespmem:v28+s2+$0x0], $0xffff  }
0x2a6: {  	v11 =	vmul.f32 v14, v1;
	[tilespmem:v13+s26+$0x0] =	vst.idx.add.f32.msk $0xffff, v9  }
0x2a7: {  	v9 =	vmul.f32 v16, v31;
	v13 =	vld.idx.msk [tilespmem:v13+s2+$0x0], $0xffff  }
0x2a8: {  	v14 =	vmul.f32 v18, v2;
	v2 =	vmov v31;
	[tilespmem:v15+s26+$0x0] =	vst.idx.add.f32.msk $0xffff, v11  }
0x2a9: {  	[tilespmem:v17+s26+$0x0] =	vst.idx.add.f32.msk $0xffff, v9  }
0x2aa: {  	v9 =	vld.idx.msk [tilespmem:v21+s2+$0x0], $0xffff  }
0x2ab: {  	v10 =	vmul.f32 v10, v8;
	v11 =	vld.idx.msk [tilespmem:v25+s2+$0x0], $0xffff  }
.Ltmp12:
0x2ac: {  	[tilespmem:v4+s26+$0x0] =	vst.idx.add.f32.msk $0xffff, v12;
	v4 =	vmov v21;
	(pc) =	sbr.rel @p2 .LBB2_22-.Ltmp12, $4  }
0x2ad: {  	v12 =	vmul.f32 v13, v23;
	[tilespmem:v20+s26+$0x0] =	vst.idx.add.f32.msk $0xffff, v10  }
0x2ae: {  	v10 =	vld.idx.msk [tilespmem:v20+s2+$0x0], $0xffff  }
0x2af: {  	s20 =	simm.s32 $0xF70;
	[tilespmem:v27+s26+$0x0] =	vst.idx.add.f32.msk $0xffff, v12  }
0x2b0: {  	s19 =	sadd.s32 $0x40, s19;
	v9 =	vmul.f32 v9, v1;
	[tilespmem:v5+s26+$0x0] =	vst.idx.add.f32.msk $0xffff, v14;
	v5 =	vmov v25  }
0x2b1: {  	_ =	sdelay $0x2  }
0x2b2: {  	v11 =	vmul.f32 v11, v2  }
0x2b3: {  	[tilespmem:v6+s26+$0x0] =	vst.idx.add.f32.msk $0xffff, v9  }
0x2b4: {  	[tilespmem:v7+s26+$0x0] =	vst.idx.add.f32.msk $0xffff, v11  }
0x2b5: {  	v6 =	vld.idx.msk [tilespmem:v6+s2+$0x0], $0xffff  }
0x2b6: {  	v7 =	vld.idx.msk [tilespmem:v7+s2+$0x0], $0xffff;
	_ =	sdelay $0x2  }
0x2b7: {  	v8 =	vmul.f32 v10, v8  }
0x2b8: {  	v1 =	vmul.f32 v6, v1  }
0x2b9: {  	[tilespmem:v3+s26+$0x0] =	vst.idx.add.f32.msk $0xffff, v8;
	v2 =	vmul.f32 v7, v2  }
0x2ba: {  	[tilespmem:v4+s26+$0x0] =	vst.idx.add.f32.msk $0xffff, v1  }
0x2bb: {  	[tilespmem:v5+s26+$0x0] =	vst.idx.add.f32.msk $0xffff, v2  }
.LBB2_24:
0x2bc: {  	v1 =	vld [tilespmem:s17+$0x0]  }
0x2bd: {  	v2 =	vld [tilespmem:s15+$0x0];
	_ =	sdelay $0x6  }
0x2be: {  	v3 =	vld.idx.msk [tilespmem:v1+s25+$0x0], $0xffff  }
0x2bf: {  	v4 =	vld.idx.msk [tilespmem:v2+s25+$0x0], $0xffff;
	_ =	sdelay $0x1  }
0x2c0: {  	v5 =	vld.idx.msk [tilespmem:v1+s2+$0x0], $0xffff;
	_ =	sdelay $0x2  }
0x2c1: {  	v3 =	vmul.f32 v4, v3;
	_ =	sdelay $0x1  }
0x2c2: {  	v4 =	vmul.f32 v5, v3;
	_ =	sdelay $0x1  }
0x2c3: {  	[tilespmem:v2+s26+$0x0] =	vst.idx.add.f32.msk $0xffff, v4  }
0x2c4: {  	v4 =	vld.idx.msk [tilespmem:v2+s2+$0x0], $0xffff;
	_ =	sdelay $0x2  }
0x2c5: {  	v63 =	vadd.s32 $0x2710, v1;
	_ =	sdelay $0x1  }
0x2c6: {  	v4 =	vmul.f32 v4, v3;
	_ =	sdelay $0x1  }
0x2c7: {  	[tilespmem:v1+s26+$0x0] =	vst.idx.add.f32.msk $0xffff, v4  }
0x2c8: {  	v1 =	vld.idx.msk [tilespmem:v63+s2+$0x0], $0xffff;
	_ =	sdelay $0x1  }
0x2c9: {  	v2 =	vadd.s32 $0x2710, v2;
	_ =	sdelay $0x2  }
0x2ca: {  	v1 =	vmul.f32 v1, v3;
	_ =	sdelay $0x1  }
0x2cb: {  	[tilespmem:v2+s26+$0x0] =	vst.idx.add.f32.msk $0xffff, v1  }
0x2cc: {  	v1 =	vld.idx.msk [tilespmem:v2+s2+$0x0], $0xffff  }
0x2cd: {  	s20 =	sadd.s32 $0x10, s20  }
0x2ce: {  	p2 =	slt.u32 s20, $0xF90  }
.Ltmp13:
0x2cf: {  	_ = 	snop;
	(pc) =	sbr.rel @p2 .LBB2_24-.Ltmp13, $3  }
0x2d0: {  	_ = 	snop  }
0x2d1: {  	v1 =	vmul.f32 v1, v3;
	_ =	sdelay $0x1  }
0x2d2: {  	s15 =	sadd.s32 $0x10, s15;
	s17 =	sadd.s32 $0x10, s17;
	[tilespmem:v63+s26+$0x0] =	vst.idx.add.f32.msk $0xffff, v1  }
0x2d3: {  	s0 =	sadd.s32 $0x1, s0  }
0x2d4: {  	p2 =	sne.s32 s0, $0x28  }
.Ltmp14:
0x2d5: {  	_ = 	snop;
	(pc) =	sbr.rel @p2 .LBB2_17-.Ltmp14, $1  }
0x2d6: {  	_ =	sdelay $0x3  }
.LBB2_26:
0x2d7: {  	s0 =	simm.s32 $0x0  }
0x2d8: {  	v1 =	vld [tilespmem:s0+$0x9D00];
	_ =	sdelay $0x1  }
0x2d9: {  	v4 =	vld [tilespmem:s0+$0x0]  }
0x2da: {  	v5 =	vld [tilespmem:s0+$0x2710]  }
0x2db: {  	v2 =	vld [tilespmem:s0+$0x4E80]  }
0x2dc: {  	v3 =	vld [tilespmem:s0+$0x7590];
	v6 =	vmul.f32 v1, v1;
	_ =	sdelay $0x1  }
0x2dd: {  	s1 =	simm.s32 $0x10;
	v4 =	vmul.f32 v4, v6  }
0x2de: {  	s15 =	simm.s32 $0x80;
	v1 =	vld [tilespmem:s1+$0x9D00];
	v5 =	vmul.f32 v5, v6  }
.LBB2_27:
0x2df: {  	p2 =	sne.s32 s15, $0x9C00;
	v2 =	vadd.f32 v4, v2  }
0x2e0: {  	v4 =	vld [tilespmem:s1+$0x0];
	v3 =	vadd.f32 v5, v3  }
0x2e1: {  	v5 =	vld [tilespmem:s1+$0x2710];
	[tilespmem:s0+$0x4E80] =	vst v2  }
.Ltmp15:
0x2e2: {  	v2 =	vld [tilespmem:s1+$0x4E80];
	[tilespmem:s0+$0x7590] =	vst v3;
	s0 =	smov.u32 s1;
	(pc) =	sbr.rel @p2 .LBB2_27-.Ltmp15, $3  }
0x2e3: {  	v6 =	vmul.f32 v1, v1;
	v3 =	vld [tilespmem:s0+$0x7590];
	_ =	sdelay $0x1  }
0x2e4: {  	s1 =	sshra.s32 s15, $0x2;
	v4 =	vmul.f32 v4, v6  }
0x2e5: {  	s15 =	sadd.s32 $0x40, s15;
	v1 =	vld [tilespmem:s1+$0x9D00];
	v5 =	vmul.f32 v5, v6  }
0x2e6: {  	v2 =	vadd.f32 v4, v2  }
0x2e7: {  	v63 =	vld [tilespmem:s1+$0x0];
	v3 =	vadd.f32 v5, v3  }
0x2e8: {  	v6 =	vld [tilespmem:s1+$0x2710];
	[tilespmem:s0+$0x4E80] =	vst v2  }
0x2e9: {  	v2 =	vld [tilespmem:s1+$0x4E80];
	[tilespmem:s0+$0x7590] =	vst v3  }
0x2ea: {  	v1 =	vmul.f32 v1, v1;
	v3 =	vld [tilespmem:s1+$0x7590];
	_ =	sdelay $0x1  }
0x2eb: {  	v4 =	vmul.f32 v63, v1  }
0x2ec: {  	v1 =	vmul.f32 v6, v1  }
0x2ed: {  	v2 =	vadd.f32 v4, v2  }
0x2ee: {  	v1 =	vadd.f32 v1, v3  }
0x2ef: {  	[tilespmem:s1+$0x4E80] =	vst v2  }
0x2f0: {  	[tilespmem:s1+$0x7590] =	vst v1  }
0x2f1: {  	v1 =	vld @!p0 [tilespmem:$0x17D00];
	_ =	sdelay $0x6  }
0x2f2: {  	s0 =	simm.s32 @!p0 $0x9D00  }
0x2f3: {  	v2 =	vld.idx.msk @!p0 [tilespmem:v1+s0+$0x0], $0xffff;
	_ =	sdelay $0x4  }
0x2f4: {  	v2 =	vmul.f32 @!p0 v2, v2  }
0x2f5: {  	s0 =	simm.s32 @!p0 $0xC500  }
0x2f6: {  	s1 =	simm.s32 @!p0 $0x0;
	[tilespmem:v1+s0+$0x0] =	vst.idx.add.f32.msk @!p0 $0x1, v2  }
0x2f7: {  	[hbm4b:s11+s1] =	stream.linear.scatter @!p0 [tilespmem:s0], [sflag:$0x3], $0x2800, $0x38;
	[tilespmem:$0x17D80] =	vst v63  }
0x2f8: {  	s0 =	simm.s32 @!p0 $0x3  }
0x2f9: {  	_ =	swait.ge @!p0 [sflag:s0], $0x2800  }
0x2fa: {  	[sflag:s0] =	ssyncset.done @!p0 $0x0  }
0x2fb: {  	[sflag:s0] =	ssyncadd.s32 @!p0 $0xFFFFD800  }
0x2fc: {  	[hbm4b:s12+s2] =	stream.linear.scatter [tilespmem:s26], [sflag:$0x3], $0x2710, $0x38;
	[tilespmem:$0x17D80] =	vst v63  }
0x2fd: {  	_ =	swait.ge [sflag:s16], $0x2710  }
0x2fe: {  	[sflag:s16] =	ssyncset.done $0x0  }
0x2ff: {  	[sflag:s16] =	ssyncadd.s32 $0xFFFFD8F0  }
0x300: {  	[hbm4b:s13+s2] =	stream.linear.scatter [tilespmem:s30], [sflag:$0x3], $0x2710, $0x38;
	[tilespmem:$0x17D80] =	vst v63  }
0x301: {  	s31 =	sadd.s32 $0x1, s31;
	_ =	swait.ge [sflag:s16], $0x2710  }
0x302: {  	p2 =	sne.s32 s31, s14;
	[sflag:s16] =	ssyncset.done $0x0  }
0x303: {  	s1 =	simm.s32 @!p1 $0x9D00;
	s0 =	simm.s32 @!p1 $0x0;
	[sflag:s16] =	ssyncadd.s32 $0xFFFFD8F0  }
0x304: {  	[hbm4b:s6+s0] =	stream.linear.scatter @!p1 [tilespmem:s1], [sflag:$0x3], $0x2800, $0x38;
	[tilespmem:$0x17D80] =	vst v63  }
.Ltmp16:
0x305: {  	_ = 	snop;
	(pc) =	sbr.rel @p2 .LBB2_1-.Ltmp16, $4  }
0x306: {  	s0 =	simm.s32 @!p1 $0x3  }
0x307: {  	_ =	swait.ge @!p1 [sflag:s0], $0x2800  }
0x308: {  	[sflag:s0] =	ssyncset.done @!p1 $0x0  }
0x309: {  	[sflag:s0] =	ssyncadd.s32 @!p1 $0xFFFFD800  }
0x30a: {  	_ =	sfence.sel $0x180000  }
0x30b: {  	[bflag:$0x0] =	sbarrier.arrive $0xFFFF  }
0x30c: {  	_ =	strace $0x9000004A  }
0x30d: {  	s0 =	stileid.u32;
	[bflag:$0x2] =	sbarrier.arrive $0xFFFF  }
0x30e: {  	p0 =	sne.s32 s0, $0x0;
	s0 =	rddreg [dreg:$0x2]  }
0x30f: {  	s0 =	sadd.s32 @!p0 $0x100000, s0  }
0x310: {  	[sflag:s0] =	ssyncadd.tile.s32 @!p0 $0x1;
	_ =	shalt  }
.Lfunc_end2:
_tile_overlayer_lowered:
.L_overlay_start_2:
0x311: {  	(tag) =	ssettag $0x2  }
0x312: {  	s0 =	rddreg [dreg:$0x0];
	s2 =	stileid.u32  }
0x313: {  	s1 =	rddreg [dreg:$0x1];
	p0 =	sne.s32 s2, $0x0  }
0x314: {  	s3 =	rddreg [dreg:$0x2];
	[bflag:$0x3] =	sbarrier.arrive $0xFFFF;
	s2 =	simm.s32 @!p0 $0x1C03  }
0x315: {  	[timem:s3], [sflag:s2] =	dma.local @!p0 [hbm:s0], s1  }
0x316: {  	s0 =	simm.s32 @!p0 $0x3  }
0x317: {  	_ =	swait.ge @!p0 [sflag:s0], s1  }
0x318: {  	s1 =	ssub.s32 @!p0 $0x0, s1;
	[sflag:s0] =	ssyncset.done @!p0 $0x0  }
0x319: {  	[sflag:s0] =	ssyncadd.s32 @!p0 s1  }
0x31a: {  	[bflag:$0x3] =	sbarrier.arrive $0xFFFF  }
0x31b: {  	_ =	shalt  }

// kernel: kernel.17.cloned.1.call-start
scs
__scs_entry_jumppad:
0x0: {  	(pc) =	sbr.rel $0x88, $3  }
0x1: {  	(tag) =	ssettag $0x0;
	lr =	simm.s32 $0x1  }
0x2: {  	[smem:$0x3F93] =	sst lr;
	_ =	strace $0xD0000000  }
0x3: {  	_ = 	snop  }
0x4: {  	_ = 	snop  }
0x5: {  	_ = 	snop  }
0x6: {  	_ = 	snop  }
0x7: {  	_ = 	snop  }
__scs_overlays_trampoline_lowered:
0x8: {  	[smem:$0x3FA2] =	sst s0  }
0x9: {  	[smem:$0x3FA3] =	sst s1  }
0xa: {  	[smem:$0x3FA4] =	sst s2  }
0xb: {  	[smem:$0x3FA5] =	sst s3  }
0xc: {  	[smem:$0x3FA6] =	sst s4  }
0xd: {  	[smem:$0x3FA7] =	sst s5  }
0xe: {  	[smem:$0x3FA8] =	sst s6  }
0xf: {  	[smem:$0x3FA9] =	sst s7  }
0x10: {  	[smem:$0x3FAA] =	sst s8  }
0x11: {  	[smem:$0x3FAB] =	sst s9;
	s0 =	simm.s32 @!p0 $0x0  }
0x12: {  	s1 =	sld [smem:$0x3F91];
	s0 =	simm.s32 @p0 $0x1  }
0x13: {  	[smem:$0x3FAC] =	sst s0;
	s0 =	simm.s32 @!p1 $0x0  }
0x14: {  	s2 =	sld [smem:$0x3F90];
	s0 =	simm.s32 @p1 $0x1  }
0x15: {  	[smem:$0x3FAD] =	sst s0;
	s0 =	simm.s32 @!p2 $0x0  }
0x16: {  	s3 =	sld [smem:$0x3FDB];
	s0 =	simm.s32 @p2 $0x1  }
0x17: {  	s4 =	simm.s32 $0x1BF5;
	[smem:$0x3FAF] =	sst s0  }
0x18: {  	s0 =	sld [smem:$0x3F92];
	_ =	swait.ge [sflag:s4], $0x0  }
0x19: {  	s7 =	sld [smem:$0x3F93]  }
0x1a: {  	s8 =	sadd.s32 $0xFFFFE003, lr  }
0x1b: {  	s9 =	sadd.s32 $0xFFFFFEF7, lr;
	s5 =	simm.s32 $0xFFFFFFFF;
	p2 =	slt.u32 s8, $0xFFFFF086  }
0x1c: {  	p1 =	slt.u32 s9, $0xF7A;
	s5 =	simm.s32 @!p2 $0x0  }
0x1d: {  	s5 =	simm.s32 @p1 $0x1;
	p0 =	seq.s32 s7, s2  }
0x1e: {  	s7 =	smul.u32 @!p0 $0xF7A, s2;
	p2 =	seq.s32 @!p0 s5, $0x0  }
0x1f: {  	s9 =	smul.u32 $0xF7A, s1;
	s8 =	simm.s32 @!p0 $0x1BF5;
	p2 =	por !p2, p0  }
0x20: {  	[sflag:s8] =	ssyncset.s32 @!p0 $0xFFFFF086;
	s6 =	sadd.s32 @!p0 s3, s7;
	s7 =	simm.s32 @!p0 $0x108  }
0x21: {  	s3 =	sadd.s32 s3, s9;
	s6 =	sadd.s32 @!p0 $0x88, s6;
	s7 =	simm.s32 @p2 $0x1082  }
0x22: {  	[simem:s7], [sflag:s8] =	dma.local @!p0 [hbm:s6], $0xF7A  }
0x23: {  	s9 =	sor.u32 $0xD0000000, s2;
	s6 =	simm.s32 $0x108;
	_ =	swait.ge @!p0 [sflag:s8], $0x0  }
0x24: {  	s3 =	sadd.s32 $0x88, s3;
	s6 =	simm.s32 @!p1 $0x1082;
	[sflag:s4] =	ssyncset.s32 $0xFFFFF086  }
0x25: {  	[simem:s6], [sflag:s4] =	dma.local [hbm:s3], $0xF7A  }
0x26: {  	[smem:$0x3F93] =	sst s1;
	(tag) =	ssettag s2;
	_ =	strace s9  }
0x27: {  	s1 =	sld [smem:$0x3FA3]  }
0x28: {  	s2 =	sld [smem:$0x3FA4]  }
0x29: {  	s4 =	sld [smem:$0x3FA6]  }
0x2a: {  	p0 =	seq.s32 s5, $0x0;
	s5 =	sld [smem:$0x3FA7]  }
0x2b: {  	s6 =	sld [smem:$0x3FA8]  }
0x2c: {  	s7 =	sld [smem:$0x3FA9]  }
0x2d: {  	s3 =	simm.s32 $0x108;
	s8 =	sld [smem:$0x3FAA]  }
0x2e: {  	s3 =	simm.s32 @!p0 $0x1082;
	s9 =	sld [smem:$0x3FAB]  }
0x2f: {  	lr =	sadd.s32 s0, s3;
	s0 =	sld [smem:$0x3FA2]  }
0x30: {  	s3 =	sld [smem:$0x3FA5]  }
0x31: {  	[smem:$0x3FAE] =	sst s10  }
0x32: {  	s10 =	sld [smem:$0x3FAC];
	_ =	sdelay $0x3  }
0x33: {  	p0 =	seq.s32 s10, $0x1;
	s10 =	sld [smem:$0x3FAE];
	_ =	sdelay $0x3  }
0x34: {  	[smem:$0x3FAE] =	sst s10  }
0x35: {  	s10 =	sld [smem:$0x3FAD];
	_ =	sdelay $0x3  }
0x36: {  	p1 =	seq.s32 s10, $0x1;
	s10 =	sld [smem:$0x3FAE];
	_ =	sdelay $0x3  }
0x37: {  	[smem:$0x3FAE] =	sst s10  }
0x38: {  	s10 =	sld [smem:$0x3FAF]  }
0x39: {  	_ = 	snop;
	(pc) =	sbr.ind lr, $3  }
0x3a: {  	_ = 	snop  }
0x3b: {  	_ = 	snop  }
0x3c: {  	p2 =	seq.s32 s10, $0x1;
	s10 =	sld [smem:$0x3FAE]  }
0x3d: {  	_ =	shalt  }
0x3e: {  	_ =	shalt  }
0x3f: {  	_ =	shalt  }
0x40: {  	_ =	shalt  }
0x41: {  	_ =	shalt  }
0x42: {  	_ =	shalt  }
0x43: {  	_ =	shalt  }
0x44: {  	_ =	shalt  }
0x45: {  	_ =	shalt  }
0x46: {  	_ =	shalt  }
0x47: {  	_ =	shalt  }
0x48: {  	_ =	shalt  }
0x49: {  	_ =	shalt  }
0x4a: {  	_ =	shalt  }
0x4b: {  	_ =	shalt  }
0x4c: {  	_ =	shalt  }
0x4d: {  	_ =	shalt  }
0x4e: {  	_ =	shalt  }
0x4f: {  	_ =	shalt  }
0x50: {  	_ =	shalt  }
0x51: {  	_ =	shalt  }
0x52: {  	_ =	shalt  }
0x53: {  	_ =	shalt  }
0x54: {  	_ =	shalt  }
0x55: {  	_ =	shalt  }
0x56: {  	_ =	shalt  }
0x57: {  	_ =	shalt  }
0x58: {  	_ =	shalt  }
0x59: {  	_ =	shalt  }
0x5a: {  	_ =	shalt  }
0x5b: {  	_ =	shalt  }
0x5c: {  	_ =	shalt  }
0x5d: {  	_ =	shalt  }
0x5e: {  	_ =	shalt  }
0x5f: {  	_ =	shalt  }
0x60: {  	_ =	shalt  }
0x61: {  	_ =	shalt  }
0x62: {  	_ =	shalt  }
0x63: {  	_ =	shalt  }
0x64: {  	_ =	shalt  }
0x65: {  	_ =	shalt  }
0x66: {  	_ =	shalt  }
0x67: {  	_ =	shalt  }
0x68: {  	_ =	shalt  }
0x69: {  	_ =	shalt  }
0x6a: {  	_ =	shalt  }
0x6b: {  	_ =	shalt  }
0x6c: {  	_ =	shalt  }
0x6d: {  	_ =	shalt  }
0x6e: {  	_ =	shalt  }
0x6f: {  	_ =	shalt  }
0x70: {  	_ =	shalt  }
0x71: {  	_ =	shalt  }
0x72: {  	_ =	shalt  }
0x73: {  	_ =	shalt  }
0x74: {  	_ =	shalt  }
0x75: {  	_ =	shalt  }
0x76: {  	_ =	shalt  }
0x77: {  	_ =	shalt  }
0x78: {  	_ =	shalt  }
0x79: {  	_ =	shalt  }
0x7a: {  	_ =	shalt  }
0x7b: {  	_ =	shalt  }
0x7c: {  	_ =	shalt  }
0x7d: {  	_ =	shalt  }
0x7e: {  	_ =	shalt  }
0x7f: {  	_ =	shalt  }
0x80: {  	_ =	shalt  }
0x81: {  	_ =	shalt  }
0x82: {  	_ =	shalt  }
0x83: {  	_ =	shalt  }
0x84: {  	_ =	shalt  }
0x85: {  	_ =	shalt  }
0x86: {  	_ =	shalt  }
0x87: {  	_ =	shalt  }
.Lfunc_end0:
.L_simem_size_0:
called_computation.2_lowered:
.L_overlay_start_0:
0x88: {  	s2 =	sld [smem:$0x3FD9]  }
0x89: {  	s3 =	sld [smem:$0x3FFE];
	_ =	sdelay $0x1  }
0x8a: {  	s1 =	srdreg.scid  }
0x8b: {  	s0 =	sand.u32 $0x1, s1  }
0x8c: {  	s16 =	sshll.u32 s0, $0xA;
	s2 =	sadd.s32 s3, s2  }
0x8d: {  	s2 =	sadd.s32 s2, s16  }
0x8e: {  	[smem:$0x3FBA] =	sst s2  }
0x8f: {  	_ = 	snop  }
0x90: {  	(tm) =	ssettm $0x1  }
0x91: {  	s17 =	sld [smem:$0x3FFB];
	_ =	sdelay $0x3  }
0x92: {  	_ =	strace s17  }
0x93: {  	s2 =	sld [smem:$0x3FFC];
	_ =	sdelay $0x3  }
0x94: {  	_ =	strace s2  }
0x95: {  	s2 =	sld [smem:$0x3FFD];
	_ =	sdelay $0x3  }
0x96: {  	_ =	strace s2  }
0x97: {  	_ =	strace $0x8FFFFFFF  }
0x98: {  	s18 =	sld [smem:$0x3FDB];
	_ =	sdelay $0x1  }
0x99: {  	s19 =	simm.s32 $_scs_section_size  }
0x9a: {  	s4 =	simm.s32 $_size__tile_overlayer_lowered;
	s5 =	simm.s32 $_tile_overlayer_lowered  }
0x9b: {  	s22 =	simm.s32 $0x1BFF;
	s21 =	sshll.u32 s5, $0x1;
	s2 =	sadd.s32 s19, s18  }
0x9c: {  	s6 =	simm.s32 $0x0;
	s20 =	sshll.u32 s4, $0x1;
	s4 =	sadd.s32 s21, s2  }
0x9d: {  	[timem:s6], [sflag:s22] =	dma.local [hbm:s4], s20  }
0x9e: {  	_ =	swait.ge [sflag:s22], s20  }
0x9f: {  	s3 =	ssub.s32 $0x0, s20;
	[sflag:s22] =	ssyncset.done $0x0  }
0xa0: {  	[sflag:s22] =	ssyncadd.s32 s3;
	_ =	sdelay $0x1  }
0xa1: {  	s23 =	simm.s32 $0x1B8B  }
0xa2: {  	_ =	swait.ge [sflag:s23], $0x1  }
0xa3: {  	[sflag:s23] =	ssyncset.done $0x0  }
0xa4: {  	s25 =	simm.s32 $0x1B8E;
	s24 =	sld [smem:$0x3FFE];
	[sflag:s23] =	ssyncadd.s32 $0xFFFFFFFF  }
0xa5: {  	s26 =	simm.s32 $execute0_lowered;
	[smem:$0x3FD2] =	sst s25  }
0xa6: {  	s4 =	sshll.u32 s26, $0x1;
	_ =	strace $0x8000004C;
	[dreg:$0x1] =	wrdreg $0xFFFFFFFF  }
0xa7: {  	s28 =	simm.s32 $_size_execute0_lowered;
	s2 =	sadd.s32 s2, s4;
	[dreg:$0x0] =	wrdreg $0x0  }
0xa8: {  	s4 =	sshll.u32 s28, $0x1;
	[dreg:$0x2] =	wrdreg s2  }
0xa9: {  	[dreg:$0x3] =	wrdreg s4  }
0xaa: {  	[dreg:$0x4] =	wrdreg $0xC0  }
0xab: {  	_ =	task [dreg:s6], $0x5FFFF  }
0xac: {  	[dreg:$0x1] =	wrdreg $0xFFFFFFFF  }
0xad: {  	[dreg:$0x0] =	wrdreg $0x60  }
0xae: {  	[dreg:$0x2] =	wrdreg s24  }
0xaf: {  	[dreg:$0x3] =	wrdreg $0x9  }
0xb0: {  	_ =	task.clear_ibuf [dreg:s6], $0x4FFFF;
	_ =	strace $0x9000004C  }
0xb1: {  	s29 =	simm.s32 $0x9;
	_ =	strace $0x8000004E  }
0xb2: {  	_ =	swait.ge [sflag:s29], $0x1  }
0xb3: {  	[sflag:s29] =	ssyncadd.s32 $0xFFFFFFFF  }
0xb4: {  	_ =	strace $0x9000004E  }
0xb5: {  	_ =	sfence  }
0xb6: {  	s30 =	sld [smem:$0x0];
	_ =	sdelay $0x2  }
0xb7: {  	s31 =	sshll.u32 s1, $0xD;
	s1 =	sshrl.u32 s1, $0x2  }
0xb8: {  	s3 =	sand.u32 $0x4000, s31;
	s1 =	sadd.s32 s1, s30  }
0xb9: {  	s0 =	sor.u32 s3, s0;
	s1 =	sshll.u32 s1, $0x11  }
0xba: {  	s0 =	sor.u32 s1, s0  }
0xbb: {  	s0 =	sadd.s32 $0x8F2B, s0  }
0xbc: {  	[sflag:s0] =	ssyncadd.remote.s32 $0x1  }
0xbd: {  	_ =	sfence.sel $0xFFFF  }
0xbe: {  	[dreg:$0x0] =	wrdreg $0xFFFFFFFF;
	(pc) =	sbr.abs _section_cstart, $3  }
0xbf: {  	[dreg:$0x1] =	wrdreg $0xFFFFFFFF  }
0xc0: {  	_ =	task.clear_ibuf [dreg:s6], $0x2FFFF;
	_ =	strace $0x9FFFFFFF  }
0xc1: {  	(tm) =	ssettm $0x7FFFFFFF  }
tec
execute0_lowered:
.L_overlay_start_1:
0x0: {  	(tag) =	ssettag $0x1  }
0x1: {  	s8 =	rddreg [dreg:$0x0]  }
0x2: {  	s0 =	rddreg [dreg:$0x1];
	s3 =	srdreg.scid  }
0x3: {  	s1 =	stileid.u32;
	s2 =	simm.s32 $0x0;
	s13 =	simm.s32 $0x1  }
0x4: {  	s14 =	simm.s32 $0x2800;
	s15 =	simm.s32 $0xC680;
	s16 =	simm.s32 $0xCE80  }
0x5: {  	s17 =	simm.s32 $0xD680;
	s18 =	simm.s32 $0x5000;
	s19 =	simm.s32 $0x7780  }
0x6: {  	s20 =	simm.s32 $0x9F00;
	s9 =	sand.u32 $0x1, s3;
	s30 =	sshll.u32 s1, $0x1  }
0x7: {  	s21 =	simm.s32 $0x0;
	[smem:$0x7FF] =	sst s2;
	s10 =	sor.u32 s9, s30  }
0x8: {  	s3 =	sadd.s32 $0xD600, s8;
	s5 =	sadd.s32 $0x3800, s8;
	s4 =	smul.u32 $0x2710, s10  }
0x9: {  	s6 =	sadd.s32 $0x17400, s8;
	s7 =	sadd.s32 $0x41A00, s8;
	s9 =	ssub.s32 $0x2, s9  }
0xa: {  	s10 =	sshll.u32 s10, $0x1;
	s31 =	sshrl.u32 s9, $0x1;
	s11 =	sshrl.u32 s4, $0x3  }
0xb: {  	s12 =	ssub.s32 s9, s31;
	s11 =	sadd.s32 s11, s8;
	s8 =	sadd.s32 s10, s8  }
0xc: {  	_ =	strace $0x8000004D;
	s12 =	smax.u32 s12, $0x1;
	s8 =	sadd.s32 $0x2B600, s8  }
0xd: {  	v0 =	vimm.s32 $0x0;
	v1 =	vimm.f32 $0.0e+00;
	s9 =	sadd.s32 $0x17A00, s11;
	s10 =	sadd.s32 $0x21800, s11;
	s11 =	sadd.s32 $0x42000, s11  }
.LBB2_1:
0xe: {  	[tilespmem:s2], [sflag:$0x1] =	stream.linear.gather [hbm4b:s6+s2], $0x2800, $0x38;
	[tilespmem:$0xD700] =	vst v63  }
0xf: {  	_ =	swait.ge [sflag:s13], $0x2800  }
0x10: {  	[sflag:s13] =	ssyncset.done $0x0  }
0x11: {  	[sflag:s13] =	ssyncadd.s32 $0xFFFFD800  }
0x12: {  	[tilespmem:s14], [sflag:$0x1] =	stream.linear.gather [hbm4b:s7+s2], $0x2800, $0x38;
	[tilespmem:$0xD700] =	vst v63  }
0x13: {  	_ =	swait.ge [sflag:s13], $0x2800  }
0x14: {  	[sflag:s13] =	ssyncset.done $0x0  }
0x15: {  	s22 =	simm.s32 $0x40;
	s23 =	simm.s32 $0x0;
	[sflag:s13] =	ssyncadd.s32 $0xFFFFD800  }
.LBB2_2:
0x16: {  	p0 =	sne.s32 s22, $0x9C40;
	[tilespmem:s23+$0x9F00] =	vst v1;
	s24 =	smov.u32 s22;
	s22 =	sadd.s32 $0x40, s22  }
.Ltmp0:
0x17: {  	[tilespmem:s23+$0x5000] =	vst v0;
	(pc) =	sbr.rel @p0 .LBB2_2-.Ltmp0, $2  }
0x18: {  	[tilespmem:s23+$0x7780] =	vst v0;
	_ =	sdelay $0x2  }
0x19: {  	s23 =	sshra.s32 s24, $0x2  }
0x1a: {  	[tilespmem:s23+$0x9F00] =	vst v1  }
0x1b: {  	[tilespmem:s23+$0x5000] =	vst v0  }
0x1c: {  	s22 =	simm.s32 $0x0;
	[tilespmem:s23+$0x7780] =	vst v0;
	s24 =	simm.s32 $0x0;
	s23 =	simm.s32 $0x0  }
.LBB2_4:
0x1d: {  	s25 =	smul.u32 $0x7D0, s23;
	_ =	sdelay $0x1  }
0x1e: {  	s25 =	sadd.s32 s4, s25  }
0x1f: {  	s25 =	sshrl.u32 s25, $0x3  }
0x20: {  	s26 =	sadd.s32 s3, s25  }
0x21: {  	[tilespmem:s15], [sflag:$0x1] =	stream.linear.gather [hbm4b:s26+s22], $0x7D0, $0x38;
	[tilespmem:$0xD700] =	vst v63  }
0x22: {  	_ =	swait.ge [sflag:s13], $0x7D0  }
0x23: {  	[sflag:s13] =	ssyncset.done $0x0  }
0x24: {  	s25 =	sadd.s32 s5, s25;
	[sflag:s13] =	ssyncadd.s32 $0xFFFFF830  }
0x25: {  	[tilespmem:s16], [sflag:$0x1] =	stream.linear.gather [hbm4b:s25+s22], $0x7D0, $0x38;
	[tilespmem:$0xD700] =	vst v63  }
0x26: {  	_ =	swait.ge [sflag:s13], $0x7D0  }
0x27: {  	[sflag:s13] =	ssyncset.done $0x0  }
0x28: {  	s30 =	simm.s32 $0x0;
	[sflag:s13] =	ssyncadd.s32 $0xFFFFF830  }
0x29: {  	v2 =	vld [tilespmem:s30+$0xC680]  }
0x2a: {  	v3 =	vld [tilespmem:s30+$0xCE80];
	_ =	sdelay $0x6  }
0x2b: {  	v4 =	vld.idx.msk [tilespmem:v2+s2+$0x0], $0xffff  }
0x2c: {  	v5 =	vld.idx.msk [tilespmem:v3+s2+$0x0], $0xffff;
	_ =	sdelay $0x4  }
0x2d: {  	v4 =	vadd.s32 v4, v5  }
0x2e: {  	v6 =	vld.idx.msk [tilespmem:v3+s14+$0x0], $0xffff;
	vm0 =	vgt.s32 v4, $0x0  }
0x2f: {  	v4 =	vld.idx.msk [tilespmem:v2+s14+$0x0], $0xffff;
	v5 =	vmpcnt.ones.xlane vm0;
	_ =	sdelay $0x1  }
0x30: {  	v5 =	vxor.u32 $0x80000000, v5  }
0x31: {  	(xrf0) =	vmax.scan.msk.u32 $0xffff, v5;
	_ =	sdelay $0x1  }
0x32: {  	v4 =	vmul.f32 v6, v4  }
0x33: {  	[tilespmem:s24+$0x5000] =	vst.msk vm0, v2  }
0x34: {  	[tilespmem:s24+$0x7780] =	vst.msk vm0, v3  }
0x35: {  	s31 =	simm.s32 $0x10;
	[tilespmem:s24+$0x9F00] =	vst.msk vm0, v4  }
0x36: {  	v3 =	vld [tilespmem:s31+$0xC680];
	v4, _, _ =	vpop (xrf0)  }
0x37: {  	v2 =	vld [tilespmem:s31+$0xCE80];
	(v2sf) =	vpush v4, $0xF;
	_ =	sdelay $0x6  }
0x38: {  	v4 =	vld.idx.msk [tilespmem:v3+s2+$0x0], $0xffff  }
0x39: {  	v5 =	vld.idx.msk [tilespmem:v2+s2+$0x0], $0xffff;
	_ =	sdelay $0x4  }
0x3a: {  	v5 =	vadd.s32 v4, v5;
	v4 =	vld.idx.msk [tilespmem:v3+s14+$0x0], $0xffff  }
0x3b: {  	vm0 =	vgt.s32 v5, $0x0;
	v5 =	vld.idx.msk [tilespmem:v2+s14+$0x0], $0xffff  }
0x3c: {  	s25 =	simm.s32 $0x80;
	v6 =	vmpcnt.ones.xlane vm0;
	s26 =	spop (v2sf)  }
.LBB2_5:
0x3d: {  	p0 =	sne.s32 s25, $0x1F00  }
0x3e: {  	v6 =	vxor.u32 $0x80000000, v6;
	s24 =	sadd.s32 s26, s24;
	s26 =	smov.u32 s25;
	s25 =	sadd.s32 $0x40, s25  }
0x3f: {  	(xrf0) =	vmax.scan.msk.u32 $0xffff, v6;
	s24 =	sadd.s32 $0x80000000, s24  }
0x40: {  	v4 =	vmul.f32 v5, v4;
	[tilespmem:s24+$0x5000] =	vst.msk vm0, v3  }
0x41: {  	[tilespmem:s24+$0x7780] =	vst.msk vm0, v2  }
0x42: {  	s26 =	sshra.s32 s26, $0x2;
	[tilespmem:s24+$0x9F00] =	vst.msk vm0, v4  }
0x43: {  	v3 =	vld [tilespmem:s26+$0xC680]  }
0x44: {  	v2 =	vld [tilespmem:s26+$0xCE80]  }
0x45: {  	v4, _, _ =	vpop (xrf0)  }
0x46: {  	(v2sf) =	vpush v4, $0xF;
	_ =	sdelay $0x4  }
0x47: {  	v5 =	vld.idx.msk [tilespmem:v3+s2+$0x0], $0xffff  }
0x48: {  	v6 =	vld.idx.msk [tilespmem:v2+s2+$0x0], $0xffff;
	_ =	sdelay $0x4  }
.Ltmp1:
0x49: {  	v4 =	vld.idx.msk [tilespmem:v3+s14+$0x0], $0xffff;
	(pc) =	sbr.rel @p0 .LBB2_5-.Ltmp1, $4  }
0x4a: {  	v6 =	vadd.s32 v5, v6;
	v5 =	vld.idx.msk [tilespmem:v2+s14+$0x0], $0xffff  }
0x4b: {  	vm0 =	vgt.s32 v6, $0x0  }
0x4c: {  	v6 =	vmpcnt.ones.xlane vm0  }
0x4d: {  	s26 =	spop (v2sf)  }
0x4e: {  	v6 =	vxor.u32 $0x80000000, v6  }
0x4f: {  	(xrf0) =	vmax.scan.msk.u32 $0xffff, v6;
	_ =	sdelay $0x5  }
0x50: {  	v6, _, _ =	vpop (xrf0)  }
0x51: {  	(v2sf) =	vpush v6, $0xF;
	_ =	sdelay $0xa  }
0x52: {  	s23 =	sadd.s32 $0x1, s23  }
0x53: {  	p0 =	sne.s32 s23, $0x5  }
.Ltmp2:
0x54: {  	s24 =	sadd.s32 s26, s24;
	(pc) =	sbr.rel @p0 .LBB2_4-.Ltmp2, $4  }
0x55: {  	s24 =	sadd.s32 $0x80000000, s24  }
0x56: {  	v4 =	vmul.f32 v5, v4;
	[tilespmem:s24+$0x5000] =	vst.msk vm0, v3;
	s25 =	spop (v2sf)  }
0x57: {  	[tilespmem:s24+$0x7780] =	vst.msk vm0, v2;
	s25 =	sadd.s32 s25, s24  }
0x58: {  	[tilespmem:s24+$0x9F00] =	vst.msk vm0, v4;
	s24 =	sadd.s32 $0x80000000, s25  }
0x59: {  	s22 =	sadd.s32 $0xF, s24  }
0x5a: {  	s23 =	sand.u32 $0xF, s22  }
0x5b: {  	s31 =	sshra.s32 s22, $0x1F;
	p1 =	slt.s32 s22, $0x1;
	p0 =	sne.s32 s23, $0x0  }
0x5c: {  	s23 =	sshrl.u32 s31, $0x1C;
	p0 =	por !p1, !p0  }
0x5d: {  	s22 =	sadd.s32 s23, s22;
	s23 =	simm.s32 $0x1;
	p0 =	por !p0, !p0  }
0x5e: {  	s22 =	sshrl.u32 s22, $0x4;
	s23 =	simm.s32 @!p0 $0x0  }
0x5f: {  	s22 =	ssub.s32 s22, s23  }
0x60: {  	s22 =	sshll.u32 s22, $0x4  }
0x61: {  	v2 =	vmov s22  }
0x62: {  	[tilespmem:$0xD680] =	vst v2  }
0x63: {  	[hbm4b:s8+s2] =	stream.linear.scatter [tilespmem:s17], [sflag:$0x1], $0x10, $0x38;
	[tilespmem:$0xD700] =	vst v63  }
0x64: {  	_ =	swait.ge [sflag:s13], $0x10  }
0x65: {  	[sflag:s13] =	ssyncset.done $0x0  }
0x66: {  	[sflag:s13] =	ssyncadd.s32 $0xFFFFFFF0  }
0x67: {  	[hbm4b:s9+s2] =	stream.linear.scatter [tilespmem:s18], [sflag:$0x1], $0x2710, $0x38;
	[tilespmem:$0xD700] =	vst v63  }
0x68: {  	_ =	swait.ge [sflag:s13], $0x2710  }
0x69: {  	[sflag:s13] =	ssyncset.done $0x0  }
0x6a: {  	[sflag:s13] =	ssyncadd.s32 $0xFFFFD8F0  }
0x6b: {  	[hbm4b:s10+s2] =	stream.linear.scatter [tilespmem:s19], [sflag:$0x1], $0x2710, $0x38;
	[tilespmem:$0xD700] =	vst v63  }
0x6c: {  	s21 =	sadd.s32 $0x1, s21;
	_ =	swait.ge [sflag:s13], $0x2710  }
0x6d: {  	p0 =	sne.s32 s21, s12;
	[sflag:s13] =	ssyncset.done $0x0  }
.Ltmp3:
0x6e: {  	[sflag:s13] =	ssyncadd.s32 $0xFFFFD8F0;
	(pc) =	sbr.rel @p0 .LBB2_1-.Ltmp3, $4  }
0x6f: {  	[hbm4b:s11+s2] =	stream.linear.scatter [tilespmem:s20], [sflag:$0x1], $0x2710, $0x38;
	[tilespmem:$0xD700] =	vst v63  }
0x70: {  	_ =	swait.ge [sflag:s13], $0x2710  }
0x71: {  	[sflag:s13] =	ssyncset.done $0x0  }
0x72: {  	[sflag:s13] =	ssyncadd.s32 $0xFFFFD8F0  }
0x73: {  	_ =	sfence.sel $0x180000  }
0x74: {  	[bflag:$0x0] =	sbarrier.arrive $0xFFFF  }
0x75: {  	p0 =	sne.s32 s1, $0x0;
	_ =	strace $0x9000004D  }
0x76: {  	s0 =	sadd.s32 @!p0 $0x100000, s0;
	[bflag:$0x2] =	sbarrier.arrive $0xFFFF  }
0x77: {  	[sflag:s0] =	ssyncadd.tile.s32 @!p0 $0x1;
	_ =	shalt  }
.Lfunc_end2:
_tile_overlayer_lowered:
.L_overlay_start_2:
0x78: {  	(tag) =	ssettag $0x2  }
0x79: {  	s0 =	rddreg [dreg:$0x0];
	s2 =	stileid.u32  }
0x7a: {  	s1 =	rddreg [dreg:$0x1];
	p0 =	sne.s32 s2, $0x0  }
0x7b: {  	s3 =	rddreg [dreg:$0x2];
	[bflag:$0x3] =	sbarrier.arrive $0xFFFF;
	s2 =	simm.s32 @!p0 $0x1C01  }
0x7c: {  	[timem:s3], [sflag:s2] =	dma.local @!p0 [hbm:s0], s1  }
0x7d: {  	s0 =	simm.s32 @!p0 $0x1  }
0x7e: {  	_ =	swait.ge @!p0 [sflag:s0], s1  }
0x7f: {  	s1 =	ssub.s32 @!p0 $0x0, s1;
	[sflag:s0] =	ssyncset.done @!p0 $0x0  }
0x80: {  	[sflag:s0] =	ssyncadd.s32 @!p0 s1  }
0x81: {  	[bflag:$0x3] =	sbarrier.arrive $0xFFFF  }
0x82: {  	_ =	shalt  }

// kernel: kernel.20.cloned.1.call-start
scs
__scs_entry_jumppad:
0x0: {  	(pc) =	sbr.rel $0x88, $3  }
0x1: {  	(tag) =	ssettag $0x0;
	lr =	simm.s32 $0x1  }
0x2: {  	[smem:$0x3F93] =	sst lr;
	_ =	strace $0xD0000000  }
0x3: {  	_ = 	snop  }
0x4: {  	_ = 	snop  }
0x5: {  	_ = 	snop  }
0x6: {  	_ = 	snop  }
0x7: {  	_ = 	snop  }
__scs_overlays_trampoline_lowered:
0x8: {  	[smem:$0x3FA2] =	sst s0  }
0x9: {  	[smem:$0x3FA3] =	sst s1  }
0xa: {  	[smem:$0x3FA4] =	sst s2  }
0xb: {  	[smem:$0x3FA5] =	sst s3  }
0xc: {  	[smem:$0x3FA6] =	sst s4  }
0xd: {  	[smem:$0x3FA7] =	sst s5  }
0xe: {  	[smem:$0x3FA8] =	sst s6  }
0xf: {  	[smem:$0x3FA9] =	sst s7  }
0x10: {  	[smem:$0x3FAA] =	sst s8  }
0x11: {  	[smem:$0x3FAB] =	sst s9;
	s0 =	simm.s32 @!p0 $0x0  }
0x12: {  	s1 =	sld [smem:$0x3F91];
	s0 =	simm.s32 @p0 $0x1  }
0x13: {  	[smem:$0x3FAC] =	sst s0;
	s0 =	simm.s32 @!p1 $0x0  }
0x14: {  	s2 =	sld [smem:$0x3F90];
	s0 =	simm.s32 @p1 $0x1  }
0x15: {  	[smem:$0x3FAD] =	sst s0;
	s0 =	simm.s32 @!p2 $0x0  }
0x16: {  	s3 =	sld [smem:$0x3FDB];
	s0 =	simm.s32 @p2 $0x1  }
0x17: {  	s4 =	simm.s32 $0x1BF5;
	[smem:$0x3FAF] =	sst s0  }
0x18: {  	s0 =	sld [smem:$0x3F92];
	_ =	swait.ge [sflag:s4], $0x0  }
0x19: {  	s7 =	sld [smem:$0x3F93]  }
0x1a: {  	s8 =	sadd.s32 $0xFFFFE003, lr  }
0x1b: {  	s9 =	sadd.s32 $0xFFFFFEF7, lr;
	s5 =	simm.s32 $0xFFFFFFFF;
	p2 =	slt.u32 s8, $0xFFFFF086  }
0x1c: {  	p1 =	slt.u32 s9, $0xF7A;
	s5 =	simm.s32 @!p2 $0x0  }
0x1d: {  	s5 =	simm.s32 @p1 $0x1;
	p0 =	seq.s32 s7, s2  }
0x1e: {  	s7 =	smul.u32 @!p0 $0xF7A, s2;
	p2 =	seq.s32 @!p0 s5, $0x0  }
0x1f: {  	s9 =	smul.u32 $0xF7A, s1;
	s8 =	simm.s32 @!p0 $0x1BF5;
	p2 =	por !p2, p0  }
0x20: {  	[sflag:s8] =	ssyncset.s32 @!p0 $0xFFFFF086;
	s6 =	sadd.s32 @!p0 s3, s7;
	s7 =	simm.s32 @!p0 $0x108  }
0x21: {  	s3 =	sadd.s32 s3, s9;
	s6 =	sadd.s32 @!p0 $0x88, s6;
	s7 =	simm.s32 @p2 $0x1082  }
0x22: {  	[simem:s7], [sflag:s8] =	dma.local @!p0 [hbm:s6], $0xF7A  }
0x23: {  	s9 =	sor.u32 $0xD0000000, s2;
	s6 =	simm.s32 $0x108;
	_ =	swait.ge @!p0 [sflag:s8], $0x0  }
0x24: {  	s3 =	sadd.s32 $0x88, s3;
	s6 =	simm.s32 @!p1 $0x1082;
	[sflag:s4] =	ssyncset.s32 $0xFFFFF086  }
0x25: {  	[simem:s6], [sflag:s4] =	dma.local [hbm:s3], $0xF7A  }
0x26: {  	[smem:$0x3F93] =	sst s1;
	(tag) =	ssettag s2;
	_ =	strace s9  }
0x27: {  	s1 =	sld [smem:$0x3FA3]  }
0x28: {  	s2 =	sld [smem:$0x3FA4]  }
0x29: {  	s4 =	sld [smem:$0x3FA6]  }
0x2a: {  	p0 =	seq.s32 s5, $0x0;
	s5 =	sld [smem:$0x3FA7]  }
0x2b: {  	s6 =	sld [smem:$0x3FA8]  }
0x2c: {  	s7 =	sld [smem:$0x3FA9]  }
0x2d: {  	s3 =	simm.s32 $0x108;
	s8 =	sld [smem:$0x3FAA]  }
0x2e: {  	s3 =	simm.s32 @!p0 $0x1082;
	s9 =	sld [smem:$0x3FAB]  }
0x2f: {  	lr =	sadd.s32 s0, s3;
	s0 =	sld [smem:$0x3FA2]  }
0x30: {  	s3 =	sld [smem:$0x3FA5]  }
0x31: {  	[smem:$0x3FAE] =	sst s10  }
0x32: {  	s10 =	sld [smem:$0x3FAC];
	_ =	sdelay $0x3  }
0x33: {  	p0 =	seq.s32 s10, $0x1;
	s10 =	sld [smem:$0x3FAE];
	_ =	sdelay $0x3  }
0x34: {  	[smem:$0x3FAE] =	sst s10  }
0x35: {  	s10 =	sld [smem:$0x3FAD];
	_ =	sdelay $0x3  }
0x36: {  	p1 =	seq.s32 s10, $0x1;
	s10 =	sld [smem:$0x3FAE];
	_ =	sdelay $0x3  }
0x37: {  	[smem:$0x3FAE] =	sst s10  }
0x38: {  	s10 =	sld [smem:$0x3FAF]  }
0x39: {  	_ = 	snop;
	(pc) =	sbr.ind lr, $3  }
0x3a: {  	_ = 	snop  }
0x3b: {  	_ = 	snop  }
0x3c: {  	p2 =	seq.s32 s10, $0x1;
	s10 =	sld [smem:$0x3FAE]  }
0x3d: {  	_ =	shalt  }
0x3e: {  	_ =	shalt  }
0x3f: {  	_ =	shalt  }
0x40: {  	_ =	shalt  }
0x41: {  	_ =	shalt  }
0x42: {  	_ =	shalt  }
0x43: {  	_ =	shalt  }
0x44: {  	_ =	shalt  }
0x45: {  	_ =	shalt  }
0x46: {  	_ =	shalt  }
0x47: {  	_ =	shalt  }
0x48: {  	_ =	shalt  }
0x49: {  	_ =	shalt  }
0x4a: {  	_ =	shalt  }
0x4b: {  	_ =	shalt  }
0x4c: {  	_ =	shalt  }
0x4d: {  	_ =	shalt  }
0x4e: {  	_ =	shalt  }
0x4f: {  	_ =	shalt  }
0x50: {  	_ =	shalt  }
0x51: {  	_ =	shalt  }
0x52: {  	_ =	shalt  }
0x53: {  	_ =	shalt  }
0x54: {  	_ =	shalt  }
0x55: {  	_ =	shalt  }
0x56: {  	_ =	shalt  }
0x57: {  	_ =	shalt  }
0x58: {  	_ =	shalt  }
0x59: {  	_ =	shalt  }
0x5a: {  	_ =	shalt  }
0x5b: {  	_ =	shalt  }
0x5c: {  	_ =	shalt  }
0x5d: {  	_ =	shalt  }
0x5e: {  	_ =	shalt  }
0x5f: {  	_ =	shalt  }
0x60: {  	_ =	shalt  }
0x61: {  	_ =	shalt  }
0x62: {  	_ =	shalt  }
0x63: {  	_ =	shalt  }
0x64: {  	_ =	shalt  }
0x65: {  	_ =	shalt  }
0x66: {  	_ =	shalt  }
0x67: {  	_ =	shalt  }
0x68: {  	_ =	shalt  }
0x69: {  	_ =	shalt  }
0x6a: {  	_ =	shalt  }
0x6b: {  	_ =	shalt  }
0x6c: {  	_ =	shalt  }
0x6d: {  	_ =	shalt  }
0x6e: {  	_ =	shalt  }
0x6f: {  	_ =	shalt  }
0x70: {  	_ =	shalt  }
0x71: {  	_ =	shalt  }
0x72: {  	_ =	shalt  }
0x73: {  	_ =	shalt  }
0x74: {  	_ =	shalt  }
0x75: {  	_ =	shalt  }
0x76: {  	_ =	shalt  }
0x77: {  	_ =	shalt  }
0x78: {  	_ =	shalt  }
0x79: {  	_ =	shalt  }
0x7a: {  	_ =	shalt  }
0x7b: {  	_ =	shalt  }
0x7c: {  	_ =	shalt  }
0x7d: {  	_ =	shalt  }
0x7e: {  	_ =	shalt  }
0x7f: {  	_ =	shalt  }
0x80: {  	_ =	shalt  }
0x81: {  	_ =	shalt  }
0x82: {  	_ =	shalt  }
0x83: {  	_ =	shalt  }
0x84: {  	_ =	shalt  }
0x85: {  	_ =	shalt  }
0x86: {  	_ =	shalt  }
0x87: {  	_ =	shalt  }
.Lfunc_end0:
.L_simem_size_0:
called_computation.3_lowered:
.L_overlay_start_0:
0x88: {  	s2 =	sld [smem:$0x3FD9]  }
0x89: {  	s3 =	sld [smem:$0x3FFE];
	_ =	sdelay $0x1  }
0x8a: {  	s1 =	srdreg.scid  }
0x8b: {  	s0 =	sand.u32 $0x1, s1  }
0x8c: {  	s16 =	sshll.u32 s0, $0xA;
	s2 =	sadd.s32 s3, s2  }
0x8d: {  	s2 =	sadd.s32 s2, s16  }
0x8e: {  	[smem:$0x3FBA] =	sst s2  }
0x8f: {  	_ = 	snop  }
0x90: {  	(tm) =	ssettm $0x1  }
0x91: {  	s17 =	sld [smem:$0x3FFB];
	_ =	sdelay $0x3  }
0x92: {  	_ =	strace s17  }
0x93: {  	s2 =	sld [smem:$0x3FFC];
	_ =	sdelay $0x3  }
0x94: {  	_ =	strace s2  }
0x95: {  	s2 =	sld [smem:$0x3FFD];
	_ =	sdelay $0x3  }
0x96: {  	_ =	strace s2  }
0x97: {  	_ =	strace $0x8FFFFFFF  }
0x98: {  	s18 =	sld [smem:$0x3FDB];
	_ =	sdelay $0x1  }
0x99: {  	s19 =	simm.s32 $_scs_section_size  }
0x9a: {  	s4 =	simm.s32 $_size__tile_overlayer_lowered;
	s5 =	simm.s32 $_tile_overlayer_lowered  }
0x9b: {  	s22 =	simm.s32 $0x1BFF;
	s21 =	sshll.u32 s5, $0x1;
	s2 =	sadd.s32 s19, s18  }
0x9c: {  	s6 =	simm.s32 $0x0;
	s20 =	sshll.u32 s4, $0x1;
	s4 =	sadd.s32 s21, s2  }
0x9d: {  	[timem:s6], [sflag:s22] =	dma.local [hbm:s4], s20  }
0x9e: {  	_ =	swait.ge [sflag:s22], s20  }
0x9f: {  	s3 =	ssub.s32 $0x0, s20;
	[sflag:s22] =	ssyncset.done $0x0  }
0xa0: {  	[sflag:s22] =	ssyncadd.s32 s3;
	_ =	sdelay $0x1  }
0xa1: {  	s23 =	simm.s32 $0x1B8B  }
0xa2: {  	_ =	swait.ge [sflag:s23], $0x1  }
0xa3: {  	[sflag:s23] =	ssyncset.done $0x0  }
0xa4: {  	s25 =	simm.s32 $0x1B8E;
	s24 =	sld [smem:$0x3FFE];
	[sflag:s23] =	ssyncadd.s32 $0xFFFFFFFF  }
0xa5: {  	s26 =	simm.s32 $execute0_lowered;
	[smem:$0x3FD2] =	sst s25  }
0xa6: {  	s4 =	sshll.u32 s26, $0x1;
	_ =	strace $0x8000004F;
	[dreg:$0x1] =	wrdreg $0xFFFFFFFF  }
0xa7: {  	s28 =	simm.s32 $_size_execute0_lowered;
	s2 =	sadd.s32 s2, s4;
	[dreg:$0x0] =	wrdreg $0x0  }
0xa8: {  	s4 =	sshll.u32 s28, $0x1;
	[dreg:$0x2] =	wrdreg s2  }
0xa9: {  	[dreg:$0x3] =	wrdreg s4  }
0xaa: {  	[dreg:$0x4] =	wrdreg $0xC0  }
0xab: {  	_ =	task [dreg:s6], $0x5FFFF  }
0xac: {  	[dreg:$0x1] =	wrdreg $0xFFFFFFFF  }
0xad: {  	[dreg:$0x0] =	wrdreg $0x60  }
0xae: {  	[dreg:$0x2] =	wrdreg s24  }
0xaf: {  	[dreg:$0x3] =	wrdreg $0x9  }
0xb0: {  	_ =	task.clear_ibuf [dreg:s6], $0x4FFFF;
	_ =	strace $0x9000004F  }
0xb1: {  	s29 =	simm.s32 $0x9;
	_ =	strace $0x80000051  }
0xb2: {  	_ =	swait.ge [sflag:s29], $0x1  }
0xb3: {  	[sflag:s29] =	ssyncadd.s32 $0xFFFFFFFF  }
0xb4: {  	_ =	strace $0x90000051  }
0xb5: {  	_ =	sfence  }
0xb6: {  	s30 =	sld [smem:$0x0];
	_ =	sdelay $0x2  }
0xb7: {  	s31 =	sshll.u32 s1, $0xD;
	s1 =	sshrl.u32 s1, $0x2  }
0xb8: {  	s3 =	sand.u32 $0x4000, s31;
	s1 =	sadd.s32 s1, s30  }
0xb9: {  	s0 =	sor.u32 s3, s0;
	s1 =	sshll.u32 s1, $0x11  }
0xba: {  	s0 =	sor.u32 s1, s0  }
0xbb: {  	s0 =	sadd.s32 $0x8F2B, s0  }
0xbc: {  	[sflag:s0] =	ssyncadd.remote.s32 $0x1  }
0xbd: {  	_ =	sfence.sel $0xFFFF  }
0xbe: {  	[dreg:$0x0] =	wrdreg $0xFFFFFFFF;
	(pc) =	sbr.abs _section_cstart, $3  }
0xbf: {  	[dreg:$0x1] =	wrdreg $0xFFFFFFFF  }
0xc0: {  	_ =	task.clear_ibuf [dreg:s6], $0x2FFFF;
	_ =	strace $0x9FFFFFFF  }
0xc1: {  	(tm) =	ssettm $0x7FFFFFFF  }
tec
execute0_lowered:
.L_overlay_start_1:
0x0: {  	(tag) =	ssettag $0x1  }
0x1: {  	s0 =	rddreg [dreg:$0x0];
	s1 =	simm.s32 $0x0  }
0x2: {  	s20 =	srdreg.scid;
	s4 =	stileid.u32;
	s18 =	simm.s32 $0x13900  }
0x3: {  	s19 =	simm.s32 $0x3;
	s17 =	simm.s32 $0x18100;
	s28 =	simm.s32 $0x9C80  }
0x4: {  	s29 =	simm.s32 $0x2;
	s11 =	simm.s32 $0x1B500;
	[smem:$0x7FF] =	sst s1  }
0x5: {  	s5 =	sadd.s32 $0xD600, s0;
	s12 =	sadd.s32 $0x3800, s0;
	s2 =	sadd.s32 $0x2B800, s0  }
0x6: {  	s3 =	sadd.s32 $0xE9E00, s0;
	s6 =	sadd.s32 $0x41A00, s0;
	s4 =	sshll.u32 s4, $0x1  }
0x7: {  	s7 =	sadd.s32 $0x17A00, s0;
	s8 =	sadd.s32 $0x21800, s0;
	s10 =	sadd.s32 $0x42000, s0  }
0x8: {  	s21 =	sadd.s32 $0x2B600, s0;
	_ =	strace $0x80000050;
	[dreg:$0x4] =	wrdreg s3  }
0x9: {  	s23 =	sadd.s32 $0x186200, s0;
	[dreg:$0x5] =	wrdreg s6;
	s3 =	sand.u32 $0x1, s20  }
0xa: {  	s0 =	sadd.s32 $0x4BE00, s0;
	[dreg:$0x7] =	wrdreg s21;
	s9 =	sor.u32 s3, s4  }
0xb: {  	s13 =	simm.s32 $0x1BA00;
	[dreg:$0x8] =	wrdreg s0;
	s22 =	smul.u32 $0x4E20, s9  }
0xc: {  	s3 =	ssub.s32 $0x2, s3;
	[dreg:$0x6] =	wrdreg s9;
	s9 =	smul.u32 $0x9C4, s9  }
0xd: {  	s20 =	simm.s32 $0x1CE00;
	[dreg:$0x2] =	wrdreg s5;
	s24 =	sshrl.u32 s3, $0x1  }
0xe: {  	[dreg:$0x3] =	wrdreg s12;
	s0 =	ssub.s32 s3, s24;
	s25 =	sadd.s32 s2, s9  }
0xf: {  	s4 =	sshrl.u32 s22, $0x3;
	s30 =	sadd.s32 s23, s9;
	[dreg:$0x9] =	wrdreg s25  }
0x10: {  	s0 =	smax.u32 s0, $0x1;
	s26 =	sadd.s32 $0x4E2, s4;
	[dreg:$0xb] =	wrdreg s30  }
0x11: {  	s21 =	simm.s32 $0x19100;
	[dreg:$0xd] =	wrdreg s0;
	s2 =	sadd.s32 s2, s26  }
0x12: {  	s6 =	simm.s32 $0x1B000;
	s31 =	sadd.s32 s23, s26;
	[dreg:$0xa] =	wrdreg s2  }
0x13: {  	v0 =	vimm.f32 $0.0e+00;
	s24 =	simm.s32 $0x1;
	[dreg:$0xc] =	wrdreg s31;
	s2 =	simm.s32 $0x0  }
.LBB2_1:
0x14: {  	[dreg:$0xe] =	wrdreg s2  }
0x15: {  	s0 =	rddreg [dreg:$0x5]  }
0x16: {  	[tilespmem:s18], [sflag:$0x3] =	stream.linear.gather [hbm4b:s0+s1], $0x2800, $0x38;
	[tilespmem:$0x1D000] =	vst v63  }
0x17: {  	_ =	swait.ge [sflag:s19], $0x2800  }
0x18: {  	[sflag:s19] =	ssyncset.done $0x0  }
0x19: {  	s25 =	rddreg [dreg:$0x7];
	[sflag:s19] =	ssyncadd.s32 $0xFFFFD800  }
0x1a: {  	[tilespmem:s20], [sflag:$0x3] =	stream.linear.gather [hbm4b:s25+s1], $0x200, $0x38;
	[tilespmem:$0x1D000] =	vst v63  }
0x1b: {  	_ =	swait.ge [sflag:s19], $0x200  }
0x1c: {  	[sflag:s19] =	ssyncset.done $0x0  }
0x1d: {  	s26 =	rddreg [dreg:$0x9];
	[sflag:s19] =	ssyncadd.s32 $0xFFFFFE00  }
0x1e: {  	[tilespmem:s1], [sflag:$0x3] =	stream.linear.gather [hbm4b:s26+s1], $0x2710, $0x38;
	[tilespmem:$0x1D000] =	vst v63  }
0x1f: {  	_ =	swait.ge [sflag:s19], $0x2710  }
0x20: {  	[sflag:s19] =	ssyncset.done $0x0  }
0x21: {  	s31 =	simm.s32 $0x2710;
	s30 =	rddreg [dreg:$0xa];
	[sflag:s19] =	ssyncadd.s32 $0xFFFFD8F0  }
0x22: {  	[tilespmem:s31], [sflag:$0x3] =	stream.linear.gather [hbm4b:s30+s1], $0x2710, $0x38;
	[tilespmem:$0x1D000] =	vst v63  }
0x23: {  	_ =	swait.ge [sflag:s19], $0x2710  }
0x24: {  	[sflag:s19] =	ssyncset.done $0x0  }
0x25: {  	s2 =	simm.s32 $0x0;
	s0 =	simm.s32 $0x40;
	[sflag:s19] =	ssyncadd.s32 $0xFFFFD8F0  }
.LBB2_2:
0x26: {  	p0 =	sne.s32 s0, $0x13840;
	[tilespmem:s2+$0x9C80] =	vst v0;
	s2 =	smov.u32 s0;
	s0 =	sadd.s32 $0x40, s0  }
.Ltmp0:
0x27: {  	(pc) =	sbr.rel @p0 .LBB2_2-.Ltmp0, $2  }
0x28: {  	_ =	sdelay $0x2  }
0x29: {  	s2 =	sshra.s32 s2, $0x2  }
0x2a: {  	[tilespmem:s2+$0x9C80] =	vst v0;
	s0 =	simm.s32 $0x0;
	s30 =	simm.s32 $0x16100  }
0x2b: {  	[tilespmem:s30], [sflag:$0x1] =	stream.linear.gather [hbm4b:s5+s0], $0xFA0, $0x38;
	[tilespmem:$0x1D000] =	vst v63  }
0x2c: {  	s31 =	simm.s32 $0x17100  }
0x2d: {  	[tilespmem:s31], [sflag:$0x1] =	stream.linear.gather [hbm4b:s12+s0], $0xFA0, $0x38;
	[tilespmem:$0x1D000] =	vst v63  }
.LBB2_4:
0x2e: {  	_ =	swait.ge [sflag:s24], $0xFA0  }
0x2f: {  	s3 =	smul.u32 $0x1F40, s0;
	[sflag:s24] =	ssyncset.done $0x0  }
0x30: {  	[sflag:s24] =	ssyncadd.s32 $0xFFFFF060  }
0x31: {  	s2 =	sshrl.u32 s3, $0x3;
	_ =	swait.ge [sflag:s24], $0xFA0  }
0x32: {  	s2 =	sadd.s32 $0x1F4, s2;
	[sflag:s24] =	ssyncset.done $0x0  }
0x33: {  	s4 =	sadd.s32 s5, s2;
	[sflag:s24] =	ssyncadd.s32 $0xFFFFF060  }
0x34: {  	[tilespmem:s17], [sflag:$0x2] =	stream.linear.gather [hbm4b:s4+s1], $0xFA0, $0x38;
	[tilespmem:$0x1D000] =	vst v63  }
0x35: {  	s31 =	simm.s32 $0x16120;
	s2 =	sadd.s32 s12, s2  }
0x36: {  	[tilespmem:s21], [sflag:$0x2] =	stream.linear.gather [hbm4b:s2+s1], $0xFA0, $0x38;
	[tilespmem:$0x1D000] =	vst v63  }
0x37: {  	s14 =	simm.s32 $0x17120;
	v3 =	vld [tilespmem:s31+$0x10]  }
0x38: {  	v4 =	vld [tilespmem:s14+$0x10];
	_ =	sdelay $0x2  }
0x39: {  	v6 =	vld [tilespmem:s14+$0xFFFFFFE0]  }
0x3a: {  	v7 =	vld [tilespmem:s31+$0xFFFFFFF0]  }
0x3b: {  	v9 =	vld [tilespmem:s14+$0xFFFFFFF0]  }
0x3c: {  	v5 =	vld [tilespmem:s31+$0xFFFFFFE0]  }
0x3d: {  	v1 =	vld.idx.msk [tilespmem:v3+s18+$0x0], $0xffff  }
0x3e: {  	v2 =	vld.idx.msk [tilespmem:v4+s18+$0x0], $0xffff  }
0x3f: {  	v10 =	vld [tilespmem:s31+$0x0]  }
0x40: {  	v8 =	vld.idx.msk [tilespmem:v3+s1+$0x0], $0xffff  }
0x41: {  	v12 =	vld [tilespmem:s14+$0x0]  }
0x42: {  	v11 =	vld.idx.msk [tilespmem:v6+s18+$0x0], $0xffff  }
0x43: {  	v13 =	vld.idx.msk [tilespmem:v7+s18+$0x0], $0xffff;
	v15 =	vmul.f32 v2, v1  }
0x44: {  	v1 =	vld.idx.msk [tilespmem:v5+s18+$0x0], $0xffff  }
0x45: {  	v14 =	vld.idx.msk [tilespmem:v9+s18+$0x0], $0xffff;
	v8 =	vmul.f32 v8, v15  }
0x46: {  	v16 =	vld.idx.msk [tilespmem:v5+s1+$0x0], $0xffff  }
0x47: {  	[tilespmem:v4+s28+$0x0] =	vst.idx.add.f32.msk $0xffff, v8  }
0x48: {  	v17 =	vld.idx.msk [tilespmem:v4+s1+$0x0], $0xffff  }
0x49: {  	v8 =	vmul.f32 v11, v1;
	v11 =	vld.idx.msk [tilespmem:v7+s1+$0x0], $0xffff  }
0x4a: {  	v18 =	vld.idx.msk [tilespmem:v12+s18+$0x0], $0xffff  }
0x4b: {  	v2 =	vld.idx.msk [tilespmem:v10+s18+$0x0], $0xffff;
	v16 =	vmul.f32 v16, v8  }
0x4c: {  	v19 =	vadd.s32 $0x2710, v3;
	v20 =	vld.idx.msk [tilespmem:v10+s1+$0x0], $0xffff;
	v1 =	vmul.f32 v14, v13  }
0x4d: {  	[tilespmem:v6+s28+$0x0] =	vst.idx.add.f32.msk $0xffff, v16;
	v56 =	vmul.f32 v17, v15  }
0x4e: {  	v57 =	vld.idx.msk [tilespmem:v6+s1+$0x0], $0xffff;
	v11 =	vmul.f32 v11, v1  }
0x4f: {  	[tilespmem:v3+s28+$0x0] =	vst.idx.add.f32.msk $0xffff, v56  }
0x50: {  	v2 =	vmul.f32 v18, v2;
	[tilespmem:v9+s28+$0x0] =	vst.idx.add.f32.msk $0xffff, v11  }
0x51: {  	v13 =	vld.idx.msk [tilespmem:v19+s1+$0x0], $0xffff  }
0x52: {  	v3 =	vadd.s32 $0x2710, v5;
	v11 =	vmul.f32 v20, v2;
	v58 =	vld.idx.msk [tilespmem:v9+s1+$0x0], $0xffff  }
0x53: {  	v59 =	vadd.s32 $0x2710, v4  }
0x54: {  	[tilespmem:v12+s28+$0x0] =	vst.idx.add.f32.msk $0xffff, v11;
	v11 =	vmul.f32 v57, v8  }
0x55: {  	v60 =	vld.idx.msk [tilespmem:v12+s1+$0x0], $0xffff  }
0x56: {  	v4 =	vadd.s32 $0x2710, v7;
	[tilespmem:v5+s28+$0x0] =	vst.idx.add.f32.msk $0xffff, v11;
	v11 =	vmul.f32 v13, v15  }
0x57: {  	v61 =	vld.idx.msk [tilespmem:v3+s1+$0x0], $0xffff;
	v16 =	vmul.f32 v58, v1  }
0x58: {  	v5 =	vadd.s32 $0x2710, v10;
	[tilespmem:v59+s28+$0x0] =	vst.idx.add.f32.msk $0xffff, v11  }
0x59: {  	[tilespmem:v7+s28+$0x0] =	vst.idx.add.f32.msk $0xffff, v16  }
0x5a: {  	v6 =	vadd.s32 $0x2710, v6;
	v11 =	vmul.f32 v60, v2;
	v17 =	vld.idx.msk [tilespmem:v59+s1+$0x0], $0xffff  }
0x5b: {  	v62 =	vld.idx.msk [tilespmem:v4+s1+$0x0], $0xffff  }
0x5c: {  	[tilespmem:v10+s28+$0x0] =	vst.idx.add.f32.msk $0xffff, v11  }
0x5d: {  	v7 =	vmul.f32 v61, v8;
	v11 =	vld.idx.msk [tilespmem:v5+s1+$0x0], $0xffff;
	_ =	sdelay $0x1  }
0x5e: {  	[tilespmem:v6+s28+$0x0] =	vst.idx.add.f32.msk $0xffff, v7;
	v63 =	vmul.f32 v17, v15  }
0x5f: {  	s15 =	simm.s32 $0x0;
	s9 =	simm.s32 $0x17080;
	v10 =	vld.idx.msk [tilespmem:v6+s1+$0x0], $0xffff  }
0x60: {  	s16 =	simm.s32 $0x16160;
	s4 =	simm.s32 $0x18080;
	s2 =	simm.s32 $0xF70;
	v7 =	vadd.s32 $0x2710, v12;
	v6 =	vadd.s32 $0x2710, v9;
	v9 =	vmul.f32 v62, v1;
	[tilespmem:v19+s28+$0x0] =	vst.idx.add.f32.msk $0xffff, v63  }
.LBB2_5:
0x61: {  	v12 =	vld [tilespmem:s16+$0x10];
	v11 =	vmul.f32 v11, v2;
	s14 =	sadd.s32 $0x40, s14  }
0x62: {  	s15 =	sadd.s32 $0x40, s15;
	v13 =	vld [tilespmem:s14+$0x10]  }
0x63: {  	p0 =	slt.u32 s15, $0xF40;
	v14 =	vld [tilespmem:s14+$0xFFFFFFE0]  }
0x64: {  	v10 =	vmul.f32 v10, v8;
	v15 =	vld [tilespmem:s16+$0xFFFFFFF0]  }
0x65: {  	v16 =	vld [tilespmem:s14+$0xFFFFFFF0]  }
0x66: {  	v17 =	vld [tilespmem:s16+$0x0]  }
0x67: {  	v18 =	vld [tilespmem:s14+$0x0]  }
0x68: {  	v19 =	vld [tilespmem:s16+$0xFFFFFFE0];
	v20 =	vadd.s32 $0x2710, v14  }
0x69: {  	v21 =	vadd.s32 $0x2710, v15;
	v8 =	vld.idx.msk [tilespmem:v12+s18+$0x0], $0xffff  }
0x6a: {  	v22 =	vadd.s32 $0x2710, v16;
	v23 =	vld.idx.msk [tilespmem:v13+s18+$0x0], $0xffff  }
0x6b: {  	v24 =	vld.idx.msk [tilespmem:v14+s18+$0x0], $0xffff;
	v25 =	vadd.s32 $0x2710, v17  }
0x6c: {  	v26 =	vadd.s32 $0x2710, v18;
	v27 =	vld.idx.msk [tilespmem:v12+s1+$0x0], $0xffff  }
0x6d: {  	v28 =	vadd.s32 $0x2710, v19;
	v29 =	vld.idx.msk [tilespmem:v15+s18+$0x0], $0xffff  }
0x6e: {  	v30 =	vld.idx.msk [tilespmem:v16+s18+$0x0], $0xffff  }
0x6f: {  	v31 =	vld.idx.msk [tilespmem:v17+s18+$0x0], $0xffff  }
0x70: {  	v23 =	vmul.f32 v23, v8;
	v32 =	vld.idx.msk [tilespmem:v19+s18+$0x0], $0xffff  }
0x71: {  	v33 =	vld.idx.msk [tilespmem:v18+s18+$0x0], $0xffff  }
0x72: {  	v8 =	vmul.f32 v27, v23;
	v34 =	vld.idx.msk [tilespmem:v19+s1+$0x0], $0xffff  }
0x73: {  	v27 =	vld.idx.msk [tilespmem:v15+s1+$0x0], $0xffff  }
0x74: {  	v29 =	vmul.f32 v30, v29;
	[tilespmem:v13+s28+$0x0] =	vst.idx.add.f32.msk $0xffff, v8  }
0x75: {  	v30 =	vld.idx.msk [tilespmem:v13+s1+$0x0], $0xffff  }
0x76: {  	v8 =	vmul.f32 v24, v32;
	v24 =	vld.idx.msk [tilespmem:v17+s1+$0x0], $0xffff  }
0x77: {  	v31 =	vmul.f32 v33, v31;
	[tilespmem:v6+s28+$0x0] =	vst.idx.add.f32.msk $0xffff, v9  }
0x78: {  	v9 =	vmul.f32 v34, v8;
	[tilespmem:v7+s28+$0x0] =	vst.idx.add.f32.msk $0xffff, v11  }
0x79: {  	v11 =	vmul.f32 v27, v29;
	v27 =	vadd.s32 $0x2710, v12;
	v32 =	vld.idx.msk [tilespmem:v6+s1+$0x0], $0xffff;
	v6 =	vmov v22  }
0x7a: {  	[tilespmem:v14+s28+$0x0] =	vst.idx.add.f32.msk $0xffff, v9  }
0x7b: {  	v9 =	vmul.f32 v30, v23;
	[tilespmem:v16+s28+$0x0] =	vst.idx.add.f32.msk $0xffff, v11  }
0x7c: {  	v11 =	vld.idx.msk [tilespmem:v14+s1+$0x0], $0xffff;
	v14 =	vmul.f32 v24, v31  }
0x7d: {  	[tilespmem:v12+s28+$0x0] =	vst.idx.add.f32.msk $0xffff, v9  }
0x7e: {  	v9 =	vld.idx.msk [tilespmem:v27+s1+$0x0], $0xffff  }
0x7f: {  	v12 =	vmul.f32 v32, v1;
	v1 =	vmov v29;
	[tilespmem:v18+s28+$0x0] =	vst.idx.add.f32.msk $0xffff, v14  }
0x80: {  	v14 =	vld.idx.msk [tilespmem:v16+s1+$0x0], $0xffff  }
0x81: {  	v13 =	vadd.s32 $0x2710, v13;
	v16 =	vld.idx.msk [tilespmem:v18+s1+$0x0], $0xffff  }
0x82: {  	v11 =	vmul.f32 v11, v8;
	v18 =	vld.idx.msk [tilespmem:v7+s1+$0x0], $0xffff;
	v7 =	vmov v26  }
0x83: {  	[tilespmem:v3+s28+$0x0] =	vst.idx.add.f32.msk $0xffff, v10;
	v3 =	vmov v28  }
0x84: {  	v9 =	vmul.f32 v9, v23;
	[tilespmem:v19+s28+$0x0] =	vst.idx.add.f32.msk $0xffff, v11  }
0x85: {  	v10 =	vld.idx.msk [tilespmem:v28+s1+$0x0], $0xffff  }
0x86: {  	v11 =	vmul.f32 v14, v1;
	[tilespmem:v13+s28+$0x0] =	vst.idx.add.f32.msk $0xffff, v9  }
0x87: {  	v9 =	vmul.f32 v16, v31;
	v13 =	vld.idx.msk [tilespmem:v13+s1+$0x0], $0xffff  }
0x88: {  	v14 =	vmul.f32 v18, v2;
	v2 =	vmov v31;
	[tilespmem:v15+s28+$0x0] =	vst.idx.add.f32.msk $0xffff, v11  }
0x89: {  	[tilespmem:v17+s28+$0x0] =	vst.idx.add.f32.msk $0xffff, v9  }
0x8a: {  	v9 =	vld.idx.msk [tilespmem:v21+s1+$0x0], $0xffff  }
0x8b: {  	v10 =	vmul.f32 v10, v8;
	v11 =	vld.idx.msk [tilespmem:v25+s1+$0x0], $0xffff  }
.Ltmp1:
0x8c: {  	[tilespmem:v4+s28+$0x0] =	vst.idx.add.f32.msk $0xffff, v12;
	v4 =	vmov v21;
	(pc) =	sbr.rel @p0 .LBB2_5-.Ltmp1, $4  }
0x8d: {  	v12 =	vmul.f32 v13, v23;
	[tilespmem:v20+s28+$0x0] =	vst.idx.add.f32.msk $0xffff, v10  }
0x8e: {  	v10 =	vld.idx.msk [tilespmem:v20+s1+$0x0], $0xffff  }
0x8f: {  	[tilespmem:v27+s28+$0x0] =	vst.idx.add.f32.msk $0xffff, v12  }
0x90: {  	s16 =	sadd.s32 $0x40, s16;
	v9 =	vmul.f32 v9, v1;
	[tilespmem:v5+s28+$0x0] =	vst.idx.add.f32.msk $0xffff, v14;
	v5 =	vmov v25  }
0x91: {  	_ =	sdelay $0x2  }
0x92: {  	v11 =	vmul.f32 v11, v2  }
0x93: {  	[tilespmem:v6+s28+$0x0] =	vst.idx.add.f32.msk $0xffff, v9  }
0x94: {  	[tilespmem:v7+s28+$0x0] =	vst.idx.add.f32.msk $0xffff, v11  }
0x95: {  	v6 =	vld.idx.msk [tilespmem:v6+s1+$0x0], $0xffff  }
0x96: {  	v7 =	vld.idx.msk [tilespmem:v7+s1+$0x0], $0xffff;
	_ =	sdelay $0x2  }
0x97: {  	v8 =	vmul.f32 v10, v8  }
0x98: {  	v1 =	vmul.f32 v6, v1  }
0x99: {  	[tilespmem:v3+s28+$0x0] =	vst.idx.add.f32.msk $0xffff, v8;
	v2 =	vmul.f32 v7, v2  }
0x9a: {  	[tilespmem:v4+s28+$0x0] =	vst.idx.add.f32.msk $0xffff, v1  }
0x9b: {  	[tilespmem:v5+s28+$0x0] =	vst.idx.add.f32.msk $0xffff, v2  }
.LBB2_7:
0x9c: {  	v1 =	vld [tilespmem:s9+$0x0]  }
0x9d: {  	v2 =	vld [tilespmem:s4+$0x0];
	_ =	sdelay $0x6  }
0x9e: {  	v3 =	vld.idx.msk [tilespmem:v1+s18+$0x0], $0xffff  }
0x9f: {  	v4 =	vld.idx.msk [tilespmem:v2+s18+$0x0], $0xffff;
	_ =	sdelay $0x1  }
0xa0: {  	v5 =	vld.idx.msk [tilespmem:v1+s1+$0x0], $0xffff;
	_ =	sdelay $0x2  }
0xa1: {  	v3 =	vmul.f32 v4, v3;
	_ =	sdelay $0x1  }
0xa2: {  	v4 =	vmul.f32 v5, v3;
	_ =	sdelay $0x1  }
0xa3: {  	[tilespmem:v2+s28+$0x0] =	vst.idx.add.f32.msk $0xffff, v4  }
0xa4: {  	v4 =	vld.idx.msk [tilespmem:v2+s1+$0x0], $0xffff;
	_ =	sdelay $0x2  }
0xa5: {  	v63 =	vadd.s32 $0x2710, v1;
	_ =	sdelay $0x1  }
0xa6: {  	v4 =	vmul.f32 v4, v3;
	_ =	sdelay $0x1  }
0xa7: {  	[tilespmem:v1+s28+$0x0] =	vst.idx.add.f32.msk $0xffff, v4  }
0xa8: {  	v1 =	vld.idx.msk [tilespmem:v63+s1+$0x0], $0xffff;
	_ =	sdelay $0x1  }
0xa9: {  	v2 =	vadd.s32 $0x2710, v2;
	_ =	sdelay $0x2  }
0xaa: {  	v1 =	vmul.f32 v1, v3;
	_ =	sdelay $0x1  }
0xab: {  	[tilespmem:v2+s28+$0x0] =	vst.idx.add.f32.msk $0xffff, v1  }
0xac: {  	v1 =	vld.idx.msk [tilespmem:v2+s1+$0x0], $0xffff  }
0xad: {  	s2 =	sadd.s32 $0x10, s2  }
0xae: {  	p0 =	slt.u32 s2, $0xF90  }
.Ltmp2:
0xaf: {  	_ = 	snop;
	(pc) =	sbr.rel @p0 .LBB2_7-.Ltmp2, $3  }
0xb0: {  	_ = 	snop  }
0xb1: {  	v1 =	vmul.f32 v1, v3;
	_ =	sdelay $0x1  }
0xb2: {  	s4 =	sadd.s32 $0x10, s4;
	s9 =	sadd.s32 $0x10, s9;
	[tilespmem:v63+s28+$0x0] =	vst.idx.add.f32.msk $0xffff, v1  }
0xb3: {  	_ =	swait.ge [sflag:s29], $0xFA0  }
0xb4: {  	[sflag:s29] =	ssyncset.done $0x0  }
0xb5: {  	p0 =	seq.s32 s0, $0x27;
	[sflag:s29] =	ssyncadd.s32 $0xFFFFF060  }
0xb6: {  	s2 =	sshrl.u32 @!p0 s3, $0x3;
	_ =	swait.ge [sflag:s29], $0xFA0  }
0xb7: {  	s4 =	simm.s32 @!p0 $0x0;
	s2 =	sadd.s32 @!p0 $0x3E8, s2;
	[sflag:s29] =	ssyncset.done $0x0  }
0xb8: {  	s9 =	simm.s32 @!p0 $0x16100;
	s3 =	sadd.s32 @!p0 s5, s2;
	[sflag:s29] =	ssyncadd.s32 $0xFFFFF060  }
0xb9: {  	[tilespmem:s9], [sflag:$0x1] =	stream.linear.gather @!p0 [hbm4b:s3+s4], $0xFA0, $0x38;
	[tilespmem:$0x1D000] =	vst v63  }
0xba: {  	s31 =	simm.s32 $0x18120;
	s2 =	sadd.s32 @!p0 s12, s2;
	s3 =	simm.s32 @!p0 $0x17100  }
0xbb: {  	[tilespmem:s3], [sflag:$0x1] =	stream.linear.gather @!p0 [hbm4b:s2+s4], $0xFA0, $0x38;
	[tilespmem:$0x1D000] =	vst v63  }
0xbc: {  	s3 =	simm.s32 $0x19120;
	v3 =	vld [tilespmem:s31+$0x10]  }
0xbd: {  	v4 =	vld [tilespmem:s3+$0x10];
	_ =	sdelay $0x2  }
0xbe: {  	v6 =	vld [tilespmem:s3+$0xFFFFFFE0]  }
0xbf: {  	v7 =	vld [tilespmem:s31+$0xFFFFFFF0]  }
0xc0: {  	v9 =	vld [tilespmem:s3+$0xFFFFFFF0]  }
0xc1: {  	v5 =	vld [tilespmem:s31+$0xFFFFFFE0]  }
0xc2: {  	v1 =	vld.idx.msk [tilespmem:v3+s18+$0x0], $0xffff  }
0xc3: {  	v2 =	vld.idx.msk [tilespmem:v4+s18+$0x0], $0xffff  }
0xc4: {  	v10 =	vld [tilespmem:s31+$0x0]  }
0xc5: {  	v8 =	vld.idx.msk [tilespmem:v3+s1+$0x0], $0xffff  }
0xc6: {  	v12 =	vld [tilespmem:s3+$0x0]  }
0xc7: {  	v11 =	vld.idx.msk [tilespmem:v6+s18+$0x0], $0xffff  }
0xc8: {  	v13 =	vld.idx.msk [tilespmem:v7+s18+$0x0], $0xffff;
	v15 =	vmul.f32 v2, v1  }
0xc9: {  	v1 =	vld.idx.msk [tilespmem:v5+s18+$0x0], $0xffff  }
0xca: {  	v14 =	vld.idx.msk [tilespmem:v9+s18+$0x0], $0xffff;
	v8 =	vmul.f32 v8, v15  }
0xcb: {  	v16 =	vld.idx.msk [tilespmem:v5+s1+$0x0], $0xffff  }
0xcc: {  	[tilespmem:v4+s28+$0x0] =	vst.idx.add.f32.msk $0xffff, v8  }
0xcd: {  	v17 =	vld.idx.msk [tilespmem:v4+s1+$0x0], $0xffff  }
0xce: {  	v8 =	vmul.f32 v11, v1;
	v11 =	vld.idx.msk [tilespmem:v7+s1+$0x0], $0xffff  }
0xcf: {  	v18 =	vld.idx.msk [tilespmem:v12+s18+$0x0], $0xffff  }
0xd0: {  	v2 =	vld.idx.msk [tilespmem:v10+s18+$0x0], $0xffff;
	v16 =	vmul.f32 v16, v8  }
0xd1: {  	v19 =	vadd.s32 $0x2710, v3;
	v20 =	vld.idx.msk [tilespmem:v10+s1+$0x0], $0xffff;
	v1 =	vmul.f32 v14, v13  }
0xd2: {  	[tilespmem:v6+s28+$0x0] =	vst.idx.add.f32.msk $0xffff, v16;
	v56 =	vmul.f32 v17, v15  }
0xd3: {  	v57 =	vld.idx.msk [tilespmem:v6+s1+$0x0], $0xffff;
	v11 =	vmul.f32 v11, v1  }
0xd4: {  	[tilespmem:v3+s28+$0x0] =	vst.idx.add.f32.msk $0xffff, v56  }
0xd5: {  	v2 =	vmul.f32 v18, v2;
	[tilespmem:v9+s28+$0x0] =	vst.idx.add.f32.msk $0xffff, v11  }
0xd6: {  	v13 =	vld.idx.msk [tilespmem:v19+s1+$0x0], $0xffff  }
0xd7: {  	v3 =	vadd.s32 $0x2710, v5;
	v11 =	vmul.f32 v20, v2;
	v58 =	vld.idx.msk [tilespmem:v9+s1+$0x0], $0xffff  }
0xd8: {  	v59 =	vadd.s32 $0x2710, v4  }
0xd9: {  	[tilespmem:v12+s28+$0x0] =	vst.idx.add.f32.msk $0xffff, v11;
	v11 =	vmul.f32 v57, v8  }
0xda: {  	v60 =	vld.idx.msk [tilespmem:v12+s1+$0x0], $0xffff  }
0xdb: {  	v4 =	vadd.s32 $0x2710, v7;
	[tilespmem:v5+s28+$0x0] =	vst.idx.add.f32.msk $0xffff, v11;
	v11 =	vmul.f32 v13, v15  }
0xdc: {  	v61 =	vld.idx.msk [tilespmem:v3+s1+$0x0], $0xffff;
	v16 =	vmul.f32 v58, v1  }
0xdd: {  	v5 =	vadd.s32 $0x2710, v10;
	[tilespmem:v59+s28+$0x0] =	vst.idx.add.f32.msk $0xffff, v11  }
0xde: {  	[tilespmem:v7+s28+$0x0] =	vst.idx.add.f32.msk $0xffff, v16  }
0xdf: {  	v6 =	vadd.s32 $0x2710, v6;
	v11 =	vmul.f32 v60, v2;
	v17 =	vld.idx.msk [tilespmem:v59+s1+$0x0], $0xffff  }
0xe0: {  	v62 =	vld.idx.msk [tilespmem:v4+s1+$0x0], $0xffff  }
0xe1: {  	[tilespmem:v10+s28+$0x0] =	vst.idx.add.f32.msk $0xffff, v11  }
0xe2: {  	v7 =	vmul.f32 v61, v8;
	v11 =	vld.idx.msk [tilespmem:v5+s1+$0x0], $0xffff;
	_ =	sdelay $0x1  }
0xe3: {  	[tilespmem:v6+s28+$0x0] =	vst.idx.add.f32.msk $0xffff, v7;
	v63 =	vmul.f32 v17, v15  }
0xe4: {  	s14 =	simm.s32 $0x18160;
	v10 =	vld.idx.msk [tilespmem:v6+s1+$0x0], $0xffff  }
0xe5: {  	s9 =	simm.s32 $0x0;
	s2 =	simm.s32 $0x1A080;
	s4 =	simm.s32 $0x19080;
	v7 =	vadd.s32 $0x2710, v12;
	v6 =	vadd.s32 $0x2710, v9;
	v9 =	vmul.f32 v62, v1;
	[tilespmem:v19+s28+$0x0] =	vst.idx.add.f32.msk $0xffff, v63  }
.LBB2_9:
0xe6: {  	v12 =	vld [tilespmem:s14+$0x10];
	v11 =	vmul.f32 v11, v2;
	s3 =	sadd.s32 $0x40, s3  }
0xe7: {  	s9 =	sadd.s32 $0x40, s9;
	v13 =	vld [tilespmem:s3+$0x10]  }
0xe8: {  	p0 =	slt.u32 s9, $0xF40;
	v14 =	vld [tilespmem:s3+$0xFFFFFFE0]  }
0xe9: {  	v10 =	vmul.f32 v10, v8;
	v15 =	vld [tilespmem:s14+$0xFFFFFFF0]  }
0xea: {  	v16 =	vld [tilespmem:s3+$0xFFFFFFF0]  }
0xeb: {  	v17 =	vld [tilespmem:s14+$0x0]  }
0xec: {  	v18 =	vld [tilespmem:s3+$0x0]  }
0xed: {  	v19 =	vld [tilespmem:s14+$0xFFFFFFE0];
	v20 =	vadd.s32 $0x2710, v14  }
0xee: {  	v21 =	vadd.s32 $0x2710, v15;
	v8 =	vld.idx.msk [tilespmem:v12+s18+$0x0], $0xffff  }
0xef: {  	v22 =	vadd.s32 $0x2710, v16;
	v23 =	vld.idx.msk [tilespmem:v13+s18+$0x0], $0xffff  }
0xf0: {  	v24 =	vld.idx.msk [tilespmem:v14+s18+$0x0], $0xffff;
	v25 =	vadd.s32 $0x2710, v17  }
0xf1: {  	v26 =	vadd.s32 $0x2710, v18;
	v27 =	vld.idx.msk [tilespmem:v12+s1+$0x0], $0xffff  }
0xf2: {  	v28 =	vadd.s32 $0x2710, v19;
	v29 =	vld.idx.msk [tilespmem:v15+s18+$0x0], $0xffff  }
0xf3: {  	v30 =	vld.idx.msk [tilespmem:v16+s18+$0x0], $0xffff  }
0xf4: {  	v31 =	vld.idx.msk [tilespmem:v17+s18+$0x0], $0xffff  }
0xf5: {  	v23 =	vmul.f32 v23, v8;
	v32 =	vld.idx.msk [tilespmem:v19+s18+$0x0], $0xffff  }
0xf6: {  	v33 =	vld.idx.msk [tilespmem:v18+s18+$0x0], $0xffff  }
0xf7: {  	v8 =	vmul.f32 v27, v23;
	v34 =	vld.idx.msk [tilespmem:v19+s1+$0x0], $0xffff  }
0xf8: {  	v27 =	vld.idx.msk [tilespmem:v15+s1+$0x0], $0xffff  }
0xf9: {  	v29 =	vmul.f32 v30, v29;
	[tilespmem:v13+s28+$0x0] =	vst.idx.add.f32.msk $0xffff, v8  }
0xfa: {  	v30 =	vld.idx.msk [tilespmem:v13+s1+$0x0], $0xffff  }
0xfb: {  	v8 =	vmul.f32 v24, v32;
	v24 =	vld.idx.msk [tilespmem:v17+s1+$0x0], $0xffff  }
0xfc: {  	v31 =	vmul.f32 v33, v31;
	[tilespmem:v6+s28+$0x0] =	vst.idx.add.f32.msk $0xffff, v9  }
0xfd: {  	v9 =	vmul.f32 v34, v8;
	[tilespmem:v7+s28+$0x0] =	vst.idx.add.f32.msk $0xffff, v11  }
0xfe: {  	v11 =	vmul.f32 v27, v29;
	v27 =	vadd.s32 $0x2710, v12;
	v32 =	vld.idx.msk [tilespmem:v6+s1+$0x0], $0xffff;
	v6 =	vmov v22  }
0xff: {  	[tilespmem:v14+s28+$0x0] =	vst.idx.add.f32.msk $0xffff, v9  }
0x100: {  	v9 =	vmul.f32 v30, v23;
	[tilespmem:v16+s28+$0x0] =	vst.idx.add.f32.msk $0xffff, v11  }
0x101: {  	v11 =	vld.idx.msk [tilespmem:v14+s1+$0x0], $0xffff;
	v14 =	vmul.f32 v24, v31  }
0x102: {  	[tilespmem:v12+s28+$0x0] =	vst.idx.add.f32.msk $0xffff, v9  }
0x103: {  	v9 =	vld.idx.msk [tilespmem:v27+s1+$0x0], $0xffff  }
0x104: {  	v12 =	vmul.f32 v32, v1;
	v1 =	vmov v29;
	[tilespmem:v18+s28+$0x0] =	vst.idx.add.f32.msk $0xffff, v14  }
0x105: {  	v14 =	vld.idx.msk [tilespmem:v16+s1+$0x0], $0xffff  }
0x106: {  	v13 =	vadd.s32 $0x2710, v13;
	v16 =	vld.idx.msk [tilespmem:v18+s1+$0x0], $0xffff  }
0x107: {  	v11 =	vmul.f32 v11, v8;
	v18 =	vld.idx.msk [tilespmem:v7+s1+$0x0], $0xffff;
	v7 =	vmov v26  }
0x108: {  	[tilespmem:v3+s28+$0x0] =	vst.idx.add.f32.msk $0xffff, v10;
	v3 =	vmov v28  }
0x109: {  	v9 =	vmul.f32 v9, v23;
	[tilespmem:v19+s28+$0x0] =	vst.idx.add.f32.msk $0xffff, v11  }
0x10a: {  	v10 =	vld.idx.msk [tilespmem:v28+s1+$0x0], $0xffff  }
0x10b: {  	v11 =	vmul.f32 v14, v1;
	[tilespmem:v13+s28+$0x0] =	vst.idx.add.f32.msk $0xffff, v9  }
0x10c: {  	v9 =	vmul.f32 v16, v31;
	v13 =	vld.idx.msk [tilespmem:v13+s1+$0x0], $0xffff  }
0x10d: {  	v14 =	vmul.f32 v18, v2;
	v2 =	vmov v31;
	[tilespmem:v15+s28+$0x0] =	vst.idx.add.f32.msk $0xffff, v11  }
0x10e: {  	[tilespmem:v17+s28+$0x0] =	vst.idx.add.f32.msk $0xffff, v9  }
0x10f: {  	v9 =	vld.idx.msk [tilespmem:v21+s1+$0x0], $0xffff  }
0x110: {  	v10 =	vmul.f32 v10, v8;
	v11 =	vld.idx.msk [tilespmem:v25+s1+$0x0], $0xffff  }
.Ltmp3:
0x111: {  	[tilespmem:v4+s28+$0x0] =	vst.idx.add.f32.msk $0xffff, v12;
	v4 =	vmov v21;
	(pc) =	sbr.rel @p0 .LBB2_9-.Ltmp3, $4  }
0x112: {  	v12 =	vmul.f32 v13, v23;
	[tilespmem:v20+s28+$0x0] =	vst.idx.add.f32.msk $0xffff, v10  }
0x113: {  	v10 =	vld.idx.msk [tilespmem:v20+s1+$0x0], $0xffff  }
0x114: {  	s15 =	simm.s32 $0xF70;
	[tilespmem:v27+s28+$0x0] =	vst.idx.add.f32.msk $0xffff, v12  }
0x115: {  	s14 =	sadd.s32 $0x40, s14;
	v9 =	vmul.f32 v9, v1;
	[tilespmem:v5+s28+$0x0] =	vst.idx.add.f32.msk $0xffff, v14;
	v5 =	vmov v25  }
0x116: {  	_ =	sdelay $0x2  }
0x117: {  	v11 =	vmul.f32 v11, v2  }
0x118: {  	[tilespmem:v6+s28+$0x0] =	vst.idx.add.f32.msk $0xffff, v9  }
0x119: {  	[tilespmem:v7+s28+$0x0] =	vst.idx.add.f32.msk $0xffff, v11  }
0x11a: {  	v6 =	vld.idx.msk [tilespmem:v6+s1+$0x0], $0xffff  }
0x11b: {  	v7 =	vld.idx.msk [tilespmem:v7+s1+$0x0], $0xffff;
	_ =	sdelay $0x2  }
0x11c: {  	v8 =	vmul.f32 v10, v8  }
0x11d: {  	v1 =	vmul.f32 v6, v1  }
0x11e: {  	[tilespmem:v3+s28+$0x0] =	vst.idx.add.f32.msk $0xffff, v8;
	v2 =	vmul.f32 v7, v2  }
0x11f: {  	[tilespmem:v4+s28+$0x0] =	vst.idx.add.f32.msk $0xffff, v1  }
0x120: {  	[tilespmem:v5+s28+$0x0] =	vst.idx.add.f32.msk $0xffff, v2  }
.LBB2_11:
0x121: {  	v1 =	vld [tilespmem:s4+$0x0]  }
0x122: {  	v2 =	vld [tilespmem:s2+$0x0];
	_ =	sdelay $0x6  }
0x123: {  	v3 =	vld.idx.msk [tilespmem:v1+s18+$0x0], $0xffff  }
0x124: {  	v4 =	vld.idx.msk [tilespmem:v2+s18+$0x0], $0xffff;
	_ =	sdelay $0x1  }
0x125: {  	v5 =	vld.idx.msk [tilespmem:v1+s1+$0x0], $0xffff;
	_ =	sdelay $0x2  }
0x126: {  	v3 =	vmul.f32 v4, v3;
	_ =	sdelay $0x1  }
0x127: {  	v4 =	vmul.f32 v5, v3;
	_ =	sdelay $0x1  }
0x128: {  	[tilespmem:v2+s28+$0x0] =	vst.idx.add.f32.msk $0xffff, v4  }
0x129: {  	v4 =	vld.idx.msk [tilespmem:v2+s1+$0x0], $0xffff;
	_ =	sdelay $0x2  }
0x12a: {  	v63 =	vadd.s32 $0x2710, v1;
	_ =	sdelay $0x1  }
0x12b: {  	v4 =	vmul.f32 v4, v3;
	_ =	sdelay $0x1  }
0x12c: {  	[tilespmem:v1+s28+$0x0] =	vst.idx.add.f32.msk $0xffff, v4  }
0x12d: {  	v1 =	vld.idx.msk [tilespmem:v63+s1+$0x0], $0xffff;
	_ =	sdelay $0x1  }
0x12e: {  	v2 =	vadd.s32 $0x2710, v2;
	_ =	sdelay $0x2  }
0x12f: {  	v1 =	vmul.f32 v1, v3;
	_ =	sdelay $0x1  }
0x130: {  	[tilespmem:v2+s28+$0x0] =	vst.idx.add.f32.msk $0xffff, v1  }
0x131: {  	v1 =	vld.idx.msk [tilespmem:v2+s1+$0x0], $0xffff  }
0x132: {  	s15 =	sadd.s32 $0x10, s15  }
0x133: {  	p0 =	slt.u32 s15, $0xF90  }
.Ltmp4:
0x134: {  	_ = 	snop;
	(pc) =	sbr.rel @p0 .LBB2_11-.Ltmp4, $3  }
0x135: {  	_ = 	snop  }
0x136: {  	v1 =	vmul.f32 v1, v3;
	_ =	sdelay $0x1  }
0x137: {  	s2 =	sadd.s32 $0x10, s2;
	s4 =	sadd.s32 $0x10, s4;
	[tilespmem:v63+s28+$0x0] =	vst.idx.add.f32.msk $0xffff, v1  }
0x138: {  	s0 =	sadd.s32 $0x1, s0  }
0x139: {  	p0 =	sne.s32 s0, $0x28  }
.Ltmp5:
0x13a: {  	_ = 	snop;
	(pc) =	sbr.rel @p0 .LBB2_4-.Ltmp5, $1  }
0x13b: {  	_ =	sdelay $0x3  }
0x13c: {  	s0 =	simm.s32 $0x0  }
0x13d: {  	v1 =	vld [tilespmem:s0+$0x13900];
	_ =	sdelay $0x1  }
0x13e: {  	v4 =	vld [tilespmem:s0+$0x0]  }
0x13f: {  	v5 =	vld [tilespmem:s0+$0x2710]  }
0x140: {  	v2 =	vld [tilespmem:s0+$0x9C80]  }
0x141: {  	v3 =	vld [tilespmem:s0+$0xC390];
	v6 =	vmul.f32 v1, v1;
	_ =	sdelay $0x1  }
0x142: {  	s2 =	simm.s32 $0x10;
	v4 =	vmul.f32 v4, v6  }
0x143: {  	s3 =	simm.s32 $0x80;
	v1 =	vld [tilespmem:s2+$0x13900];
	v5 =	vmul.f32 v5, v6  }
.LBB2_14:
0x144: {  	p0 =	sne.s32 s3, $0x9C00;
	v2 =	vadd.f32 v4, v2  }
0x145: {  	v4 =	vld [tilespmem:s2+$0x0];
	v3 =	vadd.f32 v5, v3  }
0x146: {  	v5 =	vld [tilespmem:s2+$0x2710];
	[tilespmem:s0+$0x9C80] =	vst v2  }
.Ltmp6:
0x147: {  	v2 =	vld [tilespmem:s2+$0x9C80];
	[tilespmem:s0+$0xC390] =	vst v3;
	s0 =	smov.u32 s2;
	(pc) =	sbr.rel @p0 .LBB2_14-.Ltmp6, $3  }
0x148: {  	v6 =	vmul.f32 v1, v1;
	v3 =	vld [tilespmem:s0+$0xC390];
	_ =	sdelay $0x1  }
0x149: {  	s2 =	sshra.s32 s3, $0x2;
	v4 =	vmul.f32 v4, v6  }
0x14a: {  	s3 =	sadd.s32 $0x40, s3;
	v1 =	vld [tilespmem:s2+$0x13900];
	v5 =	vmul.f32 v5, v6  }
0x14b: {  	v2 =	vadd.f32 v4, v2  }
0x14c: {  	v63 =	vld [tilespmem:s2+$0x0];
	v3 =	vadd.f32 v5, v3  }
0x14d: {  	v6 =	vld [tilespmem:s2+$0x2710];
	[tilespmem:s0+$0x9C80] =	vst v2  }
0x14e: {  	v2 =	vld [tilespmem:s2+$0x9C80];
	[tilespmem:s0+$0xC390] =	vst v3  }
0x14f: {  	v1 =	vmul.f32 v1, v1;
	v3 =	vld [tilespmem:s2+$0xC390];
	_ =	sdelay $0x1  }
0x150: {  	v4 =	vmul.f32 v63, v1  }
0x151: {  	v1 =	vmul.f32 v6, v1  }
0x152: {  	v2 =	vadd.f32 v4, v2  }
0x153: {  	v1 =	vadd.f32 v1, v3  }
0x154: {  	[tilespmem:s2+$0x9C80] =	vst v2  }
0x155: {  	s3 =	simm.s32 $0x0;
	s26 =	rddreg [dreg:$0xb];
	[tilespmem:s2+$0xC390] =	vst v1  }
0x156: {  	[hbm4b:s26+s3] =	stream.linear.scatter [tilespmem:s28], [sflag:$0x3], $0x2710, $0x38;
	[tilespmem:$0x1D000] =	vst v63  }
0x157: {  	_ =	swait.ge [sflag:s19], $0x2710  }
0x158: {  	[sflag:s19] =	ssyncset.done $0x0  }
0x159: {  	s31 =	simm.s32 $0xC390;
	s30 =	rddreg [dreg:$0xc];
	[sflag:s19] =	ssyncadd.s32 $0xFFFFD8F0  }
0x15a: {  	[hbm4b:s30+s3] =	stream.linear.scatter [tilespmem:s31], [sflag:$0x3], $0x2710, $0x38;
	[tilespmem:$0x1D000] =	vst v63  }
0x15b: {  	_ =	swait.ge [sflag:s19], $0x2710  }
0x15c: {  	[sflag:s19] =	ssyncset.done $0x0  }
0x15d: {  	s16 =	simm.s32 $0x0;
	[sflag:s19] =	ssyncadd.s32 $0xFFFFD8F0  }
.LBB2_16:
0x15e: {  	s0 =	sshll.u32 s16, $0x8;
	s2 =	sshll.u32 s16, $0x4  }
0x15f: {  	s0 =	sand.u32 $0x100, s0;
	s2 =	sand.u32 $0x20, s2  }
0x160: {  	s17 =	rddreg [dreg:$0x6];
	s0 =	sor.u32 s2, s0  }
0x161: {  	s0 =	sor.u32 s17, s0  }
0x162: {  	s2 =	smul.u32 $0x4E2, s0  }
0x163: {  	s3 =	rddreg [dreg:$0x4];
	s5 =	simm.s32 $0x0  }
0x164: {  	s0 =	smul.u32 $0x2710, s0;
	[dreg:$0xf] =	wrdreg s2;
	s2 =	sadd.s32 s3, s2  }
0x165: {  	[tilespmem:s5], [sflag:$0x3] =	stream.linear.gather [hbm4b:s2+s5], $0x2710, $0x38;
	[tilespmem:$0x1D000] =	vst v63  }
0x166: {  	s0 =	sshrl.u32 s0, $0x3;
	_ =	swait.ge [sflag:s19], $0x2710  }
0x167: {  	s26 =	sadd.s32 $0x13880, s0;
	[sflag:s19] =	ssyncset.done $0x0  }
0x168: {  	s4 =	simm.s32 $0x2710;
	s21 =	sadd.s32 s3, s26;
	[sflag:s19] =	ssyncadd.s32 $0xFFFFD8F0  }
0x169: {  	[tilespmem:s4], [sflag:$0x3] =	stream.linear.gather [hbm4b:s21+s5], $0x2710, $0x38;
	[tilespmem:$0x1D000] =	vst v63  }
0x16a: {  	_ =	swait.ge [sflag:s19], $0x2710  }
0x16b: {  	s31 =	sadd.s32 $0x27100, s0;
	[sflag:s19] =	ssyncset.done $0x0  }
0x16c: {  	s23 =	simm.s32 $0x4E20;
	s22 =	sadd.s32 s3, s31;
	[sflag:s19] =	ssyncadd.s32 $0xFFFFD8F0  }
0x16d: {  	[tilespmem:s23], [sflag:$0x3] =	stream.linear.gather [hbm4b:s22+s5], $0x2710, $0x38;
	[tilespmem:$0x1D000] =	vst v63  }
0x16e: {  	_ =	swait.ge [sflag:s19], $0x2710  }
0x16f: {  	s0 =	sadd.s32 $0x3A980, s0;
	[sflag:s19] =	ssyncset.done $0x0  }
0x170: {  	s30 =	simm.s32 $0x7530;
	s25 =	sadd.s32 s3, s0;
	[sflag:s19] =	ssyncadd.s32 $0xFFFFD8F0  }
0x171: {  	[tilespmem:s30], [sflag:$0x3] =	stream.linear.gather [hbm4b:s25+s5], $0x2710, $0x38;
	[tilespmem:$0x1D000] =	vst v63  }
0x172: {  	_ =	swait.ge [sflag:s19], $0x2710  }
0x173: {  	[sflag:s19] =	ssyncset.done $0x0  }
0x174: {  	s2 =	simm.s32 $0x40;
	s3 =	simm.s32 $0x0;
	[sflag:s19] =	ssyncadd.s32 $0xFFFFD8F0  }
.LBB2_17:
0x175: {  	p0 =	sne.s32 s2, $0x270C0;
	[tilespmem:s3+$0x9C80] =	vst v0;
	s3 =	smov.u32 s2;
	s2 =	sadd.s32 $0x40, s2  }
.Ltmp7:
0x176: {  	(pc) =	sbr.rel @p0 .LBB2_17-.Ltmp7, $2  }
0x177: {  	_ =	sdelay $0x2  }
0x178: {  	s3 =	sshra.s32 s3, $0x2  }
0x179: {  	[tilespmem:s3+$0x9C80] =	vst v0;
	s3 =	simm.s32 $0x0;
	s2 =	simm.s32 $0x1A100  }
0x17a: {  	[tilespmem:s2], [sflag:$0x1] =	stream.linear.gather [hbm4b:s7+s3], $0x500, $0x38;
	[tilespmem:$0x1D000] =	vst v63  }
.Ltmp8:
0x17b: {  	_ = 	snop;
	(pc) =	sbr.rel .LBB2_19-.Ltmp8, $4  }
0x17c: {  	s25 =	simm.s32 $0x1A600  }
0x17d: {  	[tilespmem:s25], [sflag:$0x1] =	stream.linear.gather [hbm4b:s8+s3], $0x500, $0x38;
	[tilespmem:$0x1D000] =	vst v63  }
0x17e: {  	s30 =	simm.s32 $0x1AB00  }
0x17f: {  	[tilespmem:s30], [sflag:$0x1] =	stream.linear.gather [hbm4b:s10+s3], $0x500, $0x38;
	[tilespmem:$0x1D000] =	vst v63  }
.LBB2_39:
0x180: {  	s3 =	sadd.s32 $0x1, s3  }
0x181: {  	p0 =	sne.s32 s3, $0x10  }
.Ltmp9:
0x182: {  	_ = 	snop;
	(pc) =	sbr.rel @!p0 .LBB2_40-.Ltmp9, $1  }
0x183: {  	_ =	sdelay $0x3  }
.LBB2_19:
0x184: {  	_ =	swait.ge [sflag:s24], $0x500  }
0x185: {  	[sflag:s24] =	ssyncset.done $0x0  }
0x186: {  	[sflag:s24] =	ssyncadd.s32 $0xFFFFFB00  }
0x187: {  	_ =	swait.ge [sflag:s24], $0x500  }
0x188: {  	s23 =	sshllo.u32 s3, $0x1;
	[sflag:s24] =	ssyncset.done $0x0  }
0x189: {  	s22 =	smul.u32 $0x2710, s23;
	[sflag:s24] =	ssyncadd.s32 $0xFFFFFB00  }
0x18a: {  	s2 =	sshll.u32 s3, $0x5;
	_ =	swait.ge [sflag:s24], $0x500  }
0x18b: {  	v1 =	vmov s2;
	s4 =	sshrl.u32 s22, $0x3;
	[sflag:s24] =	ssyncset.done $0x0  }
0x18c: {  	v1 =	vbroadcast v1, $0x0;
	s15 =	sadd.s32 s7, s4;
	[sflag:s24] =	ssyncadd.s32 $0xFFFFFB00  }
0x18d: {  	[tilespmem:s6], [sflag:$0x2] =	stream.linear.gather [hbm4b:s15+s1], $0x500, $0x38;
	[tilespmem:$0x1D000] =	vst v63  }
0x18e: {  	s17 =	sadd.s32 s8, s4  }
0x18f: {  	[tilespmem:s11], [sflag:$0x2] =	stream.linear.gather [hbm4b:s17+s1], $0x500, $0x38;
	[tilespmem:$0x1D000] =	vst v63  }
0x190: {  	s21 =	sadd.s32 s10, s4  }
0x191: {  	[tilespmem:s13], [sflag:$0x2] =	stream.linear.gather [hbm4b:s21+s1], $0x500, $0x38;
	[tilespmem:$0x1D000] =	vst v63  }
0x192: {  	v1 =	vld.idx.msk [tilespmem:v1+s20+$0x0], $0xffff;
	_ =	sdelay $0x4  }
0x193: {  	v1 =	vxor.u32 $0x80000000, v1  }
0x194: {  	(xrf0) =	vmax.scan.msk.u32 $0xffff, v1;
	_ =	sdelay $0x5  }
0x195: {  	v1, _, _ =	vpop (xrf0)  }
0x196: {  	(v2sf) =	vpush v1, $0xF;
	_ =	sdelay $0xe  }
0x197: {  	s9 =	spop (v2sf)  }
0x198: {  	s14 =	sxor.u32 $0x80000000, s9  }
0x199: {  	p0 =	slt.s32 s14, $0x500;
	s2 =	smov.u32 s14  }
0x19a: {  	s2 =	simm.s32 @!p0 $0x500  }
0x19b: {  	p1 =	sgt.s32 s9, $0xFFFFFFFF;
	p5 =	slt.s32 s14, $0x1;
	s25 =	sand.u32 $0xF, s2  }
0x19c: {  	p0 =	por p1, p5;
	s30 =	sshra.s32 s2, $0x1F;
	p6 =	sne.s32 s25, $0x0  }
0x19d: {  	s4 =	sshrl.u32 s30, $0x1C;
	p0 =	por !p0, !p6  }
0x19e: {  	s2 =	sadd.s32 s4, s2;
	s4 =	simm.s32 $0x1;
	p0 =	por !p0, !p0  }
0x19f: {  	s2 =	sshra.s32 s2, $0x4;
	s4 =	simm.s32 @!p0 $0x0  }
0x1a0: {  	s17 =	ssub.s32 s2, s4  }
0x1a1: {  	p0 =	slt.s32 s17, $0x1  }
.Ltmp10:
0x1a2: {  	_ = 	snop;
	(pc) =	sbr.rel @p0 .LBB2_23-.Ltmp10, $1  }
0x1a3: {  	_ =	sdelay $0x3  }
0x1a4: {  	s2 =	simm.s32 $0x1A100  }
0x1a5: {  	v1 =	vld [tilespmem:s2+$0x0];
	_ =	sdelay $0x4  }
0x1a6: {  	s4 =	simm.s32 $0x1A600  }
0x1a7: {  	s15 =	simm.s32 $0x1AB00;
	v2 =	vld [tilespmem:s4+$0x0]  }
0x1a8: {  	v4 =	vld [tilespmem:s15+$0x0]  }
0x1a9: {  	v3 =	vld.idx.msk [tilespmem:v1+s1+$0x0], $0xffff;
	_ =	sdelay $0x4  }
0x1aa: {  	v3 =	vmul.f32 v3, v4;
	_ =	sdelay $0x1  }
0x1ab: {  	[tilespmem:v2+s28+$0x0] =	vst.idx.add.f32.msk $0xffff, v3  }
0x1ac: {  	v3 =	vld.idx.msk [tilespmem:v2+s1+$0x0], $0xffff;
	_ =	sdelay $0x2  }
0x1ad: {  	v5 =	vadd.s32 $0x2710, v1;
	_ =	sdelay $0x1  }
0x1ae: {  	v3 =	vmul.f32 v3, v4;
	_ =	sdelay $0x1  }
0x1af: {  	[tilespmem:v1+s28+$0x0] =	vst.idx.add.f32.msk $0xffff, v3  }
0x1b0: {  	v3 =	vld.idx.msk [tilespmem:v5+s1+$0x0], $0xffff;
	_ =	sdelay $0x1  }
0x1b1: {  	v6 =	vadd.s32 $0x2710, v2;
	_ =	sdelay $0x2  }
0x1b2: {  	v3 =	vmul.f32 v3, v4;
	_ =	sdelay $0x1  }
0x1b3: {  	[tilespmem:v6+s28+$0x0] =	vst.idx.add.f32.msk $0xffff, v3  }
0x1b4: {  	v3 =	vld.idx.msk [tilespmem:v6+s1+$0x0], $0xffff;
	_ =	sdelay $0x2  }
0x1b5: {  	v62 =	vadd.s32 $0x4E20, v1;
	_ =	sdelay $0x1  }
0x1b6: {  	v3 =	vmul.f32 v3, v4;
	_ =	sdelay $0x1  }
0x1b7: {  	[tilespmem:v5+s28+$0x0] =	vst.idx.add.f32.msk $0xffff, v3  }
0x1b8: {  	v3 =	vld.idx.msk [tilespmem:v62+s1+$0x0], $0xffff;
	_ =	sdelay $0x1  }
0x1b9: {  	v63 =	vadd.s32 $0x4E20, v2;
	_ =	sdelay $0x2  }
0x1ba: {  	v3 =	vmul.f32 v3, v4;
	_ =	sdelay $0x1  }
0x1bb: {  	[tilespmem:v63+s28+$0x0] =	vst.idx.add.f32.msk $0xffff, v3  }
0x1bc: {  	v3 =	vld.idx.msk [tilespmem:v63+s1+$0x0], $0xffff;
	_ =	sdelay $0x2  }
0x1bd: {  	v1 =	vadd.s32 $0x7530, v1;
	_ =	sdelay $0x1  }
0x1be: {  	v3 =	vmul.f32 v3, v4;
	_ =	sdelay $0x1  }
0x1bf: {  	[tilespmem:v62+s28+$0x0] =	vst.idx.add.f32.msk $0xffff, v3  }
0x1c0: {  	v3 =	vld.idx.msk [tilespmem:v1+s1+$0x0], $0xffff;
	_ =	sdelay $0x1  }
0x1c1: {  	v2 =	vadd.s32 $0x7530, v2;
	_ =	sdelay $0x2  }
0x1c2: {  	v3 =	vmul.f32 v3, v4;
	_ =	sdelay $0x1  }
0x1c3: {  	[tilespmem:v2+s28+$0x0] =	vst.idx.add.f32.msk $0xffff, v3  }
0x1c4: {  	p0 =	sne.s32 s17, $0x1;
	v2 =	vld.idx.msk [tilespmem:v2+s1+$0x0], $0xffff  }
.Ltmp11:
0x1c5: {  	_ = 	snop;
	(pc) =	sbr.rel @!p0 .LBB2_22-.Ltmp11, $2  }
0x1c6: {  	_ =	sdelay $0x2  }
0x1c7: {  	s21 =	sadd.s32 $0xFFFFFFFF, s17;
	v2 =	vmul.f32 v2, v4  }
.LBB2_21:
0x1c8: {  	_ = 	snop  }
0x1c9: {  	s2 =	sadd.s32 $0x10, s2;
	s4 =	sadd.s32 $0x10, s4;
	s15 =	sadd.s32 $0x10, s15;
	[tilespmem:v1+s28+$0x0] =	vst.idx.add.f32.msk $0xffff, v2  }
0x1ca: {  	p0 =	sne.s32 s21, $0x1;
	s21 =	sadd.s32 $0xFFFFFFFF, s21;
	v1 =	vld [tilespmem:s2+$0x0];
	_ =	sdelay $0x6  }
0x1cb: {  	v2 =	vld [tilespmem:s4+$0x0]  }
0x1cc: {  	v3 =	vld.idx.msk [tilespmem:v1+s1+$0x0], $0xffff  }
0x1cd: {  	v4 =	vld [tilespmem:s15+$0x0];
	_ =	sdelay $0x4  }
0x1ce: {  	v3 =	vmul.f32 v3, v4;
	_ =	sdelay $0x1  }
0x1cf: {  	[tilespmem:v2+s28+$0x0] =	vst.idx.add.f32.msk $0xffff, v3  }
0x1d0: {  	v3 =	vld.idx.msk [tilespmem:v2+s1+$0x0], $0xffff;
	_ =	sdelay $0x3  }
0x1d1: {  	v5 =	vadd.s32 $0x2710, v1;
	_ =	sdelay $0x1  }
0x1d2: {  	v3 =	vmul.f32 v3, v4;
	_ =	sdelay $0x1  }
0x1d3: {  	[tilespmem:v1+s28+$0x0] =	vst.idx.add.f32.msk $0xffff, v3  }
0x1d4: {  	v3 =	vld.idx.msk [tilespmem:v5+s1+$0x0], $0xffff;
	_ =	sdelay $0x2  }
0x1d5: {  	v6 =	vadd.s32 $0x2710, v2;
	_ =	sdelay $0x2  }
0x1d6: {  	v3 =	vmul.f32 v3, v4;
	_ =	sdelay $0x1  }
0x1d7: {  	[tilespmem:v6+s28+$0x0] =	vst.idx.add.f32.msk $0xffff, v3  }
0x1d8: {  	v3 =	vld.idx.msk [tilespmem:v6+s1+$0x0], $0xffff;
	_ =	sdelay $0x3  }
0x1d9: {  	v6 =	vadd.s32 $0x4E20, v1;
	_ =	sdelay $0x1  }
0x1da: {  	v3 =	vmul.f32 v3, v4;
	_ =	sdelay $0x1  }
0x1db: {  	[tilespmem:v5+s28+$0x0] =	vst.idx.add.f32.msk $0xffff, v3  }
0x1dc: {  	v3 =	vld.idx.msk [tilespmem:v6+s1+$0x0], $0xffff;
	_ =	sdelay $0x2  }
0x1dd: {  	v5 =	vadd.s32 $0x4E20, v2;
	_ =	sdelay $0x2  }
0x1de: {  	v3 =	vmul.f32 v3, v4;
	_ =	sdelay $0x1  }
0x1df: {  	[tilespmem:v5+s28+$0x0] =	vst.idx.add.f32.msk $0xffff, v3  }
0x1e0: {  	v3 =	vld.idx.msk [tilespmem:v5+s1+$0x0], $0xffff;
	_ =	sdelay $0x3  }
0x1e1: {  	v1 =	vadd.s32 $0x7530, v1;
	_ =	sdelay $0x1  }
0x1e2: {  	v3 =	vmul.f32 v3, v4;
	_ =	sdelay $0x1  }
0x1e3: {  	[tilespmem:v6+s28+$0x0] =	vst.idx.add.f32.msk $0xffff, v3  }
0x1e4: {  	v3 =	vld.idx.msk [tilespmem:v1+s1+$0x0], $0xffff;
	_ =	sdelay $0x2  }
0x1e5: {  	v2 =	vadd.s32 $0x7530, v2;
	_ =	sdelay $0x2  }
0x1e6: {  	v3 =	vmul.f32 v3, v4;
	_ =	sdelay $0x1  }
0x1e7: {  	[tilespmem:v2+s28+$0x0] =	vst.idx.add.f32.msk $0xffff, v3  }
0x1e8: {  	v2 =	vld.idx.msk [tilespmem:v2+s1+$0x0], $0xffff;
	_ =	sdelay $0x1  }
.Ltmp12:
0x1e9: {  	(pc) =	sbr.rel @p0 .LBB2_21-.Ltmp12, $2  }
0x1ea: {  	_ =	sdelay $0x2  }
0x1eb: {  	v2 =	vmul.f32 v2, v4  }
.LBB2_22:
0x1ec: {  	_ =	sdelay $0x3  }
0x1ed: {  	[tilespmem:v1+s28+$0x0] =	vst.idx.add.f32.msk $0xffff, v2  }
.LBB2_23:
0x1ee: {  	p0 =	slt.s32 s14, $0x501  }
0x1ef: {  	s2 =	sadd.s32 @!p0 $0x800004FF, s9  }
0x1f0: {  	s4 =	smulhi.u32 @!p0 $0x66666667, s2;
	s15 =	sshra.s32 @!p0 s2, $0x1F  }
0x1f1: {  	s15 =	smul.u32 @!p0 $0x66666667, s15;
	_ =	sdelay $0x1  }
0x1f2: {  	s4 =	sadd.s32 @!p0 s15, s4  }
0x1f3: {  	s15 =	sshrl.u32 @!p0 s4, $0x1F;
	s4 =	sshra.s32 @!p0 s4, $0x9  }
0x1f4: {  	s4 =	sadd.s32 @!p0 s15, s4  }
0x1f5: {  	s15 =	smul.u32 @!p0 $0xFFFFFB00, s4  }
0x1f6: {  	s9 =	ssub.s32 @!p0 $0x7FFFFB01, s9  }
0x1f7: {  	p1 =	slt.s32 @!p0 s2, $0x1;
	p2 =	sne.s32 @!p0 s15, s9  }
0x1f8: {  	p1 =	por @!p0 !p1, !p2  }
0x1f9: {  	p1 =	por @!p0 !p1, !p1  }
0x1fa: {  	s2 =	simm.s32 @!p0 $0x1;
	p1 =	por !p1, p0  }
0x1fb: {  	s2 =	simm.s32 @p1 $0x0  }
0x1fc: {  	s21 =	ssub.s32 @!p0 s4, s2  }
0x1fd: {  	p1 =	slt.s32 @!p0 s21, $0x2  }
0x1fe: {  	p1 =	por p0, p1  }
.Ltmp13:
0x1ff: {  	_ = 	snop;
	(pc) =	sbr.rel @!p1 .LBB2_24-.Ltmp13, $2  }
0x200: {  	_ =	sdelay $0x2  }
0x201: {  	s30 =	simm.s32 @!p0 $0x1;
	s15 =	smul.u32 $0x4E20, s3  }
.LBB2_29:
0x202: {  	_ =	swait.ge [sflag:s29], $0x500  }
0x203: {  	[sflag:s29] =	ssyncset.done $0x0  }
0x204: {  	[sflag:s29] =	ssyncadd.s32 $0xFFFFFB00  }
0x205: {  	_ =	swait.ge [sflag:s29], $0x500  }
0x206: {  	[sflag:s29] =	ssyncset.done $0x0  }
0x207: {  	p0 =	seq.s32 s3, $0xF;
	[sflag:s29] =	ssyncadd.s32 $0xFFFFFB00  }
0x208: {  	s4 =	sshll.u32 s23, $0x4;
	s2 =	sshrl.u32 @!p0 s15, $0x3;
	_ =	swait.ge [sflag:s29], $0x500  }
0x209: {  	v1 =	vmov s4;
	s5 =	simm.s32 @!p0 $0x0;
	s2 =	sadd.s32 @!p0 $0x9C4, s2;
	[sflag:s29] =	ssyncset.done $0x0  }
0x20a: {  	s9 =	simm.s32 @!p0 $0x1A100;
	v1 =	vbroadcast v1, $0x0;
	s4 =	sadd.s32 @!p0 s7, s2;
	[sflag:s29] =	ssyncadd.s32 $0xFFFFFB00  }
0x20b: {  	[tilespmem:s9], [sflag:$0x1] =	stream.linear.gather @!p0 [hbm4b:s4+s5], $0x500, $0x38;
	[tilespmem:$0x1D000] =	vst v63  }
0x20c: {  	s4 =	sadd.s32 @!p0 s8, s2;
	s9 =	simm.s32 @!p0 $0x1A600  }
0x20d: {  	[tilespmem:s9], [sflag:$0x1] =	stream.linear.gather @!p0 [hbm4b:s4+s5], $0x500, $0x38;
	[tilespmem:$0x1D000] =	vst v63  }
0x20e: {  	s2 =	sadd.s32 @!p0 s10, s2;
	s4 =	simm.s32 @!p0 $0x1AB00  }
0x20f: {  	[tilespmem:s4], [sflag:$0x1] =	stream.linear.gather @!p0 [hbm4b:s2+s5], $0x500, $0x38;
	[tilespmem:$0x1D000] =	vst v63  }
0x210: {  	v1 =	vld.idx.msk [tilespmem:v1+s20+$0x0], $0xffff;
	_ =	sdelay $0x4  }
0x211: {  	v1 =	vxor.u32 $0x80000000, v1  }
0x212: {  	(xrf0) =	vmax.scan.msk.u32 $0xffff, v1;
	_ =	sdelay $0x5  }
0x213: {  	v1, _, _ =	vpop (xrf0)  }
0x214: {  	(v2sf) =	vpush v1, $0xF;
	_ =	sdelay $0xe  }
0x215: {  	s9 =	spop (v2sf)  }
0x216: {  	s14 =	sxor.u32 $0x80000000, s9  }
0x217: {  	p0 =	slt.s32 s14, $0x500;
	s2 =	smov.u32 s14  }
0x218: {  	s2 =	simm.s32 @!p0 $0x500  }
0x219: {  	p1 =	sgt.s32 s9, $0xFFFFFFFF;
	p5 =	slt.s32 s14, $0x1;
	s23 =	sand.u32 $0xF, s2  }
0x21a: {  	p0 =	por p1, p5;
	s25 =	sshra.s32 s2, $0x1F;
	p6 =	sne.s32 s23, $0x0  }
0x21b: {  	s30 =	sshrl.u32 s25, $0x1C;
	p0 =	por !p0, !p6  }
0x21c: {  	s4 =	simm.s32 $0x1;
	s2 =	sadd.s32 s30, s2;
	p0 =	por !p0, !p0  }
0x21d: {  	s2 =	sshra.s32 s2, $0x4;
	s4 =	simm.s32 @!p0 $0x0  }
0x21e: {  	s17 =	ssub.s32 s2, s4  }
0x21f: {  	p0 =	slt.s32 s17, $0x1  }
.Ltmp14:
0x220: {  	_ = 	snop;
	(pc) =	sbr.rel @p0 .LBB2_33-.Ltmp14, $1  }
0x221: {  	_ =	sdelay $0x3  }
0x222: {  	s2 =	simm.s32 $0x1B000  }
0x223: {  	v1 =	vld [tilespmem:s2+$0x0];
	_ =	sdelay $0x4  }
0x224: {  	s4 =	simm.s32 $0x1B500  }
0x225: {  	s15 =	simm.s32 $0x1BA00;
	v2 =	vld [tilespmem:s4+$0x0]  }
0x226: {  	v4 =	vld [tilespmem:s15+$0x0]  }
0x227: {  	v3 =	vld.idx.msk [tilespmem:v1+s1+$0x0], $0xffff;
	_ =	sdelay $0x4  }
0x228: {  	v3 =	vmul.f32 v3, v4;
	_ =	sdelay $0x1  }
0x229: {  	[tilespmem:v2+s28+$0x0] =	vst.idx.add.f32.msk $0xffff, v3  }
0x22a: {  	v3 =	vld.idx.msk [tilespmem:v2+s1+$0x0], $0xffff;
	_ =	sdelay $0x2  }
0x22b: {  	v5 =	vadd.s32 $0x2710, v1;
	_ =	sdelay $0x1  }
0x22c: {  	v3 =	vmul.f32 v3, v4;
	_ =	sdelay $0x1  }
0x22d: {  	[tilespmem:v1+s28+$0x0] =	vst.idx.add.f32.msk $0xffff, v3  }
0x22e: {  	v3 =	vld.idx.msk [tilespmem:v5+s1+$0x0], $0xffff;
	_ =	sdelay $0x1  }
0x22f: {  	v6 =	vadd.s32 $0x2710, v2;
	_ =	sdelay $0x2  }
0x230: {  	v3 =	vmul.f32 v3, v4;
	_ =	sdelay $0x1  }
0x231: {  	[tilespmem:v6+s28+$0x0] =	vst.idx.add.f32.msk $0xffff, v3  }
0x232: {  	v3 =	vld.idx.msk [tilespmem:v6+s1+$0x0], $0xffff;
	_ =	sdelay $0x2  }
0x233: {  	v62 =	vadd.s32 $0x4E20, v1;
	_ =	sdelay $0x1  }
0x234: {  	v3 =	vmul.f32 v3, v4;
	_ =	sdelay $0x1  }
0x235: {  	[tilespmem:v5+s28+$0x0] =	vst.idx.add.f32.msk $0xffff, v3  }
0x236: {  	v3 =	vld.idx.msk [tilespmem:v62+s1+$0x0], $0xffff;
	_ =	sdelay $0x1  }
0x237: {  	v63 =	vadd.s32 $0x4E20, v2;
	_ =	sdelay $0x2  }
0x238: {  	v3 =	vmul.f32 v3, v4;
	_ =	sdelay $0x1  }
0x239: {  	[tilespmem:v63+s28+$0x0] =	vst.idx.add.f32.msk $0xffff, v3  }
0x23a: {  	v3 =	vld.idx.msk [tilespmem:v63+s1+$0x0], $0xffff;
	_ =	sdelay $0x2  }
0x23b: {  	v1 =	vadd.s32 $0x7530, v1;
	_ =	sdelay $0x1  }
0x23c: {  	v3 =	vmul.f32 v3, v4;
	_ =	sdelay $0x1  }
0x23d: {  	[tilespmem:v62+s28+$0x0] =	vst.idx.add.f32.msk $0xffff, v3  }
0x23e: {  	v3 =	vld.idx.msk [tilespmem:v1+s1+$0x0], $0xffff;
	_ =	sdelay $0x1  }
0x23f: {  	v2 =	vadd.s32 $0x7530, v2;
	_ =	sdelay $0x2  }
0x240: {  	v3 =	vmul.f32 v3, v4;
	_ =	sdelay $0x1  }
0x241: {  	[tilespmem:v2+s28+$0x0] =	vst.idx.add.f32.msk $0xffff, v3  }
0x242: {  	p0 =	sne.s32 s17, $0x1;
	v2 =	vld.idx.msk [tilespmem:v2+s1+$0x0], $0xffff  }
.Ltmp15:
0x243: {  	_ = 	snop;
	(pc) =	sbr.rel @!p0 .LBB2_32-.Ltmp15, $2  }
0x244: {  	_ =	sdelay $0x2  }
0x245: {  	s17 =	sadd.s32 $0xFFFFFFFF, s17;
	v2 =	vmul.f32 v2, v4  }
.LBB2_31:
0x246: {  	_ = 	snop  }
0x247: {  	s2 =	sadd.s32 $0x10, s2;
	s4 =	sadd.s32 $0x10, s4;
	s15 =	sadd.s32 $0x10, s15;
	[tilespmem:v1+s28+$0x0] =	vst.idx.add.f32.msk $0xffff, v2  }
0x248: {  	p0 =	sne.s32 s17, $0x1;
	s17 =	sadd.s32 $0xFFFFFFFF, s17;
	v1 =	vld [tilespmem:s2+$0x0];
	_ =	sdelay $0x6  }
0x249: {  	v2 =	vld [tilespmem:s4+$0x0]  }
0x24a: {  	v3 =	vld.idx.msk [tilespmem:v1+s1+$0x0], $0xffff  }
0x24b: {  	v4 =	vld [tilespmem:s15+$0x0];
	_ =	sdelay $0x4  }
0x24c: {  	v3 =	vmul.f32 v3, v4;
	_ =	sdelay $0x1  }
0x24d: {  	[tilespmem:v2+s28+$0x0] =	vst.idx.add.f32.msk $0xffff, v3  }
0x24e: {  	v3 =	vld.idx.msk [tilespmem:v2+s1+$0x0], $0xffff;
	_ =	sdelay $0x3  }
0x24f: {  	v5 =	vadd.s32 $0x2710, v1;
	_ =	sdelay $0x1  }
0x250: {  	v3 =	vmul.f32 v3, v4;
	_ =	sdelay $0x1  }
0x251: {  	[tilespmem:v1+s28+$0x0] =	vst.idx.add.f32.msk $0xffff, v3  }
0x252: {  	v3 =	vld.idx.msk [tilespmem:v5+s1+$0x0], $0xffff;
	_ =	sdelay $0x2  }
0x253: {  	v6 =	vadd.s32 $0x2710, v2;
	_ =	sdelay $0x2  }
0x254: {  	v3 =	vmul.f32 v3, v4;
	_ =	sdelay $0x1  }
0x255: {  	[tilespmem:v6+s28+$0x0] =	vst.idx.add.f32.msk $0xffff, v3  }
0x256: {  	v3 =	vld.idx.msk [tilespmem:v6+s1+$0x0], $0xffff;
	_ =	sdelay $0x3  }
0x257: {  	v6 =	vadd.s32 $0x4E20, v1;
	_ =	sdelay $0x1  }
0x258: {  	v3 =	vmul.f32 v3, v4;
	_ =	sdelay $0x1  }
0x259: {  	[tilespmem:v5+s28+$0x0] =	vst.idx.add.f32.msk $0xffff, v3  }
0x25a: {  	v3 =	vld.idx.msk [tilespmem:v6+s1+$0x0], $0xffff;
	_ =	sdelay $0x2  }
0x25b: {  	v5 =	vadd.s32 $0x4E20, v2;
	_ =	sdelay $0x2  }
0x25c: {  	v3 =	vmul.f32 v3, v4;
	_ =	sdelay $0x1  }
0x25d: {  	[tilespmem:v5+s28+$0x0] =	vst.idx.add.f32.msk $0xffff, v3  }
0x25e: {  	v3 =	vld.idx.msk [tilespmem:v5+s1+$0x0], $0xffff;
	_ =	sdelay $0x3  }
0x25f: {  	v1 =	vadd.s32 $0x7530, v1;
	_ =	sdelay $0x1  }
0x260: {  	v3 =	vmul.f32 v3, v4;
	_ =	sdelay $0x1  }
0x261: {  	[tilespmem:v6+s28+$0x0] =	vst.idx.add.f32.msk $0xffff, v3  }
0x262: {  	v3 =	vld.idx.msk [tilespmem:v1+s1+$0x0], $0xffff;
	_ =	sdelay $0x2  }
0x263: {  	v2 =	vadd.s32 $0x7530, v2;
	_ =	sdelay $0x2  }
0x264: {  	v3 =	vmul.f32 v3, v4;
	_ =	sdelay $0x1  }
0x265: {  	[tilespmem:v2+s28+$0x0] =	vst.idx.add.f32.msk $0xffff, v3  }
0x266: {  	v2 =	vld.idx.msk [tilespmem:v2+s1+$0x0], $0xffff;
	_ =	sdelay $0x1  }
.Ltmp16:
0x267: {  	(pc) =	sbr.rel @p0 .LBB2_31-.Ltmp16, $2  }
0x268: {  	_ =	sdelay $0x2  }
0x269: {  	v2 =	vmul.f32 v2, v4  }
.LBB2_32:
0x26a: {  	_ =	sdelay $0x3  }
0x26b: {  	[tilespmem:v1+s28+$0x0] =	vst.idx.add.f32.msk $0xffff, v2  }
.LBB2_33:
0x26c: {  	p0 =	slt.s32 s14, $0x501  }
0x26d: {  	s2 =	sadd.s32 @!p0 $0x800004FF, s9  }
0x26e: {  	s4 =	smulhi.u32 @!p0 $0x66666667, s2;
	s5 =	sshra.s32 @!p0 s2, $0x1F  }
0x26f: {  	s5 =	smul.u32 @!p0 $0x66666667, s5;
	_ =	sdelay $0x1  }
0x270: {  	s4 =	sadd.s32 @!p0 s5, s4  }
0x271: {  	s5 =	sshrl.u32 @!p0 s4, $0x1F;
	s4 =	sshra.s32 @!p0 s4, $0x9  }
0x272: {  	s4 =	sadd.s32 @!p0 s5, s4  }
0x273: {  	s5 =	smul.u32 @!p0 $0xFFFFFB00, s4  }
0x274: {  	s9 =	ssub.s32 @!p0 $0x7FFFFB01, s9  }
0x275: {  	p1 =	slt.s32 @!p0 s2, $0x1;
	p2 =	sne.s32 @!p0 s5, s9  }
0x276: {  	p1 =	por @!p0 !p1, !p2  }
0x277: {  	p1 =	por @!p0 !p1, !p1  }
0x278: {  	s2 =	simm.s32 @!p0 $0x1;
	p1 =	por !p1, p0  }
0x279: {  	s2 =	simm.s32 @p1 $0x0  }
0x27a: {  	s15 =	ssub.s32 @!p0 s4, s2  }
0x27b: {  	p1 =	slt.s32 @!p0 s15, $0x2  }
0x27c: {  	p1 =	por p0, p1  }
.Ltmp17:
0x27d: {  	_ = 	snop;
	(pc) =	sbr.rel @p1 .LBB2_39-.Ltmp17, $4  }
.Ltmp18:
0x27e: {  	_ = 	snop;
	(pc) =	sbr.rel @!p1 .LBB2_34-.Ltmp18, $4  }
0x27f: {  	_ = 	snop  }
0x280: {  	_ = 	snop  }
0x281: {  	s21 =	simm.s32 @!p0 $0x1  }
0x282: {  	_ = 	snop  }
.LBB2_27:
0x283: {  	_ =	sdelay $0x3  }
0x284: {  	[tilespmem:v1+s28+$0x0] =	vst.idx.add.f32.msk $0xffff, v2  }
.LBB2_28:
0x285: {  	s30 =	sadd.s32 $0x1, s30  }
0x286: {  	p0 =	sne.s32 s30, s21  }
.Ltmp19:
0x287: {  	_ = 	snop;
	(pc) =	sbr.rel @!p0 .LBB2_29-.Ltmp19, $1  }
0x288: {  	_ =	sdelay $0x3  }
.LBB2_24:
0x289: {  	s17 =	smul.u32 $0x500, s30;
	_ =	sdelay $0x1  }
0x28a: {  	s2 =	sadd.s32 s15, s17  }
0x28b: {  	s4 =	sshrl.u32 s2, $0x3  }
0x28c: {  	s9 =	simm.s32 $0x1BF00;
	s2 =	sadd.s32 s7, s4  }
0x28d: {  	[tilespmem:s9], [sflag:$0x3] =	stream.linear.gather [hbm4b:s2+s1], $0x500, $0x38;
	[tilespmem:$0x1D000] =	vst v63  }
0x28e: {  	_ =	swait.ge [sflag:s19], $0x500  }
0x28f: {  	[sflag:s19] =	ssyncset.done $0x0  }
0x290: {  	s5 =	sadd.s32 s8, s4;
	s2 =	simm.s32 $0x1C400;
	[sflag:s19] =	ssyncadd.s32 $0xFFFFFB00  }
0x291: {  	[tilespmem:s2], [sflag:$0x3] =	stream.linear.gather [hbm4b:s5+s1], $0x500, $0x38;
	[tilespmem:$0x1D000] =	vst v63  }
0x292: {  	p1 =	sne.s32 s14, s17;
	s12 =	sadd.s32 s10, s4;
	_ =	swait.ge [sflag:s19], $0x500  }
0x293: {  	s4 =	simm.s32 $0x1C900;
	s5 =	ssub.s32 s14, s17;
	[sflag:s19] =	ssyncset.done $0x0  }
0x294: {  	s17 =	simm.s32 $0x1;
	p0 =	slt.s32 s5, $0x500;
	[sflag:s19] =	ssyncadd.s32 $0xFFFFFB00  }
0x295: {  	[tilespmem:s4], [sflag:$0x3] =	stream.linear.gather [hbm4b:s12+s1], $0x500, $0x38;
	[tilespmem:$0x1D000] =	vst v63  }
0x296: {  	s17 =	simm.s32 @!p1 $0x0;
	s12 =	sshra.s32 s5, $0x1F;
	s5 =	simm.s32 @!p0 $0x500  }
0x297: {  	s12 =	sor.u32 s17, s12;
	s17 =	sand.u32 $0xF, s5  }
0x298: {  	s25 =	sshra.s32 s5, $0x1F;
	p5 =	sne.s32 s12, $0x1;
	p6 =	sne.s32 s17, $0x0  }
0x299: {  	s25 =	sshrl.u32 s25, $0x1C;
	p0 =	por !p5, !p6  }
0x29a: {  	s12 =	simm.s32 $0x1;
	s5 =	sadd.s32 s25, s5;
	p0 =	por !p0, !p0  }
0x29b: {  	s5 =	sshra.s32 s5, $0x4;
	s12 =	simm.s32 @!p0 $0x0  }
0x29c: {  	s17 =	ssub.s32 s5, s12  }
0x29d: {  	p0 =	slt.s32 s17, $0x1  }
.Ltmp20:
0x29e: {  	_ = 	snop;
	(pc) =	sbr.rel @p0 .LBB2_28-.Ltmp20, $4  }
0x29f: {  	_ = 	snop  }
0x2a0: {  	_ =	swait.ge [sflag:s19], $0x500  }
0x2a1: {  	[sflag:s19] =	ssyncset.done $0x0  }
0x2a2: {  	[sflag:s19] =	ssyncadd.s32 $0xFFFFFB00  }
0x2a3: {  	v1 =	vld [tilespmem:s9+$0x0];
	_ =	sdelay $0x5  }
0x2a4: {  	v2 =	vld [tilespmem:s2+$0x0]  }
0x2a5: {  	v4 =	vld [tilespmem:s4+$0x0]  }
0x2a6: {  	v3 =	vld.idx.msk [tilespmem:v1+s1+$0x0], $0xffff;
	_ =	sdelay $0x4  }
0x2a7: {  	v3 =	vmul.f32 v3, v4;
	_ =	sdelay $0x1  }
0x2a8: {  	[tilespmem:v2+s28+$0x0] =	vst.idx.add.f32.msk $0xffff, v3  }
0x2a9: {  	v3 =	vld.idx.msk [tilespmem:v2+s1+$0x0], $0xffff;
	_ =	sdelay $0x2  }
0x2aa: {  	v5 =	vadd.s32 $0x2710, v1;
	_ =	sdelay $0x1  }
0x2ab: {  	v3 =	vmul.f32 v3, v4;
	_ =	sdelay $0x1  }
0x2ac: {  	[tilespmem:v1+s28+$0x0] =	vst.idx.add.f32.msk $0xffff, v3  }
0x2ad: {  	v3 =	vld.idx.msk [tilespmem:v5+s1+$0x0], $0xffff;
	_ =	sdelay $0x1  }
0x2ae: {  	v6 =	vadd.s32 $0x2710, v2;
	_ =	sdelay $0x2  }
0x2af: {  	v3 =	vmul.f32 v3, v4;
	_ =	sdelay $0x1  }
0x2b0: {  	[tilespmem:v6+s28+$0x0] =	vst.idx.add.f32.msk $0xffff, v3  }
0x2b1: {  	v3 =	vld.idx.msk [tilespmem:v6+s1+$0x0], $0xffff;
	_ =	sdelay $0x2  }
0x2b2: {  	v62 =	vadd.s32 $0x4E20, v1;
	_ =	sdelay $0x1  }
0x2b3: {  	v3 =	vmul.f32 v3, v4;
	_ =	sdelay $0x1  }
0x2b4: {  	[tilespmem:v5+s28+$0x0] =	vst.idx.add.f32.msk $0xffff, v3  }
0x2b5: {  	v3 =	vld.idx.msk [tilespmem:v62+s1+$0x0], $0xffff;
	_ =	sdelay $0x1  }
0x2b6: {  	v63 =	vadd.s32 $0x4E20, v2;
	_ =	sdelay $0x2  }
0x2b7: {  	v3 =	vmul.f32 v3, v4;
	_ =	sdelay $0x1  }
0x2b8: {  	[tilespmem:v63+s28+$0x0] =	vst.idx.add.f32.msk $0xffff, v3  }
0x2b9: {  	v3 =	vld.idx.msk [tilespmem:v63+s1+$0x0], $0xffff;
	_ =	sdelay $0x2  }
0x2ba: {  	v1 =	vadd.s32 $0x7530, v1;
	_ =	sdelay $0x1  }
0x2bb: {  	v3 =	vmul.f32 v3, v4;
	_ =	sdelay $0x1  }
0x2bc: {  	[tilespmem:v62+s28+$0x0] =	vst.idx.add.f32.msk $0xffff, v3  }
0x2bd: {  	v3 =	vld.idx.msk [tilespmem:v1+s1+$0x0], $0xffff;
	_ =	sdelay $0x1  }
0x2be: {  	v2 =	vadd.s32 $0x7530, v2;
	_ =	sdelay $0x2  }
0x2bf: {  	v3 =	vmul.f32 v3, v4;
	_ =	sdelay $0x1  }
0x2c0: {  	[tilespmem:v2+s28+$0x0] =	vst.idx.add.f32.msk $0xffff, v3  }
0x2c1: {  	v2 =	vld.idx.msk [tilespmem:v2+s1+$0x0], $0xffff  }
0x2c2: {  	p0 =	sne.s32 s17, $0x1  }
.Ltmp21:
0x2c3: {  	_ = 	snop;
	(pc) =	sbr.rel @!p0 .LBB2_27-.Ltmp21, $3  }
0x2c4: {  	_ =	sdelay $0x1  }
0x2c5: {  	v2 =	vmul.f32 v2, v4  }
0x2c6: {  	s17 =	sadd.s32 $0xFFFFFFFF, s17  }
.LBB2_26:
0x2c7: {  	[tilespmem:v1+s28+$0x0] =	vst.idx.add.f32.msk $0xffff, v2;
	s9 =	sadd.s32 $0x10, s9;
	s2 =	sadd.s32 $0x10, s2;
	s4 =	sadd.s32 $0x10, s4  }
0x2c8: {  	p0 =	sne.s32 s17, $0x1;
	s17 =	sadd.s32 $0xFFFFFFFF, s17;
	v1 =	vld [tilespmem:s9+$0x0];
	_ =	sdelay $0x6  }
0x2c9: {  	v2 =	vld [tilespmem:s2+$0x0]  }
0x2ca: {  	v3 =	vld.idx.msk [tilespmem:v1+s1+$0x0], $0xffff  }
0x2cb: {  	v4 =	vld [tilespmem:s4+$0x0];
	_ =	sdelay $0x4  }
0x2cc: {  	v3 =	vmul.f32 v3, v4;
	_ =	sdelay $0x1  }
0x2cd: {  	[tilespmem:v2+s28+$0x0] =	vst.idx.add.f32.msk $0xffff, v3  }
0x2ce: {  	v3 =	vld.idx.msk [tilespmem:v2+s1+$0x0], $0xffff;
	_ =	sdelay $0x3  }
0x2cf: {  	v5 =	vadd.s32 $0x2710, v1;
	_ =	sdelay $0x1  }
0x2d0: {  	v3 =	vmul.f32 v3, v4;
	_ =	sdelay $0x1  }
0x2d1: {  	[tilespmem:v1+s28+$0x0] =	vst.idx.add.f32.msk $0xffff, v3  }
0x2d2: {  	v3 =	vld.idx.msk [tilespmem:v5+s1+$0x0], $0xffff;
	_ =	sdelay $0x2  }
0x2d3: {  	v6 =	vadd.s32 $0x2710, v2;
	_ =	sdelay $0x2  }
0x2d4: {  	v3 =	vmul.f32 v3, v4;
	_ =	sdelay $0x1  }
0x2d5: {  	[tilespmem:v6+s28+$0x0] =	vst.idx.add.f32.msk $0xffff, v3  }
0x2d6: {  	v3 =	vld.idx.msk [tilespmem:v6+s1+$0x0], $0xffff;
	_ =	sdelay $0x3  }
0x2d7: {  	v6 =	vadd.s32 $0x4E20, v1;
	_ =	sdelay $0x1  }
0x2d8: {  	v3 =	vmul.f32 v3, v4;
	_ =	sdelay $0x1  }
0x2d9: {  	[tilespmem:v5+s28+$0x0] =	vst.idx.add.f32.msk $0xffff, v3  }
0x2da: {  	v3 =	vld.idx.msk [tilespmem:v6+s1+$0x0], $0xffff;
	_ =	sdelay $0x2  }
0x2db: {  	v5 =	vadd.s32 $0x4E20, v2;
	_ =	sdelay $0x2  }
0x2dc: {  	v3 =	vmul.f32 v3, v4;
	_ =	sdelay $0x1  }
0x2dd: {  	[tilespmem:v5+s28+$0x0] =	vst.idx.add.f32.msk $0xffff, v3  }
0x2de: {  	v3 =	vld.idx.msk [tilespmem:v5+s1+$0x0], $0xffff;
	_ =	sdelay $0x3  }
0x2df: {  	v1 =	vadd.s32 $0x7530, v1;
	_ =	sdelay $0x1  }
0x2e0: {  	v3 =	vmul.f32 v3, v4;
	_ =	sdelay $0x1  }
0x2e1: {  	[tilespmem:v6+s28+$0x0] =	vst.idx.add.f32.msk $0xffff, v3  }
0x2e2: {  	v3 =	vld.idx.msk [tilespmem:v1+s1+$0x0], $0xffff;
	_ =	sdelay $0x2  }
0x2e3: {  	v2 =	vadd.s32 $0x7530, v2;
	_ =	sdelay $0x2  }
0x2e4: {  	v3 =	vmul.f32 v3, v4;
	_ =	sdelay $0x1  }
0x2e5: {  	[tilespmem:v2+s28+$0x0] =	vst.idx.add.f32.msk $0xffff, v3  }
0x2e6: {  	v2 =	vld.idx.msk [tilespmem:v2+s1+$0x0], $0xffff;
	_ =	sdelay $0x1  }
.Ltmp22:
0x2e7: {  	(pc) =	sbr.rel @p0 .LBB2_26-.Ltmp22, $2  }
0x2e8: {  	_ =	sdelay $0x2  }
0x2e9: {  	v2 =	vmul.f32 v2, v4  }
.Ltmp23:
0x2ea: {  	_ = 	snop;
	(pc) =	sbr.rel .LBB2_27-.Ltmp23, $1  }
0x2eb: {  	_ =	sdelay $0x3  }
.LBB2_37:
0x2ec: {  	_ =	sdelay $0x3  }
0x2ed: {  	[tilespmem:v1+s28+$0x0] =	vst.idx.add.f32.msk $0xffff, v2  }
.LBB2_38:
0x2ee: {  	s21 =	sadd.s32 $0x1, s21  }
0x2ef: {  	p0 =	sne.s32 s21, s15  }
.Ltmp24:
0x2f0: {  	_ = 	snop;
	(pc) =	sbr.rel @!p0 .LBB2_39-.Ltmp24, $1  }
0x2f1: {  	_ =	sdelay $0x3  }
.LBB2_34:
0x2f2: {  	s5 =	smul.u32 $0x500, s21;
	_ =	sdelay $0x1  }
0x2f3: {  	s2 =	sadd.s32 s22, s5  }
0x2f4: {  	s4 =	sshrl.u32 s2, $0x3  }
0x2f5: {  	s9 =	simm.s32 $0x1BF00;
	s2 =	sadd.s32 s7, s4  }
0x2f6: {  	[tilespmem:s9], [sflag:$0x3] =	stream.linear.gather [hbm4b:s2+s1], $0x500, $0x38;
	[tilespmem:$0x1D000] =	vst v63  }
0x2f7: {  	_ =	swait.ge [sflag:s19], $0x500  }
0x2f8: {  	p1 =	sne.s32 s14, s5;
	s12 =	sadd.s32 s8, s4;
	[sflag:s19] =	ssyncset.done $0x0  }
0x2f9: {  	s23 =	sadd.s32 s10, s4;
	s2 =	simm.s32 $0x1C400;
	[sflag:s19] =	ssyncadd.s32 $0xFFFFFB00  }
0x2fa: {  	[tilespmem:s2], [sflag:$0x3] =	stream.linear.gather [hbm4b:s12+s1], $0x500, $0x38;
	[tilespmem:$0x1D000] =	vst v63  }
0x2fb: {  	s4 =	simm.s32 $0x1C900;
	s12 =	ssub.s32 s14, s5;
	s5 =	simm.s32 $0x1  }
0x2fc: {  	_ =	swait.ge [sflag:s19], $0x500;
	p0 =	slt.s32 s12, $0x500;
	s17 =	sshra.s32 s12, $0x1F  }
0x2fd: {  	s5 =	simm.s32 @!p1 $0x0;
	[sflag:s19] =	ssyncset.done $0x0;
	s12 =	simm.s32 @!p0 $0x500  }
0x2fe: {  	s5 =	sor.u32 s5, s17;
	[sflag:s19] =	ssyncadd.s32 $0xFFFFFB00;
	s25 =	sand.u32 $0xF, s12  }
0x2ff: {  	[tilespmem:s4], [sflag:$0x3] =	stream.linear.gather [hbm4b:s23+s1], $0x500, $0x38;
	[tilespmem:$0x1D000] =	vst v63  }
0x300: {  	p5 =	sne.s32 s5, $0x1;
	s23 =	sshra.s32 s12, $0x1F;
	p6 =	sne.s32 s25, $0x0  }
0x301: {  	s30 =	sshrl.u32 s23, $0x1C;
	p0 =	por !p5, !p6  }
0x302: {  	s5 =	sadd.s32 s30, s12;
	p0 =	por !p0, !p0;
	s12 =	simm.s32 $0x1  }
0x303: {  	s5 =	sshra.s32 s5, $0x4;
	s12 =	simm.s32 @!p0 $0x0  }
0x304: {  	s17 =	ssub.s32 s5, s12  }
0x305: {  	p0 =	slt.s32 s17, $0x1  }
.Ltmp25:
0x306: {  	_ = 	snop;
	(pc) =	sbr.rel @p0 .LBB2_38-.Ltmp25, $4  }
0x307: {  	_ = 	snop  }
0x308: {  	_ =	swait.ge [sflag:s19], $0x500  }
0x309: {  	[sflag:s19] =	ssyncset.done $0x0  }
0x30a: {  	[sflag:s19] =	ssyncadd.s32 $0xFFFFFB00  }
0x30b: {  	v1 =	vld [tilespmem:s9+$0x0];
	_ =	sdelay $0x5  }
0x30c: {  	v2 =	vld [tilespmem:s2+$0x0]  }
0x30d: {  	v4 =	vld [tilespmem:s4+$0x0]  }
0x30e: {  	v3 =	vld.idx.msk [tilespmem:v1+s1+$0x0], $0xffff;
	_ =	sdelay $0x4  }
0x30f: {  	v3 =	vmul.f32 v3, v4;
	_ =	sdelay $0x1  }
0x310: {  	[tilespmem:v2+s28+$0x0] =	vst.idx.add.f32.msk $0xffff, v3  }
0x311: {  	v3 =	vld.idx.msk [tilespmem:v2+s1+$0x0], $0xffff;
	_ =	sdelay $0x2  }
0x312: {  	v5 =	vadd.s32 $0x2710, v1;
	_ =	sdelay $0x1  }
0x313: {  	v3 =	vmul.f32 v3, v4;
	_ =	sdelay $0x1  }
0x314: {  	[tilespmem:v1+s28+$0x0] =	vst.idx.add.f32.msk $0xffff, v3  }
0x315: {  	v3 =	vld.idx.msk [tilespmem:v5+s1+$0x0], $0xffff;
	_ =	sdelay $0x1  }
0x316: {  	v6 =	vadd.s32 $0x2710, v2;
	_ =	sdelay $0x2  }
0x317: {  	v3 =	vmul.f32 v3, v4;
	_ =	sdelay $0x1  }
0x318: {  	[tilespmem:v6+s28+$0x0] =	vst.idx.add.f32.msk $0xffff, v3  }
0x319: {  	v3 =	vld.idx.msk [tilespmem:v6+s1+$0x0], $0xffff;
	_ =	sdelay $0x2  }
0x31a: {  	v62 =	vadd.s32 $0x4E20, v1;
	_ =	sdelay $0x1  }
0x31b: {  	v3 =	vmul.f32 v3, v4;
	_ =	sdelay $0x1  }
0x31c: {  	[tilespmem:v5+s28+$0x0] =	vst.idx.add.f32.msk $0xffff, v3  }
0x31d: {  	v3 =	vld.idx.msk [tilespmem:v62+s1+$0x0], $0xffff;
	_ =	sdelay $0x1  }
0x31e: {  	v63 =	vadd.s32 $0x4E20, v2;
	_ =	sdelay $0x2  }
0x31f: {  	v3 =	vmul.f32 v3, v4;
	_ =	sdelay $0x1  }
0x320: {  	[tilespmem:v63+s28+$0x0] =	vst.idx.add.f32.msk $0xffff, v3  }
0x321: {  	v3 =	vld.idx.msk [tilespmem:v63+s1+$0x0], $0xffff;
	_ =	sdelay $0x2  }
0x322: {  	v1 =	vadd.s32 $0x7530, v1;
	_ =	sdelay $0x1  }
0x323: {  	v3 =	vmul.f32 v3, v4;
	_ =	sdelay $0x1  }
0x324: {  	[tilespmem:v62+s28+$0x0] =	vst.idx.add.f32.msk $0xffff, v3  }
0x325: {  	v3 =	vld.idx.msk [tilespmem:v1+s1+$0x0], $0xffff;
	_ =	sdelay $0x1  }
0x326: {  	v2 =	vadd.s32 $0x7530, v2;
	_ =	sdelay $0x2  }
0x327: {  	v3 =	vmul.f32 v3, v4;
	_ =	sdelay $0x1  }
0x328: {  	[tilespmem:v2+s28+$0x0] =	vst.idx.add.f32.msk $0xffff, v3  }
0x329: {  	v2 =	vld.idx.msk [tilespmem:v2+s1+$0x0], $0xffff  }
0x32a: {  	p0 =	sne.s32 s17, $0x1  }
.Ltmp26:
0x32b: {  	_ = 	snop;
	(pc) =	sbr.rel @!p0 .LBB2_37-.Ltmp26, $3  }
0x32c: {  	_ =	sdelay $0x1  }
0x32d: {  	v2 =	vmul.f32 v2, v4  }
0x32e: {  	s17 =	sadd.s32 $0xFFFFFFFF, s17  }
.LBB2_36:
0x32f: {  	[tilespmem:v1+s28+$0x0] =	vst.idx.add.f32.msk $0xffff, v2;
	s9 =	sadd.s32 $0x10, s9;
	s2 =	sadd.s32 $0x10, s2;
	s4 =	sadd.s32 $0x10, s4  }
0x330: {  	p0 =	sne.s32 s17, $0x1;
	s17 =	sadd.s32 $0xFFFFFFFF, s17;
	v1 =	vld [tilespmem:s9+$0x0];
	_ =	sdelay $0x6  }
0x331: {  	v2 =	vld [tilespmem:s2+$0x0]  }
0x332: {  	v3 =	vld.idx.msk [tilespmem:v1+s1+$0x0], $0xffff  }
0x333: {  	v4 =	vld [tilespmem:s4+$0x0];
	_ =	sdelay $0x4  }
0x334: {  	v3 =	vmul.f32 v3, v4;
	_ =	sdelay $0x1  }
0x335: {  	[tilespmem:v2+s28+$0x0] =	vst.idx.add.f32.msk $0xffff, v3  }
0x336: {  	v3 =	vld.idx.msk [tilespmem:v2+s1+$0x0], $0xffff;
	_ =	sdelay $0x3  }
0x337: {  	v5 =	vadd.s32 $0x2710, v1;
	_ =	sdelay $0x1  }
0x338: {  	v3 =	vmul.f32 v3, v4;
	_ =	sdelay $0x1  }
0x339: {  	[tilespmem:v1+s28+$0x0] =	vst.idx.add.f32.msk $0xffff, v3  }
0x33a: {  	v3 =	vld.idx.msk [tilespmem:v5+s1+$0x0], $0xffff;
	_ =	sdelay $0x2  }
0x33b: {  	v6 =	vadd.s32 $0x2710, v2;
	_ =	sdelay $0x2  }
0x33c: {  	v3 =	vmul.f32 v3, v4;
	_ =	sdelay $0x1  }
0x33d: {  	[tilespmem:v6+s28+$0x0] =	vst.idx.add.f32.msk $0xffff, v3  }
0x33e: {  	v3 =	vld.idx.msk [tilespmem:v6+s1+$0x0], $0xffff;
	_ =	sdelay $0x3  }
0x33f: {  	v6 =	vadd.s32 $0x4E20, v1;
	_ =	sdelay $0x1  }
0x340: {  	v3 =	vmul.f32 v3, v4;
	_ =	sdelay $0x1  }
0x341: {  	[tilespmem:v5+s28+$0x0] =	vst.idx.add.f32.msk $0xffff, v3  }
0x342: {  	v3 =	vld.idx.msk [tilespmem:v6+s1+$0x0], $0xffff;
	_ =	sdelay $0x2  }
0x343: {  	v5 =	vadd.s32 $0x4E20, v2;
	_ =	sdelay $0x2  }
0x344: {  	v3 =	vmul.f32 v3, v4;
	_ =	sdelay $0x1  }
0x345: {  	[tilespmem:v5+s28+$0x0] =	vst.idx.add.f32.msk $0xffff, v3  }
0x346: {  	v3 =	vld.idx.msk [tilespmem:v5+s1+$0x0], $0xffff;
	_ =	sdelay $0x3  }
0x347: {  	v1 =	vadd.s32 $0x7530, v1;
	_ =	sdelay $0x1  }
0x348: {  	v3 =	vmul.f32 v3, v4;
	_ =	sdelay $0x1  }
0x349: {  	[tilespmem:v6+s28+$0x0] =	vst.idx.add.f32.msk $0xffff, v3  }
0x34a: {  	v3 =	vld.idx.msk [tilespmem:v1+s1+$0x0], $0xffff;
	_ =	sdelay $0x2  }
0x34b: {  	v2 =	vadd.s32 $0x7530, v2;
	_ =	sdelay $0x2  }
0x34c: {  	v3 =	vmul.f32 v3, v4;
	_ =	sdelay $0x1  }
0x34d: {  	[tilespmem:v2+s28+$0x0] =	vst.idx.add.f32.msk $0xffff, v3  }
0x34e: {  	v2 =	vld.idx.msk [tilespmem:v2+s1+$0x0], $0xffff;
	_ =	sdelay $0x1  }
.Ltmp27:
0x34f: {  	(pc) =	sbr.rel @p0 .LBB2_36-.Ltmp27, $2  }
0x350: {  	_ =	sdelay $0x2  }
0x351: {  	v2 =	vmul.f32 v2, v4  }
.Ltmp28:
0x352: {  	_ = 	snop;
	(pc) =	sbr.rel .LBB2_37-.Ltmp28, $1  }
0x353: {  	_ =	sdelay $0x3  }
.LBB2_40:
0x354: {  	s3 =	simm.s32 $0x0  }
0x355: {  	v1 =	vld [tilespmem:s3+$0x0]  }
0x356: {  	v2 =	vld [tilespmem:s3+$0x13900]  }
0x357: {  	v3 =	vld [tilespmem:s3+$0x2710]  }
0x358: {  	v6 =	vld [tilespmem:s3+$0x4E20]  }
0x359: {  	v8 =	vld [tilespmem:s3+$0x7530]  }
0x35a: {  	v7 =	vld [tilespmem:s3+$0x9C80]  }
0x35b: {  	v9 =	vld [tilespmem:s3+$0xC390];
	v10 =	vmul.f32 v2, v2  }
0x35c: {  	v11 =	vld [tilespmem:s3+$0xEAA0]  }
0x35d: {  	s2 =	simm.s32 $0x10;
	v4 =	vld [tilespmem:s3+$0x111B0];
	v2 =	vmul.f32 v1, v10  }
0x35e: {  	v5 =	vld [tilespmem:s2+$0x13900];
	v12 =	vmul.f32 v3, v10  }
0x35f: {  	v1 =	vld [tilespmem:s2+$0x0];
	v14 =	vmul.f32 v6, v10;
	v13 =	vadd.f32 v2, v7  }
0x360: {  	v3 =	vld [tilespmem:s2+$0x2710];
	v6 =	vmul.f32 v8, v10;
	v7 =	vadd.f32 v12, v9  }
0x361: {  	s4 =	simm.s32 $0x80;
	v2 =	vld [tilespmem:s2+$0x4E20];
	v8 =	vadd.f32 v14, v11;
	[tilespmem:s3+$0x9C80] =	vst v13  }
.LBB2_41:
0x362: {  	p0 =	sne.s32 s4, $0x9C00;
	v9 =	vld [tilespmem:s2+$0x7530];
	[tilespmem:s3+$0xC390] =	vst v7;
	v4 =	vadd.f32 v6, v4  }
0x363: {  	v6 =	vld [tilespmem:s2+$0x9C80];
	[tilespmem:s3+$0xEAA0] =	vst v8  }
0x364: {  	v8 =	vmul.f32 v5, v5;
	v7 =	vld [tilespmem:s2+$0xC390];
	[tilespmem:s3+$0x111B0] =	vst v4;
	s3 =	smov.u32 s2  }
0x365: {  	v10 =	vld [tilespmem:s3+$0xEAA0]  }
.Ltmp29:
0x366: {  	s2 =	sshra.s32 s4, $0x2;
	v11 =	vmul.f32 v1, v8;
	v4 =	vld [tilespmem:s3+$0x111B0];
	(pc) =	sbr.rel @p0 .LBB2_41-.Ltmp29, $4  }
0x367: {  	v12 =	vmul.f32 v3, v8;
	v1 =	vld [tilespmem:s2+$0x0]  }
0x368: {  	v13 =	vmul.f32 v2, v8;
	v5 =	vld [tilespmem:s2+$0x13900];
	v11 =	vadd.f32 v11, v6  }
0x369: {  	v6 =	vmul.f32 v9, v8;
	v3 =	vld [tilespmem:s2+$0x2710];
	v7 =	vadd.f32 v12, v7  }
0x36a: {  	s4 =	sadd.s32 $0x40, s4;
	v2 =	vld [tilespmem:s2+$0x4E20];
	[tilespmem:s3+$0x9C80] =	vst v11;
	v8 =	vadd.f32 v13, v10  }
0x36b: {  	v9 =	vld [tilespmem:s2+$0x7530];
	[tilespmem:s3+$0xC390] =	vst v7;
	v4 =	vadd.f32 v6, v4  }
0x36c: {  	v7 =	vld [tilespmem:s2+$0x9C80];
	[tilespmem:s3+$0xEAA0] =	vst v8  }
0x36d: {  	v63 =	vld [tilespmem:s2+$0xC390];
	v5 =	vmul.f32 v5, v5;
	[tilespmem:s3+$0x111B0] =	vst v4  }
0x36e: {  	v4 =	vld [tilespmem:s2+$0xEAA0]  }
0x36f: {  	v8 =	vld [tilespmem:s2+$0x111B0];
	v1 =	vmul.f32 v1, v5  }
0x370: {  	v3 =	vmul.f32 v3, v5  }
0x371: {  	v2 =	vmul.f32 v2, v5;
	v1 =	vadd.f32 v1, v7  }
0x372: {  	v5 =	vmul.f32 v9, v5;
	v3 =	vadd.f32 v3, v63  }
0x373: {  	[tilespmem:s2+$0x9C80] =	vst v1;
	v1 =	vadd.f32 v2, v4  }
0x374: {  	s22 =	rddreg [dreg:$0x8];
	v2 =	vadd.f32 v5, v8;
	[tilespmem:s2+$0xC390] =	vst v3  }
0x375: {  	s23 =	rddreg [dreg:$0xf];
	[tilespmem:s2+$0xEAA0] =	vst v1  }
0x376: {  	[tilespmem:s2+$0x111B0] =	vst v2;
	s2 =	sadd.s32 s22, s23  }
0x377: {  	[hbm4b:s2+s1] =	stream.linear.scatter [tilespmem:s28], [sflag:$0x3], $0x2710, $0x38;
	[tilespmem:$0x1D000] =	vst v63  }
0x378: {  	_ =	swait.ge [sflag:s19], $0x2710  }
0x379: {  	[sflag:s19] =	ssyncset.done $0x0  }
0x37a: {  	s4 =	simm.s32 $0xC390;
	s25 =	sadd.s32 s22, s26;
	[sflag:s19] =	ssyncadd.s32 $0xFFFFD8F0  }
0x37b: {  	[hbm4b:s25+s1] =	stream.linear.scatter [tilespmem:s4], [sflag:$0x3], $0x2710, $0x38;
	[tilespmem:$0x1D000] =	vst v63  }
0x37c: {  	_ =	swait.ge [sflag:s19], $0x2710  }
0x37d: {  	[sflag:s19] =	ssyncset.done $0x0  }
0x37e: {  	s30 =	simm.s32 $0xEAA0;
	s26 =	sadd.s32 s22, s31;
	[sflag:s19] =	ssyncadd.s32 $0xFFFFD8F0  }
0x37f: {  	[hbm4b:s26+s1] =	stream.linear.scatter [tilespmem:s30], [sflag:$0x3], $0x2710, $0x38;
	[tilespmem:$0x1D000] =	vst v63  }
0x380: {  	s16 =	sadd.s32 $0x1, s16;
	_ =	swait.ge [sflag:s19], $0x2710  }
0x381: {  	s0 =	sadd.s32 s22, s0;
	p0 =	sne.s32 s16, $0x4;
	[sflag:s19] =	ssyncset.done $0x0  }
.Ltmp30:
0x382: {  	s31 =	simm.s32 $0x111B0;
	[sflag:s19] =	ssyncadd.s32 $0xFFFFD8F0;
	(pc) =	sbr.rel @p0 .LBB2_16-.Ltmp30, $4  }
0x383: {  	[hbm4b:s0+s1] =	stream.linear.scatter [tilespmem:s31], [sflag:$0x3], $0x2710, $0x38;
	[tilespmem:$0x1D000] =	vst v63  }
0x384: {  	_ =	swait.ge [sflag:s19], $0x2710  }
0x385: {  	[sflag:s19] =	ssyncset.done $0x0  }
0x386: {  	[sflag:s19] =	ssyncadd.s32 $0xFFFFD8F0  }
0x387: {  	s2 =	rddreg [dreg:$0xe]  }
0x388: {  	s0 =	rddreg [dreg:$0xd];
	s2 =	sadd.s32 $0x1, s2  }
0x389: {  	p0 =	sne.s32 s2, s0  }
.Ltmp31:
0x38a: {  	_ = 	snop;
	(pc) =	sbr.rel @p0 .LBB2_1-.Ltmp31, $3  }
0x38b: {  	_ =	sdelay $0x1  }
0x38c: {  	s5 =	rddreg [dreg:$0x2]  }
0x38d: {  	s12 =	rddreg [dreg:$0x3];
	s17 =	simm.s32 $0x18100;
	s21 =	simm.s32 $0x19100  }
0x38e: {  	_ =	sfence.sel $0x180000  }
0x38f: {  	[bflag:$0x0] =	sbarrier.arrive $0xFFFF  }
0x390: {  	_ =	strace $0x90000050  }
0x391: {  	s0 =	stileid.u32;
	[bflag:$0x2] =	sbarrier.arrive $0xFFFF  }
0x392: {  	p0 =	sne.s32 s0, $0x0;
	s0 =	rddreg [dreg:$0x1]  }
0x393: {  	s0 =	sadd.s32 @!p0 $0x100000, s0  }
0x394: {  	[sflag:s0] =	ssyncadd.tile.s32 @!p0 $0x1;
	_ =	shalt  }
.Lfunc_end2:
_tile_overlayer_lowered:
.L_overlay_start_2:
0x395: {  	(tag) =	ssettag $0x2  }
0x396: {  	s0 =	rddreg [dreg:$0x0];
	s2 =	stileid.u32  }
0x397: {  	s1 =	rddreg [dreg:$0x1];
	p0 =	sne.s32 s2, $0x0  }
0x398: {  	s3 =	rddreg [dreg:$0x2];
	[bflag:$0x3] =	sbarrier.arrive $0xFFFF;
	s2 =	simm.s32 @!p0 $0x1C03  }
0x399: {  	[timem:s3], [sflag:s2] =	dma.local @!p0 [hbm:s0], s1  }
0x39a: {  	s0 =	simm.s32 @!p0 $0x3  }
0x39b: {  	_ =	swait.ge @!p0 [sflag:s0], s1  }
0x39c: {  	s1 =	ssub.s32 @!p0 $0x0, s1;
	[sflag:s0] =	ssyncset.done @!p0 $0x0  }
0x39d: {  	[sflag:s0] =	ssyncadd.s32 @!p0 s1  }
0x39e: {  	[bflag:$0x3] =	sbarrier.arrive $0xFFFF  }
0x39f: {  	_ =	shalt  }

</sc_bundles>
